<compile_context>
chip_gen: v7x
topology: tpu7x:2x2x1
jax: 0.10.2.dev20260603
libtpu: 0.0.44.dev20260713+nightly
codegen_flags: <defaults>
</compile_context>

<pallas_src>
import functools

import jax
import jax.numpy as jnp
from jax import lax
from jax.experimental import pallas as pl
from jax.experimental.pallas import tpu as pltpu
from jax.experimental.pallas import tpu_sc as plsc

D = 16
SCALE = 4.0
CHUNK = 512
NBUF = 5
JT, IT = 8, 128
RUN = JT * IT

_params = pltpu.CompilerParams(
    use_tc_tiling_on_sc=False, needs_layout_passes=False)


def _scale_table(tbl_tiled, vp, nc, ns):
    nw = nc * ns
    vt = vp // IT
    band = vt * RUN
    nch = vt // 2
    cw = 2 * RUN
    trips = -(-nch // nw)
    trips += trips % 2
    mesh = plsc.VectorSubcoreMesh(core_axis_name="c", subcore_axis_name="s")

    @functools.partial(
        pl.kernel,
        mesh=mesh,
        out_type=jax.ShapeDtypeStruct((vp, D), jnp.float32),
        scratch_types=(
            [pltpu.VMEM((2 * cw,), jnp.float32) for _ in range(2)]
            + [pltpu.VMEM((2 * IT, D), jnp.float32) for _ in range(2)]
            + [pltpu.SemaphoreType.DMA for _ in range(4)]
        ),
        compiler_params=_params,
    )
    def kern(t_hbm, out_hbm, pb0, pb1, sb0, sb1, ps0, ps1, os0, os1):
        pbuf, sbuf = (pb0, pb1), (sb0, sb1)
        psem, osem = (ps0, ps1), (os0, os1)
        wid = lax.axis_index("s") * nc + lax.axis_index("c")
        lane = lax.iota(jnp.int32, D)

        def tile_copies(n, b):
            off = pl.multiple_of(n * cw, cw)
            off1 = pl.multiple_of(band + n * cw, cw)
            return [
                pltpu.make_async_copy(
                    t_hbm.at[pl.ds(off, cw)],
                    pbuf[b].at[pl.ds(0, cw)], psem[b]),
                pltpu.make_async_copy(
                    t_hbm.at[pl.ds(off1, cw)],
                    pbuf[b].at[pl.ds(cw, cw)], psem[b]),
            ]

        def store_copy(n, b):
            return pltpu.make_async_copy(
                sbuf[b], out_hbm.at[pl.ds(n * 2 * IT, 2 * IT), :], osem[b])

        for c in tile_copies(wid, 0):
            c.start()

        def outer(k2, carry):
            for b in range(2):
                k = k2 * 2 + b
                n = k * nw + wid
                np1 = (k + 1) * nw + wid

                @pl.when(np1 < nch)
                def _():
                    for c in tile_copies(np1, 1 - b):
                        c.start()

                @pl.when(jnp.logical_and(k >= 2, (k - 2) * nw + wid < nch))
                def _():
                    store_copy((k - 2) * nw + wid, b).wait()

                @pl.when(n < nch)
                def _():
                    for c in tile_copies(n, b):
                        c.wait()

                    pb = pbuf[b]
                    sb = sbuf[b]

                    @plsc.parallel_loop(0, 2 * IT, 1, unroll=16)
                    def _(q):
                        dq = (q >> 3) & (JT - 1)
                        d = ((q >> 7) << 3) + dq
                        off = (((q >> 6) & 3) << 10) + (dq << 7) + ((q & 7) << 4)
                        v = pb[pl.ds(pl.multiple_of(off, D), D)]
                        vv = (((q >> 6) & 1) << 7) + ((q & 7) << 4) + lane
                        vd = (d + vv) & (D - 1)
                        plsc.store_scatter(sb, [vv, vd], v)

                    @plsc.parallel_loop(0, 2 * IT, 1, unroll=16)
                    def _(c):
                        perm = (lane + c) & (D - 1)
                        x = sb[c].at[perm].get(mode="promise_in_bounds")
                        sb[c] = x * SCALE

                    store_copy(n, b).start()
            return carry

        lax.fori_loop(0, trips // 2, outer, 0)

        for b in range(2):
            n_last = (trips - 2 + b) * nw + wid

            @pl.when(n_last < nch)
            def _():
                store_copy(n_last, b).wait()

    return kern(tbl_tiled)


def _gather(idx_lin, table_rm, n_i, n_j, nc, ns):
    B = idx_lin.shape[0]
    ib = n_i // IT
    nw = nc * ns
    per_w = B // (nw * CHUNK)
    assert per_w * nw * CHUNK == B and per_w % NBUF == 0
    JH = CHUNK // IT
    NRUN = JH * D // JT
    mesh = plsc.VectorSubcoreMesh(core_axis_name="c", subcore_axis_name="s")

    @functools.partial(
        pl.kernel,
        mesh=mesh,
        out_type=jax.ShapeDtypeStruct((B * D,), jnp.float32),
        scratch_types=(
            [pltpu.VMEM((CHUNK,), jnp.int32) for _ in range(NBUF)]
            + [pltpu.VMEM((CHUNK, D), jnp.float32) for _ in range(NBUF)]
            + [pltpu.VMEM((CHUNK * D,), jnp.float32) for _ in range(NBUF)]
            + [pltpu.SemaphoreType.DMA for _ in range(3 * NBUF)]
        ),
        compiler_params=_params,
    )
    def kern(idx_hbm, table_hbm, out_hbm, *refs):
        idxb = refs[0:NBUF]
        rowsb = refs[NBUF:2 * NBUF]
        obufb = refs[2 * NBUF:3 * NBUF]
        isem = refs[3 * NBUF:4 * NBUF]
        gsem = refs[4 * NBUF:5 * NBUF]
        osem = refs[5 * NBUF:6 * NBUF]

        wid = lax.axis_index("s") * nc + lax.axis_index("c")
        g0 = wid * per_w
        lane = lax.iota(jnp.int32, D)

        def idx_copy(g, b):
            return pltpu.make_async_copy(
                idx_hbm.at[pl.ds((g0 + g) * CHUNK, CHUNK)], idxb[b], isem[b])

        def gather_copy(b):
            return pltpu.make_async_copy(
                table_hbm.at[idxb[b]], rowsb[b], gsem[b])

        def store_copies(g, b):
            G = g0 + g
            j0 = ((G >> 8) << 3) + ((G & 1) << 2)
            ihi = (G >> 1) & (ib - 1)
            out = []
            for r in range(NRUN):
                jl, dh = r >> 1, r & 1
                base = (((((j0 + jl) << 1) + dh) * ib + ihi) << 10)
                base = pl.multiple_of(base, RUN)
                out.append(pltpu.make_async_copy(
                    obufb[b].at[pl.ds(r * RUN, RUN)],
                    out_hbm.at[pl.ds(base, RUN)], osem[b]))
            return out

        for c in range(NBUF - 1):
            idx_copy(c, c).start()
        for c in range(NBUF - 2):
            idx_copy(c, c).wait()
            gather_copy(c).start()

        def outer(ko, carry):
            for b in range(NBUF):
                g = ko * NBUF + b

                h1 = g + (NBUF - 1)
                b1 = (b + NBUF - 1) % NBUF

                @pl.when(h1 < per_w)
                def _():
                    idx_copy(h1, b1).start()

                h2 = g + (NBUF - 2)
                b2 = (b + NBUF - 2) % NBUF

                @pl.when(jnp.logical_and(h2 < per_w, h2 >= NBUF))
                def _():
                    for c in store_copies(h2 - NBUF, b2):
                        c.wait()

                @pl.when(h2 < per_w)
                def _():
                    idx_copy(h2, b2).wait()
                    gather_copy(b2).start()

                gather_copy(b).wait()
                rb = rowsb[b]
                ob = obufb[b]

                @plsc.parallel_loop(0, CHUNK, 1, unroll=16)
                def _(p):
                    perm = (lane - p) & (D - 1)
                    x = rb[p].at[perm].get(mode="promise_in_bounds")
                    rb[p] = x

                @plsc.parallel_loop(0, CHUNK, 1, unroll=16)
                def _(q):
                    jlo = q >> 7
                    ilo0 = ((q >> 4) & 7) << 4
                    d = q & (D - 1)
                    p0 = (jlo << 7) + ilo0
                    vp = p0 + lane
                    vd = (d + vp) & (D - 1)
                    v = plsc.load_gather(rb, [vp, vd])
                    off = (jlo << 11) + ((d >> 3) << 10) + ((d & 7) << 7) + ilo0
                    ob[pl.ds(pl.multiple_of(off, D), D)] = v

                for c in store_copies(g, b):
                    c.start()
            return carry

        lax.fori_loop(0, per_w // NBUF, outer, 0)

        for b in range(NBUF):
            for c in store_copies(per_w - NBUF + b, b):
                c.wait()

    return kern(idx_lin, table_rm)


def kernel(inp, emb_table):
    n_i, n_j = inp.shape
    B = n_i * n_j
    jb, ib = n_j // JT, n_i // IT
    assert jb * JT == n_j and ib * IT == n_i

    idx_lin = (
        jnp.transpose(inp)
        .reshape(jb, JT, ib, IT)
        .transpose(0, 2, 1, 3)
        .reshape(B)
        .astype(jnp.int32)
    )

    info = plsc.get_sparse_core_info()
    nc, ns = info.num_cores, info.num_subcores

    V = emb_table.shape[0]
    vp = -(-V // (2 * IT)) * (2 * IT)
    padded = jnp.pad(emb_table, ((0, vp - V), (0, 0)))
    tbl_tiled = (
        jnp.transpose(padded)
        .reshape(D // JT, JT, vp // IT, IT)
        .transpose(0, 2, 1, 3)
        .reshape(D * vp)
    )

    table_rm = _scale_table(tbl_tiled, vp, nc, ns)
    out_flat = _gather(idx_lin, table_rm, n_i, n_j, nc, ns)

    return (out_flat.reshape(n_j, D // JT, ib, JT, IT)
            .transpose(2, 4, 0, 1, 3).reshape(n_i, n_j, D))

# --- scband reference (transcript-rebuilt; emitter-appended) ---
"""Pipeline reference for scband-adaptive-embedding-10419590660463 (READ-ONLY COPY).

The authoritative reference and input builder live on the scoring server;
editing this copy changes nothing except your own understanding.
"""

import jax, jax.numpy as jnp
import numpy as np

N_TOKEN = 1000000
D_EMBED = 16
D_PROJ = 16
PAD_IDX = 14
EMB_SCALE = D_PROJ ** 0.5


def setup_inputs(seed: int = 0) -> dict:
    key = jax.random.key(seed)
    k1, k2 = jax.random.split(key)
    inp = jax.random.randint(k1, (16384, 200), 0, N_TOKEN, dtype=jnp.int64 if jax.config.jax_enable_x64 else jnp.int32)
    emb_table = jax.random.normal(k2, (N_TOKEN, D_EMBED), dtype=jnp.float32) * 0.02
    # padding_idx=14: torch zeroes this row at init
    emb_table = emb_table.at[PAD_IDX].set(0.0)
    return {"inp": inp, "emb_table": emb_table}


def reference(inp, emb_table):
    # div_val == 1 path: single embedding lookup (d_proj == d_embed so no projection layer)
    embed = jnp.take(emb_table, inp, axis=0)
    # embed.mul_(self.emb_scale)
    embed = embed * EMB_SCALE
    return embed

if __name__ == "__main__":
    import jax
    _d = setup_inputs()
    print(jax.jit(kernel)(*tuple(_d.values())))

</pallas_src>

<mosaic_0001>
#map = affine_map<(d0, d1) -> (0)>
#map1 = affine_map<(d0, d1) -> (0, 0)>
module attributes {stable_mosaic.version = 14 : i64} {
  func.func @kern(%arg0: i32, %arg1: i32, %arg2: memref<16003072xf32, #tpu.memory_space<hbm>>, %arg3: memref<1000192x16xf32, #tpu.memory_space<hbm>>, %arg4: memref<4096xf32, #tpu.memory_space<vmem>>, %arg5: memref<4096xf32, #tpu.memory_space<vmem>>, %arg6: memref<256x16xf32, #tpu.memory_space<vmem>>, %arg7: memref<256x16xf32, #tpu.memory_space<vmem>>, %arg8: memref<!tpu.dma_semaphore, #tpu.memory_space<semaphore_mem>>, %arg9: memref<!tpu.dma_semaphore, #tpu.memory_space<semaphore_mem>>, %arg10: memref<!tpu.dma_semaphore, #tpu.memory_space<semaphore_mem>>, %arg11: memref<!tpu.dma_semaphore, #tpu.memory_space<semaphore_mem>>) attributes {dimension_semantics = [#tpu.dimension_semantics<core_parallel>, #tpu.dimension_semantics<subcore_parallel>], iteration_bounds = array<i64: 2, 16>, scalar_prefetch = 0 : i64, scratch_operands = 8 : i64, tpu.core_type = #tpu.core_type<sc_vector_subcore>, window_params = [{transform_indices = #map}, {transform_indices = #map1}]} {
    %mul3A = arith.constant 2 : i32
    %mul3A_0 = arith.muli %arg1, %mul3A : i32
    %add3A = arith.addi %mul3A_0, %arg0 : i32
    %iota3A = tpu.iota {dimensions = array<i32: 0>} : vector<16xi32>
    %mul3A_1 = arith.constant 2048 : i32
    %mul3A_2 = arith.muli %add3A, %mul3A_1 : i32
    %multiple_of3A = tpu.assume_multiple %mul3A_2, 2048 : i32
    %mul3A_3 = arith.constant 2048 : i32
    %mul3A_4 = arith.muli %add3A, %mul3A_3 : i32
    %add3A_5 = arith.constant 8001536 : i32
    %add3A_6 = arith.addi %add3A_5, %mul3A_4 : i32
    %multiple_of3A_7 = tpu.assume_multiple %add3A_6, 2048 : i32
    %dma_start3A = arith.constant 0 : i32
    %dma_start3A_8 = tpu.memref_slice %arg4[%dma_start3A] : memref<4096xf32, #tpu.memory_space<vmem>> -> memref<2048xf32, #tpu.memory_space<vmem>>
    %dma_start3A_9 = tpu.memref_slice %arg2[%multiple_of3A] : memref<16003072xf32, #tpu.memory_space<hbm>> -> memref<2048xf32, #tpu.memory_space<hbm>>
    %dma_start3A_10 = arith.constant 0 : i32
    %dma_start3A_11 = tpu.memref_slice %arg4[%dma_start3A_10] : memref<4096xf32, #tpu.memory_space<vmem>> -> memref<2048xf32, #tpu.memory_space<vmem>>
    %dma_start3A_12 = tpu.memref_slice %arg2[%multiple_of3A] : memref<16003072xf32, #tpu.memory_space<hbm>> -> memref<2048xf32, #tpu.memory_space<hbm>>
    tpu.enqueue_dma source(%dma_start3A_12 : memref<2048xf32, #tpu.memory_space<hbm>>) target(%dma_start3A_11 : memref<2048xf32, #tpu.memory_space<vmem>>) target_semaphore(%arg8 : memref<!tpu.dma_semaphore, #tpu.memory_space<semaphore_mem>>)
    %dma_start3A_13 = arith.constant 2048 : i32
    %dma_start3A_14 = tpu.memref_slice %arg4[%dma_start3A_13] : memref<4096xf32, #tpu.memory_space<vmem>> -> memref<2048xf32, #tpu.memory_space<vmem>>
    %dma_start3A_15 = tpu.memref_slice %arg2[%multiple_of3A_7] : memref<16003072xf32, #tpu.memory_space<hbm>> -> memref<2048xf32, #tpu.memory_space<hbm>>
    %dma_start3A_16 = arith.constant 2048 : i32
    %dma_start3A_17 = tpu.memref_slice %arg4[%dma_start3A_16] : memref<4096xf32, #tpu.memory_space<vmem>> -> memref<2048xf32, #tpu.memory_space<vmem>>
    %dma_start3A_18 = tpu.memref_slice %arg2[%multiple_of3A_7] : memref<16003072xf32, #tpu.memory_space<hbm>> -> memref<2048xf32, #tpu.memory_space<hbm>>
    tpu.enqueue_dma source(%dma_start3A_18 : memref<2048xf32, #tpu.memory_space<hbm>>) target(%dma_start3A_17 : memref<2048xf32, #tpu.memory_space<vmem>>) target_semaphore(%arg8 : memref<!tpu.dma_semaphore, #tpu.memory_space<semaphore_mem>>)
    %scan3A = arith.constant 0 : i32
    %scan3A_19 = arith.constant 0 : i32
    %scan3A_20 = arith.constant 62 : i32
    %scan3A_21 = arith.addi %scan3A_19, %scan3A_20 : i32
    %scan3A_22 = arith.constant 1 : i32
    scf.for %scan3A_35 = %scan3A_19 to %scan3A_21 step %scan3A_22  : i32 {
      %mul3A_36 = arith.constant 2 : i32
      %mul3A_37 = arith.muli %scan3A_35, %mul3A_36 : i32
      %add3A_38 = arith.constant 0 : i32
      %add3A_39 = arith.addi %mul3A_37, %add3A_38 : i32
      %mul3A_40 = arith.constant 32 : i32
      %mul3A_41 = arith.muli %add3A_39, %mul3A_40 : i32
      %add3A_42 = arith.addi %mul3A_41, %add3A : i32
      %add3A_43 = arith.constant 1 : i32
      %add3A_44 = arith.addi %add3A_39, %add3A_43 : i32
      %mul3A_45 = arith.constant 32 : i32
      %mul3A_46 = arith.muli %add3A_44, %mul3A_45 : i32
      %add3A_47 = arith.addi %mul3A_46, %add3A : i32
      %lt3A_48 = arith.constant 3907 : i32
      %lt3A_49 = arith.cmpi slt, %add3A_47, %lt3A_48 : i32
      %convert_element_type3A_50 = arith.extui %lt3A_49 : i1 to i32
      %cond3A_51 = arith.constant 0 : i32
      %cond3A_52 = arith.cmpi ne, %convert_element_type3A_50, %cond3A_51 : i32
      scf.if %cond3A_52 {
        %mul3A_103 = arith.constant 2048 : i32
        %mul3A_104 = arith.muli %add3A_47, %mul3A_103 : i32
        %multiple_of3A_105 = tpu.assume_multiple %mul3A_104, 2048 : i32
        %mul3A_106 = arith.constant 2048 : i32
        %mul3A_107 = arith.muli %add3A_47, %mul3A_106 : i32
        %add3A_108 = arith.constant 8001536 : i32
        %add3A_109 = arith.addi %add3A_108, %mul3A_107 : i32
        %multiple_of3A_110 = tpu.assume_multiple %add3A_109, 2048 : i32
        %dma_start3A_111 = arith.constant 0 : i32
        %dma_start3A_112 = tpu.memref_slice %arg5[%dma_start3A_111] : memref<4096xf32, #tpu.memory_space<vmem>> -> memref<2048xf32, #tpu.memory_space<vmem>>
        %dma_start3A_113 = tpu.memref_slice %arg2[%multiple_of3A_105] : memref<16003072xf32, #tpu.memory_space<hbm>> -> memref<2048xf32, #tpu.memory_space<hbm>>
        %dma_start3A_114 = arith.constant 0 : i32
        %dma_start3A_115 = tpu.memref_slice %arg5[%dma_start3A_114] : memref<4096xf32, #tpu.memory_space<vmem>> -> memref<2048xf32, #tpu.memory_space<vmem>>
        %dma_start3A_116 = tpu.memref_slice %arg2[%multiple_of3A_105] : memref<16003072xf32, #tpu.memory_space<hbm>> -> memref<2048xf32, #tpu.memory_space<hbm>>
        tpu.enqueue_dma source(%dma_start3A_116 : memref<2048xf32, #tpu.memory_space<hbm>>) target(%dma_start3A_115 : memref<2048xf32, #tpu.memory_space<vmem>>) target_semaphore(%arg9 : memref<!tpu.dma_semaphore, #tpu.memory_space<semaphore_mem>>)
        %dma_start3A_117 = arith.constant 2048 : i32
        %dma_start3A_118 = tpu.memref_slice %arg5[%dma_start3A_117] : memref<4096xf32, #tpu.memory_space<vmem>> -> memref<2048xf32, #tpu.memory_space<vmem>>
        %dma_start3A_119 = tpu.memref_slice %arg2[%multiple_of3A_110] : memref<16003072xf32, #tpu.memory_space<hbm>> -> memref<2048xf32, #tpu.memory_space<hbm>>
        %dma_start3A_120 = arith.constant 2048 : i32
        %dma_start3A_121 = tpu.memref_slice %arg5[%dma_start3A_120] : memref<4096xf32, #tpu.memory_space<vmem>> -> memref<2048xf32, #tpu.memory_space<vmem>>
        %dma_start3A_122 = tpu.memref_slice %arg2[%multiple_of3A_110] : memref<16003072xf32, #tpu.memory_space<hbm>> -> memref<2048xf32, #tpu.memory_space<hbm>>
        tpu.enqueue_dma source(%dma_start3A_122 : memref<2048xf32, #tpu.memory_space<hbm>>) target(%dma_start3A_121 : memref<2048xf32, #tpu.memory_space<vmem>>) target_semaphore(%arg9 : memref<!tpu.dma_semaphore, #tpu.memory_space<semaphore_mem>>)
      } else {
      }
      %ge3A = arith.constant 2 : i32
      %ge3A_53 = arith.cmpi sge, %add3A_39, %ge3A : i32
      %sub3A = arith.constant 2 : i32
      %sub3A_54 = arith.subi %add3A_39, %sub3A : i32
      %mul3A_55 = arith.constant 32 : i32
      %mul3A_56 = arith.muli %sub3A_54, %mul3A_55 : i32
      %add3A_57 = arith.addi %mul3A_56, %add3A : i32
      %lt3A_58 = arith.constant 3907 : i32
      %lt3A_59 = arith.cmpi slt, %add3A_57, %lt3A_58 : i32
      %and3A = arith.andi %ge3A_53, %lt3A_59 : i1
      %convert_element_type3A_60 = arith.extui %and3A : i1 to i32
      %cond3A_61 = arith.constant 0 : i32
      %cond3A_62 = arith.cmpi ne, %convert_element_type3A_60, %cond3A_61 : i32
      scf.if %cond3A_62 {
        %sub3A_103 = arith.constant 2 : i32
        %sub3A_104 = arith.subi %add3A_39, %sub3A_103 : i32
        %mul3A_105 = arith.constant 32 : i32
        %mul3A_106 = arith.muli %sub3A_104, %mul3A_105 : i32
        %add3A_107 = arith.addi %mul3A_106, %add3A : i32
        %mul3A_108 = arith.constant 2 : i32
        %mul3A_109 = arith.muli %add3A_107, %mul3A_108 : i32
        %mul3A_110 = arith.constant 128 : i32
        %mul3A_111 = arith.muli %mul3A_109, %mul3A_110 : i32
        %dma_wait3A = arith.constant 0 : i32
        %dma_wait3A_112 = tpu.memref_slice %arg3[%mul3A_111, %dma_wait3A] : memref<1000192x16xf32, #tpu.memory_space<hbm>> -> memref<256x16xf32, #tpu.memory_space<hbm>>
        %dma_wait3A_113 = arith.constant 0 : i32
        %dma_wait3A_114 = tpu.memref_slice %arg3[%mul3A_111, %dma_wait3A_113] : memref<1000192x16xf32, #tpu.memory_space<hbm>> -> memref<256x16xf32, #tpu.memory_space<hbm>>
        tpu.wait_dma2 semaphore(%arg10 : memref<!tpu.dma_semaphore, #tpu.memory_space<semaphore_mem>>) src(%arg6 : memref<256x16xf32, #tpu.memory_space<vmem>>) dst(%dma_wait3A_114 : memref<256x16xf32, #tpu.memory_space<hbm>>)
      } else {
      }
      %lt3A_63 = arith.constant 3907 : i32
      %lt3A_64 = arith.cmpi slt, %add3A_42, %lt3A_63 : i32
      %convert_element_type3A_65 = arith.extui %lt3A_64 : i1 to i32
      %cond3A_66 = arith.constant 0 : i32
      %cond3A_67 = arith.cmpi ne, %convert_element_type3A_65, %cond3A_66 : i32
      scf.if %cond3A_67 {
        %mul3A_103 = arith.constant 2048 : i32
        %mul3A_104 = arith.muli %add3A_42, %mul3A_103 : i32
        %multiple_of3A_105 = tpu.assume_multiple %mul3A_104, 2048 : i32
        %mul3A_106 = arith.constant 2048 : i32
        %mul3A_107 = arith.muli %add3A_42, %mul3A_106 : i32
        %add3A_108 = arith.constant 8001536 : i32
        %add3A_109 = arith.addi %add3A_108, %mul3A_107 : i32
        %multiple_of3A_110 = tpu.assume_multiple %add3A_109, 2048 : i32
        %dma_wait3A = arith.constant 0 : i32
        %dma_wait3A_111 = tpu.memref_slice %arg4[%dma_wait3A] : memref<4096xf32, #tpu.memory_space<vmem>> -> memref<2048xf32, #tpu.memory_space<vmem>>
        %dma_wait3A_112 = tpu.memref_slice %arg2[%multiple_of3A_105] : memref<16003072xf32, #tpu.memory_space<hbm>> -> memref<2048xf32, #tpu.memory_space<hbm>>
        %dma_wait3A_113 = arith.constant 0 : i32
        %dma_wait3A_114 = tpu.memref_slice %arg4[%dma_wait3A_113] : memref<4096xf32, #tpu.memory_space<vmem>> -> memref<2048xf32, #tpu.memory_space<vmem>>
        %dma_wait3A_115 = tpu.memref_slice %arg2[%multiple_of3A_105] : memref<16003072xf32, #tpu.memory_space<hbm>> -> memref<2048xf32, #tpu.memory_space<hbm>>
        tpu.wait_dma2 semaphore(%arg8 : memref<!tpu.dma_semaphore, #tpu.memory_space<semaphore_mem>>) src(%dma_wait3A_115 : memref<2048xf32, #tpu.memory_space<hbm>>) dst(%dma_wait3A_114 : memref<2048xf32, #tpu.memory_space<vmem>>)
        %dma_wait3A_116 = arith.constant 2048 : i32
        %dma_wait3A_117 = tpu.memref_slice %arg4[%dma_wait3A_116] : memref<4096xf32, #tpu.memory_space<vmem>> -> memref<2048xf32, #tpu.memory_space<vmem>>
        %dma_wait3A_118 = tpu.memref_slice %arg2[%multiple_of3A_110] : memref<16003072xf32, #tpu.memory_space<hbm>> -> memref<2048xf32, #tpu.memory_space<hbm>>
        %dma_wait3A_119 = arith.constant 2048 : i32
        %dma_wait3A_120 = tpu.memref_slice %arg4[%dma_wait3A_119] : memref<4096xf32, #tpu.memory_space<vmem>> -> memref<2048xf32, #tpu.memory_space<vmem>>
        %dma_wait3A_121 = tpu.memref_slice %arg2[%multiple_of3A_110] : memref<16003072xf32, #tpu.memory_space<hbm>> -> memref<2048xf32, #tpu.memory_space<hbm>>
        tpu.wait_dma2 semaphore(%arg8 : memref<!tpu.dma_semaphore, #tpu.memory_space<semaphore_mem>>) src(%dma_wait3A_121 : memref<2048xf32, #tpu.memory_space<hbm>>) dst(%dma_wait3A_120 : memref<2048xf32, #tpu.memory_space<vmem>>)
        %parallel_loop3A = arith.constant 0 : i32
        %parallel_loop3A_122 = arith.constant 256 : i32
        %parallel_loop3A_123 = arith.constant 1 : i32
        scf.for %parallel_loop3A_135 = %parallel_loop3A to %parallel_loop3A_122 step %parallel_loop3A_123  : i32 {
          %parallel_loop3A_136 = arith.constant 3 : i32
          %parallel_loop3A_137 = arith.shrsi %parallel_loop3A_135, %parallel_loop3A_136 : i32
          %parallel_loop3A_138 = arith.constant 7 : i32
          %parallel_loop3A_139 = arith.andi %parallel_loop3A_137, %parallel_loop3A_138 : i32
          %parallel_loop3A_140 = arith.constant 7 : i32
          %parallel_loop3A_141 = arith.shrsi %parallel_loop3A_135, %parallel_loop3A_140 : i32
          %parallel_loop3A_142 = arith.constant 3 : i32
          %parallel_loop3A_143 = arith.shli %parallel_loop3A_141, %parallel_loop3A_142 : i32
          %parallel_loop3A_144 = arith.addi %parallel_loop3A_143, %parallel_loop3A_139 : i32
          %parallel_loop3A_145 = arith.constant 6 : i32
          %parallel_loop3A_146 = arith.shrsi %parallel_loop3A_135, %parallel_loop3A_145 : i32
          %parallel_loop3A_147 = arith.constant 3 : i32
          %parallel_loop3A_148 = arith.andi %parallel_loop3A_146, %parallel_loop3A_147 : i32
          %parallel_loop3A_149 = arith.constant 10 : i32
          %parallel_loop3A_150 = arith.shli %parallel_loop3A_148, %parallel_loop3A_149 : i32
          %parallel_loop3A_151 = arith.constant 7 : i32
          %parallel_loop3A_152 = arith.shli %parallel_loop3A_139, %parallel_loop3A_151 : i32
          %parallel_loop3A_153 = arith.addi %parallel_loop3A_150, %parallel_loop3A_152 : i32
          %parallel_loop3A_154 = arith.constant 7 : i32
          %parallel_loop3A_155 = arith.andi %parallel_loop3A_135, %parallel_loop3A_154 : i32
          %parallel_loop3A_156 = arith.constant 4 : i32
          %parallel_loop3A_157 = arith.shli %parallel_loop3A_155, %parallel_loop3A_156 : i32
          %parallel_loop3A_158 = arith.addi %parallel_loop3A_153, %parallel_loop3A_157 : i32
          %parallel_loop3A_159 = tpu.assume_multiple %parallel_loop3A_158, 16 : i32
          %parallel_loop3A_160 = arith.index_cast %parallel_loop3A_159 : i32 to index
          %parallel_loop3A_161 = tpu.vector_load %arg4[%parallel_loop3A_160] {strides = array<i32>} : memref<4096xf32, #tpu.memory_space<vmem>>, vector<16xf32>,
          %parallel_loop3A_162 = arith.constant 6 : i32
          %parallel_loop3A_163 = arith.shrsi %parallel_loop3A_135, %parallel_loop3A_162 : i32
          %parallel_loop3A_164 = arith.constant 1 : i32
          %parallel_loop3A_165 = arith.andi %parallel_loop3A_163, %parallel_loop3A_164 : i32
          %parallel_loop3A_166 = arith.constant 7 : i32
          %parallel_loop3A_167 = arith.shli %parallel_loop3A_165, %parallel_loop3A_166 : i32
          %parallel_loop3A_168 = arith.constant 7 : i32
          %parallel_loop3A_169 = arith.andi %parallel_loop3A_135, %parallel_loop3A_168 : i32
          %parallel_loop3A_170 = arith.constant 4 : i32
          %parallel_loop3A_171 = arith.shli %parallel_loop3A_169, %parallel_loop3A_170 : i32
          %parallel_loop3A_172 = arith.addi %parallel_loop3A_167, %parallel_loop3A_171 : i32
          %parallel_loop3A_173 = vector.broadcast %parallel_loop3A_172 : i32 to vector<16xi32>
          %parallel_loop3A_174 = arith.addi %parallel_loop3A_173, %iota3A : vector<16xi32>
          %parallel_loop3A_175 = vector.broadcast %parallel_loop3A_144 : i32 to vector<16xi32>
          %parallel_loop3A_176 = arith.addi %parallel_loop3A_175, %parallel_loop3A_174 : vector<16xi32>
          %parallel_loop3A_177 = arith.constant 15 : i32
          %parallel_loop3A_178 = vector.broadcast %parallel_loop3A_177 : i32 to vector<16xi32>
          %parallel_loop3A_179 = arith.andi %parallel_loop3A_176, %parallel_loop3A_178 : vector<16xi32>
          tpu.vector_store_idx %arg6[%parallel_loop3A_174, %parallel_loop3A_179], %parallel_loop3A_161 : memref<256x16xf32, #tpu.memory_space<vmem>>[vector<16xi32>, vector<16xi32>], vector<16xf32>,
        } {sc.loop_unroll_factor = 16 : i64, sc.parallel_access}
        %parallel_loop3A_124 = arith.constant 0 : i32
        %parallel_loop3A_125 = arith.constant 256 : i32
        %parallel_loop3A_126 = arith.constant 1 : i32
        scf.for %parallel_loop3A_135 = %parallel_loop3A_124 to %parallel_loop3A_125 step %parallel_loop3A_126  : i32 {
          %parallel_loop3A_136 = vector.broadcast %parallel_loop3A_135 : i32 to vector<16xi32>
          %parallel_loop3A_137 = arith.addi %iota3A, %parallel_loop3A_136 : vector<16xi32>
          %parallel_loop3A_138 = arith.constant 15 : i32
          %parallel_loop3A_139 = vector.broadcast %parallel_loop3A_138 : i32 to vector<16xi32>
          %parallel_loop3A_140 = arith.andi %parallel_loop3A_137, %parallel_loop3A_139 : vector<16xi32>
          %parallel_loop3A_141 = arith.index_cast %parallel_loop3A_135 : i32 to index
          %parallel_loop3A_142 = arith.constant 0 : index
          %parallel_loop3A_143 = tpu.vector_load %arg6[%parallel_loop3A_141, %parallel_loop3A_142] {strides = array<i32>} : memref<256x16xf32, #tpu.memory_space<vmem>>, vector<16xf32>,
          %parallel_loop3A_144 = arith.constant 0 : i32
          %parallel_loop3A_145 = vector.broadcast %parallel_loop3A_144 : i32 to vector<16xi32>
          %parallel_loop3A_146 = arith.cmpi slt, %parallel_loop3A_140, %parallel_loop3A_145 : vector<16xi32>
          %parallel_loop3A_147 = arith.constant 16 : i32
          %parallel_loop3A_148 = vector.broadcast %parallel_loop3A_147 : i32 to vector<16xi32>
          %parallel_loop3A_149 = arith.addi %parallel_loop3A_140, %parallel_loop3A_148 : vector<16xi32>
          %parallel_loop3A_150 = arith.select %parallel_loop3A_146, %parallel_loop3A_149, %parallel_loop3A_140 : vector<16xi1>, vector<16xi32>
          %parallel_loop3A_151 = vector.shape_cast %parallel_loop3A_150 : vector<16xi32> to vector<16x1xi32>
          %parallel_loop3A_152 = vector.shape_cast %parallel_loop3A_151 : vector<16x1xi32> to vector<16xi32>
          %parallel_loop3A_153 = tpu.dynamic_gather %parallel_loop3A_143[%parallel_loop3A_152] in [0] : vector<16xf32>, vector<16xi32> -> vector<16xf32>
          %parallel_loop3A_154 = arith.constant 4.000000e+00 : f32
          %parallel_loop3A_155 = vector.broadcast %parallel_loop3A_154 : f32 to vector<16xf32>
          %parallel_loop3A_156 = arith.mulf %parallel_loop3A_153, %parallel_loop3A_155 : vector<16xf32>
          %parallel_loop3A_157 = arith.index_cast %parallel_loop3A_135 : i32 to index
          %parallel_loop3A_158 = arith.constant 0 : index
          %parallel_loop3A_159 = tpu.vector_load %arg6[%parallel_loop3A_157, %parallel_loop3A_158] {strides = array<i32>} : memref<256x16xf32, #tpu.memory_space<vmem>>, vector<16xf32>,
          tpu.vector_store %arg6[%parallel_loop3A_157, %parallel_loop3A_158], %parallel_loop3A_156 {strides = array<i32>} : memref<256x16xf32, #tpu.memory_space<vmem>>, vector<16xf32>,
        } {sc.loop_unroll_factor = 16 : i64, sc.parallel_access}
        %mul3A_127 = arith.constant 2 : i32
        %mul3A_128 = arith.muli %add3A_42, %mul3A_127 : i32
        %mul3A_129 = arith.constant 128 : i32
        %mul3A_130 = arith.muli %mul3A_128, %mul3A_129 : i32
        %dma_start3A_131 = arith.constant 0 : i32
        %dma_start3A_132 = tpu.memref_slice %arg3[%mul3A_130, %dma_start3A_131] : memref<1000192x16xf32, #tpu.memory_space<hbm>> -> memref<256x16xf32, #tpu.memory_space<hbm>>
        %dma_start3A_133 = arith.constant 0 : i32
        %dma_start3A_134 = tpu.memref_slice %arg3[%mul3A_130, %dma_start3A_133] : memref<1000192x16xf32, #tpu.memory_space<hbm>> -> memref<256x16xf32, #tpu.memory_space<hbm>>
        tpu.enqueue_dma source(%arg6 : memref<256x16xf32, #tpu.memory_space<vmem>>) target(%dma_start3A_134 : memref<256x16xf32, #tpu.memory_space<hbm>>) target_semaphore(%arg10 : memref<!tpu.dma_semaphore, #tpu.memory_space<semaphore_mem>>)
      } else {
      }
      %mul3A_68 = arith.constant 2 : i32
      %mul3A_69 = arith.muli %scan3A_35, %mul3A_68 : i32
      %add3A_70 = arith.constant 1 : i32
      %add3A_71 = arith.addi %mul3A_69, %add3A_70 : i32
      %mul3A_72 = arith.constant 32 : i32
      %mul3A_73 = arith.muli %add3A_71, %mul3A_72 : i32
      %add3A_74 = arith.addi %mul3A_73, %add3A : i32
      %add3A_75 = arith.constant 1 : i32
      %add3A_76 = arith.addi %add3A_71, %add3A_75 : i32
      %mul3A_77 = arith.constant 32 : i32
      %mul3A_78 = arith.muli %add3A_76, %mul3A_77 : i32
      %add3A_79 = arith.addi %mul3A_78, %add3A : i32
      %lt3A_80 = arith.constant 3907 : i32
      %lt3A_81 = arith.cmpi slt, %add3A_79, %lt3A_80 : i32
      %convert_element_type3A_82 = arith.extui %lt3A_81 : i1 to i32
      %cond3A_83 = arith.constant 0 : i32
      %cond3A_84 = arith.cmpi ne, %convert_element_type3A_82, %cond3A_83 : i32
      scf.if %cond3A_84 {
        %mul3A_103 = arith.constant 2048 : i32
        %mul3A_104 = arith.muli %add3A_79, %mul3A_103 : i32
        %multiple_of3A_105 = tpu.assume_multiple %mul3A_104, 2048 : i32
        %mul3A_106 = arith.constant 2048 : i32
        %mul3A_107 = arith.muli %add3A_79, %mul3A_106 : i32
        %add3A_108 = arith.constant 8001536 : i32
        %add3A_109 = arith.addi %add3A_108, %mul3A_107 : i32
        %multiple_of3A_110 = tpu.assume_multiple %add3A_109, 2048 : i32
        %dma_start3A_111 = arith.constant 0 : i32
        %dma_start3A_112 = tpu.memref_slice %arg4[%dma_start3A_111] : memref<4096xf32, #tpu.memory_space<vmem>> -> memref<2048xf32, #tpu.memory_space<vmem>>
        %dma_start3A_113 = tpu.memref_slice %arg2[%multiple_of3A_105] : memref<16003072xf32, #tpu.memory_space<hbm>> -> memref<2048xf32, #tpu.memory_space<hbm>>
        %dma_start3A_114 = arith.constant 0 : i32
        %dma_start3A_115 = tpu.memref_slice %arg4[%dma_start3A_114] : memref<4096xf32, #tpu.memory_space<vmem>> -> memref<2048xf32, #tpu.memory_space<vmem>>
        %dma_start3A_116 = tpu.memref_slice %arg2[%multiple_of3A_105] : memref<16003072xf32, #tpu.memory_space<hbm>> -> memref<2048xf32, #tpu.memory_space<hbm>>
        tpu.enqueue_dma source(%dma_start3A_116 : memref<2048xf32, #tpu.memory_space<hbm>>) target(%dma_start3A_115 : memref<2048xf32, #tpu.memory_space<vmem>>) target_semaphore(%arg8 : memref<!tpu.dma_semaphore, #tpu.memory_space<semaphore_mem>>)
        %dma_start3A_117 = arith.constant 2048 : i32
        %dma_start3A_118 = tpu.memref_slice %arg4[%dma_start3A_117] : memref<4096xf32, #tpu.memory_space<vmem>> -> memref<2048xf32, #tpu.memory_space<vmem>>
        %dma_start3A_119 = tpu.memref_slice %arg2[%multiple_of3A_110] : memref<16003072xf32, #tpu.memory_space<hbm>> -> memref<2048xf32, #tpu.memory_space<hbm>>
        %dma_start3A_120 = arith.constant 2048 : i32
        %dma_start3A_121 = tpu.memref_slice %arg4[%dma_start3A_120] : memref<4096xf32, #tpu.memory_space<vmem>> -> memref<2048xf32, #tpu.memory_space<vmem>>
        %dma_start3A_122 = tpu.memref_slice %arg2[%multiple_of3A_110] : memref<16003072xf32, #tpu.memory_space<hbm>> -> memref<2048xf32, #tpu.memory_space<hbm>>
        tpu.enqueue_dma source(%dma_start3A_122 : memref<2048xf32, #tpu.memory_space<hbm>>) target(%dma_start3A_121 : memref<2048xf32, #tpu.memory_space<vmem>>) target_semaphore(%arg8 : memref<!tpu.dma_semaphore, #tpu.memory_space<semaphore_mem>>)
      } else {
      }
      %ge3A_85 = arith.constant 2 : i32
      %ge3A_86 = arith.cmpi sge, %add3A_71, %ge3A_85 : i32
      %sub3A_87 = arith.constant 2 : i32
      %sub3A_88 = arith.subi %add3A_71, %sub3A_87 : i32
      %mul3A_89 = arith.constant 32 : i32
      %mul3A_90 = arith.muli %sub3A_88, %mul3A_89 : i32
      %add3A_91 = arith.addi %mul3A_90, %add3A : i32
      %lt3A_92 = arith.constant 3907 : i32
      %lt3A_93 = arith.cmpi slt, %add3A_91, %lt3A_92 : i32
      %and3A_94 = arith.andi %ge3A_86, %lt3A_93 : i1
      %convert_element_type3A_95 = arith.extui %and3A_94 : i1 to i32
      %cond3A_96 = arith.constant 0 : i32
      %cond3A_97 = arith.cmpi ne, %convert_element_type3A_95, %cond3A_96 : i32
      scf.if %cond3A_97 {
        %sub3A_103 = arith.constant 2 : i32
        %sub3A_104 = arith.subi %add3A_71, %sub3A_103 : i32
        %mul3A_105 = arith.constant 32 : i32
        %mul3A_106 = arith.muli %sub3A_104, %mul3A_105 : i32
        %add3A_107 = arith.addi %mul3A_106, %add3A : i32
        %mul3A_108 = arith.constant 2 : i32
        %mul3A_109 = arith.muli %add3A_107, %mul3A_108 : i32
        %mul3A_110 = arith.constant 128 : i32
        %mul3A_111 = arith.muli %mul3A_109, %mul3A_110 : i32
        %dma_wait3A = arith.constant 0 : i32
        %dma_wait3A_112 = tpu.memref_slice %arg3[%mul3A_111, %dma_wait3A] : memref<1000192x16xf32, #tpu.memory_space<hbm>> -> memref<256x16xf32, #tpu.memory_space<hbm>>
        %dma_wait3A_113 = arith.constant 0 : i32
        %dma_wait3A_114 = tpu.memref_slice %arg3[%mul3A_111, %dma_wait3A_113] : memref<1000192x16xf32, #tpu.memory_space<hbm>> -> memref<256x16xf32, #tpu.memory_space<hbm>>
        tpu.wait_dma2 semaphore(%arg11 : memref<!tpu.dma_semaphore, #tpu.memory_space<semaphore_mem>>) src(%arg7 : memref<256x16xf32, #tpu.memory_space<vmem>>) dst(%dma_wait3A_114 : memref<256x16xf32, #tpu.memory_space<hbm>>)
      } else {
      }
      %lt3A_98 = arith.constant 3907 : i32
      %lt3A_99 = arith.cmpi slt, %add3A_74, %lt3A_98 : i32
      %convert_element_type3A_100 = arith.extui %lt3A_99 : i1 to i32
      %cond3A_101 = arith.constant 0 : i32
      %cond3A_102 = arith.cmpi ne, %convert_element_type3A_100, %cond3A_101 : i32
      scf.if %cond3A_102 {
        %mul3A_103 = arith.constant 2048 : i32
        %mul3A_104 = arith.muli %add3A_74, %mul3A_103 : i32
        %multiple_of3A_105 = tpu.assume_multiple %mul3A_104, 2048 : i32
        %mul3A_106 = arith.constant 2048 : i32
        %mul3A_107 = arith.muli %add3A_74, %mul3A_106 : i32
        %add3A_108 = arith.constant 8001536 : i32
        %add3A_109 = arith.addi %add3A_108, %mul3A_107 : i32
        %multiple_of3A_110 = tpu.assume_multiple %add3A_109, 2048 : i32
        %dma_wait3A = arith.constant 0 : i32
        %dma_wait3A_111 = tpu.memref_slice %arg5[%dma_wait3A] : memref<4096xf32, #tpu.memory_space<vmem>> -> memref<2048xf32, #tpu.memory_space<vmem>>
        %dma_wait3A_112 = tpu.memref_slice %arg2[%multiple_of3A_105] : memref<16003072xf32, #tpu.memory_space<hbm>> -> memref<2048xf32, #tpu.memory_space<hbm>>
        %dma_wait3A_113 = arith.constant 0 : i32
        %dma_wait3A_114 = tpu.memref_slice %arg5[%dma_wait3A_113] : memref<4096xf32, #tpu.memory_space<vmem>> -> memref<2048xf32, #tpu.memory_space<vmem>>
        %dma_wait3A_115 = tpu.memref_slice %arg2[%multiple_of3A_105] : memref<16003072xf32, #tpu.memory_space<hbm>> -> memref<2048xf32, #tpu.memory_space<hbm>>
        tpu.wait_dma2 semaphore(%arg9 : memref<!tpu.dma_semaphore, #tpu.memory_space<semaphore_mem>>) src(%dma_wait3A_115 : memref<2048xf32, #tpu.memory_space<hbm>>) dst(%dma_wait3A_114 : memref<2048xf32, #tpu.memory_space<vmem>>)
        %dma_wait3A_116 = arith.constant 2048 : i32
        %dma_wait3A_117 = tpu.memref_slice %arg5[%dma_wait3A_116] : memref<4096xf32, #tpu.memory_space<vmem>> -> memref<2048xf32, #tpu.memory_space<vmem>>
        %dma_wait3A_118 = tpu.memref_slice %arg2[%multiple_of3A_110] : memref<16003072xf32, #tpu.memory_space<hbm>> -> memref<2048xf32, #tpu.memory_space<hbm>>
        %dma_wait3A_119 = arith.constant 2048 : i32
        %dma_wait3A_120 = tpu.memref_slice %arg5[%dma_wait3A_119] : memref<4096xf32, #tpu.memory_space<vmem>> -> memref<2048xf32, #tpu.memory_space<vmem>>
        %dma_wait3A_121 = tpu.memref_slice %arg2[%multiple_of3A_110] : memref<16003072xf32, #tpu.memory_space<hbm>> -> memref<2048xf32, #tpu.memory_space<hbm>>
        tpu.wait_dma2 semaphore(%arg9 : memref<!tpu.dma_semaphore, #tpu.memory_space<semaphore_mem>>) src(%dma_wait3A_121 : memref<2048xf32, #tpu.memory_space<hbm>>) dst(%dma_wait3A_120 : memref<2048xf32, #tpu.memory_space<vmem>>)
        %parallel_loop3A = arith.constant 0 : i32
        %parallel_loop3A_122 = arith.constant 256 : i32
        %parallel_loop3A_123 = arith.constant 1 : i32
        scf.for %parallel_loop3A_135 = %parallel_loop3A to %parallel_loop3A_122 step %parallel_loop3A_123  : i32 {
          %parallel_loop3A_136 = arith.constant 3 : i32
          %parallel_loop3A_137 = arith.shrsi %parallel_loop3A_135, %parallel_loop3A_136 : i32
          %parallel_loop3A_138 = arith.constant 7 : i32
          %parallel_loop3A_139 = arith.andi %parallel_loop3A_137, %parallel_loop3A_138 : i32
          %parallel_loop3A_140 = arith.constant 7 : i32
          %parallel_loop3A_141 = arith.shrsi %parallel_loop3A_135, %parallel_loop3A_140 : i32
          %parallel_loop3A_142 = arith.constant 3 : i32
          %parallel_loop3A_143 = arith.shli %parallel_loop3A_141, %parallel_loop3A_142 : i32
          %parallel_loop3A_144 = arith.addi %parallel_loop3A_143, %parallel_loop3A_139 : i32
          %parallel_loop3A_145 = arith.constant 6 : i32
          %parallel_loop3A_146 = arith.shrsi %parallel_loop3A_135, %parallel_loop3A_145 : i32
          %parallel_loop3A_147 = arith.constant 3 : i32
          %parallel_loop3A_148 = arith.andi %parallel_loop3A_146, %parallel_loop3A_147 : i32
          %parallel_loop3A_149 = arith.constant 10 : i32
          %parallel_loop3A_150 = arith.shli %parallel_loop3A_148, %parallel_loop3A_149 : i32
          %parallel_loop3A_151 = arith.constant 7 : i32
          %parallel_loop3A_152 = arith.shli %parallel_loop3A_139, %parallel_loop3A_151 : i32
          %parallel_loop3A_153 = arith.addi %parallel_loop3A_150, %parallel_loop3A_152 : i32
          %parallel_loop3A_154 = arith.constant 7 : i32
          %parallel_loop3A_155 = arith.andi %parallel_loop3A_135, %parallel_loop3A_154 : i32
          %parallel_loop3A_156 = arith.constant 4 : i32
          %parallel_loop3A_157 = arith.shli %parallel_loop3A_155, %parallel_loop3A_156 : i32
          %parallel_loop3A_158 = arith.addi %parallel_loop3A_153, %parallel_loop3A_157 : i32
          %parallel_loop3A_159 = tpu.assume_multiple %parallel_loop3A_158, 16 : i32
          %parallel_loop3A_160 = arith.index_cast %parallel_loop3A_159 : i32 to index
          %parallel_loop3A_161 = tpu.vector_load %arg5[%parallel_loop3A_160] {strides = array<i32>} : memref<4096xf32, #tpu.memory_space<vmem>>, vector<16xf32>,
          %parallel_loop3A_162 = arith.constant 6 : i32
          %parallel_loop3A_163 = arith.shrsi %parallel_loop3A_135, %parallel_loop3A_162 : i32
          %parallel_loop3A_164 = arith.constant 1 : i32
          %parallel_loop3A_165 = arith.andi %parallel_loop3A_163, %parallel_loop3A_164 : i32
          %parallel_loop3A_166 = arith.constant 7 : i32
          %parallel_loop3A_167 = arith.shli %parallel_loop3A_165, %parallel_loop3A_166 : i32
          %parallel_loop3A_168 = arith.constant 7 : i32
          %parallel_loop3A_169 = arith.andi %parallel_loop3A_135, %parallel_loop3A_168 : i32
          %parallel_loop3A_170 = arith.constant 4 : i32
          %parallel_loop3A_171 = arith.shli %parallel_loop3A_169, %parallel_loop3A_170 : i32
          %parallel_loop3A_172 = arith.addi %parallel_loop3A_167, %parallel_loop3A_171 : i32
          %parallel_loop3A_173 = vector.broadcast %parallel_loop3A_172 : i32 to vector<16xi32>
          %parallel_loop3A_174 = arith.addi %parallel_loop3A_173, %iota3A : vector<16xi32>
          %parallel_loop3A_175 = vector.broadcast %parallel_loop3A_144 : i32 to vector<16xi32>
          %parallel_loop3A_176 = arith.addi %parallel_loop3A_175, %parallel_loop3A_174 : vector<16xi32>
          %parallel_loop3A_177 = arith.constant 15 : i32
          %parallel_loop3A_178 = vector.broadcast %parallel_loop3A_177 : i32 to vector<16xi32>
          %parallel_loop3A_179 = arith.andi %parallel_loop3A_176, %parallel_loop3A_178 : vector<16xi32>
          tpu.vector_store_idx %arg7[%parallel_loop3A_174, %parallel_loop3A_179], %parallel_loop3A_161 : memref<256x16xf32, #tpu.memory_space<vmem>>[vector<16xi32>, vector<16xi32>], vector<16xf32>,
        } {sc.loop_unroll_factor = 16 : i64, sc.parallel_access}
        %parallel_loop3A_124 = arith.constant 0 : i32
        %parallel_loop3A_125 = arith.constant 256 : i32
        %parallel_loop3A_126 = arith.constant 1 : i32
        scf.for %parallel_loop3A_135 = %parallel_loop3A_124 to %parallel_loop3A_125 step %parallel_loop3A_126  : i32 {
          %parallel_loop3A_136 = vector.broadcast %parallel_loop3A_135 : i32 to vector<16xi32>
          %parallel_loop3A_137 = arith.addi %iota3A, %parallel_loop3A_136 : vector<16xi32>
          %parallel_loop3A_138 = arith.constant 15 : i32
          %parallel_loop3A_139 = vector.broadcast %parallel_loop3A_138 : i32 to vector<16xi32>
          %parallel_loop3A_140 = arith.andi %parallel_loop3A_137, %parallel_loop3A_139 : vector<16xi32>
          %parallel_loop3A_141 = arith.index_cast %parallel_loop3A_135 : i32 to index
          %parallel_loop3A_142 = arith.constant 0 : index
          %parallel_loop3A_143 = tpu.vector_load %arg7[%parallel_loop3A_141, %parallel_loop3A_142] {strides = array<i32>} : memref<256x16xf32, #tpu.memory_space<vmem>>, vector<16xf32>,
          %parallel_loop3A_144 = arith.constant 0 : i32
          %parallel_loop3A_145 = vector.broadcast %parallel_loop3A_144 : i32 to vector<16xi32>
          %parallel_loop3A_146 = arith.cmpi slt, %parallel_loop3A_140, %parallel_loop3A_145 : vector<16xi32>
          %parallel_loop3A_147 = arith.constant 16 : i32
          %parallel_loop3A_148 = vector.broadcast %parallel_loop3A_147 : i32 to vector<16xi32>
          %parallel_loop3A_149 = arith.addi %parallel_loop3A_140, %parallel_loop3A_148 : vector<16xi32>
          %parallel_loop3A_150 = arith.select %parallel_loop3A_146, %parallel_loop3A_149, %parallel_loop3A_140 : vector<16xi1>, vector<16xi32>
          %parallel_loop3A_151 = vector.shape_cast %parallel_loop3A_150 : vector<16xi32> to vector<16x1xi32>
          %parallel_loop3A_152 = vector.shape_cast %parallel_loop3A_151 : vector<16x1xi32> to vector<16xi32>
          %parallel_loop3A_153 = tpu.dynamic_gather %parallel_loop3A_143[%parallel_loop3A_152] in [0] : vector<16xf32>, vector<16xi32> -> vector<16xf32>
          %parallel_loop3A_154 = arith.constant 4.000000e+00 : f32
          %parallel_loop3A_155 = vector.broadcast %parallel_loop3A_154 : f32 to vector<16xf32>
          %parallel_loop3A_156 = arith.mulf %parallel_loop3A_153, %parallel_loop3A_155 : vector<16xf32>
          %parallel_loop3A_157 = arith.index_cast %parallel_loop3A_135 : i32 to index
          %parallel_loop3A_158 = arith.constant 0 : index
          %parallel_loop3A_159 = tpu.vector_load %arg7[%parallel_loop3A_157, %parallel_loop3A_158] {strides = array<i32>} : memref<256x16xf32, #tpu.memory_space<vmem>>, vector<16xf32>,
          tpu.vector_store %arg7[%parallel_loop3A_157, %parallel_loop3A_158], %parallel_loop3A_156 {strides = array<i32>} : memref<256x16xf32, #tpu.memory_space<vmem>>, vector<16xf32>,
        } {sc.loop_unroll_factor = 16 : i64, sc.parallel_access}
        %mul3A_127 = arith.constant 2 : i32
        %mul3A_128 = arith.muli %add3A_74, %mul3A_127 : i32
        %mul3A_129 = arith.constant 128 : i32
        %mul3A_130 = arith.muli %mul3A_128, %mul3A_129 : i32
        %dma_start3A_131 = arith.constant 0 : i32
        %dma_start3A_132 = tpu.memref_slice %arg3[%mul3A_130, %dma_start3A_131] : memref<1000192x16xf32, #tpu.memory_space<hbm>> -> memref<256x16xf32, #tpu.memory_space<hbm>>
        %dma_start3A_133 = arith.constant 0 : i32
        %dma_start3A_134 = tpu.memref_slice %arg3[%mul3A_130, %dma_start3A_133] : memref<1000192x16xf32, #tpu.memory_space<hbm>> -> memref<256x16xf32, #tpu.memory_space<hbm>>
        tpu.enqueue_dma source(%arg7 : memref<256x16xf32, #tpu.memory_space<vmem>>) target(%dma_start3A_134 : memref<256x16xf32, #tpu.memory_space<hbm>>) target_semaphore(%arg11 : memref<!tpu.dma_semaphore, #tpu.memory_space<semaphore_mem>>)
      } else {
      }
    }
    %scan3A_23 = arith.constant 62 : i32
    %add3A_24 = arith.constant 3904 : i32
    %add3A_25 = arith.addi %add3A_24, %add3A : i32
    %lt3A = arith.constant 3907 : i32
    %lt3A_26 = arith.cmpi slt, %add3A_25, %lt3A : i32
    %convert_element_type3A = arith.extui %lt3A_26 : i1 to i32
    %cond3A = arith.constant 0 : i32
    %cond3A_27 = arith.cmpi ne, %convert_element_type3A, %cond3A : i32
    scf.if %cond3A_27 {
      %mul3A_35 = arith.constant 2 : i32
      %mul3A_36 = arith.muli %add3A_25, %mul3A_35 : i32
      %mul3A_37 = arith.constant 128 : i32
      %mul3A_38 = arith.muli %mul3A_36, %mul3A_37 : i32
      %dma_wait3A = arith.constant 0 : i32
      %dma_wait3A_39 = tpu.memref_slice %arg3[%mul3A_38, %dma_wait3A] : memref<1000192x16xf32, #tpu.memory_space<hbm>> -> memref<256x16xf32, #tpu.memory_space<hbm>>
      %dma_wait3A_40 = arith.constant 0 : i32
      %dma_wait3A_41 = tpu.memref_slice %arg3[%mul3A_38, %dma_wait3A_40] : memref<1000192x16xf32, #tpu.memory_space<hbm>> -> memref<256x16xf32, #tpu.memory_space<hbm>>
      tpu.wait_dma2 semaphore(%arg10 : memref<!tpu.dma_semaphore, #tpu.memory_space<semaphore_mem>>) src(%arg6 : memref<256x16xf32, #tpu.memory_space<vmem>>) dst(%dma_wait3A_41 : memref<256x16xf32, #tpu.memory_space<hbm>>)
    } else {
    }
    %add3A_28 = arith.constant 3936 : i32
    %add3A_29 = arith.addi %add3A_28, %add3A : i32
    %lt3A_30 = arith.constant 3907 : i32
    %lt3A_31 = arith.cmpi slt, %add3A_29, %lt3A_30 : i32
    %convert_element_type3A_32 = arith.extui %lt3A_31 : i1 to i32
    %cond3A_33 = arith.constant 0 : i32
    %cond3A_34 = arith.cmpi ne, %convert_element_type3A_32, %cond3A_33 : i32
    scf.if %cond3A_34 {
      %mul3A_35 = arith.constant 2 : i32
      %mul3A_36 = arith.muli %add3A_29, %mul3A_35 : i32
      %mul3A_37 = arith.constant 128 : i32
      %mul3A_38 = arith.muli %mul3A_36, %mul3A_37 : i32
      %dma_wait3A = arith.constant 0 : i32
      %dma_wait3A_39 = tpu.memref_slice %arg3[%mul3A_38, %dma_wait3A] : memref<1000192x16xf32, #tpu.memory_space<hbm>> -> memref<256x16xf32, #tpu.memory_space<hbm>>
      %dma_wait3A_40 = arith.constant 0 : i32
      %dma_wait3A_41 = tpu.memref_slice %arg3[%mul3A_38, %dma_wait3A_40] : memref<1000192x16xf32, #tpu.memory_space<hbm>> -> memref<256x16xf32, #tpu.memory_space<hbm>>
      tpu.wait_dma2 semaphore(%arg11 : memref<!tpu.dma_semaphore, #tpu.memory_space<semaphore_mem>>) src(%arg7 : memref<256x16xf32, #tpu.memory_space<vmem>>) dst(%dma_wait3A_41 : memref<256x16xf32, #tpu.memory_space<hbm>>)
    } else {
    }
    return
  }
}

#map = affine_map<(d0, d1) -> (0)>
#map1 = affine_map<(d0, d1) -> (0, 0)>
module attributes {stable_mosaic.version = 14 : i64} {
  func.func @kern(%arg0: i32, %arg1: i32, %arg2: memref<3276800xi32, #tpu.memory_space<hbm>>, %arg3: memref<1000192x16xf32, #tpu.memory_space<hbm>>, %arg4: memref<52428800xf32, #tpu.memory_space<hbm>>, %arg5: memref<512xi32, #tpu.memory_space<vmem>>, %arg6: memref<512xi32, #tpu.memory_space<vmem>>, %arg7: memref<512xi32, #tpu.memory_space<vmem>>, %arg8: memref<512xi32, #tpu.memory_space<vmem>>, %arg9: memref<512xi32, #tpu.memory_space<vmem>>, %arg10: memref<512x16xf32, #tpu.memory_space<vmem>>, %arg11: memref<512x16xf32, #tpu.memory_space<vmem>>, %arg12: memref<512x16xf32, #tpu.memory_space<vmem>>, %arg13: memref<512x16xf32, #tpu.memory_space<vmem>>, %arg14: memref<512x16xf32, #tpu.memory_space<vmem>>, %arg15: memref<8192xf32, #tpu.memory_space<vmem>>, %arg16: memref<8192xf32, #tpu.memory_space<vmem>>, %arg17: memref<8192xf32, #tpu.memory_space<vmem>>, %arg18: memref<8192xf32, #tpu.memory_space<vmem>>, %arg19: memref<8192xf32, #tpu.memory_space<vmem>>, %arg20: memref<!tpu.dma_semaphore, #tpu.memory_space<semaphore_mem>>, %arg21: memref<!tpu.dma_semaphore, #tpu.memory_space<semaphore_mem>>, %arg22: memref<!tpu.dma_semaphore, #tpu.memory_space<semaphore_mem>>, %arg23: memref<!tpu.dma_semaphore, #tpu.memory_space<semaphore_mem>>, %arg24: memref<!tpu.dma_semaphore, #tpu.memory_space<semaphore_mem>>, %arg25: memref<!tpu.dma_semaphore, #tpu.memory_space<semaphore_mem>>, %arg26: memref<!tpu.dma_semaphore, #tpu.memory_space<semaphore_mem>>, %arg27: memref<!tpu.dma_semaphore, #tpu.memory_space<semaphore_mem>>, %arg28: memref<!tpu.dma_semaphore, #tpu.memory_space<semaphore_mem>>, %arg29: memref<!tpu.dma_semaphore, #tpu.memory_space<semaphore_mem>>, %arg30: memref<!tpu.dma_semaphore, #tpu.memory_space<semaphore_mem>>, %arg31: memref<!tpu.dma_semaphore, #tpu.memory_space<semaphore_mem>>, %arg32: memref<!tpu.dma_semaphore, #tpu.memory_space<semaphore_mem>>, %arg33: memref<!tpu.dma_semaphore, #tpu.memory_space<semaphore_mem>>, %arg34: memref<!tpu.dma_semaphore, #tpu.memory_space<semaphore_mem>>) attributes {dimension_semantics = [#tpu.dimension_semantics<core_parallel>, #tpu.dimension_semantics<subcore_parallel>], iteration_bounds = array<i64: 2, 16>, scalar_prefetch = 0 : i64, scratch_operands = 30 : i64, tpu.core_type = #tpu.core_type<sc_vector_subcore>, window_params = [{transform_indices = #map}, {transform_indices = #map1}, {transform_indices = #map}]} {
    %mul3A = arith.constant 2 : i32
    %mul3A_0 = arith.muli %arg1, %mul3A : i32
    %add3A = arith.addi %mul3A_0, %arg0 : i32
    %mul3A_1 = arith.constant 200 : i32
    %mul3A_2 = arith.muli %add3A, %mul3A_1 : i32
    %iota3A = tpu.iota {dimensions = array<i32: 0>} : vector<16xi32>
    %add3A_3 = arith.constant 0 : i32
    %add3A_4 = arith.addi %mul3A_2, %add3A_3 : i32
    %mul3A_5 = arith.constant 512 : i32
    %mul3A_6 = arith.muli %add3A_4, %mul3A_5 : i32
    %dma_start3A = tpu.memref_slice %arg2[%mul3A_6] : memref<3276800xi32, #tpu.memory_space<hbm>> -> memref<512xi32, #tpu.memory_space<hbm>>
    %dma_start3A_7 = tpu.memref_slice %arg2[%mul3A_6] : memref<3276800xi32, #tpu.memory_space<hbm>> -> memref<512xi32, #tpu.memory_space<hbm>>
    tpu.enqueue_dma source(%dma_start3A_7 : memref<512xi32, #tpu.memory_space<hbm>>) target(%arg5 : memref<512xi32, #tpu.memory_space<vmem>>) target_semaphore(%arg20 : memref<!tpu.dma_semaphore, #tpu.memory_space<semaphore_mem>>)
    %add3A_8 = arith.constant 1 : i32
    %add3A_9 = arith.addi %mul3A_2, %add3A_8 : i32
    %mul3A_10 = arith.constant 512 : i32
    %mul3A_11 = arith.muli %add3A_9, %mul3A_10 : i32
    %dma_start3A_12 = tpu.memref_slice %arg2[%mul3A_11] : memref<3276800xi32, #tpu.memory_space<hbm>> -> memref<512xi32, #tpu.memory_space<hbm>>
    %dma_start3A_13 = tpu.memref_slice %arg2[%mul3A_11] : memref<3276800xi32, #tpu.memory_space<hbm>> -> memref<512xi32, #tpu.memory_space<hbm>>
    tpu.enqueue_dma source(%dma_start3A_13 : memref<512xi32, #tpu.memory_space<hbm>>) target(%arg6 : memref<512xi32, #tpu.memory_space<vmem>>) target_semaphore(%arg21 : memref<!tpu.dma_semaphore, #tpu.memory_space<semaphore_mem>>)
    %add3A_14 = arith.constant 2 : i32
    %add3A_15 = arith.addi %mul3A_2, %add3A_14 : i32
    %mul3A_16 = arith.constant 512 : i32
    %mul3A_17 = arith.muli %add3A_15, %mul3A_16 : i32
    %dma_start3A_18 = tpu.memref_slice %arg2[%mul3A_17] : memref<3276800xi32, #tpu.memory_space<hbm>> -> memref<512xi32, #tpu.memory_space<hbm>>
    %dma_start3A_19 = tpu.memref_slice %arg2[%mul3A_17] : memref<3276800xi32, #tpu.memory_space<hbm>> -> memref<512xi32, #tpu.memory_space<hbm>>
    tpu.enqueue_dma source(%dma_start3A_19 : memref<512xi32, #tpu.memory_space<hbm>>) target(%arg7 : memref<512xi32, #tpu.memory_space<vmem>>) target_semaphore(%arg22 : memref<!tpu.dma_semaphore, #tpu.memory_space<semaphore_mem>>)
    %add3A_20 = arith.constant 3 : i32
    %add3A_21 = arith.addi %mul3A_2, %add3A_20 : i32
    %mul3A_22 = arith.constant 512 : i32
    %mul3A_23 = arith.muli %add3A_21, %mul3A_22 : i32
    %dma_start3A_24 = tpu.memref_slice %arg2[%mul3A_23] : memref<3276800xi32, #tpu.memory_space<hbm>> -> memref<512xi32, #tpu.memory_space<hbm>>
    %dma_start3A_25 = tpu.memref_slice %arg2[%mul3A_23] : memref<3276800xi32, #tpu.memory_space<hbm>> -> memref<512xi32, #tpu.memory_space<hbm>>
    tpu.enqueue_dma source(%dma_start3A_25 : memref<512xi32, #tpu.memory_space<hbm>>) target(%arg8 : memref<512xi32, #tpu.memory_space<vmem>>) target_semaphore(%arg23 : memref<!tpu.dma_semaphore, #tpu.memory_space<semaphore_mem>>)
    %add3A_26 = arith.constant 0 : i32
    %add3A_27 = arith.addi %mul3A_2, %add3A_26 : i32
    %mul3A_28 = arith.constant 512 : i32
    %mul3A_29 = arith.muli %add3A_27, %mul3A_28 : i32
    %dma_wait3A = tpu.memref_slice %arg2[%mul3A_29] : memref<3276800xi32, #tpu.memory_space<hbm>> -> memref<512xi32, #tpu.memory_space<hbm>>
    %dma_wait3A_30 = tpu.memref_slice %arg2[%mul3A_29] : memref<3276800xi32, #tpu.memory_space<hbm>> -> memref<512xi32, #tpu.memory_space<hbm>>
    tpu.wait_dma2 semaphore(%arg20 : memref<!tpu.dma_semaphore, #tpu.memory_space<semaphore_mem>>) src(%dma_wait3A_30 : memref<512xi32, #tpu.memory_space<hbm>>) dst(%arg5 : memref<512xi32, #tpu.memory_space<vmem>>)
    %dma_start3A_31 = arith.constant 0 : i32
    %dma_start3A_32 = arith.constant 0 : i32
    %dma_start3A_33 = tpu.memref_slice %arg3[%dma_start3A_31, %dma_start3A_32] : memref<1000192x16xf32, #tpu.memory_space<hbm>> -> memref<1000192x16xf32, #tpu.memory_space<hbm>>
    tpu.enqueue_indirect_dma source(%dma_start3A_33 : memref<1000192x16xf32, #tpu.memory_space<hbm>>) target(%arg10 : memref<512x16xf32, #tpu.memory_space<vmem>>) offsets(%arg5 : memref<512xi32, #tpu.memory_space<vmem>>) semaphore(%arg25 : memref<!tpu.dma_semaphore, #tpu.memory_space<semaphore_mem>>)
    %add3A_34 = arith.constant 1 : i32
    %add3A_35 = arith.addi %mul3A_2, %add3A_34 : i32
    %mul3A_36 = arith.constant 512 : i32
    %mul3A_37 = arith.muli %add3A_35, %mul3A_36 : i32
    %dma_wait3A_38 = tpu.memref_slice %arg2[%mul3A_37] : memref<3276800xi32, #tpu.memory_space<hbm>> -> memref<512xi32, #tpu.memory_space<hbm>>
    %dma_wait3A_39 = tpu.memref_slice %arg2[%mul3A_37] : memref<3276800xi32, #tpu.memory_space<hbm>> -> memref<512xi32, #tpu.memory_space<hbm>>
    tpu.wait_dma2 semaphore(%arg21 : memref<!tpu.dma_semaphore, #tpu.memory_space<semaphore_mem>>) src(%dma_wait3A_39 : memref<512xi32, #tpu.memory_space<hbm>>) dst(%arg6 : memref<512xi32, #tpu.memory_space<vmem>>)
    %dma_start3A_40 = arith.constant 0 : i32
    %dma_start3A_41 = arith.constant 0 : i32
    %dma_start3A_42 = tpu.memref_slice %arg3[%dma_start3A_40, %dma_start3A_41] : memref<1000192x16xf32, #tpu.memory_space<hbm>> -> memref<1000192x16xf32, #tpu.memory_space<hbm>>
    tpu.enqueue_indirect_dma source(%dma_start3A_42 : memref<1000192x16xf32, #tpu.memory_space<hbm>>) target(%arg11 : memref<512x16xf32, #tpu.memory_space<vmem>>) offsets(%arg6 : memref<512xi32, #tpu.memory_space<vmem>>) semaphore(%arg26 : memref<!tpu.dma_semaphore, #tpu.memory_space<semaphore_mem>>)
    %add3A_43 = arith.constant 2 : i32
    %add3A_44 = arith.addi %mul3A_2, %add3A_43 : i32
    %mul3A_45 = arith.constant 512 : i32
    %mul3A_46 = arith.muli %add3A_44, %mul3A_45 : i32
    %dma_wait3A_47 = tpu.memref_slice %arg2[%mul3A_46] : memref<3276800xi32, #tpu.memory_space<hbm>> -> memref<512xi32, #tpu.memory_space<hbm>>
    %dma_wait3A_48 = tpu.memref_slice %arg2[%mul3A_46] : memref<3276800xi32, #tpu.memory_space<hbm>> -> memref<512xi32, #tpu.memory_space<hbm>>
    tpu.wait_dma2 semaphore(%arg22 : memref<!tpu.dma_semaphore, #tpu.memory_space<semaphore_mem>>) src(%dma_wait3A_48 : memref<512xi32, #tpu.memory_space<hbm>>) dst(%arg7 : memref<512xi32, #tpu.memory_space<vmem>>)
    %dma_start3A_49 = arith.constant 0 : i32
    %dma_start3A_50 = arith.constant 0 : i32
    %dma_start3A_51 = tpu.memref_slice %arg3[%dma_start3A_49, %dma_start3A_50] : memref<1000192x16xf32, #tpu.memory_space<hbm>> -> memref<1000192x16xf32, #tpu.memory_space<hbm>>
    tpu.enqueue_indirect_dma source(%dma_start3A_51 : memref<1000192x16xf32, #tpu.memory_space<hbm>>) target(%arg12 : memref<512x16xf32, #tpu.memory_space<vmem>>) offsets(%arg7 : memref<512xi32, #tpu.memory_space<vmem>>) semaphore(%arg27 : memref<!tpu.dma_semaphore, #tpu.memory_space<semaphore_mem>>)
    %scan3A = arith.constant 0 : i32
    %scan3A_52 = arith.constant 0 : i32
    %scan3A_53 = arith.constant 40 : i32
    %scan3A_54 = arith.addi %scan3A_52, %scan3A_53 : i32
    %scan3A_55 = arith.constant 1 : i32
    scf.for %scan3A_848 = %scan3A_52 to %scan3A_54 step %scan3A_55  : i32 {
      %mul3A_849 = arith.constant 5 : i32
      %mul3A_850 = arith.muli %scan3A_848, %mul3A_849 : i32
      %add3A_851 = arith.constant 0 : i32
      %add3A_852 = arith.addi %mul3A_850, %add3A_851 : i32
      %add3A_853 = arith.constant 4 : i32
      %add3A_854 = arith.addi %add3A_852, %add3A_853 : i32
      %lt3A = arith.constant 200 : i32
      %lt3A_855 = arith.cmpi slt, %add3A_854, %lt3A : i32
      %convert_element_type3A = arith.extui %lt3A_855 : i1 to i32
      %cond3A = arith.constant 0 : i32
      %cond3A_856 = arith.cmpi ne, %convert_element_type3A, %cond3A : i32
      scf.if %cond3A_856 {
        %add3A_1809 = arith.addi %mul3A_2, %add3A_854 : i32
        %mul3A_1810 = arith.constant 512 : i32
        %mul3A_1811 = arith.muli %add3A_1809, %mul3A_1810 : i32
        %dma_start3A_1812 = tpu.memref_slice %arg2[%mul3A_1811] : memref<3276800xi32, #tpu.memory_space<hbm>> -> memref<512xi32, #tpu.memory_space<hbm>>
        %dma_start3A_1813 = tpu.memref_slice %arg2[%mul3A_1811] : memref<3276800xi32, #tpu.memory_space<hbm>> -> memref<512xi32, #tpu.memory_space<hbm>>
        tpu.enqueue_dma source(%dma_start3A_1813 : memref<512xi32, #tpu.memory_space<hbm>>) target(%arg9 : memref<512xi32, #tpu.memory_space<vmem>>) target_semaphore(%arg24 : memref<!tpu.dma_semaphore, #tpu.memory_space<semaphore_mem>>)
      } else {
      }
      %add3A_857 = arith.constant 3 : i32
      %add3A_858 = arith.addi %add3A_852, %add3A_857 : i32
      %lt3A_859 = arith.constant 200 : i32
      %lt3A_860 = arith.cmpi slt, %add3A_858, %lt3A_859 : i32
      %ge3A = arith.constant 5 : i32
      %ge3A_861 = arith.cmpi sge, %add3A_858, %ge3A : i32
      %and3A_862 = arith.andi %lt3A_860, %ge3A_861 : i1
      %convert_element_type3A_863 = arith.extui %and3A_862 : i1 to i32
      %cond3A_864 = arith.constant 0 : i32
      %cond3A_865 = arith.cmpi ne, %convert_element_type3A_863, %cond3A_864 : i32
      scf.if %cond3A_865 {
        %sub3A = arith.constant 5 : i32
        %sub3A_1809 = arith.subi %add3A_858, %sub3A : i32
        %add3A_1810 = arith.addi %mul3A_2, %sub3A_1809 : i32
        %shift_right_arithmetic3A_1811 = arith.constant 8 : i32
        %shift_right_arithmetic3A_1812 = arith.shrsi %add3A_1810, %shift_right_arithmetic3A_1811 : i32
        %shift_left3A_1813 = arith.constant 3 : i32
        %shift_left3A_1814 = arith.shli %shift_right_arithmetic3A_1812, %shift_left3A_1813 : i32
        %and3A_1815 = arith.constant 1 : i32
        %and3A_1816 = arith.andi %add3A_1810, %and3A_1815 : i32
        %shift_left3A_1817 = arith.constant 2 : i32
        %shift_left3A_1818 = arith.shli %and3A_1816, %shift_left3A_1817 : i32
        %add3A_1819 = arith.addi %shift_left3A_1814, %shift_left3A_1818 : i32
        %shift_right_arithmetic3A_1820 = arith.constant 1 : i32
        %shift_right_arithmetic3A_1821 = arith.shrsi %add3A_1810, %shift_right_arithmetic3A_1820 : i32
        %and3A_1822 = arith.constant 127 : i32
        %and3A_1823 = arith.andi %shift_right_arithmetic3A_1821, %and3A_1822 : i32
        %add3A_1824 = arith.constant 0 : i32
        %add3A_1825 = arith.addi %add3A_1819, %add3A_1824 : i32
        %shift_left3A_1826 = arith.constant 1 : i32
        %shift_left3A_1827 = arith.shli %add3A_1825, %shift_left3A_1826 : i32
        %add3A_1828 = arith.constant 0 : i32
        %add3A_1829 = arith.addi %shift_left3A_1827, %add3A_1828 : i32
        %mul3A_1830 = arith.constant 128 : i32
        %mul3A_1831 = arith.muli %add3A_1829, %mul3A_1830 : i32
        %add3A_1832 = arith.addi %mul3A_1831, %and3A_1823 : i32
        %shift_left3A_1833 = arith.constant 10 : i32
        %shift_left3A_1834 = arith.shli %add3A_1832, %shift_left3A_1833 : i32
        %multiple_of3A_1835 = tpu.assume_multiple %shift_left3A_1834, 1024 : i32
        %add3A_1836 = arith.constant 0 : i32
        %add3A_1837 = arith.addi %add3A_1819, %add3A_1836 : i32
        %shift_left3A_1838 = arith.constant 1 : i32
        %shift_left3A_1839 = arith.shli %add3A_1837, %shift_left3A_1838 : i32
        %add3A_1840 = arith.constant 1 : i32
        %add3A_1841 = arith.addi %shift_left3A_1839, %add3A_1840 : i32
        %mul3A_1842 = arith.constant 128 : i32
        %mul3A_1843 = arith.muli %add3A_1841, %mul3A_1842 : i32
        %add3A_1844 = arith.addi %mul3A_1843, %and3A_1823 : i32
        %shift_left3A_1845 = arith.constant 10 : i32
        %shift_left3A_1846 = arith.shli %add3A_1844, %shift_left3A_1845 : i32
        %multiple_of3A_1847 = tpu.assume_multiple %shift_left3A_1846, 1024 : i32
        %add3A_1848 = arith.constant 1 : i32
        %add3A_1849 = arith.addi %add3A_1819, %add3A_1848 : i32
        %shift_left3A_1850 = arith.constant 1 : i32
        %shift_left3A_1851 = arith.shli %add3A_1849, %shift_left3A_1850 : i32
        %add3A_1852 = arith.constant 0 : i32
        %add3A_1853 = arith.addi %shift_left3A_1851, %add3A_1852 : i32
        %mul3A_1854 = arith.constant 128 : i32
        %mul3A_1855 = arith.muli %add3A_1853, %mul3A_1854 : i32
        %add3A_1856 = arith.addi %mul3A_1855, %and3A_1823 : i32
        %shift_left3A_1857 = arith.constant 10 : i32
        %shift_left3A_1858 = arith.shli %add3A_1856, %shift_left3A_1857 : i32
        %multiple_of3A_1859 = tpu.assume_multiple %shift_left3A_1858, 1024 : i32
        %add3A_1860 = arith.constant 1 : i32
        %add3A_1861 = arith.addi %add3A_1819, %add3A_1860 : i32
        %shift_left3A_1862 = arith.constant 1 : i32
        %shift_left3A_1863 = arith.shli %add3A_1861, %shift_left3A_1862 : i32
        %add3A_1864 = arith.constant 1 : i32
        %add3A_1865 = arith.addi %shift_left3A_1863, %add3A_1864 : i32
        %mul3A_1866 = arith.constant 128 : i32
        %mul3A_1867 = arith.muli %add3A_1865, %mul3A_1866 : i32
        %add3A_1868 = arith.addi %mul3A_1867, %and3A_1823 : i32
        %shift_left3A_1869 = arith.constant 10 : i32
        %shift_left3A_1870 = arith.shli %add3A_1868, %shift_left3A_1869 : i32
        %multiple_of3A_1871 = tpu.assume_multiple %shift_left3A_1870, 1024 : i32
        %add3A_1872 = arith.constant 2 : i32
        %add3A_1873 = arith.addi %add3A_1819, %add3A_1872 : i32
        %shift_left3A_1874 = arith.constant 1 : i32
        %shift_left3A_1875 = arith.shli %add3A_1873, %shift_left3A_1874 : i32
        %add3A_1876 = arith.constant 0 : i32
        %add3A_1877 = arith.addi %shift_left3A_1875, %add3A_1876 : i32
        %mul3A_1878 = arith.constant 128 : i32
        %mul3A_1879 = arith.muli %add3A_1877, %mul3A_1878 : i32
        %add3A_1880 = arith.addi %mul3A_1879, %and3A_1823 : i32
        %shift_left3A_1881 = arith.constant 10 : i32
        %shift_left3A_1882 = arith.shli %add3A_1880, %shift_left3A_1881 : i32
        %multiple_of3A_1883 = tpu.assume_multiple %shift_left3A_1882, 1024 : i32
        %add3A_1884 = arith.constant 2 : i32
        %add3A_1885 = arith.addi %add3A_1819, %add3A_1884 : i32
        %shift_left3A_1886 = arith.constant 1 : i32
        %shift_left3A_1887 = arith.shli %add3A_1885, %shift_left3A_1886 : i32
        %add3A_1888 = arith.constant 1 : i32
        %add3A_1889 = arith.addi %shift_left3A_1887, %add3A_1888 : i32
        %mul3A_1890 = arith.constant 128 : i32
        %mul3A_1891 = arith.muli %add3A_1889, %mul3A_1890 : i32
        %add3A_1892 = arith.addi %mul3A_1891, %and3A_1823 : i32
        %shift_left3A_1893 = arith.constant 10 : i32
        %shift_left3A_1894 = arith.shli %add3A_1892, %shift_left3A_1893 : i32
        %multiple_of3A_1895 = tpu.assume_multiple %shift_left3A_1894, 1024 : i32
        %add3A_1896 = arith.constant 3 : i32
        %add3A_1897 = arith.addi %add3A_1819, %add3A_1896 : i32
        %shift_left3A_1898 = arith.constant 1 : i32
        %shift_left3A_1899 = arith.shli %add3A_1897, %shift_left3A_1898 : i32
        %add3A_1900 = arith.constant 0 : i32
        %add3A_1901 = arith.addi %shift_left3A_1899, %add3A_1900 : i32
        %mul3A_1902 = arith.constant 128 : i32
        %mul3A_1903 = arith.muli %add3A_1901, %mul3A_1902 : i32
        %add3A_1904 = arith.addi %mul3A_1903, %and3A_1823 : i32
        %shift_left3A_1905 = arith.constant 10 : i32
        %shift_left3A_1906 = arith.shli %add3A_1904, %shift_left3A_1905 : i32
        %multiple_of3A_1907 = tpu.assume_multiple %shift_left3A_1906, 1024 : i32
        %add3A_1908 = arith.constant 3 : i32
        %add3A_1909 = arith.addi %add3A_1819, %add3A_1908 : i32
        %shift_left3A_1910 = arith.constant 1 : i32
        %shift_left3A_1911 = arith.shli %add3A_1909, %shift_left3A_1910 : i32
        %add3A_1912 = arith.constant 1 : i32
        %add3A_1913 = arith.addi %shift_left3A_1911, %add3A_1912 : i32
        %mul3A_1914 = arith.constant 128 : i32
        %mul3A_1915 = arith.muli %add3A_1913, %mul3A_1914 : i32
        %add3A_1916 = arith.addi %mul3A_1915, %and3A_1823 : i32
        %shift_left3A_1917 = arith.constant 10 : i32
        %shift_left3A_1918 = arith.shli %add3A_1916, %shift_left3A_1917 : i32
        %multiple_of3A_1919 = tpu.assume_multiple %shift_left3A_1918, 1024 : i32
        %dma_wait3A_1920 = arith.constant 0 : i32
        %dma_wait3A_1921 = tpu.memref_slice %arg18[%dma_wait3A_1920] : memref<8192xf32, #tpu.memory_space<vmem>> -> memref<1024xf32, #tpu.memory_space<vmem>>
        %dma_wait3A_1922 = tpu.memref_slice %arg4[%multiple_of3A_1835] : memref<52428800xf32, #tpu.memory_space<hbm>> -> memref<1024xf32, #tpu.memory_space<hbm>>
        %dma_wait3A_1923 = tpu.memref_slice %arg4[%multiple_of3A_1835] : memref<52428800xf32, #tpu.memory_space<hbm>> -> memref<1024xf32, #tpu.memory_space<hbm>>
        %dma_wait3A_1924 = arith.constant 0 : i32
        %dma_wait3A_1925 = tpu.memref_slice %arg18[%dma_wait3A_1924] : memref<8192xf32, #tpu.memory_space<vmem>> -> memref<1024xf32, #tpu.memory_space<vmem>>
        tpu.wait_dma2 semaphore(%arg33 : memref<!tpu.dma_semaphore, #tpu.memory_space<semaphore_mem>>) src(%dma_wait3A_1925 : memref<1024xf32, #tpu.memory_space<vmem>>) dst(%dma_wait3A_1923 : memref<1024xf32, #tpu.memory_space<hbm>>)
        %dma_wait3A_1926 = arith.constant 1024 : i32
        %dma_wait3A_1927 = tpu.memref_slice %arg18[%dma_wait3A_1926] : memref<8192xf32, #tpu.memory_space<vmem>> -> memref<1024xf32, #tpu.memory_space<vmem>>
        %dma_wait3A_1928 = tpu.memref_slice %arg4[%multiple_of3A_1847] : memref<52428800xf32, #tpu.memory_space<hbm>> -> memref<1024xf32, #tpu.memory_space<hbm>>
        %dma_wait3A_1929 = tpu.memref_slice %arg4[%multiple_of3A_1847] : memref<52428800xf32, #tpu.memory_space<hbm>> -> memref<1024xf32, #tpu.memory_space<hbm>>
        %dma_wait3A_1930 = arith.constant 1024 : i32
        %dma_wait3A_1931 = tpu.memref_slice %arg18[%dma_wait3A_1930] : memref<8192xf32, #tpu.memory_space<vmem>> -> memref<1024xf32, #tpu.memory_space<vmem>>
        tpu.wait_dma2 semaphore(%arg33 : memref<!tpu.dma_semaphore, #tpu.memory_space<semaphore_mem>>) src(%dma_wait3A_1931 : memref<1024xf32, #tpu.memory_space<vmem>>) dst(%dma_wait3A_1929 : memref<1024xf32, #tpu.memory_space<hbm>>)
        %dma_wait3A_1932 = arith.constant 2048 : i32
        %dma_wait3A_1933 = tpu.memref_slice %arg18[%dma_wait3A_1932] : memref<8192xf32, #tpu.memory_space<vmem>> -> memref<1024xf32, #tpu.memory_space<vmem>>
        %dma_wait3A_1934 = tpu.memref_slice %arg4[%multiple_of3A_1859] : memref<52428800xf32, #tpu.memory_space<hbm>> -> memref<1024xf32, #tpu.memory_space<hbm>>
        %dma_wait3A_1935 = tpu.memref_slice %arg4[%multiple_of3A_1859] : memref<52428800xf32, #tpu.memory_space<hbm>> -> memref<1024xf32, #tpu.memory_space<hbm>>
        %dma_wait3A_1936 = arith.constant 2048 : i32
        %dma_wait3A_1937 = tpu.memref_slice %arg18[%dma_wait3A_1936] : memref<8192xf32, #tpu.memory_space<vmem>> -> memref<1024xf32, #tpu.memory_space<vmem>>
        tpu.wait_dma2 semaphore(%arg33 : memref<!tpu.dma_semaphore, #tpu.memory_space<semaphore_mem>>) src(%dma_wait3A_1937 : memref<1024xf32, #tpu.memory_space<vmem>>) dst(%dma_wait3A_1935 : memref<1024xf32, #tpu.memory_space<hbm>>)
        %dma_wait3A_1938 = arith.constant 3072 : i32
        %dma_wait3A_1939 = tpu.memref_slice %arg18[%dma_wait3A_1938] : memref<8192xf32, #tpu.memory_space<vmem>> -> memref<1024xf32, #tpu.memory_space<vmem>>
        %dma_wait3A_1940 = tpu.memref_slice %arg4[%multiple_of3A_1871] : memref<52428800xf32, #tpu.memory_space<hbm>> -> memref<1024xf32, #tpu.memory_space<hbm>>
        %dma_wait3A_1941 = tpu.memref_slice %arg4[%multiple_of3A_1871] : memref<52428800xf32, #tpu.memory_space<hbm>> -> memref<1024xf32, #tpu.memory_space<hbm>>
        %dma_wait3A_1942 = arith.constant 3072 : i32
        %dma_wait3A_1943 = tpu.memref_slice %arg18[%dma_wait3A_1942] : memref<8192xf32, #tpu.memory_space<vmem>> -> memref<1024xf32, #tpu.memory_space<vmem>>
        tpu.wait_dma2 semaphore(%arg33 : memref<!tpu.dma_semaphore, #tpu.memory_space<semaphore_mem>>) src(%dma_wait3A_1943 : memref<1024xf32, #tpu.memory_space<vmem>>) dst(%dma_wait3A_1941 : memref<1024xf32, #tpu.memory_space<hbm>>)
        %dma_wait3A_1944 = arith.constant 4096 : i32
        %dma_wait3A_1945 = tpu.memref_slice %arg18[%dma_wait3A_1944] : memref<8192xf32, #tpu.memory_space<vmem>> -> memref<1024xf32, #tpu.memory_space<vmem>>
        %dma_wait3A_1946 = tpu.memref_slice %arg4[%multiple_of3A_1883] : memref<52428800xf32, #tpu.memory_space<hbm>> -> memref<1024xf32, #tpu.memory_space<hbm>>
        %dma_wait3A_1947 = tpu.memref_slice %arg4[%multiple_of3A_1883] : memref<52428800xf32, #tpu.memory_space<hbm>> -> memref<1024xf32, #tpu.memory_space<hbm>>
        %dma_wait3A_1948 = arith.constant 4096 : i32
        %dma_wait3A_1949 = tpu.memref_slice %arg18[%dma_wait3A_1948] : memref<8192xf32, #tpu.memory_space<vmem>> -> memref<1024xf32, #tpu.memory_space<vmem>>
        tpu.wait_dma2 semaphore(%arg33 : memref<!tpu.dma_semaphore, #tpu.memory_space<semaphore_mem>>) src(%dma_wait3A_1949 : memref<1024xf32, #tpu.memory_space<vmem>>) dst(%dma_wait3A_1947 : memref<1024xf32, #tpu.memory_space<hbm>>)
        %dma_wait3A_1950 = arith.constant 5120 : i32
        %dma_wait3A_1951 = tpu.memref_slice %arg18[%dma_wait3A_1950] : memref<8192xf32, #tpu.memory_space<vmem>> -> memref<1024xf32, #tpu.memory_space<vmem>>
        %dma_wait3A_1952 = tpu.memref_slice %arg4[%multiple_of3A_1895] : memref<52428800xf32, #tpu.memory_space<hbm>> -> memref<1024xf32, #tpu.memory_space<hbm>>
        %dma_wait3A_1953 = tpu.memref_slice %arg4[%multiple_of3A_1895] : memref<52428800xf32, #tpu.memory_space<hbm>> -> memref<1024xf32, #tpu.memory_space<hbm>>
        %dma_wait3A_1954 = arith.constant 5120 : i32
        %dma_wait3A_1955 = tpu.memref_slice %arg18[%dma_wait3A_1954] : memref<8192xf32, #tpu.memory_space<vmem>> -> memref<1024xf32, #tpu.memory_space<vmem>>
        tpu.wait_dma2 semaphore(%arg33 : memref<!tpu.dma_semaphore, #tpu.memory_space<semaphore_mem>>) src(%dma_wait3A_1955 : memref<1024xf32, #tpu.memory_space<vmem>>) dst(%dma_wait3A_1953 : memref<1024xf32, #tpu.memory_space<hbm>>)
        %dma_wait3A_1956 = arith.constant 6144 : i32
        %dma_wait3A_1957 = tpu.memref_slice %arg18[%dma_wait3A_1956] : memref<8192xf32, #tpu.memory_space<vmem>> -> memref<1024xf32, #tpu.memory_space<vmem>>
        %dma_wait3A_1958 = tpu.memref_slice %arg4[%multiple_of3A_1907] : memref<52428800xf32, #tpu.memory_space<hbm>> -> memref<1024xf32, #tpu.memory_space<hbm>>
        %dma_wait3A_1959 = tpu.memref_slice %arg4[%multiple_of3A_1907] : memref<52428800xf32, #tpu.memory_space<hbm>> -> memref<1024xf32, #tpu.memory_space<hbm>>
        %dma_wait3A_1960 = arith.constant 6144 : i32
        %dma_wait3A_1961 = tpu.memref_slice %arg18[%dma_wait3A_1960] : memref<8192xf32, #tpu.memory_space<vmem>> -> memref<1024xf32, #tpu.memory_space<vmem>>
        tpu.wait_dma2 semaphore(%arg33 : memref<!tpu.dma_semaphore, #tpu.memory_space<semaphore_mem>>) src(%dma_wait3A_1961 : memref<1024xf32, #tpu.memory_space<vmem>>) dst(%dma_wait3A_1959 : memref<1024xf32, #tpu.memory_space<hbm>>)
        %dma_wait3A_1962 = arith.constant 7168 : i32
        %dma_wait3A_1963 = tpu.memref_slice %arg18[%dma_wait3A_1962] : memref<8192xf32, #tpu.memory_space<vmem>> -> memref<1024xf32, #tpu.memory_space<vmem>>
        %dma_wait3A_1964 = tpu.memref_slice %arg4[%multiple_of3A_1919] : memref<52428800xf32, #tpu.memory_space<hbm>> -> memref<1024xf32, #tpu.memory_space<hbm>>
        %dma_wait3A_1965 = tpu.memref_slice %arg4[%multiple_of3A_1919] : memref<52428800xf32, #tpu.memory_space<hbm>> -> memref<1024xf32, #tpu.memory_space<hbm>>
        %dma_wait3A_1966 = arith.constant 7168 : i32
        %dma_wait3A_1967 = tpu.memref_slice %arg18[%dma_wait3A_1966] : memref<8192xf32, #tpu.memory_space<vmem>> -> memref<1024xf32, #tpu.memory_space<vmem>>
        tpu.wait_dma2 semaphore(%arg33 : memref<!tpu.dma_semaphore, #tpu.memory_space<semaphore_mem>>) src(%dma_wait3A_1967 : memref<1024xf32, #tpu.memory_space<vmem>>) dst(%dma_wait3A_1965 : memref<1024xf32, #tpu.memory_space<hbm>>)
      } else {
      }
      %lt3A_866 = arith.constant 200 : i32
      %lt3A_867 = arith.cmpi slt, %add3A_858, %lt3A_866 : i32
      %convert_element_type3A_868 = arith.extui %lt3A_867 : i1 to i32
      %cond3A_869 = arith.constant 0 : i32
      %cond3A_870 = arith.cmpi ne, %convert_element_type3A_868, %cond3A_869 : i32
      scf.if %cond3A_870 {
        %add3A_1809 = arith.addi %mul3A_2, %add3A_858 : i32
        %mul3A_1810 = arith.constant 512 : i32
        %mul3A_1811 = arith.muli %add3A_1809, %mul3A_1810 : i32
        %dma_wait3A_1812 = tpu.memref_slice %arg2[%mul3A_1811] : memref<3276800xi32, #tpu.memory_space<hbm>> -> memref<512xi32, #tpu.memory_space<hbm>>
        %dma_wait3A_1813 = tpu.memref_slice %arg2[%mul3A_1811] : memref<3276800xi32, #tpu.memory_space<hbm>> -> memref<512xi32, #tpu.memory_space<hbm>>
        tpu.wait_dma2 semaphore(%arg23 : memref<!tpu.dma_semaphore, #tpu.memory_space<semaphore_mem>>) src(%dma_wait3A_1813 : memref<512xi32, #tpu.memory_space<hbm>>) dst(%arg8 : memref<512xi32, #tpu.memory_space<vmem>>)
        %dma_start3A_1814 = arith.constant 0 : i32
        %dma_start3A_1815 = arith.constant 0 : i32
        %dma_start3A_1816 = tpu.memref_slice %arg3[%dma_start3A_1814, %dma_start3A_1815] : memref<1000192x16xf32, #tpu.memory_space<hbm>> -> memref<1000192x16xf32, #tpu.memory_space<hbm>>
        tpu.enqueue_indirect_dma source(%dma_start3A_1816 : memref<1000192x16xf32, #tpu.memory_space<hbm>>) target(%arg13 : memref<512x16xf32, #tpu.memory_space<vmem>>) offsets(%arg8 : memref<512xi32, #tpu.memory_space<vmem>>) semaphore(%arg28 : memref<!tpu.dma_semaphore, #tpu.memory_space<semaphore_mem>>)
      } else {
      }
      %dma_wait3A_871 = arith.constant 0 : i32
      %dma_wait3A_872 = arith.constant 0 : i32
      %dma_wait3A_873 = tpu.memref_slice %arg3[%dma_wait3A_871, %dma_wait3A_872] : memref<1000192x16xf32, #tpu.memory_space<hbm>> -> memref<1000192x16xf32, #tpu.memory_space<hbm>>
      tpu.wait_indirect_dma semaphore(%arg25 : memref<!tpu.dma_semaphore, #tpu.memory_space<semaphore_mem>>) src(%dma_wait3A_873 : memref<1000192x16xf32, #tpu.memory_space<hbm>>) dst(%arg10 : memref<512x16xf32, #tpu.memory_space<vmem>>)
      %parallel_loop3A = arith.constant 0 : i32
      %parallel_loop3A_874 = arith.constant 512 : i32
      %parallel_loop3A_875 = arith.constant 1 : i32
      scf.for %parallel_loop3A_1809 = %parallel_loop3A to %parallel_loop3A_874 step %parallel_loop3A_875  : i32 {
        %parallel_loop3A_1810 = vector.broadcast %parallel_loop3A_1809 : i32 to vector<16xi32>
        %parallel_loop3A_1811 = arith.subi %iota3A, %parallel_loop3A_1810 : vector<16xi32>
        %parallel_loop3A_1812 = arith.constant 15 : i32
        %parallel_loop3A_1813 = vector.broadcast %parallel_loop3A_1812 : i32 to vector<16xi32>
        %parallel_loop3A_1814 = arith.andi %parallel_loop3A_1811, %parallel_loop3A_1813 : vector<16xi32>
        %parallel_loop3A_1815 = arith.index_cast %parallel_loop3A_1809 : i32 to index
        %parallel_loop3A_1816 = arith.constant 0 : index
        %parallel_loop3A_1817 = tpu.vector_load %arg10[%parallel_loop3A_1815, %parallel_loop3A_1816] {strides = array<i32>} : memref<512x16xf32, #tpu.memory_space<vmem>>, vector<16xf32>,
        %parallel_loop3A_1818 = arith.constant 0 : i32
        %parallel_loop3A_1819 = vector.broadcast %parallel_loop3A_1818 : i32 to vector<16xi32>
        %parallel_loop3A_1820 = arith.cmpi slt, %parallel_loop3A_1814, %parallel_loop3A_1819 : vector<16xi32>
        %parallel_loop3A_1821 = arith.constant 16 : i32
        %parallel_loop3A_1822 = vector.broadcast %parallel_loop3A_1821 : i32 to vector<16xi32>
        %parallel_loop3A_1823 = arith.addi %parallel_loop3A_1814, %parallel_loop3A_1822 : vector<16xi32>
        %parallel_loop3A_1824 = arith.select %parallel_loop3A_1820, %parallel_loop3A_1823, %parallel_loop3A_1814 : vector<16xi1>, vector<16xi32>
        %parallel_loop3A_1825 = vector.shape_cast %parallel_loop3A_1824 : vector<16xi32> to vector<16x1xi32>
        %parallel_loop3A_1826 = vector.shape_cast %parallel_loop3A_1825 : vector<16x1xi32> to vector<16xi32>
        %parallel_loop3A_1827 = tpu.dynamic_gather %parallel_loop3A_1817[%parallel_loop3A_1826] in [0] : vector<16xf32>, vector<16xi32> -> vector<16xf32>
        %parallel_loop3A_1828 = arith.index_cast %parallel_loop3A_1809 : i32 to index
        %parallel_loop3A_1829 = arith.constant 0 : index
        %parallel_loop3A_1830 = tpu.vector_load %arg10[%parallel_loop3A_1828, %parallel_loop3A_1829] {strides = array<i32>} : memref<512x16xf32, #tpu.memory_space<vmem>>, vector<16xf32>,
        tpu.vector_store %arg10[%parallel_loop3A_1828, %parallel_loop3A_1829], %parallel_loop3A_1827 {strides = array<i32>} : memref<512x16xf32, #tpu.memory_space<vmem>>, vector<16xf32>,
      } {sc.loop_unroll_factor = 16 : i64, sc.parallel_access}
      %parallel_loop3A_876 = arith.constant 0 : i32
      %parallel_loop3A_877 = arith.constant 512 : i32
      %parallel_loop3A_878 = arith.constant 1 : i32
      scf.for %parallel_loop3A_1809 = %parallel_loop3A_876 to %parallel_loop3A_877 step %parallel_loop3A_878  : i32 {
        %parallel_loop3A_1810 = arith.constant 7 : i32
        %parallel_loop3A_1811 = arith.shrsi %parallel_loop3A_1809, %parallel_loop3A_1810 : i32
        %parallel_loop3A_1812 = arith.constant 4 : i32
        %parallel_loop3A_1813 = arith.shrsi %parallel_loop3A_1809, %parallel_loop3A_1812 : i32
        %parallel_loop3A_1814 = arith.constant 7 : i32
        %parallel_loop3A_1815 = arith.andi %parallel_loop3A_1813, %parallel_loop3A_1814 : i32
        %parallel_loop3A_1816 = arith.constant 4 : i32
        %parallel_loop3A_1817 = arith.shli %parallel_loop3A_1815, %parallel_loop3A_1816 : i32
        %parallel_loop3A_1818 = arith.constant 15 : i32
        %parallel_loop3A_1819 = arith.andi %parallel_loop3A_1809, %parallel_loop3A_1818 : i32
        %parallel_loop3A_1820 = arith.constant 7 : i32
        %parallel_loop3A_1821 = arith.shli %parallel_loop3A_1811, %parallel_loop3A_1820 : i32
        %parallel_loop3A_1822 = arith.addi %parallel_loop3A_1821, %parallel_loop3A_1817 : i32
        %parallel_loop3A_1823 = vector.broadcast %parallel_loop3A_1822 : i32 to vector<16xi32>
        %parallel_loop3A_1824 = arith.addi %parallel_loop3A_1823, %iota3A : vector<16xi32>
        %parallel_loop3A_1825 = vector.broadcast %parallel_loop3A_1819 : i32 to vector<16xi32>
        %parallel_loop3A_1826 = arith.addi %parallel_loop3A_1825, %parallel_loop3A_1824 : vector<16xi32>
        %parallel_loop3A_1827 = arith.constant 15 : i32
        %parallel_loop3A_1828 = vector.broadcast %parallel_loop3A_1827 : i32 to vector<16xi32>
        %parallel_loop3A_1829 = arith.andi %parallel_loop3A_1826, %parallel_loop3A_1828 : vector<16xi32>
        %parallel_loop3A_1830 = tpu.vector_load_idx %arg10[%parallel_loop3A_1824, %parallel_loop3A_1829] : memref<512x16xf32, #tpu.memory_space<vmem>>[vector<16xi32>, vector<16xi32>], vector<16xf32>,
        %parallel_loop3A_1831 = arith.constant 11 : i32
        %parallel_loop3A_1832 = arith.shli %parallel_loop3A_1811, %parallel_loop3A_1831 : i32
        %parallel_loop3A_1833 = arith.constant 3 : i32
        %parallel_loop3A_1834 = arith.shrsi %parallel_loop3A_1819, %parallel_loop3A_1833 : i32
        %parallel_loop3A_1835 = arith.constant 10 : i32
        %parallel_loop3A_1836 = arith.shli %parallel_loop3A_1834, %parallel_loop3A_1835 : i32
        %parallel_loop3A_1837 = arith.addi %parallel_loop3A_1832, %parallel_loop3A_1836 : i32
        %parallel_loop3A_1838 = arith.constant 7 : i32
        %parallel_loop3A_1839 = arith.andi %parallel_loop3A_1819, %parallel_loop3A_1838 : i32
        %parallel_loop3A_1840 = arith.constant 7 : i32
        %parallel_loop3A_1841 = arith.shli %parallel_loop3A_1839, %parallel_loop3A_1840 : i32
        %parallel_loop3A_1842 = arith.addi %parallel_loop3A_1837, %parallel_loop3A_1841 : i32
        %parallel_loop3A_1843 = arith.addi %parallel_loop3A_1842, %parallel_loop3A_1817 : i32
        %parallel_loop3A_1844 = tpu.assume_multiple %parallel_loop3A_1843, 16 : i32
        %parallel_loop3A_1845 = arith.index_cast %parallel_loop3A_1844 : i32 to index
        %parallel_loop3A_1846 = tpu.vector_load %arg15[%parallel_loop3A_1845] {strides = array<i32>} : memref<8192xf32, #tpu.memory_space<vmem>>, vector<16xf32>,
        tpu.vector_store %arg15[%parallel_loop3A_1845], %parallel_loop3A_1830 {strides = array<i32>} : memref<8192xf32, #tpu.memory_space<vmem>>, vector<16xf32>,
      } {sc.loop_unroll_factor = 16 : i64, sc.parallel_access}
      %add3A_879 = arith.addi %mul3A_2, %add3A_852 : i32
      %shift_right_arithmetic3A_880 = arith.constant 8 : i32
      %shift_right_arithmetic3A_881 = arith.shrsi %add3A_879, %shift_right_arithmetic3A_880 : i32
      %shift_left3A_882 = arith.constant 3 : i32
      %shift_left3A_883 = arith.shli %shift_right_arithmetic3A_881, %shift_left3A_882 : i32
      %and3A_884 = arith.constant 1 : i32
      %and3A_885 = arith.andi %add3A_879, %and3A_884 : i32
      %shift_left3A_886 = arith.constant 2 : i32
      %shift_left3A_887 = arith.shli %and3A_885, %shift_left3A_886 : i32
      %add3A_888 = arith.addi %shift_left3A_883, %shift_left3A_887 : i32
      %shift_right_arithmetic3A_889 = arith.constant 1 : i32
      %shift_right_arithmetic3A_890 = arith.shrsi %add3A_879, %shift_right_arithmetic3A_889 : i32
      %and3A_891 = arith.constant 127 : i32
      %and3A_892 = arith.andi %shift_right_arithmetic3A_890, %and3A_891 : i32
      %add3A_893 = arith.constant 0 : i32
      %add3A_894 = arith.addi %add3A_888, %add3A_893 : i32
      %shift_left3A_895 = arith.constant 1 : i32
      %shift_left3A_896 = arith.shli %add3A_894, %shift_left3A_895 : i32
      %add3A_897 = arith.constant 0 : i32
      %add3A_898 = arith.addi %shift_left3A_896, %add3A_897 : i32
      %mul3A_899 = arith.constant 128 : i32
      %mul3A_900 = arith.muli %add3A_898, %mul3A_899 : i32
      %add3A_901 = arith.addi %mul3A_900, %and3A_892 : i32
      %shift_left3A_902 = arith.constant 10 : i32
      %shift_left3A_903 = arith.shli %add3A_901, %shift_left3A_902 : i32
      %multiple_of3A_904 = tpu.assume_multiple %shift_left3A_903, 1024 : i32
      %add3A_905 = arith.constant 0 : i32
      %add3A_906 = arith.addi %add3A_888, %add3A_905 : i32
      %shift_left3A_907 = arith.constant 1 : i32
      %shift_left3A_908 = arith.shli %add3A_906, %shift_left3A_907 : i32
      %add3A_909 = arith.constant 1 : i32
      %add3A_910 = arith.addi %shift_left3A_908, %add3A_909 : i32
      %mul3A_911 = arith.constant 128 : i32
      %mul3A_912 = arith.muli %add3A_910, %mul3A_911 : i32
      %add3A_913 = arith.addi %mul3A_912, %and3A_892 : i32
      %shift_left3A_914 = arith.constant 10 : i32
      %shift_left3A_915 = arith.shli %add3A_913, %shift_left3A_914 : i32
      %multiple_of3A_916 = tpu.assume_multiple %shift_left3A_915, 1024 : i32
      %add3A_917 = arith.constant 1 : i32
      %add3A_918 = arith.addi %add3A_888, %add3A_917 : i32
      %shift_left3A_919 = arith.constant 1 : i32
      %shift_left3A_920 = arith.shli %add3A_918, %shift_left3A_919 : i32
      %add3A_921 = arith.constant 0 : i32
      %add3A_922 = arith.addi %shift_left3A_920, %add3A_921 : i32
      %mul3A_923 = arith.constant 128 : i32
      %mul3A_924 = arith.muli %add3A_922, %mul3A_923 : i32
      %add3A_925 = arith.addi %mul3A_924, %and3A_892 : i32
      %shift_left3A_926 = arith.constant 10 : i32
      %shift_left3A_927 = arith.shli %add3A_925, %shift_left3A_926 : i32
      %multiple_of3A_928 = tpu.assume_multiple %shift_left3A_927, 1024 : i32
      %add3A_929 = arith.constant 1 : i32
      %add3A_930 = arith.addi %add3A_888, %add3A_929 : i32
      %shift_left3A_931 = arith.constant 1 : i32
      %shift_left3A_932 = arith.shli %add3A_930, %shift_left3A_931 : i32
      %add3A_933 = arith.constant 1 : i32
      %add3A_934 = arith.addi %shift_left3A_932, %add3A_933 : i32
      %mul3A_935 = arith.constant 128 : i32
      %mul3A_936 = arith.muli %add3A_934, %mul3A_935 : i32
      %add3A_937 = arith.addi %mul3A_936, %and3A_892 : i32
      %shift_left3A_938 = arith.constant 10 : i32
      %shift_left3A_939 = arith.shli %add3A_937, %shift_left3A_938 : i32
      %multiple_of3A_940 = tpu.assume_multiple %shift_left3A_939, 1024 : i32
      %add3A_941 = arith.constant 2 : i32
      %add3A_942 = arith.addi %add3A_888, %add3A_941 : i32
      %shift_left3A_943 = arith.constant 1 : i32
      %shift_left3A_944 = arith.shli %add3A_942, %shift_left3A_943 : i32
      %add3A_945 = arith.constant 0 : i32
      %add3A_946 = arith.addi %shift_left3A_944, %add3A_945 : i32
      %mul3A_947 = arith.constant 128 : i32
      %mul3A_948 = arith.muli %add3A_946, %mul3A_947 : i32
      %add3A_949 = arith.addi %mul3A_948, %and3A_892 : i32
      %shift_left3A_950 = arith.constant 10 : i32
      %shift_left3A_951 = arith.shli %add3A_949, %shift_left3A_950 : i32
      %multiple_of3A_952 = tpu.assume_multiple %shift_left3A_951, 1024 : i32
      %add3A_953 = arith.constant 2 : i32
      %add3A_954 = arith.addi %add3A_888, %add3A_953 : i32
      %shift_left3A_955 = arith.constant 1 : i32
      %shift_left3A_956 = arith.shli %add3A_954, %shift_left3A_955 : i32
      %add3A_957 = arith.constant 1 : i32
      %add3A_958 = arith.addi %shift_left3A_956, %add3A_957 : i32
      %mul3A_959 = arith.constant 128 : i32
      %mul3A_960 = arith.muli %add3A_958, %mul3A_959 : i32
      %add3A_961 = arith.addi %mul3A_960, %and3A_892 : i32
      %shift_left3A_962 = arith.constant 10 : i32
      %shift_left3A_963 = arith.shli %add3A_961, %shift_left3A_962 : i32
      %multiple_of3A_964 = tpu.assume_multiple %shift_left3A_963, 1024 : i32
      %add3A_965 = arith.constant 3 : i32
      %add3A_966 = arith.addi %add3A_888, %add3A_965 : i32
      %shift_left3A_967 = arith.constant 1 : i32
      %shift_left3A_968 = arith.shli %add3A_966, %shift_left3A_967 : i32
      %add3A_969 = arith.constant 0 : i32
      %add3A_970 = arith.addi %shift_left3A_968, %add3A_969 : i32
      %mul3A_971 = arith.constant 128 : i32
      %mul3A_972 = arith.muli %add3A_970, %mul3A_971 : i32
      %add3A_973 = arith.addi %mul3A_972, %and3A_892 : i32
      %shift_left3A_974 = arith.constant 10 : i32
      %shift_left3A_975 = arith.shli %add3A_973, %shift_left3A_974 : i32
      %multiple_of3A_976 = tpu.assume_multiple %shift_left3A_975, 1024 : i32
      %add3A_977 = arith.constant 3 : i32
      %add3A_978 = arith.addi %add3A_888, %add3A_977 : i32
      %shift_left3A_979 = arith.constant 1 : i32
      %shift_left3A_980 = arith.shli %add3A_978, %shift_left3A_979 : i32
      %add3A_981 = arith.constant 1 : i32
      %add3A_982 = arith.addi %shift_left3A_980, %add3A_981 : i32
      %mul3A_983 = arith.constant 128 : i32
      %mul3A_984 = arith.muli %add3A_982, %mul3A_983 : i32
      %add3A_985 = arith.addi %mul3A_984, %and3A_892 : i32
      %shift_left3A_986 = arith.constant 10 : i32
      %shift_left3A_987 = arith.shli %add3A_985, %shift_left3A_986 : i32
      %multiple_of3A_988 = tpu.assume_multiple %shift_left3A_987, 1024 : i32
      %dma_start3A_989 = arith.constant 0 : i32
      %dma_start3A_990 = tpu.memref_slice %arg15[%dma_start3A_989] : memref<8192xf32, #tpu.memory_space<vmem>> -> memref<1024xf32, #tpu.memory_space<vmem>>
      %dma_start3A_991 = tpu.memref_slice %arg4[%multiple_of3A_904] : memref<52428800xf32, #tpu.memory_space<hbm>> -> memref<1024xf32, #tpu.memory_space<hbm>>
      %dma_start3A_992 = tpu.memref_slice %arg4[%multiple_of3A_904] : memref<52428800xf32, #tpu.memory_space<hbm>> -> memref<1024xf32, #tpu.memory_space<hbm>>
      %dma_start3A_993 = arith.constant 0 : i32
      %dma_start3A_994 = tpu.memref_slice %arg15[%dma_start3A_993] : memref<8192xf32, #tpu.memory_space<vmem>> -> memref<1024xf32, #tpu.memory_space<vmem>>
      tpu.enqueue_dma source(%dma_start3A_994 : memref<1024xf32, #tpu.memory_space<vmem>>) target(%dma_start3A_992 : memref<1024xf32, #tpu.memory_space<hbm>>) target_semaphore(%arg30 : memref<!tpu.dma_semaphore, #tpu.memory_space<semaphore_mem>>)
      %dma_start3A_995 = arith.constant 1024 : i32
      %dma_start3A_996 = tpu.memref_slice %arg15[%dma_start3A_995] : memref<8192xf32, #tpu.memory_space<vmem>> -> memref<1024xf32, #tpu.memory_space<vmem>>
      %dma_start3A_997 = tpu.memref_slice %arg4[%multiple_of3A_916] : memref<52428800xf32, #tpu.memory_space<hbm>> -> memref<1024xf32, #tpu.memory_space<hbm>>
      %dma_start3A_998 = tpu.memref_slice %arg4[%multiple_of3A_916] : memref<52428800xf32, #tpu.memory_space<hbm>> -> memref<1024xf32, #tpu.memory_space<hbm>>
      %dma_start3A_999 = arith.constant 1024 : i32
      %dma_start3A_1000 = tpu.memref_slice %arg15[%dma_start3A_999] : memref<8192xf32, #tpu.memory_space<vmem>> -> memref<1024xf32, #tpu.memory_space<vmem>>
      tpu.enqueue_dma source(%dma_start3A_1000 : memref<1024xf32, #tpu.memory_space<vmem>>) target(%dma_start3A_998 : memref<1024xf32, #tpu.memory_space<hbm>>) target_semaphore(%arg30 : memref<!tpu.dma_semaphore, #tpu.memory_space<semaphore_mem>>)
      %dma_start3A_1001 = arith.constant 2048 : i32
      %dma_start3A_1002 = tpu.memref_slice %arg15[%dma_start3A_1001] : memref<8192xf32, #tpu.memory_space<vmem>> -> memref<1024xf32, #tpu.memory_space<vmem>>
      %dma_start3A_1003 = tpu.memref_slice %arg4[%multiple_of3A_928] : memref<52428800xf32, #tpu.memory_space<hbm>> -> memref<1024xf32, #tpu.memory_space<hbm>>
      %dma_start3A_1004 = tpu.memref_slice %arg4[%multiple_of3A_928] : memref<52428800xf32, #tpu.memory_space<hbm>> -> memref<1024xf32, #tpu.memory_space<hbm>>
      %dma_start3A_1005 = arith.constant 2048 : i32
      %dma_start3A_1006 = tpu.memref_slice %arg15[%dma_start3A_1005] : memref<8192xf32, #tpu.memory_space<vmem>> -> memref<1024xf32, #tpu.memory_space<vmem>>
      tpu.enqueue_dma source(%dma_start3A_1006 : memref<1024xf32, #tpu.memory_space<vmem>>) target(%dma_start3A_1004 : memref<1024xf32, #tpu.memory_space<hbm>>) target_semaphore(%arg30 : memref<!tpu.dma_semaphore, #tpu.memory_space<semaphore_mem>>)
      %dma_start3A_1007 = arith.constant 3072 : i32
      %dma_start3A_1008 = tpu.memref_slice %arg15[%dma_start3A_1007] : memref<8192xf32, #tpu.memory_space<vmem>> -> memref<1024xf32, #tpu.memory_space<vmem>>
      %dma_start3A_1009 = tpu.memref_slice %arg4[%multiple_of3A_940] : memref<52428800xf32, #tpu.memory_space<hbm>> -> memref<1024xf32, #tpu.memory_space<hbm>>
      %dma_start3A_1010 = tpu.memref_slice %arg4[%multiple_of3A_940] : memref<52428800xf32, #tpu.memory_space<hbm>> -> memref<1024xf32, #tpu.memory_space<hbm>>
      %dma_start3A_1011 = arith.constant 3072 : i32
      %dma_start3A_1012 = tpu.memref_slice %arg15[%dma_start3A_1011] : memref<8192xf32, #tpu.memory_space<vmem>> -> memref<1024xf32, #tpu.memory_space<vmem>>
      tpu.enqueue_dma source(%dma_start3A_1012 : memref<1024xf32, #tpu.memory_space<vmem>>) target(%dma_start3A_1010 : memref<1024xf32, #tpu.memory_space<hbm>>) target_semaphore(%arg30 : memref<!tpu.dma_semaphore, #tpu.memory_space<semaphore_mem>>)
      %dma_start3A_1013 = arith.constant 4096 : i32
      %dma_start3A_1014 = tpu.memref_slice %arg15[%dma_start3A_1013] : memref<8192xf32, #tpu.memory_space<vmem>> -> memref<1024xf32, #tpu.memory_space<vmem>>
      %dma_start3A_1015 = tpu.memref_slice %arg4[%multiple_of3A_952] : memref<52428800xf32, #tpu.memory_space<hbm>> -> memref<1024xf32, #tpu.memory_space<hbm>>
      %dma_start3A_1016 = tpu.memref_slice %arg4[%multiple_of3A_952] : memref<52428800xf32, #tpu.memory_space<hbm>> -> memref<1024xf32, #tpu.memory_space<hbm>>
      %dma_start3A_1017 = arith.constant 4096 : i32
      %dma_start3A_1018 = tpu.memref_slice %arg15[%dma_start3A_1017] : memref<8192xf32, #tpu.memory_space<vmem>> -> memref<1024xf32, #tpu.memory_space<vmem>>
      tpu.enqueue_dma source(%dma_start3A_1018 : memref<1024xf32, #tpu.memory_space<vmem>>) target(%dma_start3A_1016 : memref<1024xf32, #tpu.memory_space<hbm>>) target_semaphore(%arg30 : memref<!tpu.dma_semaphore, #tpu.memory_space<semaphore_mem>>)
      %dma_start3A_1019 = arith.constant 5120 : i32
      %dma_start3A_1020 = tpu.memref_slice %arg15[%dma_start3A_1019] : memref<8192xf32, #tpu.memory_space<vmem>> -> memref<1024xf32, #tpu.memory_space<vmem>>
      %dma_start3A_1021 = tpu.memref_slice %arg4[%multiple_of3A_964] : memref<52428800xf32, #tpu.memory_space<hbm>> -> memref<1024xf32, #tpu.memory_space<hbm>>
      %dma_start3A_1022 = tpu.memref_slice %arg4[%multiple_of3A_964] : memref<52428800xf32, #tpu.memory_space<hbm>> -> memref<1024xf32, #tpu.memory_space<hbm>>
      %dma_start3A_1023 = arith.constant 5120 : i32
      %dma_start3A_1024 = tpu.memref_slice %arg15[%dma_start3A_1023] : memref<8192xf32, #tpu.memory_space<vmem>> -> memref<1024xf32, #tpu.memory_space<vmem>>
      tpu.enqueue_dma source(%dma_start3A_1024 : memref<1024xf32, #tpu.memory_space<vmem>>) target(%dma_start3A_1022 : memref<1024xf32, #tpu.memory_space<hbm>>) target_semaphore(%arg30 : memref<!tpu.dma_semaphore, #tpu.memory_space<semaphore_mem>>)
      %dma_start3A_1025 = arith.constant 6144 : i32
      %dma_start3A_1026 = tpu.memref_slice %arg15[%dma_start3A_1025] : memref<8192xf32, #tpu.memory_space<vmem>> -> memref<1024xf32, #tpu.memory_space<vmem>>
      %dma_start3A_1027 = tpu.memref_slice %arg4[%multiple_of3A_976] : memref<52428800xf32, #tpu.memory_space<hbm>> -> memref<1024xf32, #tpu.memory_space<hbm>>
      %dma_start3A_1028 = tpu.memref_slice %arg4[%multiple_of3A_976] : memref<52428800xf32, #tpu.memory_space<hbm>> -> memref<1024xf32, #tpu.memory_space<hbm>>
      %dma_start3A_1029 = arith.constant 6144 : i32
      %dma_start3A_1030 = tpu.memref_slice %arg15[%dma_start3A_1029] : memref<8192xf32, #tpu.memory_space<vmem>> -> memref<1024xf32, #tpu.memory_space<vmem>>
      tpu.enqueue_dma source(%dma_start3A_1030 : memref<1024xf32, #tpu.memory_space<vmem>>) target(%dma_start3A_1028 : memref<1024xf32, #tpu.memory_space<hbm>>) target_semaphore(%arg30 : memref<!tpu.dma_semaphore, #tpu.memory_space<semaphore_mem>>)
      %dma_start3A_1031 = arith.constant 7168 : i32
      %dma_start3A_1032 = tpu.memref_slice %arg15[%dma_start3A_1031] : memref<8192xf32, #tpu.memory_space<vmem>> -> memref<1024xf32, #tpu.memory_space<vmem>>
      %dma_start3A_1033 = tpu.memref_slice %arg4[%multiple_of3A_988] : memref<52428800xf32, #tpu.memory_space<hbm>> -> memref<1024xf32, #tpu.memory_space<hbm>>
      %dma_start3A_1034 = tpu.memref_slice %arg4[%multiple_of3A_988] : memref<52428800xf32, #tpu.memory_space<hbm>> -> memref<1024xf32, #tpu.memory_space<hbm>>
      %dma_start3A_1035 = arith.constant 7168 : i32
      %dma_start3A_1036 = tpu.memref_slice %arg15[%dma_start3A_1035] : memref<8192xf32, #tpu.memory_space<vmem>> -> memref<1024xf32, #tpu.memory_space<vmem>>
      tpu.enqueue_dma source(%dma_start3A_1036 : memref<1024xf32, #tpu.memory_space<vmem>>) target(%dma_start3A_1034 : memref<1024xf32, #tpu.memory_space<hbm>>) target_semaphore(%arg30 : memref<!tpu.dma_semaphore, #tpu.memory_space<semaphore_mem>>)
      %mul3A_1037 = arith.constant 5 : i32
      %mul3A_1038 = arith.muli %scan3A_848, %mul3A_1037 : i32
      %add3A_1039 = arith.constant 1 : i32
      %add3A_1040 = arith.addi %mul3A_1038, %add3A_1039 : i32
      %add3A_1041 = arith.constant 4 : i32
      %add3A_1042 = arith.addi %add3A_1040, %add3A_1041 : i32
      %lt3A_1043 = arith.constant 200 : i32
      %lt3A_1044 = arith.cmpi slt, %add3A_1042, %lt3A_1043 : i32
      %convert_element_type3A_1045 = arith.extui %lt3A_1044 : i1 to i32
      %cond3A_1046 = arith.constant 0 : i32
      %cond3A_1047 = arith.cmpi ne, %convert_element_type3A_1045, %cond3A_1046 : i32
      scf.if %cond3A_1047 {
        %add3A_1809 = arith.addi %mul3A_2, %add3A_1042 : i32
        %mul3A_1810 = arith.constant 512 : i32
        %mul3A_1811 = arith.muli %add3A_1809, %mul3A_1810 : i32
        %dma_start3A_1812 = tpu.memref_slice %arg2[%mul3A_1811] : memref<3276800xi32, #tpu.memory_space<hbm>> -> memref<512xi32, #tpu.memory_space<hbm>>
        %dma_start3A_1813 = tpu.memref_slice %arg2[%mul3A_1811] : memref<3276800xi32, #tpu.memory_space<hbm>> -> memref<512xi32, #tpu.memory_space<hbm>>
        tpu.enqueue_dma source(%dma_start3A_1813 : memref<512xi32, #tpu.memory_space<hbm>>) target(%arg5 : memref<512xi32, #tpu.memory_space<vmem>>) target_semaphore(%arg20 : memref<!tpu.dma_semaphore, #tpu.memory_space<semaphore_mem>>)
      } else {
      }
      %add3A_1048 = arith.constant 3 : i32
      %add3A_1049 = arith.addi %add3A_1040, %add3A_1048 : i32
      %lt3A_1050 = arith.constant 200 : i32
      %lt3A_1051 = arith.cmpi slt, %add3A_1049, %lt3A_1050 : i32
      %ge3A_1052 = arith.constant 5 : i32
      %ge3A_1053 = arith.cmpi sge, %add3A_1049, %ge3A_1052 : i32
      %and3A_1054 = arith.andi %lt3A_1051, %ge3A_1053 : i1
      %convert_element_type3A_1055 = arith.extui %and3A_1054 : i1 to i32
      %cond3A_1056 = arith.constant 0 : i32
      %cond3A_1057 = arith.cmpi ne, %convert_element_type3A_1055, %cond3A_1056 : i32
      scf.if %cond3A_1057 {
        %sub3A = arith.constant 5 : i32
        %sub3A_1809 = arith.subi %add3A_1049, %sub3A : i32
        %add3A_1810 = arith.addi %mul3A_2, %sub3A_1809 : i32
        %shift_right_arithmetic3A_1811 = arith.constant 8 : i32
        %shift_right_arithmetic3A_1812 = arith.shrsi %add3A_1810, %shift_right_arithmetic3A_1811 : i32
        %shift_left3A_1813 = arith.constant 3 : i32
        %shift_left3A_1814 = arith.shli %shift_right_arithmetic3A_1812, %shift_left3A_1813 : i32
        %and3A_1815 = arith.constant 1 : i32
        %and3A_1816 = arith.andi %add3A_1810, %and3A_1815 : i32
        %shift_left3A_1817 = arith.constant 2 : i32
        %shift_left3A_1818 = arith.shli %and3A_1816, %shift_left3A_1817 : i32
        %add3A_1819 = arith.addi %shift_left3A_1814, %shift_left3A_1818 : i32
        %shift_right_arithmetic3A_1820 = arith.constant 1 : i32
        %shift_right_arithmetic3A_1821 = arith.shrsi %add3A_1810, %shift_right_arithmetic3A_1820 : i32
        %and3A_1822 = arith.constant 127 : i32
        %and3A_1823 = arith.andi %shift_right_arithmetic3A_1821, %and3A_1822 : i32
        %add3A_1824 = arith.constant 0 : i32
        %add3A_1825 = arith.addi %add3A_1819, %add3A_1824 : i32
        %shift_left3A_1826 = arith.constant 1 : i32
        %shift_left3A_1827 = arith.shli %add3A_1825, %shift_left3A_1826 : i32
        %add3A_1828 = arith.constant 0 : i32
        %add3A_1829 = arith.addi %shift_left3A_1827, %add3A_1828 : i32
        %mul3A_1830 = arith.constant 128 : i32
        %mul3A_1831 = arith.muli %add3A_1829, %mul3A_1830 : i32
        %add3A_1832 = arith.addi %mul3A_1831, %and3A_1823 : i32
        %shift_left3A_1833 = arith.constant 10 : i32
        %shift_left3A_1834 = arith.shli %add3A_1832, %shift_left3A_1833 : i32
        %multiple_of3A_1835 = tpu.assume_multiple %shift_left3A_1834, 1024 : i32
        %add3A_1836 = arith.constant 0 : i32
        %add3A_1837 = arith.addi %add3A_1819, %add3A_1836 : i32
        %shift_left3A_1838 = arith.constant 1 : i32
        %shift_left3A_1839 = arith.shli %add3A_1837, %shift_left3A_1838 : i32
        %add3A_1840 = arith.constant 1 : i32
        %add3A_1841 = arith.addi %shift_left3A_1839, %add3A_1840 : i32
        %mul3A_1842 = arith.constant 128 : i32
        %mul3A_1843 = arith.muli %add3A_1841, %mul3A_1842 : i32
        %add3A_1844 = arith.addi %mul3A_1843, %and3A_1823 : i32
        %shift_left3A_1845 = arith.constant 10 : i32
        %shift_left3A_1846 = arith.shli %add3A_1844, %shift_left3A_1845 : i32
        %multiple_of3A_1847 = tpu.assume_multiple %shift_left3A_1846, 1024 : i32
        %add3A_1848 = arith.constant 1 : i32
        %add3A_1849 = arith.addi %add3A_1819, %add3A_1848 : i32
        %shift_left3A_1850 = arith.constant 1 : i32
        %shift_left3A_1851 = arith.shli %add3A_1849, %shift_left3A_1850 : i32
        %add3A_1852 = arith.constant 0 : i32
        %add3A_1853 = arith.addi %shift_left3A_1851, %add3A_1852 : i32
        %mul3A_1854 = arith.constant 128 : i32
        %mul3A_1855 = arith.muli %add3A_1853, %mul3A_1854 : i32
        %add3A_1856 = arith.addi %mul3A_1855, %and3A_1823 : i32
        %shift_left3A_1857 = arith.constant 10 : i32
        %shift_left3A_1858 = arith.shli %add3A_1856, %shift_left3A_1857 : i32
        %multiple_of3A_1859 = tpu.assume_multiple %shift_left3A_1858, 1024 : i32
        %add3A_1860 = arith.constant 1 : i32
        %add3A_1861 = arith.addi %add3A_1819, %add3A_1860 : i32
        %shift_left3A_1862 = arith.constant 1 : i32
        %shift_left3A_1863 = arith.shli %add3A_1861, %shift_left3A_1862 : i32
        %add3A_1864 = arith.constant 1 : i32
        %add3A_1865 = arith.addi %shift_left3A_1863, %add3A_1864 : i32
        %mul3A_1866 = arith.constant 128 : i32
        %mul3A_1867 = arith.muli %add3A_1865, %mul3A_1866 : i32
        %add3A_1868 = arith.addi %mul3A_1867, %and3A_1823 : i32
        %shift_left3A_1869 = arith.constant 10 : i32
        %shift_left3A_1870 = arith.shli %add3A_1868, %shift_left3A_1869 : i32
        %multiple_of3A_1871 = tpu.assume_multiple %shift_left3A_1870, 1024 : i32
        %add3A_1872 = arith.constant 2 : i32
        %add3A_1873 = arith.addi %add3A_1819, %add3A_1872 : i32
        %shift_left3A_1874 = arith.constant 1 : i32
        %shift_left3A_1875 = arith.shli %add3A_1873, %shift_left3A_1874 : i32
        %add3A_1876 = arith.constant 0 : i32
        %add3A_1877 = arith.addi %shift_left3A_1875, %add3A_1876 : i32
        %mul3A_1878 = arith.constant 128 : i32
        %mul3A_1879 = arith.muli %add3A_1877, %mul3A_1878 : i32
        %add3A_1880 = arith.addi %mul3A_1879, %and3A_1823 : i32
        %shift_left3A_1881 = arith.constant 10 : i32
        %shift_left3A_1882 = arith.shli %add3A_1880, %shift_left3A_1881 : i32
        %multiple_of3A_1883 = tpu.assume_multiple %shift_left3A_1882, 1024 : i32
        %add3A_1884 = arith.constant 2 : i32
        %add3A_1885 = arith.addi %add3A_1819, %add3A_1884 : i32
        %shift_left3A_1886 = arith.constant 1 : i32
        %shift_left3A_1887 = arith.shli %add3A_1885, %shift_left3A_1886 : i32
        %add3A_1888 = arith.constant 1 : i32
        %add3A_1889 = arith.addi %shift_left3A_1887, %add3A_1888 : i32
        %mul3A_1890 = arith.constant 128 : i32
        %mul3A_1891 = arith.muli %add3A_1889, %mul3A_1890 : i32
        %add3A_1892 = arith.addi %mul3A_1891, %and3A_1823 : i32
        %shift_left3A_1893 = arith.constant 10 : i32
        %shift_left3A_1894 = arith.shli %add3A_1892, %shift_left3A_1893 : i32
        %multiple_of3A_1895 = tpu.assume_multiple %shift_left3A_1894, 1024 : i32
        %add3A_1896 = arith.constant 3 : i32
        %add3A_1897 = arith.addi %add3A_1819, %add3A_1896 : i32
        %shift_left3A_1898 = arith.constant 1 : i32
        %shift_left3A_1899 = arith.shli %add3A_1897, %shift_left3A_1898 : i32
        %add3A_1900 = arith.constant 0 : i32
        %add3A_1901 = arith.addi %shift_left3A_1899, %add3A_1900 : i32
        %mul3A_1902 = arith.constant 128 : i32
        %mul3A_1903 = arith.muli %add3A_1901, %mul3A_1902 : i32
        %add3A_1904 = arith.addi %mul3A_1903, %and3A_1823 : i32
        %shift_left3A_1905 = arith.constant 10 : i32
        %shift_left3A_1906 = arith.shli %add3A_1904, %shift_left3A_1905 : i32
        %multiple_of3A_1907 = tpu.assume_multiple %shift_left3A_1906, 1024 : i32
        %add3A_1908 = arith.constant 3 : i32
        %add3A_1909 = arith.addi %add3A_1819, %add3A_1908 : i32
        %shift_left3A_1910 = arith.constant 1 : i32
        %shift_left3A_1911 = arith.shli %add3A_1909, %shift_left3A_1910 : i32
        %add3A_1912 = arith.constant 1 : i32
        %add3A_1913 = arith.addi %shift_left3A_1911, %add3A_1912 : i32
        %mul3A_1914 = arith.constant 128 : i32
        %mul3A_1915 = arith.muli %add3A_1913, %mul3A_1914 : i32
        %add3A_1916 = arith.addi %mul3A_1915, %and3A_1823 : i32
        %shift_left3A_1917 = arith.constant 10 : i32
        %shift_left3A_1918 = arith.shli %add3A_1916, %shift_left3A_1917 : i32
        %multiple_of3A_1919 = tpu.assume_multiple %shift_left3A_1918, 1024 : i32
        %dma_wait3A_1920 = arith.constant 0 : i32
        %dma_wait3A_1921 = tpu.memref_slice %arg19[%dma_wait3A_1920] : memref<8192xf32, #tpu.memory_space<vmem>> -> memref<1024xf32, #tpu.memory_space<vmem>>
        %dma_wait3A_1922 = tpu.memref_slice %arg4[%multiple_of3A_1835] : memref<52428800xf32, #tpu.memory_space<hbm>> -> memref<1024xf32, #tpu.memory_space<hbm>>
        %dma_wait3A_1923 = tpu.memref_slice %arg4[%multiple_of3A_1835] : memref<52428800xf32, #tpu.memory_space<hbm>> -> memref<1024xf32, #tpu.memory_space<hbm>>
        %dma_wait3A_1924 = arith.constant 0 : i32
        %dma_wait3A_1925 = tpu.memref_slice %arg19[%dma_wait3A_1924] : memref<8192xf32, #tpu.memory_space<vmem>> -> memref<1024xf32, #tpu.memory_space<vmem>>
        tpu.wait_dma2 semaphore(%arg34 : memref<!tpu.dma_semaphore, #tpu.memory_space<semaphore_mem>>) src(%dma_wait3A_1925 : memref<1024xf32, #tpu.memory_space<vmem>>) dst(%dma_wait3A_1923 : memref<1024xf32, #tpu.memory_space<hbm>>)
        %dma_wait3A_1926 = arith.constant 1024 : i32
        %dma_wait3A_1927 = tpu.memref_slice %arg19[%dma_wait3A_1926] : memref<8192xf32, #tpu.memory_space<vmem>> -> memref<1024xf32, #tpu.memory_space<vmem>>
        %dma_wait3A_1928 = tpu.memref_slice %arg4[%multiple_of3A_1847] : memref<52428800xf32, #tpu.memory_space<hbm>> -> memref<1024xf32, #tpu.memory_space<hbm>>
        %dma_wait3A_1929 = tpu.memref_slice %arg4[%multiple_of3A_1847] : memref<52428800xf32, #tpu.memory_space<hbm>> -> memref<1024xf32, #tpu.memory_space<hbm>>
        %dma_wait3A_1930 = arith.constant 1024 : i32
        %dma_wait3A_1931 = tpu.memref_slice %arg19[%dma_wait3A_1930] : memref<8192xf32, #tpu.memory_space<vmem>> -> memref<1024xf32, #tpu.memory_space<vmem>>
        tpu.wait_dma2 semaphore(%arg34 : memref<!tpu.dma_semaphore, #tpu.memory_space<semaphore_mem>>) src(%dma_wait3A_1931 : memref<1024xf32, #tpu.memory_space<vmem>>) dst(%dma_wait3A_1929 : memref<1024xf32, #tpu.memory_space<hbm>>)
        %dma_wait3A_1932 = arith.constant 2048 : i32
        %dma_wait3A_1933 = tpu.memref_slice %arg19[%dma_wait3A_1932] : memref<8192xf32, #tpu.memory_space<vmem>> -> memref<1024xf32, #tpu.memory_space<vmem>>
        %dma_wait3A_1934 = tpu.memref_slice %arg4[%multiple_of3A_1859] : memref<52428800xf32, #tpu.memory_space<hbm>> -> memref<1024xf32, #tpu.memory_space<hbm>>
        %dma_wait3A_1935 = tpu.memref_slice %arg4[%multiple_of3A_1859] : memref<52428800xf32, #tpu.memory_space<hbm>> -> memref<1024xf32, #tpu.memory_space<hbm>>
        %dma_wait3A_1936 = arith.constant 2048 : i32
        %dma_wait3A_1937 = tpu.memref_slice %arg19[%dma_wait3A_1936] : memref<8192xf32, #tpu.memory_space<vmem>> -> memref<1024xf32, #tpu.memory_space<vmem>>
        tpu.wait_dma2 semaphore(%arg34 : memref<!tpu.dma_semaphore, #tpu.memory_space<semaphore_mem>>) src(%dma_wait3A_1937 : memref<1024xf32, #tpu.memory_space<vmem>>) dst(%dma_wait3A_1935 : memref<1024xf32, #tpu.memory_space<hbm>>)
        %dma_wait3A_1938 = arith.constant 3072 : i32
        %dma_wait3A_1939 = tpu.memref_slice %arg19[%dma_wait3A_1938] : memref<8192xf32, #tpu.memory_space<vmem>> -> memref<1024xf32, #tpu.memory_space<vmem>>
        %dma_wait3A_1940 = tpu.memref_slice %arg4[%multiple_of3A_1871] : memref<52428800xf32, #tpu.memory_space<hbm>> -> memref<1024xf32, #tpu.memory_space<hbm>>
        %dma_wait3A_1941 = tpu.memref_slice %arg4[%multiple_of3A_1871] : memref<52428800xf32, #tpu.memory_space<hbm>> -> memref<1024xf32, #tpu.memory_space<hbm>>
        %dma_wait3A_1942 = arith.constant 3072 : i32
        %dma_wait3A_1943 = tpu.memref_slice %arg19[%dma_wait3A_1942] : memref<8192xf32, #tpu.memory_space<vmem>> -> memref<1024xf32, #tpu.memory_space<vmem>>
        tpu.wait_dma2 semaphore(%arg34 : memref<!tpu.dma_semaphore, #tpu.memory_space<semaphore_mem>>) src(%dma_wait3A_1943 : memref<1024xf32, #tpu.memory_space<vmem>>) dst(%dma_wait3A_1941 : memref<1024xf32, #tpu.memory_space<hbm>>)
        %dma_wait3A_1944 = arith.constant 4096 : i32
        %dma_wait3A_1945 = tpu.memref_slice %arg19[%dma_wait3A_1944] : memref<8192xf32, #tpu.memory_space<vmem>> -> memref<1024xf32, #tpu.memory_space<vmem>>
        %dma_wait3A_1946 = tpu.memref_slice %arg4[%multiple_of3A_1883] : memref<52428800xf32, #tpu.memory_space<hbm>> -> memref<1024xf32, #tpu.memory_space<hbm>>
        %dma_wait3A_1947 = tpu.memref_slice %arg4[%multiple_of3A_1883] : memref<52428800xf32, #tpu.memory_space<hbm>> -> memref<1024xf32, #tpu.memory_space<hbm>>
        %dma_wait3A_1948 = arith.constant 4096 : i32
        %dma_wait3A_1949 = tpu.memref_slice %arg19[%dma_wait3A_1948] : memref<8192xf32, #tpu.memory_space<vmem>> -> memref<1024xf32, #tpu.memory_space<vmem>>
        tpu.wait_dma2 semaphore(%arg34 : memref<!tpu.dma_semaphore, #tpu.memory_space<semaphore_mem>>) src(%dma_wait3A_1949 : memref<1024xf32, #tpu.memory_space<vmem>>) dst(%dma_wait3A_1947 : memref<1024xf32, #tpu.memory_space<hbm>>)
        %dma_wait3A_1950 = arith.constant 5120 : i32
        %dma_wait3A_1951 = tpu.memref_slice %arg19[%dma_wait3A_1950] : memref<8192xf32, #tpu.memory_space<vmem>> -> memref<1024xf32, #tpu.memory_space<vmem>>
        %dma_wait3A_1952 = tpu.memref_slice %arg4[%multiple_of3A_1895] : memref<52428800xf32, #tpu.memory_space<hbm>> -> memref<1024xf32, #tpu.memory_space<hbm>>
        %dma_wait3A_1953 = tpu.memref_slice %arg4[%multiple_of3A_1895] : memref<52428800xf32, #tpu.memory_space<hbm>> -> memref<1024xf32, #tpu.memory_space<hbm>>
        %dma_wait3A_1954 = arith.constant 5120 : i32
        %dma_wait3A_1955 = tpu.memref_slice %arg19[%dma_wait3A_1954] : memref<8192xf32, #tpu.memory_space<vmem>> -> memref<1024xf32, #tpu.memory_space<vmem>>
        tpu.wait_dma2 semaphore(%arg34 : memref<!tpu.dma_semaphore, #tpu.memory_space<semaphore_mem>>) src(%dma_wait3A_1955 : memref<1024xf32, #tpu.memory_space<vmem>>) dst(%dma_wait3A_1953 : memref<1024xf32, #tpu.memory_space<hbm>>)
        %dma_wait3A_1956 = arith.constant 6144 : i32
        %dma_wait3A_1957 = tpu.memref_slice %arg19[%dma_wait3A_1956] : memref<8192xf32, #tpu.memory_space<vmem>> -> memref<1024xf32, #tpu.memory_space<vmem>>
        %dma_wait3A_1958 = tpu.memref_slice %arg4[%multiple_of3A_1907] : memref<52428800xf32, #tpu.memory_space<hbm>> -> memref<1024xf32, #tpu.memory_space<hbm>>
        %dma_wait3A_1959 = tpu.memref_slice %arg4[%multiple_of3A_1907] : memref<52428800xf32, #tpu.memory_space<hbm>> -> memref<1024xf32, #tpu.memory_space<hbm>>
        %dma_wait3A_1960 = arith.constant 6144 : i32
        %dma_wait3A_1961 = tpu.memref_slice %arg19[%dma_wait3A_1960] : memref<8192xf32, #tpu.memory_space<vmem>> -> memref<1024xf32, #tpu.memory_space<vmem>>
        tpu.wait_dma2 semaphore(%arg34 : memref<!tpu.dma_semaphore, #tpu.memory_space<semaphore_mem>>) src(%dma_wait3A_1961 : memref<1024xf32, #tpu.memory_space<vmem>>) dst(%dma_wait3A_1959 : memref<1024xf32, #tpu.memory_space<hbm>>)
        %dma_wait3A_1962 = arith.constant 7168 : i32
        %dma_wait3A_1963 = tpu.memref_slice %arg19[%dma_wait3A_1962] : memref<8192xf32, #tpu.memory_space<vmem>> -> memref<1024xf32, #tpu.memory_space<vmem>>
        %dma_wait3A_1964 = tpu.memref_slice %arg4[%multiple_of3A_1919] : memref<52428800xf32, #tpu.memory_space<hbm>> -> memref<1024xf32, #tpu.memory_space<hbm>>
        %dma_wait3A_1965 = tpu.memref_slice %arg4[%multiple_of3A_1919] : memref<52428800xf32, #tpu.memory_space<hbm>> -> memref<1024xf32, #tpu.memory_space<hbm>>
        %dma_wait3A_1966 = arith.constant 7168 : i32
        %dma_wait3A_1967 = tpu.memref_slice %arg19[%dma_wait3A_1966] : memref<8192xf32, #tpu.memory_space<vmem>> -> memref<1024xf32, #tpu.memory_space<vmem>>
        tpu.wait_dma2 semaphore(%arg34 : memref<!tpu.dma_semaphore, #tpu.memory_space<semaphore_mem>>) src(%dma_wait3A_1967 : memref<1024xf32, #tpu.memory_space<vmem>>) dst(%dma_wait3A_1965 : memref<1024xf32, #tpu.memory_space<hbm>>)
      } else {
      }
      %lt3A_1058 = arith.constant 200 : i32
      %lt3A_1059 = arith.cmpi slt, %add3A_1049, %lt3A_1058 : i32
      %convert_element_type3A_1060 = arith.extui %lt3A_1059 : i1 to i32
      %cond3A_1061 = arith.constant 0 : i32
      %cond3A_1062 = arith.cmpi ne, %convert_element_type3A_1060, %cond3A_1061 : i32
      scf.if %cond3A_1062 {
        %add3A_1809 = arith.addi %mul3A_2, %add3A_1049 : i32
        %mul3A_1810 = arith.constant 512 : i32
        %mul3A_1811 = arith.muli %add3A_1809, %mul3A_1810 : i32
        %dma_wait3A_1812 = tpu.memref_slice %arg2[%mul3A_1811] : memref<3276800xi32, #tpu.memory_space<hbm>> -> memref<512xi32, #tpu.memory_space<hbm>>
        %dma_wait3A_1813 = tpu.memref_slice %arg2[%mul3A_1811] : memref<3276800xi32, #tpu.memory_space<hbm>> -> memref<512xi32, #tpu.memory_space<hbm>>
        tpu.wait_dma2 semaphore(%arg24 : memref<!tpu.dma_semaphore, #tpu.memory_space<semaphore_mem>>) src(%dma_wait3A_1813 : memref<512xi32, #tpu.memory_space<hbm>>) dst(%arg9 : memref<512xi32, #tpu.memory_space<vmem>>)
        %dma_start3A_1814 = arith.constant 0 : i32
        %dma_start3A_1815 = arith.constant 0 : i32
        %dma_start3A_1816 = tpu.memref_slice %arg3[%dma_start3A_1814, %dma_start3A_1815] : memref<1000192x16xf32, #tpu.memory_space<hbm>> -> memref<1000192x16xf32, #tpu.memory_space<hbm>>
        tpu.enqueue_indirect_dma source(%dma_start3A_1816 : memref<1000192x16xf32, #tpu.memory_space<hbm>>) target(%arg14 : memref<512x16xf32, #tpu.memory_space<vmem>>) offsets(%arg9 : memref<512xi32, #tpu.memory_space<vmem>>) semaphore(%arg29 : memref<!tpu.dma_semaphore, #tpu.memory_space<semaphore_mem>>)
      } else {
      }
      %dma_wait3A_1063 = arith.constant 0 : i32
      %dma_wait3A_1064 = arith.constant 0 : i32
      %dma_wait3A_1065 = tpu.memref_slice %arg3[%dma_wait3A_1063, %dma_wait3A_1064] : memref<1000192x16xf32, #tpu.memory_space<hbm>> -> memref<1000192x16xf32, #tpu.memory_space<hbm>>
      tpu.wait_indirect_dma semaphore(%arg26 : memref<!tpu.dma_semaphore, #tpu.memory_space<semaphore_mem>>) src(%dma_wait3A_1065 : memref<1000192x16xf32, #tpu.memory_space<hbm>>) dst(%arg11 : memref<512x16xf32, #tpu.memory_space<vmem>>)
      %parallel_loop3A_1066 = arith.constant 0 : i32
      %parallel_loop3A_1067 = arith.constant 512 : i32
      %parallel_loop3A_1068 = arith.constant 1 : i32
      scf.for %parallel_loop3A_1809 = %parallel_loop3A_1066 to %parallel_loop3A_1067 step %parallel_loop3A_1068  : i32 {
        %parallel_loop3A_1810 = vector.broadcast %parallel_loop3A_1809 : i32 to vector<16xi32>
        %parallel_loop3A_1811 = arith.subi %iota3A, %parallel_loop3A_1810 : vector<16xi32>
        %parallel_loop3A_1812 = arith.constant 15 : i32
        %parallel_loop3A_1813 = vector.broadcast %parallel_loop3A_1812 : i32 to vector<16xi32>
        %parallel_loop3A_1814 = arith.andi %parallel_loop3A_1811, %parallel_loop3A_1813 : vector<16xi32>
        %parallel_loop3A_1815 = arith.index_cast %parallel_loop3A_1809 : i32 to index
        %parallel_loop3A_1816 = arith.constant 0 : index
        %parallel_loop3A_1817 = tpu.vector_load %arg11[%parallel_loop3A_1815, %parallel_loop3A_1816] {strides = array<i32>} : memref<512x16xf32, #tpu.memory_space<vmem>>, vector<16xf32>,
        %parallel_loop3A_1818 = arith.constant 0 : i32
        %parallel_loop3A_1819 = vector.broadcast %parallel_loop3A_1818 : i32 to vector<16xi32>
        %parallel_loop3A_1820 = arith.cmpi slt, %parallel_loop3A_1814, %parallel_loop3A_1819 : vector<16xi32>
        %parallel_loop3A_1821 = arith.constant 16 : i32
        %parallel_loop3A_1822 = vector.broadcast %parallel_loop3A_1821 : i32 to vector<16xi32>
        %parallel_loop3A_1823 = arith.addi %parallel_loop3A_1814, %parallel_loop3A_1822 : vector<16xi32>
        %parallel_loop3A_1824 = arith.select %parallel_loop3A_1820, %parallel_loop3A_1823, %parallel_loop3A_1814 : vector<16xi1>, vector<16xi32>
        %parallel_loop3A_1825 = vector.shape_cast %parallel_loop3A_1824 : vector<16xi32> to vector<16x1xi32>
        %parallel_loop3A_1826 = vector.shape_cast %parallel_loop3A_1825 : vector<16x1xi32> to vector<16xi32>
        %parallel_loop3A_1827 = tpu.dynamic_gather %parallel_loop3A_1817[%parallel_loop3A_1826] in [0] : vector<16xf32>, vector<16xi32> -> vector<16xf32>
        %parallel_loop3A_1828 = arith.index_cast %parallel_loop3A_1809 : i32 to index
        %parallel_loop3A_1829 = arith.constant 0 : index
        %parallel_loop3A_1830 = tpu.vector_load %arg11[%parallel_loop3A_1828, %parallel_loop3A_1829] {strides = array<i32>} : memref<512x16xf32, #tpu.memory_space<vmem>>, vector<16xf32>,
        tpu.vector_store %arg11[%parallel_loop3A_1828, %parallel_loop3A_1829], %parallel_loop3A_1827 {strides = array<i32>} : memref<512x16xf32, #tpu.memory_space<vmem>>, vector<16xf32>,
      } {sc.loop_unroll_factor = 16 : i64, sc.parallel_access}
      %parallel_loop3A_1069 = arith.constant 0 : i32
      %parallel_loop3A_1070 = arith.constant 512 : i32
      %parallel_loop3A_1071 = arith.constant 1 : i32
      scf.for %parallel_loop3A_1809 = %parallel_loop3A_1069 to %parallel_loop3A_1070 step %parallel_loop3A_1071  : i32 {
        %parallel_loop3A_1810 = arith.constant 7 : i32
        %parallel_loop3A_1811 = arith.shrsi %parallel_loop3A_1809, %parallel_loop3A_1810 : i32
        %parallel_loop3A_1812 = arith.constant 4 : i32
        %parallel_loop3A_1813 = arith.shrsi %parallel_loop3A_1809, %parallel_loop3A_1812 : i32
        %parallel_loop3A_1814 = arith.constant 7 : i32
        %parallel_loop3A_1815 = arith.andi %parallel_loop3A_1813, %parallel_loop3A_1814 : i32
        %parallel_loop3A_1816 = arith.constant 4 : i32
        %parallel_loop3A_1817 = arith.shli %parallel_loop3A_1815, %parallel_loop3A_1816 : i32
        %parallel_loop3A_1818 = arith.constant 15 : i32
        %parallel_loop3A_1819 = arith.andi %parallel_loop3A_1809, %parallel_loop3A_1818 : i32
        %parallel_loop3A_1820 = arith.constant 7 : i32
        %parallel_loop3A_1821 = arith.shli %parallel_loop3A_1811, %parallel_loop3A_1820 : i32
        %parallel_loop3A_1822 = arith.addi %parallel_loop3A_1821, %parallel_loop3A_1817 : i32
        %parallel_loop3A_1823 = vector.broadcast %parallel_loop3A_1822 : i32 to vector<16xi32>
        %parallel_loop3A_1824 = arith.addi %parallel_loop3A_1823, %iota3A : vector<16xi32>
        %parallel_loop3A_1825 = vector.broadcast %parallel_loop3A_1819 : i32 to vector<16xi32>
        %parallel_loop3A_1826 = arith.addi %parallel_loop3A_1825, %parallel_loop3A_1824 : vector<16xi32>
        %parallel_loop3A_1827 = arith.constant 15 : i32
        %parallel_loop3A_1828 = vector.broadcast %parallel_loop3A_1827 : i32 to vector<16xi32>
        %parallel_loop3A_1829 = arith.andi %parallel_loop3A_1826, %parallel_loop3A_1828 : vector<16xi32>
        %parallel_loop3A_1830 = tpu.vector_load_idx %arg11[%parallel_loop3A_1824, %parallel_loop3A_1829] : memref<512x16xf32, #tpu.memory_space<vmem>>[vector<16xi32>, vector<16xi32>], vector<16xf32>,
        %parallel_loop3A_1831 = arith.constant 11 : i32
        %parallel_loop3A_1832 = arith.shli %parallel_loop3A_1811, %parallel_loop3A_1831 : i32
        %parallel_loop3A_1833 = arith.constant 3 : i32
        %parallel_loop3A_1834 = arith.shrsi %parallel_loop3A_1819, %parallel_loop3A_1833 : i32
        %parallel_loop3A_1835 = arith.constant 10 : i32
        %parallel_loop3A_1836 = arith.shli %parallel_loop3A_1834, %parallel_loop3A_1835 : i32
        %parallel_loop3A_1837 = arith.addi %parallel_loop3A_1832, %parallel_loop3A_1836 : i32
        %parallel_loop3A_1838 = arith.constant 7 : i32
        %parallel_loop3A_1839 = arith.andi %parallel_loop3A_1819, %parallel_loop3A_1838 : i32
        %parallel_loop3A_1840 = arith.constant 7 : i32
        %parallel_loop3A_1841 = arith.shli %parallel_loop3A_1839, %parallel_loop3A_1840 : i32
        %parallel_loop3A_1842 = arith.addi %parallel_loop3A_1837, %parallel_loop3A_1841 : i32
        %parallel_loop3A_1843 = arith.addi %parallel_loop3A_1842, %parallel_loop3A_1817 : i32
        %parallel_loop3A_1844 = tpu.assume_multiple %parallel_loop3A_1843, 16 : i32
        %parallel_loop3A_1845 = arith.index_cast %parallel_loop3A_1844 : i32 to index
        %parallel_loop3A_1846 = tpu.vector_load %arg16[%parallel_loop3A_1845] {strides = array<i32>} : memref<8192xf32, #tpu.memory_space<vmem>>, vector<16xf32>,
        tpu.vector_store %arg16[%parallel_loop3A_1845], %parallel_loop3A_1830 {strides = array<i32>} : memref<8192xf32, #tpu.memory_space<vmem>>, vector<16xf32>,
      } {sc.loop_unroll_factor = 16 : i64, sc.parallel_access}
      %add3A_1072 = arith.addi %mul3A_2, %add3A_1040 : i32
      %shift_right_arithmetic3A_1073 = arith.constant 8 : i32
      %shift_right_arithmetic3A_1074 = arith.shrsi %add3A_1072, %shift_right_arithmetic3A_1073 : i32
      %shift_left3A_1075 = arith.constant 3 : i32
      %shift_left3A_1076 = arith.shli %shift_right_arithmetic3A_1074, %shift_left3A_1075 : i32
      %and3A_1077 = arith.constant 1 : i32
      %and3A_1078 = arith.andi %add3A_1072, %and3A_1077 : i32
      %shift_left3A_1079 = arith.constant 2 : i32
      %shift_left3A_1080 = arith.shli %and3A_1078, %shift_left3A_1079 : i32
      %add3A_1081 = arith.addi %shift_left3A_1076, %shift_left3A_1080 : i32
      %shift_right_arithmetic3A_1082 = arith.constant 1 : i32
      %shift_right_arithmetic3A_1083 = arith.shrsi %add3A_1072, %shift_right_arithmetic3A_1082 : i32
      %and3A_1084 = arith.constant 127 : i32
      %and3A_1085 = arith.andi %shift_right_arithmetic3A_1083, %and3A_1084 : i32
      %add3A_1086 = arith.constant 0 : i32
      %add3A_1087 = arith.addi %add3A_1081, %add3A_1086 : i32
      %shift_left3A_1088 = arith.constant 1 : i32
      %shift_left3A_1089 = arith.shli %add3A_1087, %shift_left3A_1088 : i32
      %add3A_1090 = arith.constant 0 : i32
      %add3A_1091 = arith.addi %shift_left3A_1089, %add3A_1090 : i32
      %mul3A_1092 = arith.constant 128 : i32
      %mul3A_1093 = arith.muli %add3A_1091, %mul3A_1092 : i32
      %add3A_1094 = arith.addi %mul3A_1093, %and3A_1085 : i32
      %shift_left3A_1095 = arith.constant 10 : i32
      %shift_left3A_1096 = arith.shli %add3A_1094, %shift_left3A_1095 : i32
      %multiple_of3A_1097 = tpu.assume_multiple %shift_left3A_1096, 1024 : i32
      %add3A_1098 = arith.constant 0 : i32
      %add3A_1099 = arith.addi %add3A_1081, %add3A_1098 : i32
      %shift_left3A_1100 = arith.constant 1 : i32
      %shift_left3A_1101 = arith.shli %add3A_1099, %shift_left3A_1100 : i32
      %add3A_1102 = arith.constant 1 : i32
      %add3A_1103 = arith.addi %shift_left3A_1101, %add3A_1102 : i32
      %mul3A_1104 = arith.constant 128 : i32
      %mul3A_1105 = arith.muli %add3A_1103, %mul3A_1104 : i32
      %add3A_1106 = arith.addi %mul3A_1105, %and3A_1085 : i32
      %shift_left3A_1107 = arith.constant 10 : i32
      %shift_left3A_1108 = arith.shli %add3A_1106, %shift_left3A_1107 : i32
      %multiple_of3A_1109 = tpu.assume_multiple %shift_left3A_1108, 1024 : i32
      %add3A_1110 = arith.constant 1 : i32
      %add3A_1111 = arith.addi %add3A_1081, %add3A_1110 : i32
      %shift_left3A_1112 = arith.constant 1 : i32
      %shift_left3A_1113 = arith.shli %add3A_1111, %shift_left3A_1112 : i32
      %add3A_1114 = arith.constant 0 : i32
      %add3A_1115 = arith.addi %shift_left3A_1113, %add3A_1114 : i32
      %mul3A_1116 = arith.constant 128 : i32
      %mul3A_1117 = arith.muli %add3A_1115, %mul3A_1116 : i32
      %add3A_1118 = arith.addi %mul3A_1117, %and3A_1085 : i32
      %shift_left3A_1119 = arith.constant 10 : i32
      %shift_left3A_1120 = arith.shli %add3A_1118, %shift_left3A_1119 : i32
      %multiple_of3A_1121 = tpu.assume_multiple %shift_left3A_1120, 1024 : i32
      %add3A_1122 = arith.constant 1 : i32
      %add3A_1123 = arith.addi %add3A_1081, %add3A_1122 : i32
      %shift_left3A_1124 = arith.constant 1 : i32
      %shift_left3A_1125 = arith.shli %add3A_1123, %shift_left3A_1124 : i32
      %add3A_1126 = arith.constant 1 : i32
      %add3A_1127 = arith.addi %shift_left3A_1125, %add3A_1126 : i32
      %mul3A_1128 = arith.constant 128 : i32
      %mul3A_1129 = arith.muli %add3A_1127, %mul3A_1128 : i32
      %add3A_1130 = arith.addi %mul3A_1129, %and3A_1085 : i32
      %shift_left3A_1131 = arith.constant 10 : i32
      %shift_left3A_1132 = arith.shli %add3A_1130, %shift_left3A_1131 : i32
      %multiple_of3A_1133 = tpu.assume_multiple %shift_left3A_1132, 1024 : i32
      %add3A_1134 = arith.constant 2 : i32
      %add3A_1135 = arith.addi %add3A_1081, %add3A_1134 : i32
      %shift_left3A_1136 = arith.constant 1 : i32
      %shift_left3A_1137 = arith.shli %add3A_1135, %shift_left3A_1136 : i32
      %add3A_1138 = arith.constant 0 : i32
      %add3A_1139 = arith.addi %shift_left3A_1137, %add3A_1138 : i32
      %mul3A_1140 = arith.constant 128 : i32
      %mul3A_1141 = arith.muli %add3A_1139, %mul3A_1140 : i32
      %add3A_1142 = arith.addi %mul3A_1141, %and3A_1085 : i32
      %shift_left3A_1143 = arith.constant 10 : i32
      %shift_left3A_1144 = arith.shli %add3A_1142, %shift_left3A_1143 : i32
      %multiple_of3A_1145 = tpu.assume_multiple %shift_left3A_1144, 1024 : i32
      %add3A_1146 = arith.constant 2 : i32
      %add3A_1147 = arith.addi %add3A_1081, %add3A_1146 : i32
      %shift_left3A_1148 = arith.constant 1 : i32
      %shift_left3A_1149 = arith.shli %add3A_1147, %shift_left3A_1148 : i32
      %add3A_1150 = arith.constant 1 : i32
      %add3A_1151 = arith.addi %shift_left3A_1149, %add3A_1150 : i32
      %mul3A_1152 = arith.constant 128 : i32
      %mul3A_1153 = arith.muli %add3A_1151, %mul3A_1152 : i32
      %add3A_1154 = arith.addi %mul3A_1153, %and3A_1085 : i32
      %shift_left3A_1155 = arith.constant 10 : i32
      %shift_left3A_1156 = arith.shli %add3A_1154, %shift_left3A_1155 : i32
      %multiple_of3A_1157 = tpu.assume_multiple %shift_left3A_1156, 1024 : i32
      %add3A_1158 = arith.constant 3 : i32
      %add3A_1159 = arith.addi %add3A_1081, %add3A_1158 : i32
      %shift_left3A_1160 = arith.constant 1 : i32
      %shift_left3A_1161 = arith.shli %add3A_1159, %shift_left3A_1160 : i32
      %add3A_1162 = arith.constant 0 : i32
      %add3A_1163 = arith.addi %shift_left3A_1161, %add3A_1162 : i32
      %mul3A_1164 = arith.constant 128 : i32
      %mul3A_1165 = arith.muli %add3A_1163, %mul3A_1164 : i32
      %add3A_1166 = arith.addi %mul3A_1165, %and3A_1085 : i32
      %shift_left3A_1167 = arith.constant 10 : i32
      %shift_left3A_1168 = arith.shli %add3A_1166, %shift_left3A_1167 : i32
      %multiple_of3A_1169 = tpu.assume_multiple %shift_left3A_1168, 1024 : i32
      %add3A_1170 = arith.constant 3 : i32
      %add3A_1171 = arith.addi %add3A_1081, %add3A_1170 : i32
      %shift_left3A_1172 = arith.constant 1 : i32
      %shift_left3A_1173 = arith.shli %add3A_1171, %shift_left3A_1172 : i32
      %add3A_1174 = arith.constant 1 : i32
      %add3A_1175 = arith.addi %shift_left3A_1173, %add3A_1174 : i32
      %mul3A_1176 = arith.constant 128 : i32
      %mul3A_1177 = arith.muli %add3A_1175, %mul3A_1176 : i32
      %add3A_1178 = arith.addi %mul3A_1177, %and3A_1085 : i32
      %shift_left3A_1179 = arith.constant 10 : i32
      %shift_left3A_1180 = arith.shli %add3A_1178, %shift_left3A_1179 : i32
      %multiple_of3A_1181 = tpu.assume_multiple %shift_left3A_1180, 1024 : i32
      %dma_start3A_1182 = arith.constant 0 : i32
      %dma_start3A_1183 = tpu.memref_slice %arg16[%dma_start3A_1182] : memref<8192xf32, #tpu.memory_space<vmem>> -> memref<1024xf32, #tpu.memory_space<vmem>>
      %dma_start3A_1184 = tpu.memref_slice %arg4[%multiple_of3A_1097] : memref<52428800xf32, #tpu.memory_space<hbm>> -> memref<1024xf32, #tpu.memory_space<hbm>>
      %dma_start3A_1185 = tpu.memref_slice %arg4[%multiple_of3A_1097] : memref<52428800xf32, #tpu.memory_space<hbm>> -> memref<1024xf32, #tpu.memory_space<hbm>>
      %dma_start3A_1186 = arith.constant 0 : i32
      %dma_start3A_1187 = tpu.memref_slice %arg16[%dma_start3A_1186] : memref<8192xf32, #tpu.memory_space<vmem>> -> memref<1024xf32, #tpu.memory_space<vmem>>
      tpu.enqueue_dma source(%dma_start3A_1187 : memref<1024xf32, #tpu.memory_space<vmem>>) target(%dma_start3A_1185 : memref<1024xf32, #tpu.memory_space<hbm>>) target_semaphore(%arg31 : memref<!tpu.dma_semaphore, #tpu.memory_space<semaphore_mem>>)
      %dma_start3A_1188 = arith.constant 1024 : i32
      %dma_start3A_1189 = tpu.memref_slice %arg16[%dma_start3A_1188] : memref<8192xf32, #tpu.memory_space<vmem>> -> memref<1024xf32, #tpu.memory_space<vmem>>
      %dma_start3A_1190 = tpu.memref_slice %arg4[%multiple_of3A_1109] : memref<52428800xf32, #tpu.memory_space<hbm>> -> memref<1024xf32, #tpu.memory_space<hbm>>
      %dma_start3A_1191 = tpu.memref_slice %arg4[%multiple_of3A_1109] : memref<52428800xf32, #tpu.memory_space<hbm>> -> memref<1024xf32, #tpu.memory_space<hbm>>
      %dma_start3A_1192 = arith.constant 1024 : i32
      %dma_start3A_1193 = tpu.memref_slice %arg16[%dma_start3A_1192] : memref<8192xf32, #tpu.memory_space<vmem>> -> memref<1024xf32, #tpu.memory_space<vmem>>
      tpu.enqueue_dma source(%dma_start3A_1193 : memref<1024xf32, #tpu.memory_space<vmem>>) target(%dma_start3A_1191 : memref<1024xf32, #tpu.memory_space<hbm>>) target_semaphore(%arg31 : memref<!tpu.dma_semaphore, #tpu.memory_space<semaphore_mem>>)
      %dma_start3A_1194 = arith.constant 2048 : i32
      %dma_start3A_1195 = tpu.memref_slice %arg16[%dma_start3A_1194] : memref<8192xf32, #tpu.memory_space<vmem>> -> memref<1024xf32, #tpu.memory_space<vmem>>
      %dma_start3A_1196 = tpu.memref_slice %arg4[%multiple_of3A_1121] : memref<52428800xf32, #tpu.memory_space<hbm>> -> memref<1024xf32, #tpu.memory_space<hbm>>
      %dma_start3A_1197 = tpu.memref_slice %arg4[%multiple_of3A_1121] : memref<52428800xf32, #tpu.memory_space<hbm>> -> memref<1024xf32, #tpu.memory_space<hbm>>
      %dma_start3A_1198 = arith.constant 2048 : i32
      %dma_start3A_1199 = tpu.memref_slice %arg16[%dma_start3A_1198] : memref<8192xf32, #tpu.memory_space<vmem>> -> memref<1024xf32, #tpu.memory_space<vmem>>
      tpu.enqueue_dma source(%dma_start3A_1199 : memref<1024xf32, #tpu.memory_space<vmem>>) target(%dma_start3A_1197 : memref<1024xf32, #tpu.memory_space<hbm>>) target_semaphore(%arg31 : memref<!tpu.dma_semaphore, #tpu.memory_space<semaphore_mem>>)
      %dma_start3A_1200 = arith.constant 3072 : i32
      %dma_start3A_1201 = tpu.memref_slice %arg16[%dma_start3A_1200] : memref<8192xf32, #tpu.memory_space<vmem>> -> memref<1024xf32, #tpu.memory_space<vmem>>
      %dma_start3A_1202 = tpu.memref_slice %arg4[%multiple_of3A_1133] : memref<52428800xf32, #tpu.memory_space<hbm>> -> memref<1024xf32, #tpu.memory_space<hbm>>
      %dma_start3A_1203 = tpu.memref_slice %arg4[%multiple_of3A_1133] : memref<52428800xf32, #tpu.memory_space<hbm>> -> memref<1024xf32, #tpu.memory_space<hbm>>
      %dma_start3A_1204 = arith.constant 3072 : i32
      %dma_start3A_1205 = tpu.memref_slice %arg16[%dma_start3A_1204] : memref<8192xf32, #tpu.memory_space<vmem>> -> memref<1024xf32, #tpu.memory_space<vmem>>
      tpu.enqueue_dma source(%dma_start3A_1205 : memref<1024xf32, #tpu.memory_space<vmem>>) target(%dma_start3A_1203 : memref<1024xf32, #tpu.memory_space<hbm>>) target_semaphore(%arg31 : memref<!tpu.dma_semaphore, #tpu.memory_space<semaphore_mem>>)
      %dma_start3A_1206 = arith.constant 4096 : i32
      %dma_start3A_1207 = tpu.memref_slice %arg16[%dma_start3A_1206] : memref<8192xf32, #tpu.memory_space<vmem>> -> memref<1024xf32, #tpu.memory_space<vmem>>
      %dma_start3A_1208 = tpu.memref_slice %arg4[%multiple_of3A_1145] : memref<52428800xf32, #tpu.memory_space<hbm>> -> memref<1024xf32, #tpu.memory_space<hbm>>
      %dma_start3A_1209 = tpu.memref_slice %arg4[%multiple_of3A_1145] : memref<52428800xf32, #tpu.memory_space<hbm>> -> memref<1024xf32, #tpu.memory_space<hbm>>
      %dma_start3A_1210 = arith.constant 4096 : i32
      %dma_start3A_1211 = tpu.memref_slice %arg16[%dma_start3A_1210] : memref<8192xf32, #tpu.memory_space<vmem>> -> memref<1024xf32, #tpu.memory_space<vmem>>
      tpu.enqueue_dma source(%dma_start3A_1211 : memref<1024xf32, #tpu.memory_space<vmem>>) target(%dma_start3A_1209 : memref<1024xf32, #tpu.memory_space<hbm>>) target_semaphore(%arg31 : memref<!tpu.dma_semaphore, #tpu.memory_space<semaphore_mem>>)
      %dma_start3A_1212 = arith.constant 5120 : i32
      %dma_start3A_1213 = tpu.memref_slice %arg16[%dma_start3A_1212] : memref<8192xf32, #tpu.memory_space<vmem>> -> memref<1024xf32, #tpu.memory_space<vmem>>
      %dma_start3A_1214 = tpu.memref_slice %arg4[%multiple_of3A_1157] : memref<52428800xf32, #tpu.memory_space<hbm>> -> memref<1024xf32, #tpu.memory_space<hbm>>
      %dma_start3A_1215 = tpu.memref_slice %arg4[%multiple_of3A_1157] : memref<52428800xf32, #tpu.memory_space<hbm>> -> memref<1024xf32, #tpu.memory_space<hbm>>
      %dma_start3A_1216 = arith.constant 5120 : i32
      %dma_start3A_1217 = tpu.memref_slice %arg16[%dma_start3A_1216] : memref<8192xf32, #tpu.memory_space<vmem>> -> memref<1024xf32, #tpu.memory_space<vmem>>
      tpu.enqueue_dma source(%dma_start3A_1217 : memref<1024xf32, #tpu.memory_space<vmem>>) target(%dma_start3A_1215 : memref<1024xf32, #tpu.memory_space<hbm>>) target_semaphore(%arg31 : memref<!tpu.dma_semaphore, #tpu.memory_space<semaphore_mem>>)
      %dma_start3A_1218 = arith.constant 6144 : i32
      %dma_start3A_1219 = tpu.memref_slice %arg16[%dma_start3A_1218] : memref<8192xf32, #tpu.memory_space<vmem>> -> memref<1024xf32, #tpu.memory_space<vmem>>
      %dma_start3A_1220 = tpu.memref_slice %arg4[%multiple_of3A_1169] : memref<52428800xf32, #tpu.memory_space<hbm>> -> memref<1024xf32, #tpu.memory_space<hbm>>
      %dma_start3A_1221 = tpu.memref_slice %arg4[%multiple_of3A_1169] : memref<52428800xf32, #tpu.memory_space<hbm>> -> memref<1024xf32, #tpu.memory_space<hbm>>
      %dma_start3A_1222 = arith.constant 6144 : i32
      %dma_start3A_1223 = tpu.memref_slice %arg16[%dma_start3A_1222] : memref<8192xf32, #tpu.memory_space<vmem>> -> memref<1024xf32, #tpu.memory_space<vmem>>
      tpu.enqueue_dma source(%dma_start3A_1223 : memref<1024xf32, #tpu.memory_space<vmem>>) target(%dma_start3A_1221 : memref<1024xf32, #tpu.memory_space<hbm>>) target_semaphore(%arg31 : memref<!tpu.dma_semaphore, #tpu.memory_space<semaphore_mem>>)
      %dma_start3A_1224 = arith.constant 7168 : i32
      %dma_start3A_1225 = tpu.memref_slice %arg16[%dma_start3A_1224] : memref<8192xf32, #tpu.memory_space<vmem>> -> memref<1024xf32, #tpu.memory_space<vmem>>
      %dma_start3A_1226 = tpu.memref_slice %arg4[%multiple_of3A_1181] : memref<52428800xf32, #tpu.memory_space<hbm>> -> memref<1024xf32, #tpu.memory_space<hbm>>
      %dma_start3A_1227 = tpu.memref_slice %arg4[%multiple_of3A_1181] : memref<52428800xf32, #tpu.memory_space<hbm>> -> memref<1024xf32, #tpu.memory_space<hbm>>
      %dma_start3A_1228 = arith.constant 7168 : i32
      %dma_start3A_1229 = tpu.memref_slice %arg16[%dma_start3A_1228] : memref<8192xf32, #tpu.memory_space<vmem>> -> memref<1024xf32, #tpu.memory_space<vmem>>
      tpu.enqueue_dma source(%dma_start3A_1229 : memref<1024xf32, #tpu.memory_space<vmem>>) target(%dma_start3A_1227 : memref<1024xf32, #tpu.memory_space<hbm>>) target_semaphore(%arg31 : memref<!tpu.dma_semaphore, #tpu.memory_space<semaphore_mem>>)
      %mul3A_1230 = arith.constant 5 : i32
      %mul3A_1231 = arith.muli %scan3A_848, %mul3A_1230 : i32
      %add3A_1232 = arith.constant 2 : i32
      %add3A_1233 = arith.addi %mul3A_1231, %add3A_1232 : i32
      %add3A_1234 = arith.constant 4 : i32
      %add3A_1235 = arith.addi %add3A_1233, %add3A_1234 : i32
      %lt3A_1236 = arith.constant 200 : i32
      %lt3A_1237 = arith.cmpi slt, %add3A_1235, %lt3A_1236 : i32
      %convert_element_type3A_1238 = arith.extui %lt3A_1237 : i1 to i32
      %cond3A_1239 = arith.constant 0 : i32
      %cond3A_1240 = arith.cmpi ne, %convert_element_type3A_1238, %cond3A_1239 : i32
      scf.if %cond3A_1240 {
        %add3A_1809 = arith.addi %mul3A_2, %add3A_1235 : i32
        %mul3A_1810 = arith.constant 512 : i32
        %mul3A_1811 = arith.muli %add3A_1809, %mul3A_1810 : i32
        %dma_start3A_1812 = tpu.memref_slice %arg2[%mul3A_1811] : memref<3276800xi32, #tpu.memory_space<hbm>> -> memref<512xi32, #tpu.memory_space<hbm>>
        %dma_start3A_1813 = tpu.memref_slice %arg2[%mul3A_1811] : memref<3276800xi32, #tpu.memory_space<hbm>> -> memref<512xi32, #tpu.memory_space<hbm>>
        tpu.enqueue_dma source(%dma_start3A_1813 : memref<512xi32, #tpu.memory_space<hbm>>) target(%arg6 : memref<512xi32, #tpu.memory_space<vmem>>) target_semaphore(%arg21 : memref<!tpu.dma_semaphore, #tpu.memory_space<semaphore_mem>>)
      } else {
      }
      %add3A_1241 = arith.constant 3 : i32
      %add3A_1242 = arith.addi %add3A_1233, %add3A_1241 : i32
      %lt3A_1243 = arith.constant 200 : i32
      %lt3A_1244 = arith.cmpi slt, %add3A_1242, %lt3A_1243 : i32
      %ge3A_1245 = arith.constant 5 : i32
      %ge3A_1246 = arith.cmpi sge, %add3A_1242, %ge3A_1245 : i32
      %and3A_1247 = arith.andi %lt3A_1244, %ge3A_1246 : i1
      %convert_element_type3A_1248 = arith.extui %and3A_1247 : i1 to i32
      %cond3A_1249 = arith.constant 0 : i32
      %cond3A_1250 = arith.cmpi ne, %convert_element_type3A_1248, %cond3A_1249 : i32
      scf.if %cond3A_1250 {
        %sub3A = arith.constant 5 : i32
        %sub3A_1809 = arith.subi %add3A_1242, %sub3A : i32
        %add3A_1810 = arith.addi %mul3A_2, %sub3A_1809 : i32
        %shift_right_arithmetic3A_1811 = arith.constant 8 : i32
        %shift_right_arithmetic3A_1812 = arith.shrsi %add3A_1810, %shift_right_arithmetic3A_1811 : i32
        %shift_left3A_1813 = arith.constant 3 : i32
        %shift_left3A_1814 = arith.shli %shift_right_arithmetic3A_1812, %shift_left3A_1813 : i32
        %and3A_1815 = arith.constant 1 : i32
        %and3A_1816 = arith.andi %add3A_1810, %and3A_1815 : i32
        %shift_left3A_1817 = arith.constant 2 : i32
        %shift_left3A_1818 = arith.shli %and3A_1816, %shift_left3A_1817 : i32
        %add3A_1819 = arith.addi %shift_left3A_1814, %shift_left3A_1818 : i32
        %shift_right_arithmetic3A_1820 = arith.constant 1 : i32
        %shift_right_arithmetic3A_1821 = arith.shrsi %add3A_1810, %shift_right_arithmetic3A_1820 : i32
        %and3A_1822 = arith.constant 127 : i32
        %and3A_1823 = arith.andi %shift_right_arithmetic3A_1821, %and3A_1822 : i32
        %add3A_1824 = arith.constant 0 : i32
        %add3A_1825 = arith.addi %add3A_1819, %add3A_1824 : i32
        %shift_left3A_1826 = arith.constant 1 : i32
        %shift_left3A_1827 = arith.shli %add3A_1825, %shift_left3A_1826 : i32
        %add3A_1828 = arith.constant 0 : i32
        %add3A_1829 = arith.addi %shift_left3A_1827, %add3A_1828 : i32
        %mul3A_1830 = arith.constant 128 : i32
        %mul3A_1831 = arith.muli %add3A_1829, %mul3A_1830 : i32
        %add3A_1832 = arith.addi %mul3A_1831, %and3A_1823 : i32
        %shift_left3A_1833 = arith.constant 10 : i32
        %shift_left3A_1834 = arith.shli %add3A_1832, %shift_left3A_1833 : i32
        %multiple_of3A_1835 = tpu.assume_multiple %shift_left3A_1834, 1024 : i32
        %add3A_1836 = arith.constant 0 : i32
        %add3A_1837 = arith.addi %add3A_1819, %add3A_1836 : i32
        %shift_left3A_1838 = arith.constant 1 : i32
        %shift_left3A_1839 = arith.shli %add3A_1837, %shift_left3A_1838 : i32
        %add3A_1840 = arith.constant 1 : i32
        %add3A_1841 = arith.addi %shift_left3A_1839, %add3A_1840 : i32
        %mul3A_1842 = arith.constant 128 : i32
        %mul3A_1843 = arith.muli %add3A_1841, %mul3A_1842 : i32
        %add3A_1844 = arith.addi %mul3A_1843, %and3A_1823 : i32
        %shift_left3A_1845 = arith.constant 10 : i32
        %shift_left3A_1846 = arith.shli %add3A_1844, %shift_left3A_1845 : i32
        %multiple_of3A_1847 = tpu.assume_multiple %shift_left3A_1846, 1024 : i32
        %add3A_1848 = arith.constant 1 : i32
        %add3A_1849 = arith.addi %add3A_1819, %add3A_1848 : i32
        %shift_left3A_1850 = arith.constant 1 : i32
        %shift_left3A_1851 = arith.shli %add3A_1849, %shift_left3A_1850 : i32
        %add3A_1852 = arith.constant 0 : i32
        %add3A_1853 = arith.addi %shift_left3A_1851, %add3A_1852 : i32
        %mul3A_1854 = arith.constant 128 : i32
        %mul3A_1855 = arith.muli %add3A_1853, %mul3A_1854 : i32
        %add3A_1856 = arith.addi %mul3A_1855, %and3A_1823 : i32
        %shift_left3A_1857 = arith.constant 10 : i32
        %shift_left3A_1858 = arith.shli %add3A_1856, %shift_left3A_1857 : i32
        %multiple_of3A_1859 = tpu.assume_multiple %shift_left3A_1858, 1024 : i32
        %add3A_1860 = arith.constant 1 : i32
        %add3A_1861 = arith.addi %add3A_1819, %add3A_1860 : i32
        %shift_left3A_1862 = arith.constant 1 : i32
        %shift_left3A_1863 = arith.shli %add3A_1861, %shift_left3A_1862 : i32
        %add3A_1864 = arith.constant 1 : i32
        %add3A_1865 = arith.addi %shift_left3A_1863, %add3A_1864 : i32
        %mul3A_1866 = arith.constant 128 : i32
        %mul3A_1867 = arith.muli %add3A_1865, %mul3A_1866 : i32
        %add3A_1868 = arith.addi %mul3A_1867, %and3A_1823 : i32
        %shift_left3A_1869 = arith.constant 10 : i32
        %shift_left3A_1870 = arith.shli %add3A_1868, %shift_left3A_1869 : i32
        %multiple_of3A_1871 = tpu.assume_multiple %shift_left3A_1870, 1024 : i32
        %add3A_1872 = arith.constant 2 : i32
        %add3A_1873 = arith.addi %add3A_1819, %add3A_1872 : i32
        %shift_left3A_1874 = arith.constant 1 : i32
        %shift_left3A_1875 = arith.shli %add3A_1873, %shift_left3A_1874 : i32
        %add3A_1876 = arith.constant 0 : i32
        %add3A_1877 = arith.addi %shift_left3A_1875, %add3A_1876 : i32
        %mul3A_1878 = arith.constant 128 : i32
        %mul3A_1879 = arith.muli %add3A_1877, %mul3A_1878 : i32
        %add3A_1880 = arith.addi %mul3A_1879, %and3A_1823 : i32
        %shift_left3A_1881 = arith.constant 10 : i32
        %shift_left3A_1882 = arith.shli %add3A_1880, %shift_left3A_1881 : i32
        %multiple_of3A_1883 = tpu.assume_multiple %shift_left3A_1882, 1024 : i32
        %add3A_1884 = arith.constant 2 : i32
        %add3A_1885 = arith.addi %add3A_1819, %add3A_1884 : i32
        %shift_left3A_1886 = arith.constant 1 : i32
        %shift_left3A_1887 = arith.shli %add3A_1885, %shift_left3A_1886 : i32
        %add3A_1888 = arith.constant 1 : i32
        %add3A_1889 = arith.addi %shift_left3A_1887, %add3A_1888 : i32
        %mul3A_1890 = arith.constant 128 : i32
        %mul3A_1891 = arith.muli %add3A_1889, %mul3A_1890 : i32
        %add3A_1892 = arith.addi %mul3A_1891, %and3A_1823 : i32
        %shift_left3A_1893 = arith.constant 10 : i32
        %shift_left3A_1894 = arith.shli %add3A_1892, %shift_left3A_1893 : i32
        %multiple_of3A_1895 = tpu.assume_multiple %shift_left3A_1894, 1024 : i32
        %add3A_1896 = arith.constant 3 : i32
        %add3A_1897 = arith.addi %add3A_1819, %add3A_1896 : i32
        %shift_left3A_1898 = arith.constant 1 : i32
        %shift_left3A_1899 = arith.shli %add3A_1897, %shift_left3A_1898 : i32
        %add3A_1900 = arith.constant 0 : i32
        %add3A_1901 = arith.addi %shift_left3A_1899, %add3A_1900 : i32
        %mul3A_1902 = arith.constant 128 : i32
        %mul3A_1903 = arith.muli %add3A_1901, %mul3A_1902 : i32
        %add3A_1904 = arith.addi %mul3A_1903, %and3A_1823 : i32
        %shift_left3A_1905 = arith.constant 10 : i32
        %shift_left3A_1906 = arith.shli %add3A_1904, %shift_left3A_1905 : i32
        %multiple_of3A_1907 = tpu.assume_multiple %shift_left3A_1906, 1024 : i32
        %add3A_1908 = arith.constant 3 : i32
        %add3A_1909 = arith.addi %add3A_1819, %add3A_1908 : i32
        %shift_left3A_1910 = arith.constant 1 : i32
        %shift_left3A_1911 = arith.shli %add3A_1909, %shift_left3A_1910 : i32
        %add3A_1912 = arith.constant 1 : i32
        %add3A_1913 = arith.addi %shift_left3A_1911, %add3A_1912 : i32
        %mul3A_1914 = arith.constant 128 : i32
        %mul3A_1915 = arith.muli %add3A_1913, %mul3A_1914 : i32
        %add3A_1916 = arith.addi %mul3A_1915, %and3A_1823 : i32
        %shift_left3A_1917 = arith.constant 10 : i32
        %shift_left3A_1918 = arith.shli %add3A_1916, %shift_left3A_1917 : i32
        %multiple_of3A_1919 = tpu.assume_multiple %shift_left3A_1918, 1024 : i32
        %dma_wait3A_1920 = arith.constant 0 : i32
        %dma_wait3A_1921 = tpu.memref_slice %arg15[%dma_wait3A_1920] : memref<8192xf32, #tpu.memory_space<vmem>> -> memref<1024xf32, #tpu.memory_space<vmem>>
        %dma_wait3A_1922 = tpu.memref_slice %arg4[%multiple_of3A_1835] : memref<52428800xf32, #tpu.memory_space<hbm>> -> memref<1024xf32, #tpu.memory_space<hbm>>
        %dma_wait3A_1923 = tpu.memref_slice %arg4[%multiple_of3A_1835] : memref<52428800xf32, #tpu.memory_space<hbm>> -> memref<1024xf32, #tpu.memory_space<hbm>>
        %dma_wait3A_1924 = arith.constant 0 : i32
        %dma_wait3A_1925 = tpu.memref_slice %arg15[%dma_wait3A_1924] : memref<8192xf32, #tpu.memory_space<vmem>> -> memref<1024xf32, #tpu.memory_space<vmem>>
        tpu.wait_dma2 semaphore(%arg30 : memref<!tpu.dma_semaphore, #tpu.memory_space<semaphore_mem>>) src(%dma_wait3A_1925 : memref<1024xf32, #tpu.memory_space<vmem>>) dst(%dma_wait3A_1923 : memref<1024xf32, #tpu.memory_space<hbm>>)
        %dma_wait3A_1926 = arith.constant 1024 : i32
        %dma_wait3A_1927 = tpu.memref_slice %arg15[%dma_wait3A_1926] : memref<8192xf32, #tpu.memory_space<vmem>> -> memref<1024xf32, #tpu.memory_space<vmem>>
        %dma_wait3A_1928 = tpu.memref_slice %arg4[%multiple_of3A_1847] : memref<52428800xf32, #tpu.memory_space<hbm>> -> memref<1024xf32, #tpu.memory_space<hbm>>
        %dma_wait3A_1929 = tpu.memref_slice %arg4[%multiple_of3A_1847] : memref<52428800xf32, #tpu.memory_space<hbm>> -> memref<1024xf32, #tpu.memory_space<hbm>>
        %dma_wait3A_1930 = arith.constant 1024 : i32
        %dma_wait3A_1931 = tpu.memref_slice %arg15[%dma_wait3A_1930] : memref<8192xf32, #tpu.memory_space<vmem>> -> memref<1024xf32, #tpu.memory_space<vmem>>
        tpu.wait_dma2 semaphore(%arg30 : memref<!tpu.dma_semaphore, #tpu.memory_space<semaphore_mem>>) src(%dma_wait3A_1931 : memref<1024xf32, #tpu.memory_space<vmem>>) dst(%dma_wait3A_1929 : memref<1024xf32, #tpu.memory_space<hbm>>)
        %dma_wait3A_1932 = arith.constant 2048 : i32
        %dma_wait3A_1933 = tpu.memref_slice %arg15[%dma_wait3A_1932] : memref<8192xf32, #tpu.memory_space<vmem>> -> memref<1024xf32, #tpu.memory_space<vmem>>
        %dma_wait3A_1934 = tpu.memref_slice %arg4[%multiple_of3A_1859] : memref<52428800xf32, #tpu.memory_space<hbm>> -> memref<1024xf32, #tpu.memory_space<hbm>>
        %dma_wait3A_1935 = tpu.memref_slice %arg4[%multiple_of3A_1859] : memref<52428800xf32, #tpu.memory_space<hbm>> -> memref<1024xf32, #tpu.memory_space<hbm>>
        %dma_wait3A_1936 = arith.constant 2048 : i32
        %dma_wait3A_1937 = tpu.memref_slice %arg15[%dma_wait3A_1936] : memref<8192xf32, #tpu.memory_space<vmem>> -> memref<1024xf32, #tpu.memory_space<vmem>>
        tpu.wait_dma2 semaphore(%arg30 : memref<!tpu.dma_semaphore, #tpu.memory_space<semaphore_mem>>) src(%dma_wait3A_1937 : memref<1024xf32, #tpu.memory_space<vmem>>) dst(%dma_wait3A_1935 : memref<1024xf32, #tpu.memory_space<hbm>>)
        %dma_wait3A_1938 = arith.constant 3072 : i32
        %dma_wait3A_1939 = tpu.memref_slice %arg15[%dma_wait3A_1938] : memref<8192xf32, #tpu.memory_space<vmem>> -> memref<1024xf32, #tpu.memory_space<vmem>>
        %dma_wait3A_1940 = tpu.memref_slice %arg4[%multiple_of3A_1871] : memref<52428800xf32, #tpu.memory_space<hbm>> -> memref<1024xf32, #tpu.memory_space<hbm>>
        %dma_wait3A_1941 = tpu.memref_slice %arg4[%multiple_of3A_1871] : memref<52428800xf32, #tpu.memory_space<hbm>> -> memref<1024xf32, #tpu.memory_space<hbm>>
        %dma_wait3A_1942 = arith.constant 3072 : i32
        %dma_wait3A_1943 = tpu.memref_slice %arg15[%dma_wait3A_1942] : memref<8192xf32, #tpu.memory_space<vmem>> -> memref<1024xf32, #tpu.memory_space<vmem>>
        tpu.wait_dma2 semaphore(%arg30 : memref<!tpu.dma_semaphore, #tpu.memory_space<semaphore_mem>>) src(%dma_wait3A_1943 : memref<1024xf32, #tpu.memory_space<vmem>>) dst(%dma_wait3A_1941 : memref<1024xf32, #tpu.memory_space<hbm>>)
        %dma_wait3A_1944 = arith.constant 4096 : i32
        %dma_wait3A_1945 = tpu.memref_slice %arg15[%dma_wait3A_1944] : memref<8192xf32, #tpu.memory_space<vmem>> -> memref<1024xf32, #tpu.memory_space<vmem>>
        %dma_wait3A_1946 = tpu.memref_slice %arg4[%multiple_of3A_1883] : memref<52428800xf32, #tpu.memory_space<hbm>> -> memref<1024xf32, #tpu.memory_space<hbm>>
        %dma_wait3A_1947 = tpu.memref_slice %arg4[%multiple_of3A_1883] : memref<52428800xf32, #tpu.memory_space<hbm>> -> memref<1024xf32, #tpu.memory_space<hbm>>
        %dma_wait3A_1948 = arith.constant 4096 : i32
        %dma_wait3A_1949 = tpu.memref_slice %arg15[%dma_wait3A_1948] : memref<8192xf32, #tpu.memory_space<vmem>> -> memref<1024xf32, #tpu.memory_space<vmem>>
        tpu.wait_dma2 semaphore(%arg30 : memref<!tpu.dma_semaphore, #tpu.memory_space<semaphore_mem>>) src(%dma_wait3A_1949 : memref<1024xf32, #tpu.memory_space<vmem>>) dst(%dma_wait3A_1947 : memref<1024xf32, #tpu.memory_space<hbm>>)
        %dma_wait3A_1950 = arith.constant 5120 : i32
        %dma_wait3A_1951 = tpu.memref_slice %arg15[%dma_wait3A_1950] : memref<8192xf32, #tpu.memory_space<vmem>> -> memref<1024xf32, #tpu.memory_space<vmem>>
        %dma_wait3A_1952 = tpu.memref_slice %arg4[%multiple_of3A_1895] : memref<52428800xf32, #tpu.memory_space<hbm>> -> memref<1024xf32, #tpu.memory_space<hbm>>
        %dma_wait3A_1953 = tpu.memref_slice %arg4[%multiple_of3A_1895] : memref<52428800xf32, #tpu.memory_space<hbm>> -> memref<1024xf32, #tpu.memory_space<hbm>>
        %dma_wait3A_1954 = arith.constant 5120 : i32
        %dma_wait3A_1955 = tpu.memref_slice %arg15[%dma_wait3A_1954] : memref<8192xf32, #tpu.memory_space<vmem>> -> memref<1024xf32, #tpu.memory_space<vmem>>
        tpu.wait_dma2 semaphore(%arg30 : memref<!tpu.dma_semaphore, #tpu.memory_space<semaphore_mem>>) src(%dma_wait3A_1955 : memref<1024xf32, #tpu.memory_space<vmem>>) dst(%dma_wait3A_1953 : memref<1024xf32, #tpu.memory_space<hbm>>)
        %dma_wait3A_1956 = arith.constant 6144 : i32
        %dma_wait3A_1957 = tpu.memref_slice %arg15[%dma_wait3A_1956] : memref<8192xf32, #tpu.memory_space<vmem>> -> memref<1024xf32, #tpu.memory_space<vmem>>
        %dma_wait3A_1958 = tpu.memref_slice %arg4[%multiple_of3A_1907] : memref<52428800xf32, #tpu.memory_space<hbm>> -> memref<1024xf32, #tpu.memory_space<hbm>>
        %dma_wait3A_1959 = tpu.memref_slice %arg4[%multiple_of3A_1907] : memref<52428800xf32, #tpu.memory_space<hbm>> -> memref<1024xf32, #tpu.memory_space<hbm>>
        %dma_wait3A_1960 = arith.constant 6144 : i32
        %dma_wait3A_1961 = tpu.memref_slice %arg15[%dma_wait3A_1960] : memref<8192xf32, #tpu.memory_space<vmem>> -> memref<1024xf32, #tpu.memory_space<vmem>>
        tpu.wait_dma2 semaphore(%arg30 : memref<!tpu.dma_semaphore, #tpu.memory_space<semaphore_mem>>) src(%dma_wait3A_1961 : memref<1024xf32, #tpu.memory_space<vmem>>) dst(%dma_wait3A_1959 : memref<1024xf32, #tpu.memory_space<hbm>>)
        %dma_wait3A_1962 = arith.constant 7168 : i32
        %dma_wait3A_1963 = tpu.memref_slice %arg15[%dma_wait3A_1962] : memref<8192xf32, #tpu.memory_space<vmem>> -> memref<1024xf32, #tpu.memory_space<vmem>>
        %dma_wait3A_1964 = tpu.memref_slice %arg4[%multiple_of3A_1919] : memref<52428800xf32, #tpu.memory_space<hbm>> -> memref<1024xf32, #tpu.memory_space<hbm>>
        %dma_wait3A_1965 = tpu.memref_slice %arg4[%multiple_of3A_1919] : memref<52428800xf32, #tpu.memory_space<hbm>> -> memref<1024xf32, #tpu.memory_space<hbm>>
        %dma_wait3A_1966 = arith.constant 7168 : i32
        %dma_wait3A_1967 = tpu.memref_slice %arg15[%dma_wait3A_1966] : memref<8192xf32, #tpu.memory_space<vmem>> -> memref<1024xf32, #tpu.memory_space<vmem>>
        tpu.wait_dma2 semaphore(%arg30 : memref<!tpu.dma_semaphore, #tpu.memory_space<semaphore_mem>>) src(%dma_wait3A_1967 : memref<1024xf32, #tpu.memory_space<vmem>>) dst(%dma_wait3A_1965 : memref<1024xf32, #tpu.memory_space<hbm>>)
      } else {
      }
      %lt3A_1251 = arith.constant 200 : i32
      %lt3A_1252 = arith.cmpi slt, %add3A_1242, %lt3A_1251 : i32
      %convert_element_type3A_1253 = arith.extui %lt3A_1252 : i1 to i32
      %cond3A_1254 = arith.constant 0 : i32
      %cond3A_1255 = arith.cmpi ne, %convert_element_type3A_1253, %cond3A_1254 : i32
      scf.if %cond3A_1255 {
        %add3A_1809 = arith.addi %mul3A_2, %add3A_1242 : i32
        %mul3A_1810 = arith.constant 512 : i32
        %mul3A_1811 = arith.muli %add3A_1809, %mul3A_1810 : i32
        %dma_wait3A_1812 = tpu.memref_slice %arg2[%mul3A_1811] : memref<3276800xi32, #tpu.memory_space<hbm>> -> memref<512xi32, #tpu.memory_space<hbm>>
        %dma_wait3A_1813 = tpu.memref_slice %arg2[%mul3A_1811] : memref<3276800xi32, #tpu.memory_space<hbm>> -> memref<512xi32, #tpu.memory_space<hbm>>
        tpu.wait_dma2 semaphore(%arg20 : memref<!tpu.dma_semaphore, #tpu.memory_space<semaphore_mem>>) src(%dma_wait3A_1813 : memref<512xi32, #tpu.memory_space<hbm>>) dst(%arg5 : memref<512xi32, #tpu.memory_space<vmem>>)
        %dma_start3A_1814 = arith.constant 0 : i32
        %dma_start3A_1815 = arith.constant 0 : i32
        %dma_start3A_1816 = tpu.memref_slice %arg3[%dma_start3A_1814, %dma_start3A_1815] : memref<1000192x16xf32, #tpu.memory_space<hbm>> -> memref<1000192x16xf32, #tpu.memory_space<hbm>>
        tpu.enqueue_indirect_dma source(%dma_start3A_1816 : memref<1000192x16xf32, #tpu.memory_space<hbm>>) target(%arg10 : memref<512x16xf32, #tpu.memory_space<vmem>>) offsets(%arg5 : memref<512xi32, #tpu.memory_space<vmem>>) semaphore(%arg25 : memref<!tpu.dma_semaphore, #tpu.memory_space<semaphore_mem>>)
      } else {
      }
      %dma_wait3A_1256 = arith.constant 0 : i32
      %dma_wait3A_1257 = arith.constant 0 : i32
      %dma_wait3A_1258 = tpu.memref_slice %arg3[%dma_wait3A_1256, %dma_wait3A_1257] : memref<1000192x16xf32, #tpu.memory_space<hbm>> -> memref<1000192x16xf32, #tpu.memory_space<hbm>>
      tpu.wait_indirect_dma semaphore(%arg27 : memref<!tpu.dma_semaphore, #tpu.memory_space<semaphore_mem>>) src(%dma_wait3A_1258 : memref<1000192x16xf32, #tpu.memory_space<hbm>>) dst(%arg12 : memref<512x16xf32, #tpu.memory_space<vmem>>)
      %parallel_loop3A_1259 = arith.constant 0 : i32
      %parallel_loop3A_1260 = arith.constant 512 : i32
      %parallel_loop3A_1261 = arith.constant 1 : i32
      scf.for %parallel_loop3A_1809 = %parallel_loop3A_1259 to %parallel_loop3A_1260 step %parallel_loop3A_1261  : i32 {
        %parallel_loop3A_1810 = vector.broadcast %parallel_loop3A_1809 : i32 to vector<16xi32>
        %parallel_loop3A_1811 = arith.subi %iota3A, %parallel_loop3A_1810 : vector<16xi32>
        %parallel_loop3A_1812 = arith.constant 15 : i32
        %parallel_loop3A_1813 = vector.broadcast %parallel_loop3A_1812 : i32 to vector<16xi32>
        %parallel_loop3A_1814 = arith.andi %parallel_loop3A_1811, %parallel_loop3A_1813 : vector<16xi32>
        %parallel_loop3A_1815 = arith.index_cast %parallel_loop3A_1809 : i32 to index
        %parallel_loop3A_1816 = arith.constant 0 : index
        %parallel_loop3A_1817 = tpu.vector_load %arg12[%parallel_loop3A_1815, %parallel_loop3A_1816] {strides = array<i32>} : memref<512x16xf32, #tpu.memory_space<vmem>>, vector<16xf32>,
        %parallel_loop3A_1818 = arith.constant 0 : i32
        %parallel_loop3A_1819 = vector.broadcast %parallel_loop3A_1818 : i32 to vector<16xi32>
        %parallel_loop3A_1820 = arith.cmpi slt, %parallel_loop3A_1814, %parallel_loop3A_1819 : vector<16xi32>
        %parallel_loop3A_1821 = arith.constant 16 : i32
        %parallel_loop3A_1822 = vector.broadcast %parallel_loop3A_1821 : i32 to vector<16xi32>
        %parallel_loop3A_1823 = arith.addi %parallel_loop3A_1814, %parallel_loop3A_1822 : vector<16xi32>
        %parallel_loop3A_1824 = arith.select %parallel_loop3A_1820, %parallel_loop3A_1823, %parallel_loop3A_1814 : vector<16xi1>, vector<16xi32>
        %parallel_loop3A_1825 = vector.shape_cast %parallel_loop3A_1824 : vector<16xi32> to vector<16x1xi32>
        %parallel_loop3A_1826 = vector.shape_cast %parallel_loop3A_1825 : vector<16x1xi32> to vector<16xi32>
        %parallel_loop3A_1827 = tpu.dynamic_gather %parallel_loop3A_1817[%parallel_loop3A_1826] in [0] : vector<16xf32>, vector<16xi32> -> vector<16xf32>
        %parallel_loop3A_1828 = arith.index_cast %parallel_loop3A_1809 : i32 to index
        %parallel_loop3A_1829 = arith.constant 0 : index
        %parallel_loop3A_1830 = tpu.vector_load %arg12[%parallel_loop3A_1828, %parallel_loop3A_1829] {strides = array<i32>} : memref<512x16xf32, #tpu.memory_space<vmem>>, vector<16xf32>,
        tpu.vector_store %arg12[%parallel_loop3A_1828, %parallel_loop3A_1829], %parallel_loop3A_1827 {strides = array<i32>} : memref<512x16xf32, #tpu.memory_space<vmem>>, vector<16xf32>,
      } {sc.loop_unroll_factor = 16 : i64, sc.parallel_access}
      %parallel_loop3A_1262 = arith.constant 0 : i32
      %parallel_loop3A_1263 = arith.constant 512 : i32
      %parallel_loop3A_1264 = arith.constant 1 : i32
      scf.for %parallel_loop3A_1809 = %parallel_loop3A_1262 to %parallel_loop3A_1263 step %parallel_loop3A_1264  : i32 {
        %parallel_loop3A_1810 = arith.constant 7 : i32
        %parallel_loop3A_1811 = arith.shrsi %parallel_loop3A_1809, %parallel_loop3A_1810 : i32
        %parallel_loop3A_1812 = arith.constant 4 : i32
        %parallel_loop3A_1813 = arith.shrsi %parallel_loop3A_1809, %parallel_loop3A_1812 : i32
        %parallel_loop3A_1814 = arith.constant 7 : i32
        %parallel_loop3A_1815 = arith.andi %parallel_loop3A_1813, %parallel_loop3A_1814 : i32
        %parallel_loop3A_1816 = arith.constant 4 : i32
        %parallel_loop3A_1817 = arith.shli %parallel_loop3A_1815, %parallel_loop3A_1816 : i32
        %parallel_loop3A_1818 = arith.constant 15 : i32
        %parallel_loop3A_1819 = arith.andi %parallel_loop3A_1809, %parallel_loop3A_1818 : i32
        %parallel_loop3A_1820 = arith.constant 7 : i32
        %parallel_loop3A_1821 = arith.shli %parallel_loop3A_1811, %parallel_loop3A_1820 : i32
        %parallel_loop3A_1822 = arith.addi %parallel_loop3A_1821, %parallel_loop3A_1817 : i32
        %parallel_loop3A_1823 = vector.broadcast %parallel_loop3A_1822 : i32 to vector<16xi32>
        %parallel_loop3A_1824 = arith.addi %parallel_loop3A_1823, %iota3A : vector<16xi32>
        %parallel_loop3A_1825 = vector.broadcast %parallel_loop3A_1819 : i32 to vector<16xi32>
        %parallel_loop3A_1826 = arith.addi %parallel_loop3A_1825, %parallel_loop3A_1824 : vector<16xi32>
        %parallel_loop3A_1827 = arith.constant 15 : i32
        %parallel_loop3A_1828 = vector.broadcast %parallel_loop3A_1827 : i32 to vector<16xi32>
        %parallel_loop3A_1829 = arith.andi %parallel_loop3A_1826, %parallel_loop3A_1828 : vector<16xi32>
        %parallel_loop3A_1830 = tpu.vector_load_idx %arg12[%parallel_loop3A_1824, %parallel_loop3A_1829] : memref<512x16xf32, #tpu.memory_space<vmem>>[vector<16xi32>, vector<16xi32>], vector<16xf32>,
        %parallel_loop3A_1831 = arith.constant 11 : i32
        %parallel_loop3A_1832 = arith.shli %parallel_loop3A_1811, %parallel_loop3A_1831 : i32
        %parallel_loop3A_1833 = arith.constant 3 : i32
        %parallel_loop3A_1834 = arith.shrsi %parallel_loop3A_1819, %parallel_loop3A_1833 : i32
        %parallel_loop3A_1835 = arith.constant 10 : i32
        %parallel_loop3A_1836 = arith.shli %parallel_loop3A_1834, %parallel_loop3A_1835 : i32
        %parallel_loop3A_1837 = arith.addi %parallel_loop3A_1832, %parallel_loop3A_1836 : i32
        %parallel_loop3A_1838 = arith.constant 7 : i32
        %parallel_loop3A_1839 = arith.andi %parallel_loop3A_1819, %parallel_loop3A_1838 : i32
        %parallel_loop3A_1840 = arith.constant 7 : i32
        %parallel_loop3A_1841 = arith.shli %parallel_loop3A_1839, %parallel_loop3A_1840 : i32
        %parallel_loop3A_1842 = arith.addi %parallel_loop3A_1837, %parallel_loop3A_1841 : i32
        %parallel_loop3A_1843 = arith.addi %parallel_loop3A_1842, %parallel_loop3A_1817 : i32
        %parallel_loop3A_1844 = tpu.assume_multiple %parallel_loop3A_1843, 16 : i32
        %parallel_loop3A_1845 = arith.index_cast %parallel_loop3A_1844 : i32 to index
        %parallel_loop3A_1846 = tpu.vector_load %arg17[%parallel_loop3A_1845] {strides = array<i32>} : memref<8192xf32, #tpu.memory_space<vmem>>, vector<16xf32>,
        tpu.vector_store %arg17[%parallel_loop3A_1845], %parallel_loop3A_1830 {strides = array<i32>} : memref<8192xf32, #tpu.memory_space<vmem>>, vector<16xf32>,
      } {sc.loop_unroll_factor = 16 : i64, sc.parallel_access}
      %add3A_1265 = arith.addi %mul3A_2, %add3A_1233 : i32
      %shift_right_arithmetic3A_1266 = arith.constant 8 : i32
      %shift_right_arithmetic3A_1267 = arith.shrsi %add3A_1265, %shift_right_arithmetic3A_1266 : i32
      %shift_left3A_1268 = arith.constant 3 : i32
      %shift_left3A_1269 = arith.shli %shift_right_arithmetic3A_1267, %shift_left3A_1268 : i32
      %and3A_1270 = arith.constant 1 : i32
      %and3A_1271 = arith.andi %add3A_1265, %and3A_1270 : i32
      %shift_left3A_1272 = arith.constant 2 : i32
      %shift_left3A_1273 = arith.shli %and3A_1271, %shift_left3A_1272 : i32
      %add3A_1274 = arith.addi %shift_left3A_1269, %shift_left3A_1273 : i32
      %shift_right_arithmetic3A_1275 = arith.constant 1 : i32
      %shift_right_arithmetic3A_1276 = arith.shrsi %add3A_1265, %shift_right_arithmetic3A_1275 : i32
      %and3A_1277 = arith.constant 127 : i32
      %and3A_1278 = arith.andi %shift_right_arithmetic3A_1276, %and3A_1277 : i32
      %add3A_1279 = arith.constant 0 : i32
      %add3A_1280 = arith.addi %add3A_1274, %add3A_1279 : i32
      %shift_left3A_1281 = arith.constant 1 : i32
      %shift_left3A_1282 = arith.shli %add3A_1280, %shift_left3A_1281 : i32
      %add3A_1283 = arith.constant 0 : i32
      %add3A_1284 = arith.addi %shift_left3A_1282, %add3A_1283 : i32
      %mul3A_1285 = arith.constant 128 : i32
      %mul3A_1286 = arith.muli %add3A_1284, %mul3A_1285 : i32
      %add3A_1287 = arith.addi %mul3A_1286, %and3A_1278 : i32
      %shift_left3A_1288 = arith.constant 10 : i32
      %shift_left3A_1289 = arith.shli %add3A_1287, %shift_left3A_1288 : i32
      %multiple_of3A_1290 = tpu.assume_multiple %shift_left3A_1289, 1024 : i32
      %add3A_1291 = arith.constant 0 : i32
      %add3A_1292 = arith.addi %add3A_1274, %add3A_1291 : i32
      %shift_left3A_1293 = arith.constant 1 : i32
      %shift_left3A_1294 = arith.shli %add3A_1292, %shift_left3A_1293 : i32
      %add3A_1295 = arith.constant 1 : i32
      %add3A_1296 = arith.addi %shift_left3A_1294, %add3A_1295 : i32
      %mul3A_1297 = arith.constant 128 : i32
      %mul3A_1298 = arith.muli %add3A_1296, %mul3A_1297 : i32
      %add3A_1299 = arith.addi %mul3A_1298, %and3A_1278 : i32
      %shift_left3A_1300 = arith.constant 10 : i32
      %shift_left3A_1301 = arith.shli %add3A_1299, %shift_left3A_1300 : i32
      %multiple_of3A_1302 = tpu.assume_multiple %shift_left3A_1301, 1024 : i32
      %add3A_1303 = arith.constant 1 : i32
      %add3A_1304 = arith.addi %add3A_1274, %add3A_1303 : i32
      %shift_left3A_1305 = arith.constant 1 : i32
      %shift_left3A_1306 = arith.shli %add3A_1304, %shift_left3A_1305 : i32
      %add3A_1307 = arith.constant 0 : i32
      %add3A_1308 = arith.addi %shift_left3A_1306, %add3A_1307 : i32
      %mul3A_1309 = arith.constant 128 : i32
      %mul3A_1310 = arith.muli %add3A_1308, %mul3A_1309 : i32
      %add3A_1311 = arith.addi %mul3A_1310, %and3A_1278 : i32
      %shift_left3A_1312 = arith.constant 10 : i32
      %shift_left3A_1313 = arith.shli %add3A_1311, %shift_left3A_1312 : i32
      %multiple_of3A_1314 = tpu.assume_multiple %shift_left3A_1313, 1024 : i32
      %add3A_1315 = arith.constant 1 : i32
      %add3A_1316 = arith.addi %add3A_1274, %add3A_1315 : i32
      %shift_left3A_1317 = arith.constant 1 : i32
      %shift_left3A_1318 = arith.shli %add3A_1316, %shift_left3A_1317 : i32
      %add3A_1319 = arith.constant 1 : i32
      %add3A_1320 = arith.addi %shift_left3A_1318, %add3A_1319 : i32
      %mul3A_1321 = arith.constant 128 : i32
      %mul3A_1322 = arith.muli %add3A_1320, %mul3A_1321 : i32
      %add3A_1323 = arith.addi %mul3A_1322, %and3A_1278 : i32
      %shift_left3A_1324 = arith.constant 10 : i32
      %shift_left3A_1325 = arith.shli %add3A_1323, %shift_left3A_1324 : i32
      %multiple_of3A_1326 = tpu.assume_multiple %shift_left3A_1325, 1024 : i32
      %add3A_1327 = arith.constant 2 : i32
      %add3A_1328 = arith.addi %add3A_1274, %add3A_1327 : i32
      %shift_left3A_1329 = arith.constant 1 : i32
      %shift_left3A_1330 = arith.shli %add3A_1328, %shift_left3A_1329 : i32
      %add3A_1331 = arith.constant 0 : i32
      %add3A_1332 = arith.addi %shift_left3A_1330, %add3A_1331 : i32
      %mul3A_1333 = arith.constant 128 : i32
      %mul3A_1334 = arith.muli %add3A_1332, %mul3A_1333 : i32
      %add3A_1335 = arith.addi %mul3A_1334, %and3A_1278 : i32
      %shift_left3A_1336 = arith.constant 10 : i32
      %shift_left3A_1337 = arith.shli %add3A_1335, %shift_left3A_1336 : i32
      %multiple_of3A_1338 = tpu.assume_multiple %shift_left3A_1337, 1024 : i32
      %add3A_1339 = arith.constant 2 : i32
      %add3A_1340 = arith.addi %add3A_1274, %add3A_1339 : i32
      %shift_left3A_1341 = arith.constant 1 : i32
      %shift_left3A_1342 = arith.shli %add3A_1340, %shift_left3A_1341 : i32
      %add3A_1343 = arith.constant 1 : i32
      %add3A_1344 = arith.addi %shift_left3A_1342, %add3A_1343 : i32
      %mul3A_1345 = arith.constant 128 : i32
      %mul3A_1346 = arith.muli %add3A_1344, %mul3A_1345 : i32
      %add3A_1347 = arith.addi %mul3A_1346, %and3A_1278 : i32
      %shift_left3A_1348 = arith.constant 10 : i32
      %shift_left3A_1349 = arith.shli %add3A_1347, %shift_left3A_1348 : i32
      %multiple_of3A_1350 = tpu.assume_multiple %shift_left3A_1349, 1024 : i32
      %add3A_1351 = arith.constant 3 : i32
      %add3A_1352 = arith.addi %add3A_1274, %add3A_1351 : i32
      %shift_left3A_1353 = arith.constant 1 : i32
      %shift_left3A_1354 = arith.shli %add3A_1352, %shift_left3A_1353 : i32
      %add3A_1355 = arith.constant 0 : i32
      %add3A_1356 = arith.addi %shift_left3A_1354, %add3A_1355 : i32
      %mul3A_1357 = arith.constant 128 : i32
      %mul3A_1358 = arith.muli %add3A_1356, %mul3A_1357 : i32
      %add3A_1359 = arith.addi %mul3A_1358, %and3A_1278 : i32
      %shift_left3A_1360 = arith.constant 10 : i32
      %shift_left3A_1361 = arith.shli %add3A_1359, %shift_left3A_1360 : i32
      %multiple_of3A_1362 = tpu.assume_multiple %shift_left3A_1361, 1024 : i32
      %add3A_1363 = arith.constant 3 : i32
      %add3A_1364 = arith.addi %add3A_1274, %add3A_1363 : i32
      %shift_left3A_1365 = arith.constant 1 : i32
      %shift_left3A_1366 = arith.shli %add3A_1364, %shift_left3A_1365 : i32
      %add3A_1367 = arith.constant 1 : i32
      %add3A_1368 = arith.addi %shift_left3A_1366, %add3A_1367 : i32
      %mul3A_1369 = arith.constant 128 : i32
      %mul3A_1370 = arith.muli %add3A_1368, %mul3A_1369 : i32
      %add3A_1371 = arith.addi %mul3A_1370, %and3A_1278 : i32
      %shift_left3A_1372 = arith.constant 10 : i32
      %shift_left3A_1373 = arith.shli %add3A_1371, %shift_left3A_1372 : i32
      %multiple_of3A_1374 = tpu.assume_multiple %shift_left3A_1373, 1024 : i32
      %dma_start3A_1375 = arith.constant 0 : i32
      %dma_start3A_1376 = tpu.memref_slice %arg17[%dma_start3A_1375] : memref<8192xf32, #tpu.memory_space<vmem>> -> memref<1024xf32, #tpu.memory_space<vmem>>
      %dma_start3A_1377 = tpu.memref_slice %arg4[%multiple_of3A_1290] : memref<52428800xf32, #tpu.memory_space<hbm>> -> memref<1024xf32, #tpu.memory_space<hbm>>
      %dma_start3A_1378 = tpu.memref_slice %arg4[%multiple_of3A_1290] : memref<52428800xf32, #tpu.memory_space<hbm>> -> memref<1024xf32, #tpu.memory_space<hbm>>
      %dma_start3A_1379 = arith.constant 0 : i32
      %dma_start3A_1380 = tpu.memref_slice %arg17[%dma_start3A_1379] : memref<8192xf32, #tpu.memory_space<vmem>> -> memref<1024xf32, #tpu.memory_space<vmem>>
      tpu.enqueue_dma source(%dma_start3A_1380 : memref<1024xf32, #tpu.memory_space<vmem>>) target(%dma_start3A_1378 : memref<1024xf32, #tpu.memory_space<hbm>>) target_semaphore(%arg32 : memref<!tpu.dma_semaphore, #tpu.memory_space<semaphore_mem>>)
      %dma_start3A_1381 = arith.constant 1024 : i32
      %dma_start3A_1382 = tpu.memref_slice %arg17[%dma_start3A_1381] : memref<8192xf32, #tpu.memory_space<vmem>> -> memref<1024xf32, #tpu.memory_space<vmem>>
      %dma_start3A_1383 = tpu.memref_slice %arg4[%multiple_of3A_1302] : memref<52428800xf32, #tpu.memory_space<hbm>> -> memref<1024xf32, #tpu.memory_space<hbm>>
      %dma_start3A_1384 = tpu.memref_slice %arg4[%multiple_of3A_1302] : memref<52428800xf32, #tpu.memory_space<hbm>> -> memref<1024xf32, #tpu.memory_space<hbm>>
      %dma_start3A_1385 = arith.constant 1024 : i32
      %dma_start3A_1386 = tpu.memref_slice %arg17[%dma_start3A_1385] : memref<8192xf32, #tpu.memory_space<vmem>> -> memref<1024xf32, #tpu.memory_space<vmem>>
      tpu.enqueue_dma source(%dma_start3A_1386 : memref<1024xf32, #tpu.memory_space<vmem>>) target(%dma_start3A_1384 : memref<1024xf32, #tpu.memory_space<hbm>>) target_semaphore(%arg32 : memref<!tpu.dma_semaphore, #tpu.memory_space<semaphore_mem>>)
      %dma_start3A_1387 = arith.constant 2048 : i32
      %dma_start3A_1388 = tpu.memref_slice %arg17[%dma_start3A_1387] : memref<8192xf32, #tpu.memory_space<vmem>> -> memref<1024xf32, #tpu.memory_space<vmem>>
      %dma_start3A_1389 = tpu.memref_slice %arg4[%multiple_of3A_1314] : memref<52428800xf32, #tpu.memory_space<hbm>> -> memref<1024xf32, #tpu.memory_space<hbm>>
      %dma_start3A_1390 = tpu.memref_slice %arg4[%multiple_of3A_1314] : memref<52428800xf32, #tpu.memory_space<hbm>> -> memref<1024xf32, #tpu.memory_space<hbm>>
      %dma_start3A_1391 = arith.constant 2048 : i32
      %dma_start3A_1392 = tpu.memref_slice %arg17[%dma_start3A_1391] : memref<8192xf32, #tpu.memory_space<vmem>> -> memref<1024xf32, #tpu.memory_space<vmem>>
      tpu.enqueue_dma source(%dma_start3A_1392 : memref<1024xf32, #tpu.memory_space<vmem>>) target(%dma_start3A_1390 : memref<1024xf32, #tpu.memory_space<hbm>>) target_semaphore(%arg32 : memref<!tpu.dma_semaphore, #tpu.memory_space<semaphore_mem>>)
      %dma_start3A_1393 = arith.constant 3072 : i32
      %dma_start3A_1394 = tpu.memref_slice %arg17[%dma_start3A_1393] : memref<8192xf32, #tpu.memory_space<vmem>> -> memref<1024xf32, #tpu.memory_space<vmem>>
      %dma_start3A_1395 = tpu.memref_slice %arg4[%multiple_of3A_1326] : memref<52428800xf32, #tpu.memory_space<hbm>> -> memref<1024xf32, #tpu.memory_space<hbm>>
      %dma_start3A_1396 = tpu.memref_slice %arg4[%multiple_of3A_1326] : memref<52428800xf32, #tpu.memory_space<hbm>> -> memref<1024xf32, #tpu.memory_space<hbm>>
      %dma_start3A_1397 = arith.constant 3072 : i32
      %dma_start3A_1398 = tpu.memref_slice %arg17[%dma_start3A_1397] : memref<8192xf32, #tpu.memory_space<vmem>> -> memref<1024xf32, #tpu.memory_space<vmem>>
      tpu.enqueue_dma source(%dma_start3A_1398 : memref<1024xf32, #tpu.memory_space<vmem>>) target(%dma_start3A_1396 : memref<1024xf32, #tpu.memory_space<hbm>>) target_semaphore(%arg32 : memref<!tpu.dma_semaphore, #tpu.memory_space<semaphore_mem>>)
      %dma_start3A_1399 = arith.constant 4096 : i32
      %dma_start3A_1400 = tpu.memref_slice %arg17[%dma_start3A_1399] : memref<8192xf32, #tpu.memory_space<vmem>> -> memref<1024xf32, #tpu.memory_space<vmem>>
      %dma_start3A_1401 = tpu.memref_slice %arg4[%multiple_of3A_1338] : memref<52428800xf32, #tpu.memory_space<hbm>> -> memref<1024xf32, #tpu.memory_space<hbm>>
      %dma_start3A_1402 = tpu.memref_slice %arg4[%multiple_of3A_1338] : memref<52428800xf32, #tpu.memory_space<hbm>> -> memref<1024xf32, #tpu.memory_space<hbm>>
      %dma_start3A_1403 = arith.constant 4096 : i32
      %dma_start3A_1404 = tpu.memref_slice %arg17[%dma_start3A_1403] : memref<8192xf32, #tpu.memory_space<vmem>> -> memref<1024xf32, #tpu.memory_space<vmem>>
      tpu.enqueue_dma source(%dma_start3A_1404 : memref<1024xf32, #tpu.memory_space<vmem>>) target(%dma_start3A_1402 : memref<1024xf32, #tpu.memory_space<hbm>>) target_semaphore(%arg32 : memref<!tpu.dma_semaphore, #tpu.memory_space<semaphore_mem>>)
      %dma_start3A_1405 = arith.constant 5120 : i32
      %dma_start3A_1406 = tpu.memref_slice %arg17[%dma_start3A_1405] : memref<8192xf32, #tpu.memory_space<vmem>> -> memref<1024xf32, #tpu.memory_space<vmem>>
      %dma_start3A_1407 = tpu.memref_slice %arg4[%multiple_of3A_1350] : memref<52428800xf32, #tpu.memory_space<hbm>> -> memref<1024xf32, #tpu.memory_space<hbm>>
      %dma_start3A_1408 = tpu.memref_slice %arg4[%multiple_of3A_1350] : memref<52428800xf32, #tpu.memory_space<hbm>> -> memref<1024xf32, #tpu.memory_space<hbm>>
      %dma_start3A_1409 = arith.constant 5120 : i32
      %dma_start3A_1410 = tpu.memref_slice %arg17[%dma_start3A_1409] : memref<8192xf32, #tpu.memory_space<vmem>> -> memref<1024xf32, #tpu.memory_space<vmem>>
      tpu.enqueue_dma source(%dma_start3A_1410 : memref<1024xf32, #tpu.memory_space<vmem>>) target(%dma_start3A_1408 : memref<1024xf32, #tpu.memory_space<hbm>>) target_semaphore(%arg32 : memref<!tpu.dma_semaphore, #tpu.memory_space<semaphore_mem>>)
      %dma_start3A_1411 = arith.constant 6144 : i32
      %dma_start3A_1412 = tpu.memref_slice %arg17[%dma_start3A_1411] : memref<8192xf32, #tpu.memory_space<vmem>> -> memref<1024xf32, #tpu.memory_space<vmem>>
      %dma_start3A_1413 = tpu.memref_slice %arg4[%multiple_of3A_1362] : memref<52428800xf32, #tpu.memory_space<hbm>> -> memref<1024xf32, #tpu.memory_space<hbm>>
      %dma_start3A_1414 = tpu.memref_slice %arg4[%multiple_of3A_1362] : memref<52428800xf32, #tpu.memory_space<hbm>> -> memref<1024xf32, #tpu.memory_space<hbm>>
      %dma_start3A_1415 = arith.constant 6144 : i32
      %dma_start3A_1416 = tpu.memref_slice %arg17[%dma_start3A_1415] : memref<8192xf32, #tpu.memory_space<vmem>> -> memref<1024xf32, #tpu.memory_space<vmem>>
      tpu.enqueue_dma source(%dma_start3A_1416 : memref<1024xf32, #tpu.memory_space<vmem>>) target(%dma_start3A_1414 : memref<1024xf32, #tpu.memory_space<hbm>>) target_semaphore(%arg32 : memref<!tpu.dma_semaphore, #tpu.memory_space<semaphore_mem>>)
      %dma_start3A_1417 = arith.constant 7168 : i32
      %dma_start3A_1418 = tpu.memref_slice %arg17[%dma_start3A_1417] : memref<8192xf32, #tpu.memory_space<vmem>> -> memref<1024xf32, #tpu.memory_space<vmem>>
      %dma_start3A_1419 = tpu.memref_slice %arg4[%multiple_of3A_1374] : memref<52428800xf32, #tpu.memory_space<hbm>> -> memref<1024xf32, #tpu.memory_space<hbm>>
      %dma_start3A_1420 = tpu.memref_slice %arg4[%multiple_of3A_1374] : memref<52428800xf32, #tpu.memory_space<hbm>> -> memref<1024xf32, #tpu.memory_space<hbm>>
      %dma_start3A_1421 = arith.constant 7168 : i32
      %dma_start3A_1422 = tpu.memref_slice %arg17[%dma_start3A_1421] : memref<8192xf32, #tpu.memory_space<vmem>> -> memref<1024xf32, #tpu.memory_space<vmem>>
      tpu.enqueue_dma source(%dma_start3A_1422 : memref<1024xf32, #tpu.memory_space<vmem>>) target(%dma_start3A_1420 : memref<1024xf32, #tpu.memory_space<hbm>>) target_semaphore(%arg32 : memref<!tpu.dma_semaphore, #tpu.memory_space<semaphore_mem>>)
      %mul3A_1423 = arith.constant 5 : i32
      %mul3A_1424 = arith.muli %scan3A_848, %mul3A_1423 : i32
      %add3A_1425 = arith.constant 3 : i32
      %add3A_1426 = arith.addi %mul3A_1424, %add3A_1425 : i32
      %add3A_1427 = arith.constant 4 : i32
      %add3A_1428 = arith.addi %add3A_1426, %add3A_1427 : i32
      %lt3A_1429 = arith.constant 200 : i32
      %lt3A_1430 = arith.cmpi slt, %add3A_1428, %lt3A_1429 : i32
      %convert_element_type3A_1431 = arith.extui %lt3A_1430 : i1 to i32
      %cond3A_1432 = arith.constant 0 : i32
      %cond3A_1433 = arith.cmpi ne, %convert_element_type3A_1431, %cond3A_1432 : i32
      scf.if %cond3A_1433 {
        %add3A_1809 = arith.addi %mul3A_2, %add3A_1428 : i32
        %mul3A_1810 = arith.constant 512 : i32
        %mul3A_1811 = arith.muli %add3A_1809, %mul3A_1810 : i32
        %dma_start3A_1812 = tpu.memref_slice %arg2[%mul3A_1811] : memref<3276800xi32, #tpu.memory_space<hbm>> -> memref<512xi32, #tpu.memory_space<hbm>>
        %dma_start3A_1813 = tpu.memref_slice %arg2[%mul3A_1811] : memref<3276800xi32, #tpu.memory_space<hbm>> -> memref<512xi32, #tpu.memory_space<hbm>>
        tpu.enqueue_dma source(%dma_start3A_1813 : memref<512xi32, #tpu.memory_space<hbm>>) target(%arg7 : memref<512xi32, #tpu.memory_space<vmem>>) target_semaphore(%arg22 : memref<!tpu.dma_semaphore, #tpu.memory_space<semaphore_mem>>)
      } else {
      }
      %add3A_1434 = arith.constant 3 : i32
      %add3A_1435 = arith.addi %add3A_1426, %add3A_1434 : i32
      %lt3A_1436 = arith.constant 200 : i32
      %lt3A_1437 = arith.cmpi slt, %add3A_1435, %lt3A_1436 : i32
      %ge3A_1438 = arith.constant 5 : i32
      %ge3A_1439 = arith.cmpi sge, %add3A_1435, %ge3A_1438 : i32
      %and3A_1440 = arith.andi %lt3A_1437, %ge3A_1439 : i1
      %convert_element_type3A_1441 = arith.extui %and3A_1440 : i1 to i32
      %cond3A_1442 = arith.constant 0 : i32
      %cond3A_1443 = arith.cmpi ne, %convert_element_type3A_1441, %cond3A_1442 : i32
      scf.if %cond3A_1443 {
        %sub3A = arith.constant 5 : i32
        %sub3A_1809 = arith.subi %add3A_1435, %sub3A : i32
        %add3A_1810 = arith.addi %mul3A_2, %sub3A_1809 : i32
        %shift_right_arithmetic3A_1811 = arith.constant 8 : i32
        %shift_right_arithmetic3A_1812 = arith.shrsi %add3A_1810, %shift_right_arithmetic3A_1811 : i32
        %shift_left3A_1813 = arith.constant 3 : i32
        %shift_left3A_1814 = arith.shli %shift_right_arithmetic3A_1812, %shift_left3A_1813 : i32
        %and3A_1815 = arith.constant 1 : i32
        %and3A_1816 = arith.andi %add3A_1810, %and3A_1815 : i32
        %shift_left3A_1817 = arith.constant 2 : i32
        %shift_left3A_1818 = arith.shli %and3A_1816, %shift_left3A_1817 : i32
        %add3A_1819 = arith.addi %shift_left3A_1814, %shift_left3A_1818 : i32
        %shift_right_arithmetic3A_1820 = arith.constant 1 : i32
        %shift_right_arithmetic3A_1821 = arith.shrsi %add3A_1810, %shift_right_arithmetic3A_1820 : i32
        %and3A_1822 = arith.constant 127 : i32
        %and3A_1823 = arith.andi %shift_right_arithmetic3A_1821, %and3A_1822 : i32
        %add3A_1824 = arith.constant 0 : i32
        %add3A_1825 = arith.addi %add3A_1819, %add3A_1824 : i32
        %shift_left3A_1826 = arith.constant 1 : i32
        %shift_left3A_1827 = arith.shli %add3A_1825, %shift_left3A_1826 : i32
        %add3A_1828 = arith.constant 0 : i32
        %add3A_1829 = arith.addi %shift_left3A_1827, %add3A_1828 : i32
        %mul3A_1830 = arith.constant 128 : i32
        %mul3A_1831 = arith.muli %add3A_1829, %mul3A_1830 : i32
        %add3A_1832 = arith.addi %mul3A_1831, %and3A_1823 : i32
        %shift_left3A_1833 = arith.constant 10 : i32
        %shift_left3A_1834 = arith.shli %add3A_1832, %shift_left3A_1833 : i32
        %multiple_of3A_1835 = tpu.assume_multiple %shift_left3A_1834, 1024 : i32
        %add3A_1836 = arith.constant 0 : i32
        %add3A_1837 = arith.addi %add3A_1819, %add3A_1836 : i32
        %shift_left3A_1838 = arith.constant 1 : i32
        %shift_left3A_1839 = arith.shli %add3A_1837, %shift_left3A_1838 : i32
        %add3A_1840 = arith.constant 1 : i32
        %add3A_1841 = arith.addi %shift_left3A_1839, %add3A_1840 : i32
        %mul3A_1842 = arith.constant 128 : i32
        %mul3A_1843 = arith.muli %add3A_1841, %mul3A_1842 : i32
        %add3A_1844 = arith.addi %mul3A_1843, %and3A_1823 : i32
        %shift_left3A_1845 = arith.constant 10 : i32
        %shift_left3A_1846 = arith.shli %add3A_1844, %shift_left3A_1845 : i32
        %multiple_of3A_1847 = tpu.assume_multiple %shift_left3A_1846, 1024 : i32
        %add3A_1848 = arith.constant 1 : i32
        %add3A_1849 = arith.addi %add3A_1819, %add3A_1848 : i32
        %shift_left3A_1850 = arith.constant 1 : i32
        %shift_left3A_1851 = arith.shli %add3A_1849, %shift_left3A_1850 : i32
        %add3A_1852 = arith.constant 0 : i32
        %add3A_1853 = arith.addi %shift_left3A_1851, %add3A_1852 : i32
        %mul3A_1854 = arith.constant 128 : i32
        %mul3A_1855 = arith.muli %add3A_1853, %mul3A_1854 : i32
        %add3A_1856 = arith.addi %mul3A_1855, %and3A_1823 : i32
        %shift_left3A_1857 = arith.constant 10 : i32
        %shift_left3A_1858 = arith.shli %add3A_1856, %shift_left3A_1857 : i32
        %multiple_of3A_1859 = tpu.assume_multiple %shift_left3A_1858, 1024 : i32
        %add3A_1860 = arith.constant 1 : i32
        %add3A_1861 = arith.addi %add3A_1819, %add3A_1860 : i32
        %shift_left3A_1862 = arith.constant 1 : i32
        %shift_left3A_1863 = arith.shli %add3A_1861, %shift_left3A_1862 : i32
        %add3A_1864 = arith.constant 1 : i32
        %add3A_1865 = arith.addi %shift_left3A_1863, %add3A_1864 : i32
        %mul3A_1866 = arith.constant 128 : i32
        %mul3A_1867 = arith.muli %add3A_1865, %mul3A_1866 : i32
        %add3A_1868 = arith.addi %mul3A_1867, %and3A_1823 : i32
        %shift_left3A_1869 = arith.constant 10 : i32
        %shift_left3A_1870 = arith.shli %add3A_1868, %shift_left3A_1869 : i32
        %multiple_of3A_1871 = tpu.assume_multiple %shift_left3A_1870, 1024 : i32
        %add3A_1872 = arith.constant 2 : i32
        %add3A_1873 = arith.addi %add3A_1819, %add3A_1872 : i32
        %shift_left3A_1874 = arith.constant 1 : i32
        %shift_left3A_1875 = arith.shli %add3A_1873, %shift_left3A_1874 : i32
        %add3A_1876 = arith.constant 0 : i32
        %add3A_1877 = arith.addi %shift_left3A_1875, %add3A_1876 : i32
        %mul3A_1878 = arith.constant 128 : i32
        %mul3A_1879 = arith.muli %add3A_1877, %mul3A_1878 : i32
        %add3A_1880 = arith.addi %mul3A_1879, %and3A_1823 : i32
        %shift_left3A_1881 = arith.constant 10 : i32
        %shift_left3A_1882 = arith.shli %add3A_1880, %shift_left3A_1881 : i32
        %multiple_of3A_1883 = tpu.assume_multiple %shift_left3A_1882, 1024 : i32
        %add3A_1884 = arith.constant 2 : i32
        %add3A_1885 = arith.addi %add3A_1819, %add3A_1884 : i32
        %shift_left3A_1886 = arith.constant 1 : i32
        %shift_left3A_1887 = arith.shli %add3A_1885, %shift_left3A_1886 : i32
        %add3A_1888 = arith.constant 1 : i32
        %add3A_1889 = arith.addi %shift_left3A_1887, %add3A_1888 : i32
        %mul3A_1890 = arith.constant 128 : i32
        %mul3A_1891 = arith.muli %add3A_1889, %mul3A_1890 : i32
        %add3A_1892 = arith.addi %mul3A_1891, %and3A_1823 : i32
        %shift_left3A_1893 = arith.constant 10 : i32
        %shift_left3A_1894 = arith.shli %add3A_1892, %shift_left3A_1893 : i32
        %multiple_of3A_1895 = tpu.assume_multiple %shift_left3A_1894, 1024 : i32
        %add3A_1896 = arith.constant 3 : i32
        %add3A_1897 = arith.addi %add3A_1819, %add3A_1896 : i32
        %shift_left3A_1898 = arith.constant 1 : i32
        %shift_left3A_1899 = arith.shli %add3A_1897, %shift_left3A_1898 : i32
        %add3A_1900 = arith.constant 0 : i32
        %add3A_1901 = arith.addi %shift_left3A_1899, %add3A_1900 : i32
        %mul3A_1902 = arith.constant 128 : i32
        %mul3A_1903 = arith.muli %add3A_1901, %mul3A_1902 : i32
        %add3A_1904 = arith.addi %mul3A_1903, %and3A_1823 : i32
        %shift_left3A_1905 = arith.constant 10 : i32
        %shift_left3A_1906 = arith.shli %add3A_1904, %shift_left3A_1905 : i32
        %multiple_of3A_1907 = tpu.assume_multiple %shift_left3A_1906, 1024 : i32
        %add3A_1908 = arith.constant 3 : i32
        %add3A_1909 = arith.addi %add3A_1819, %add3A_1908 : i32
        %shift_left3A_1910 = arith.constant 1 : i32
        %shift_left3A_1911 = arith.shli %add3A_1909, %shift_left3A_1910 : i32
        %add3A_1912 = arith.constant 1 : i32
        %add3A_1913 = arith.addi %shift_left3A_1911, %add3A_1912 : i32
        %mul3A_1914 = arith.constant 128 : i32
        %mul3A_1915 = arith.muli %add3A_1913, %mul3A_1914 : i32
        %add3A_1916 = arith.addi %mul3A_1915, %and3A_1823 : i32
        %shift_left3A_1917 = arith.constant 10 : i32
        %shift_left3A_1918 = arith.shli %add3A_1916, %shift_left3A_1917 : i32
        %multiple_of3A_1919 = tpu.assume_multiple %shift_left3A_1918, 1024 : i32
        %dma_wait3A_1920 = arith.constant 0 : i32
        %dma_wait3A_1921 = tpu.memref_slice %arg16[%dma_wait3A_1920] : memref<8192xf32, #tpu.memory_space<vmem>> -> memref<1024xf32, #tpu.memory_space<vmem>>
        %dma_wait3A_1922 = tpu.memref_slice %arg4[%multiple_of3A_1835] : memref<52428800xf32, #tpu.memory_space<hbm>> -> memref<1024xf32, #tpu.memory_space<hbm>>
        %dma_wait3A_1923 = tpu.memref_slice %arg4[%multiple_of3A_1835] : memref<52428800xf32, #tpu.memory_space<hbm>> -> memref<1024xf32, #tpu.memory_space<hbm>>
        %dma_wait3A_1924 = arith.constant 0 : i32
        %dma_wait3A_1925 = tpu.memref_slice %arg16[%dma_wait3A_1924] : memref<8192xf32, #tpu.memory_space<vmem>> -> memref<1024xf32, #tpu.memory_space<vmem>>
        tpu.wait_dma2 semaphore(%arg31 : memref<!tpu.dma_semaphore, #tpu.memory_space<semaphore_mem>>) src(%dma_wait3A_1925 : memref<1024xf32, #tpu.memory_space<vmem>>) dst(%dma_wait3A_1923 : memref<1024xf32, #tpu.memory_space<hbm>>)
        %dma_wait3A_1926 = arith.constant 1024 : i32
        %dma_wait3A_1927 = tpu.memref_slice %arg16[%dma_wait3A_1926] : memref<8192xf32, #tpu.memory_space<vmem>> -> memref<1024xf32, #tpu.memory_space<vmem>>
        %dma_wait3A_1928 = tpu.memref_slice %arg4[%multiple_of3A_1847] : memref<52428800xf32, #tpu.memory_space<hbm>> -> memref<1024xf32, #tpu.memory_space<hbm>>
        %dma_wait3A_1929 = tpu.memref_slice %arg4[%multiple_of3A_1847] : memref<52428800xf32, #tpu.memory_space<hbm>> -> memref<1024xf32, #tpu.memory_space<hbm>>
        %dma_wait3A_1930 = arith.constant 1024 : i32
        %dma_wait3A_1931 = tpu.memref_slice %arg16[%dma_wait3A_1930] : memref<8192xf32, #tpu.memory_space<vmem>> -> memref<1024xf32, #tpu.memory_space<vmem>>
        tpu.wait_dma2 semaphore(%arg31 : memref<!tpu.dma_semaphore, #tpu.memory_space<semaphore_mem>>) src(%dma_wait3A_1931 : memref<1024xf32, #tpu.memory_space<vmem>>) dst(%dma_wait3A_1929 : memref<1024xf32, #tpu.memory_space<hbm>>)
        %dma_wait3A_1932 = arith.constant 2048 : i32
        %dma_wait3A_1933 = tpu.memref_slice %arg16[%dma_wait3A_1932] : memref<8192xf32, #tpu.memory_space<vmem>> -> memref<1024xf32, #tpu.memory_space<vmem>>
        %dma_wait3A_1934 = tpu.memref_slice %arg4[%multiple_of3A_1859] : memref<52428800xf32, #tpu.memory_space<hbm>> -> memref<1024xf32, #tpu.memory_space<hbm>>
        %dma_wait3A_1935 = tpu.memref_slice %arg4[%multiple_of3A_1859] : memref<52428800xf32, #tpu.memory_space<hbm>> -> memref<1024xf32, #tpu.memory_space<hbm>>
        %dma_wait3A_1936 = arith.constant 2048 : i32
        %dma_wait3A_1937 = tpu.memref_slice %arg16[%dma_wait3A_1936] : memref<8192xf32, #tpu.memory_space<vmem>> -> memref<1024xf32, #tpu.memory_space<vmem>>
        tpu.wait_dma2 semaphore(%arg31 : memref<!tpu.dma_semaphore, #tpu.memory_space<semaphore_mem>>) src(%dma_wait3A_1937 : memref<1024xf32, #tpu.memory_space<vmem>>) dst(%dma_wait3A_1935 : memref<1024xf32, #tpu.memory_space<hbm>>)
        %dma_wait3A_1938 = arith.constant 3072 : i32
        %dma_wait3A_1939 = tpu.memref_slice %arg16[%dma_wait3A_1938] : memref<8192xf32, #tpu.memory_space<vmem>> -> memref<1024xf32, #tpu.memory_space<vmem>>
        %dma_wait3A_1940 = tpu.memref_slice %arg4[%multiple_of3A_1871] : memref<52428800xf32, #tpu.memory_space<hbm>> -> memref<1024xf32, #tpu.memory_space<hbm>>
        %dma_wait3A_1941 = tpu.memref_slice %arg4[%multiple_of3A_1871] : memref<52428800xf32, #tpu.memory_space<hbm>> -> memref<1024xf32, #tpu.memory_space<hbm>>
        %dma_wait3A_1942 = arith.constant 3072 : i32
        %dma_wait3A_1943 = tpu.memref_slice %arg16[%dma_wait3A_1942] : memref<8192xf32, #tpu.memory_space<vmem>> -> memref<1024xf32, #tpu.memory_space<vmem>>
        tpu.wait_dma2 semaphore(%arg31 : memref<!tpu.dma_semaphore, #tpu.memory_space<semaphore_mem>>) src(%dma_wait3A_1943 : memref<1024xf32, #tpu.memory_space<vmem>>) dst(%dma_wait3A_1941 : memref<1024xf32, #tpu.memory_space<hbm>>)
        %dma_wait3A_1944 = arith.constant 4096 : i32
        %dma_wait3A_1945 = tpu.memref_slice %arg16[%dma_wait3A_1944] : memref<8192xf32, #tpu.memory_space<vmem>> -> memref<1024xf32, #tpu.memory_space<vmem>>
        %dma_wait3A_1946 = tpu.memref_slice %arg4[%multiple_of3A_1883] : memref<52428800xf32, #tpu.memory_space<hbm>> -> memref<1024xf32, #tpu.memory_space<hbm>>
        %dma_wait3A_1947 = tpu.memref_slice %arg4[%multiple_of3A_1883] : memref<52428800xf32, #tpu.memory_space<hbm>> -> memref<1024xf32, #tpu.memory_space<hbm>>
        %dma_wait3A_1948 = arith.constant 4096 : i32
        %dma_wait3A_1949 = tpu.memref_slice %arg16[%dma_wait3A_1948] : memref<8192xf32, #tpu.memory_space<vmem>> -> memref<1024xf32, #tpu.memory_space<vmem>>
        tpu.wait_dma2 semaphore(%arg31 : memref<!tpu.dma_semaphore, #tpu.memory_space<semaphore_mem>>) src(%dma_wait3A_1949 : memref<1024xf32, #tpu.memory_space<vmem>>) dst(%dma_wait3A_1947 : memref<1024xf32, #tpu.memory_space<hbm>>)
        %dma_wait3A_1950 = arith.constant 5120 : i32
        %dma_wait3A_1951 = tpu.memref_slice %arg16[%dma_wait3A_1950] : memref<8192xf32, #tpu.memory_space<vmem>> -> memref<1024xf32, #tpu.memory_space<vmem>>
        %dma_wait3A_1952 = tpu.memref_slice %arg4[%multiple_of3A_1895] : memref<52428800xf32, #tpu.memory_space<hbm>> -> memref<1024xf32, #tpu.memory_space<hbm>>
        %dma_wait3A_1953 = tpu.memref_slice %arg4[%multiple_of3A_1895] : memref<52428800xf32, #tpu.memory_space<hbm>> -> memref<1024xf32, #tpu.memory_space<hbm>>
        %dma_wait3A_1954 = arith.constant 5120 : i32
        %dma_wait3A_1955 = tpu.memref_slice %arg16[%dma_wait3A_1954] : memref<8192xf32, #tpu.memory_space<vmem>> -> memref<1024xf32, #tpu.memory_space<vmem>>
        tpu.wait_dma2 semaphore(%arg31 : memref<!tpu.dma_semaphore, #tpu.memory_space<semaphore_mem>>) src(%dma_wait3A_1955 : memref<1024xf32, #tpu.memory_space<vmem>>) dst(%dma_wait3A_1953 : memref<1024xf32, #tpu.memory_space<hbm>>)
        %dma_wait3A_1956 = arith.constant 6144 : i32
        %dma_wait3A_1957 = tpu.memref_slice %arg16[%dma_wait3A_1956] : memref<8192xf32, #tpu.memory_space<vmem>> -> memref<1024xf32, #tpu.memory_space<vmem>>
        %dma_wait3A_1958 = tpu.memref_slice %arg4[%multiple_of3A_1907] : memref<52428800xf32, #tpu.memory_space<hbm>> -> memref<1024xf32, #tpu.memory_space<hbm>>
        %dma_wait3A_1959 = tpu.memref_slice %arg4[%multiple_of3A_1907] : memref<52428800xf32, #tpu.memory_space<hbm>> -> memref<1024xf32, #tpu.memory_space<hbm>>
        %dma_wait3A_1960 = arith.constant 6144 : i32
        %dma_wait3A_1961 = tpu.memref_slice %arg16[%dma_wait3A_1960] : memref<8192xf32, #tpu.memory_space<vmem>> -> memref<1024xf32, #tpu.memory_space<vmem>>
        tpu.wait_dma2 semaphore(%arg31 : memref<!tpu.dma_semaphore, #tpu.memory_space<semaphore_mem>>) src(%dma_wait3A_1961 : memref<1024xf32, #tpu.memory_space<vmem>>) dst(%dma_wait3A_1959 : memref<1024xf32, #tpu.memory_space<hbm>>)
        %dma_wait3A_1962 = arith.constant 7168 : i32
        %dma_wait3A_1963 = tpu.memref_slice %arg16[%dma_wait3A_1962] : memref<8192xf32, #tpu.memory_space<vmem>> -> memref<1024xf32, #tpu.memory_space<vmem>>
        %dma_wait3A_1964 = tpu.memref_slice %arg4[%multiple_of3A_1919] : memref<52428800xf32, #tpu.memory_space<hbm>> -> memref<1024xf32, #tpu.memory_space<hbm>>
        %dma_wait3A_1965 = tpu.memref_slice %arg4[%multiple_of3A_1919] : memref<52428800xf32, #tpu.memory_space<hbm>> -> memref<1024xf32, #tpu.memory_space<hbm>>
        %dma_wait3A_1966 = arith.constant 7168 : i32
        %dma_wait3A_1967 = tpu.memref_slice %arg16[%dma_wait3A_1966] : memref<8192xf32, #tpu.memory_space<vmem>> -> memref<1024xf32, #tpu.memory_space<vmem>>
        tpu.wait_dma2 semaphore(%arg31 : memref<!tpu.dma_semaphore, #tpu.memory_space<semaphore_mem>>) src(%dma_wait3A_1967 : memref<1024xf32, #tpu.memory_space<vmem>>) dst(%dma_wait3A_1965 : memref<1024xf32, #tpu.memory_space<hbm>>)
      } else {
      }
      %lt3A_1444 = arith.constant 200 : i32
      %lt3A_1445 = arith.cmpi slt, %add3A_1435, %lt3A_1444 : i32
      %convert_element_type3A_1446 = arith.extui %lt3A_1445 : i1 to i32
      %cond3A_1447 = arith.constant 0 : i32
      %cond3A_1448 = arith.cmpi ne, %convert_element_type3A_1446, %cond3A_1447 : i32
      scf.if %cond3A_1448 {
        %add3A_1809 = arith.addi %mul3A_2, %add3A_1435 : i32
        %mul3A_1810 = arith.constant 512 : i32
        %mul3A_1811 = arith.muli %add3A_1809, %mul3A_1810 : i32
        %dma_wait3A_1812 = tpu.memref_slice %arg2[%mul3A_1811] : memref<3276800xi32, #tpu.memory_space<hbm>> -> memref<512xi32, #tpu.memory_space<hbm>>
        %dma_wait3A_1813 = tpu.memref_slice %arg2[%mul3A_1811] : memref<3276800xi32, #tpu.memory_space<hbm>> -> memref<512xi32, #tpu.memory_space<hbm>>
        tpu.wait_dma2 semaphore(%arg21 : memref<!tpu.dma_semaphore, #tpu.memory_space<semaphore_mem>>) src(%dma_wait3A_1813 : memref<512xi32, #tpu.memory_space<hbm>>) dst(%arg6 : memref<512xi32, #tpu.memory_space<vmem>>)
        %dma_start3A_1814 = arith.constant 0 : i32
        %dma_start3A_1815 = arith.constant 0 : i32
        %dma_start3A_1816 = tpu.memref_slice %arg3[%dma_start3A_1814, %dma_start3A_1815] : memref<1000192x16xf32, #tpu.memory_space<hbm>> -> memref<1000192x16xf32, #tpu.memory_space<hbm>>
        tpu.enqueue_indirect_dma source(%dma_start3A_1816 : memref<1000192x16xf32, #tpu.memory_space<hbm>>) target(%arg11 : memref<512x16xf32, #tpu.memory_space<vmem>>) offsets(%arg6 : memref<512xi32, #tpu.memory_space<vmem>>) semaphore(%arg26 : memref<!tpu.dma_semaphore, #tpu.memory_space<semaphore_mem>>)
      } else {
      }
      %dma_wait3A_1449 = arith.constant 0 : i32
      %dma_wait3A_1450 = arith.constant 0 : i32
      %dma_wait3A_1451 = tpu.memref_slice %arg3[%dma_wait3A_1449, %dma_wait3A_1450] : memref<1000192x16xf32, #tpu.memory_space<hbm>> -> memref<1000192x16xf32, #tpu.memory_space<hbm>>
      tpu.wait_indirect_dma semaphore(%arg28 : memref<!tpu.dma_semaphore, #tpu.memory_space<semaphore_mem>>) src(%dma_wait3A_1451 : memref<1000192x16xf32, #tpu.memory_space<hbm>>) dst(%arg13 : memref<512x16xf32, #tpu.memory_space<vmem>>)
      %parallel_loop3A_1452 = arith.constant 0 : i32
      %parallel_loop3A_1453 = arith.constant 512 : i32
      %parallel_loop3A_1454 = arith.constant 1 : i32
      scf.for %parallel_loop3A_1809 = %parallel_loop3A_1452 to %parallel_loop3A_1453 step %parallel_loop3A_1454  : i32 {
        %parallel_loop3A_1810 = vector.broadcast %parallel_loop3A_1809 : i32 to vector<16xi32>
        %parallel_loop3A_1811 = arith.subi %iota3A, %parallel_loop3A_1810 : vector<16xi32>
        %parallel_loop3A_1812 = arith.constant 15 : i32
        %parallel_loop3A_1813 = vector.broadcast %parallel_loop3A_1812 : i32 to vector<16xi32>
        %parallel_loop3A_1814 = arith.andi %parallel_loop3A_1811, %parallel_loop3A_1813 : vector<16xi32>
        %parallel_loop3A_1815 = arith.index_cast %parallel_loop3A_1809 : i32 to index
        %parallel_loop3A_1816 = arith.constant 0 : index
        %parallel_loop3A_1817 = tpu.vector_load %arg13[%parallel_loop3A_1815, %parallel_loop3A_1816] {strides = array<i32>} : memref<512x16xf32, #tpu.memory_space<vmem>>, vector<16xf32>,
        %parallel_loop3A_1818 = arith.constant 0 : i32
        %parallel_loop3A_1819 = vector.broadcast %parallel_loop3A_1818 : i32 to vector<16xi32>
        %parallel_loop3A_1820 = arith.cmpi slt, %parallel_loop3A_1814, %parallel_loop3A_1819 : vector<16xi32>
        %parallel_loop3A_1821 = arith.constant 16 : i32
        %parallel_loop3A_1822 = vector.broadcast %parallel_loop3A_1821 : i32 to vector<16xi32>
        %parallel_loop3A_1823 = arith.addi %parallel_loop3A_1814, %parallel_loop3A_1822 : vector<16xi32>
        %parallel_loop3A_1824 = arith.select %parallel_loop3A_1820, %parallel_loop3A_1823, %parallel_loop3A_1814 : vector<16xi1>, vector<16xi32>
        %parallel_loop3A_1825 = vector.shape_cast %parallel_loop3A_1824 : vector<16xi32> to vector<16x1xi32>
        %parallel_loop3A_1826 = vector.shape_cast %parallel_loop3A_1825 : vector<16x1xi32> to vector<16xi32>
        %parallel_loop3A_1827 = tpu.dynamic_gather %parallel_loop3A_1817[%parallel_loop3A_1826] in [0] : vector<16xf32>, vector<16xi32> -> vector<16xf32>
        %parallel_loop3A_1828 = arith.index_cast %parallel_loop3A_1809 : i32 to index
        %parallel_loop3A_1829 = arith.constant 0 : index
        %parallel_loop3A_1830 = tpu.vector_load %arg13[%parallel_loop3A_1828, %parallel_loop3A_1829] {strides = array<i32>} : memref<512x16xf32, #tpu.memory_space<vmem>>, vector<16xf32>,
        tpu.vector_store %arg13[%parallel_loop3A_1828, %parallel_loop3A_1829], %parallel_loop3A_1827 {strides = array<i32>} : memref<512x16xf32, #tpu.memory_space<vmem>>, vector<16xf32>,
      } {sc.loop_unroll_factor = 16 : i64, sc.parallel_access}
      %parallel_loop3A_1455 = arith.constant 0 : i32
      %parallel_loop3A_1456 = arith.constant 512 : i32
      %parallel_loop3A_1457 = arith.constant 1 : i32
      scf.for %parallel_loop3A_1809 = %parallel_loop3A_1455 to %parallel_loop3A_1456 step %parallel_loop3A_1457  : i32 {
        %parallel_loop3A_1810 = arith.constant 7 : i32
        %parallel_loop3A_1811 = arith.shrsi %parallel_loop3A_1809, %parallel_loop3A_1810 : i32
        %parallel_loop3A_1812 = arith.constant 4 : i32
        %parallel_loop3A_1813 = arith.shrsi %parallel_loop3A_1809, %parallel_loop3A_1812 : i32
        %parallel_loop3A_1814 = arith.constant 7 : i32
        %parallel_loop3A_1815 = arith.andi %parallel_loop3A_1813, %parallel_loop3A_1814 : i32
        %parallel_loop3A_1816 = arith.constant 4 : i32
        %parallel_loop3A_1817 = arith.shli %parallel_loop3A_1815, %parallel_loop3A_1816 : i32
        %parallel_loop3A_1818 = arith.constant 15 : i32
        %parallel_loop3A_1819 = arith.andi %parallel_loop3A_1809, %parallel_loop3A_1818 : i32
        %parallel_loop3A_1820 = arith.constant 7 : i32
        %parallel_loop3A_1821 = arith.shli %parallel_loop3A_1811, %parallel_loop3A_1820 : i32
        %parallel_loop3A_1822 = arith.addi %parallel_loop3A_1821, %parallel_loop3A_1817 : i32
        %parallel_loop3A_1823 = vector.broadcast %parallel_loop3A_1822 : i32 to vector<16xi32>
        %parallel_loop3A_1824 = arith.addi %parallel_loop3A_1823, %iota3A : vector<16xi32>
        %parallel_loop3A_1825 = vector.broadcast %parallel_loop3A_1819 : i32 to vector<16xi32>
        %parallel_loop3A_1826 = arith.addi %parallel_loop3A_1825, %parallel_loop3A_1824 : vector<16xi32>
        %parallel_loop3A_1827 = arith.constant 15 : i32
        %parallel_loop3A_1828 = vector.broadcast %parallel_loop3A_1827 : i32 to vector<16xi32>
        %parallel_loop3A_1829 = arith.andi %parallel_loop3A_1826, %parallel_loop3A_1828 : vector<16xi32>
        %parallel_loop3A_1830 = tpu.vector_load_idx %arg13[%parallel_loop3A_1824, %parallel_loop3A_1829] : memref<512x16xf32, #tpu.memory_space<vmem>>[vector<16xi32>, vector<16xi32>], vector<16xf32>,
        %parallel_loop3A_1831 = arith.constant 11 : i32
        %parallel_loop3A_1832 = arith.shli %parallel_loop3A_1811, %parallel_loop3A_1831 : i32
        %parallel_loop3A_1833 = arith.constant 3 : i32
        %parallel_loop3A_1834 = arith.shrsi %parallel_loop3A_1819, %parallel_loop3A_1833 : i32
        %parallel_loop3A_1835 = arith.constant 10 : i32
        %parallel_loop3A_1836 = arith.shli %parallel_loop3A_1834, %parallel_loop3A_1835 : i32
        %parallel_loop3A_1837 = arith.addi %parallel_loop3A_1832, %parallel_loop3A_1836 : i32
        %parallel_loop3A_1838 = arith.constant 7 : i32
        %parallel_loop3A_1839 = arith.andi %parallel_loop3A_1819, %parallel_loop3A_1838 : i32
        %parallel_loop3A_1840 = arith.constant 7 : i32
        %parallel_loop3A_1841 = arith.shli %parallel_loop3A_1839, %parallel_loop3A_1840 : i32
        %parallel_loop3A_1842 = arith.addi %parallel_loop3A_1837, %parallel_loop3A_1841 : i32
        %parallel_loop3A_1843 = arith.addi %parallel_loop3A_1842, %parallel_loop3A_1817 : i32
        %parallel_loop3A_1844 = tpu.assume_multiple %parallel_loop3A_1843, 16 : i32
        %parallel_loop3A_1845 = arith.index_cast %parallel_loop3A_1844 : i32 to index
        %parallel_loop3A_1846 = tpu.vector_load %arg18[%parallel_loop3A_1845] {strides = array<i32>} : memref<8192xf32, #tpu.memory_space<vmem>>, vector<16xf32>,
        tpu.vector_store %arg18[%parallel_loop3A_1845], %parallel_loop3A_1830 {strides = array<i32>} : memref<8192xf32, #tpu.memory_space<vmem>>, vector<16xf32>,
      } {sc.loop_unroll_factor = 16 : i64, sc.parallel_access}
      %add3A_1458 = arith.addi %mul3A_2, %add3A_1426 : i32
      %shift_right_arithmetic3A_1459 = arith.constant 8 : i32
      %shift_right_arithmetic3A_1460 = arith.shrsi %add3A_1458, %shift_right_arithmetic3A_1459 : i32
      %shift_left3A_1461 = arith.constant 3 : i32
      %shift_left3A_1462 = arith.shli %shift_right_arithmetic3A_1460, %shift_left3A_1461 : i32
      %and3A_1463 = arith.constant 1 : i32
      %and3A_1464 = arith.andi %add3A_1458, %and3A_1463 : i32
      %shift_left3A_1465 = arith.constant 2 : i32
      %shift_left3A_1466 = arith.shli %and3A_1464, %shift_left3A_1465 : i32
      %add3A_1467 = arith.addi %shift_left3A_1462, %shift_left3A_1466 : i32
      %shift_right_arithmetic3A_1468 = arith.constant 1 : i32
      %shift_right_arithmetic3A_1469 = arith.shrsi %add3A_1458, %shift_right_arithmetic3A_1468 : i32
      %and3A_1470 = arith.constant 127 : i32
      %and3A_1471 = arith.andi %shift_right_arithmetic3A_1469, %and3A_1470 : i32
      %add3A_1472 = arith.constant 0 : i32
      %add3A_1473 = arith.addi %add3A_1467, %add3A_1472 : i32
      %shift_left3A_1474 = arith.constant 1 : i32
      %shift_left3A_1475 = arith.shli %add3A_1473, %shift_left3A_1474 : i32
      %add3A_1476 = arith.constant 0 : i32
      %add3A_1477 = arith.addi %shift_left3A_1475, %add3A_1476 : i32
      %mul3A_1478 = arith.constant 128 : i32
      %mul3A_1479 = arith.muli %add3A_1477, %mul3A_1478 : i32
      %add3A_1480 = arith.addi %mul3A_1479, %and3A_1471 : i32
      %shift_left3A_1481 = arith.constant 10 : i32
      %shift_left3A_1482 = arith.shli %add3A_1480, %shift_left3A_1481 : i32
      %multiple_of3A_1483 = tpu.assume_multiple %shift_left3A_1482, 1024 : i32
      %add3A_1484 = arith.constant 0 : i32
      %add3A_1485 = arith.addi %add3A_1467, %add3A_1484 : i32
      %shift_left3A_1486 = arith.constant 1 : i32
      %shift_left3A_1487 = arith.shli %add3A_1485, %shift_left3A_1486 : i32
      %add3A_1488 = arith.constant 1 : i32
      %add3A_1489 = arith.addi %shift_left3A_1487, %add3A_1488 : i32
      %mul3A_1490 = arith.constant 128 : i32
      %mul3A_1491 = arith.muli %add3A_1489, %mul3A_1490 : i32
      %add3A_1492 = arith.addi %mul3A_1491, %and3A_1471 : i32
      %shift_left3A_1493 = arith.constant 10 : i32
      %shift_left3A_1494 = arith.shli %add3A_1492, %shift_left3A_1493 : i32
      %multiple_of3A_1495 = tpu.assume_multiple %shift_left3A_1494, 1024 : i32
      %add3A_1496 = arith.constant 1 : i32
      %add3A_1497 = arith.addi %add3A_1467, %add3A_1496 : i32
      %shift_left3A_1498 = arith.constant 1 : i32
      %shift_left3A_1499 = arith.shli %add3A_1497, %shift_left3A_1498 : i32
      %add3A_1500 = arith.constant 0 : i32
      %add3A_1501 = arith.addi %shift_left3A_1499, %add3A_1500 : i32
      %mul3A_1502 = arith.constant 128 : i32
      %mul3A_1503 = arith.muli %add3A_1501, %mul3A_1502 : i32
      %add3A_1504 = arith.addi %mul3A_1503, %and3A_1471 : i32
      %shift_left3A_1505 = arith.constant 10 : i32
      %shift_left3A_1506 = arith.shli %add3A_1504, %shift_left3A_1505 : i32
      %multiple_of3A_1507 = tpu.assume_multiple %shift_left3A_1506, 1024 : i32
      %add3A_1508 = arith.constant 1 : i32
      %add3A_1509 = arith.addi %add3A_1467, %add3A_1508 : i32
      %shift_left3A_1510 = arith.constant 1 : i32
      %shift_left3A_1511 = arith.shli %add3A_1509, %shift_left3A_1510 : i32
      %add3A_1512 = arith.constant 1 : i32
      %add3A_1513 = arith.addi %shift_left3A_1511, %add3A_1512 : i32
      %mul3A_1514 = arith.constant 128 : i32
      %mul3A_1515 = arith.muli %add3A_1513, %mul3A_1514 : i32
      %add3A_1516 = arith.addi %mul3A_1515, %and3A_1471 : i32
      %shift_left3A_1517 = arith.constant 10 : i32
      %shift_left3A_1518 = arith.shli %add3A_1516, %shift_left3A_1517 : i32
      %multiple_of3A_1519 = tpu.assume_multiple %shift_left3A_1518, 1024 : i32
      %add3A_1520 = arith.constant 2 : i32
      %add3A_1521 = arith.addi %add3A_1467, %add3A_1520 : i32
      %shift_left3A_1522 = arith.constant 1 : i32
      %shift_left3A_1523 = arith.shli %add3A_1521, %shift_left3A_1522 : i32
      %add3A_1524 = arith.constant 0 : i32
      %add3A_1525 = arith.addi %shift_left3A_1523, %add3A_1524 : i32
      %mul3A_1526 = arith.constant 128 : i32
      %mul3A_1527 = arith.muli %add3A_1525, %mul3A_1526 : i32
      %add3A_1528 = arith.addi %mul3A_1527, %and3A_1471 : i32
      %shift_left3A_1529 = arith.constant 10 : i32
      %shift_left3A_1530 = arith.shli %add3A_1528, %shift_left3A_1529 : i32
      %multiple_of3A_1531 = tpu.assume_multiple %shift_left3A_1530, 1024 : i32
      %add3A_1532 = arith.constant 2 : i32
      %add3A_1533 = arith.addi %add3A_1467, %add3A_1532 : i32
      %shift_left3A_1534 = arith.constant 1 : i32
      %shift_left3A_1535 = arith.shli %add3A_1533, %shift_left3A_1534 : i32
      %add3A_1536 = arith.constant 1 : i32
      %add3A_1537 = arith.addi %shift_left3A_1535, %add3A_1536 : i32
      %mul3A_1538 = arith.constant 128 : i32
      %mul3A_1539 = arith.muli %add3A_1537, %mul3A_1538 : i32
      %add3A_1540 = arith.addi %mul3A_1539, %and3A_1471 : i32
      %shift_left3A_1541 = arith.constant 10 : i32
      %shift_left3A_1542 = arith.shli %add3A_1540, %shift_left3A_1541 : i32
      %multiple_of3A_1543 = tpu.assume_multiple %shift_left3A_1542, 1024 : i32
      %add3A_1544 = arith.constant 3 : i32
      %add3A_1545 = arith.addi %add3A_1467, %add3A_1544 : i32
      %shift_left3A_1546 = arith.constant 1 : i32
      %shift_left3A_1547 = arith.shli %add3A_1545, %shift_left3A_1546 : i32
      %add3A_1548 = arith.constant 0 : i32
      %add3A_1549 = arith.addi %shift_left3A_1547, %add3A_1548 : i32
      %mul3A_1550 = arith.constant 128 : i32
      %mul3A_1551 = arith.muli %add3A_1549, %mul3A_1550 : i32
      %add3A_1552 = arith.addi %mul3A_1551, %and3A_1471 : i32
      %shift_left3A_1553 = arith.constant 10 : i32
      %shift_left3A_1554 = arith.shli %add3A_1552, %shift_left3A_1553 : i32
      %multiple_of3A_1555 = tpu.assume_multiple %shift_left3A_1554, 1024 : i32
      %add3A_1556 = arith.constant 3 : i32
      %add3A_1557 = arith.addi %add3A_1467, %add3A_1556 : i32
      %shift_left3A_1558 = arith.constant 1 : i32
      %shift_left3A_1559 = arith.shli %add3A_1557, %shift_left3A_1558 : i32
      %add3A_1560 = arith.constant 1 : i32
      %add3A_1561 = arith.addi %shift_left3A_1559, %add3A_1560 : i32
      %mul3A_1562 = arith.constant 128 : i32
      %mul3A_1563 = arith.muli %add3A_1561, %mul3A_1562 : i32
      %add3A_1564 = arith.addi %mul3A_1563, %and3A_1471 : i32
      %shift_left3A_1565 = arith.constant 10 : i32
      %shift_left3A_1566 = arith.shli %add3A_1564, %shift_left3A_1565 : i32
      %multiple_of3A_1567 = tpu.assume_multiple %shift_left3A_1566, 1024 : i32
      %dma_start3A_1568 = arith.constant 0 : i32
      %dma_start3A_1569 = tpu.memref_slice %arg18[%dma_start3A_1568] : memref<8192xf32, #tpu.memory_space<vmem>> -> memref<1024xf32, #tpu.memory_space<vmem>>
      %dma_start3A_1570 = tpu.memref_slice %arg4[%multiple_of3A_1483] : memref<52428800xf32, #tpu.memory_space<hbm>> -> memref<1024xf32, #tpu.memory_space<hbm>>
      %dma_start3A_1571 = tpu.memref_slice %arg4[%multiple_of3A_1483] : memref<52428800xf32, #tpu.memory_space<hbm>> -> memref<1024xf32, #tpu.memory_space<hbm>>
      %dma_start3A_1572 = arith.constant 0 : i32
      %dma_start3A_1573 = tpu.memref_slice %arg18[%dma_start3A_1572] : memref<8192xf32, #tpu.memory_space<vmem>> -> memref<1024xf32, #tpu.memory_space<vmem>>
      tpu.enqueue_dma source(%dma_start3A_1573 : memref<1024xf32, #tpu.memory_space<vmem>>) target(%dma_start3A_1571 : memref<1024xf32, #tpu.memory_space<hbm>>) target_semaphore(%arg33 : memref<!tpu.dma_semaphore, #tpu.memory_space<semaphore_mem>>)
      %dma_start3A_1574 = arith.constant 1024 : i32
      %dma_start3A_1575 = tpu.memref_slice %arg18[%dma_start3A_1574] : memref<8192xf32, #tpu.memory_space<vmem>> -> memref<1024xf32, #tpu.memory_space<vmem>>
      %dma_start3A_1576 = tpu.memref_slice %arg4[%multiple_of3A_1495] : memref<52428800xf32, #tpu.memory_space<hbm>> -> memref<1024xf32, #tpu.memory_space<hbm>>
      %dma_start3A_1577 = tpu.memref_slice %arg4[%multiple_of3A_1495] : memref<52428800xf32, #tpu.memory_space<hbm>> -> memref<1024xf32, #tpu.memory_space<hbm>>
      %dma_start3A_1578 = arith.constant 1024 : i32
      %dma_start3A_1579 = tpu.memref_slice %arg18[%dma_start3A_1578] : memref<8192xf32, #tpu.memory_space<vmem>> -> memref<1024xf32, #tpu.memory_space<vmem>>
      tpu.enqueue_dma source(%dma_start3A_1579 : memref<1024xf32, #tpu.memory_space<vmem>>) target(%dma_start3A_1577 : memref<1024xf32, #tpu.memory_space<hbm>>) target_semaphore(%arg33 : memref<!tpu.dma_semaphore, #tpu.memory_space<semaphore_mem>>)
      %dma_start3A_1580 = arith.constant 2048 : i32
      %dma_start3A_1581 = tpu.memref_slice %arg18[%dma_start3A_1580] : memref<8192xf32, #tpu.memory_space<vmem>> -> memref<1024xf32, #tpu.memory_space<vmem>>
      %dma_start3A_1582 = tpu.memref_slice %arg4[%multiple_of3A_1507] : memref<52428800xf32, #tpu.memory_space<hbm>> -> memref<1024xf32, #tpu.memory_space<hbm>>
      %dma_start3A_1583 = tpu.memref_slice %arg4[%multiple_of3A_1507] : memref<52428800xf32, #tpu.memory_space<hbm>> -> memref<1024xf32, #tpu.memory_space<hbm>>
      %dma_start3A_1584 = arith.constant 2048 : i32
      %dma_start3A_1585 = tpu.memref_slice %arg18[%dma_start3A_1584] : memref<8192xf32, #tpu.memory_space<vmem>> -> memref<1024xf32, #tpu.memory_space<vmem>>
      tpu.enqueue_dma source(%dma_start3A_1585 : memref<1024xf32, #tpu.memory_space<vmem>>) target(%dma_start3A_1583 : memref<1024xf32, #tpu.memory_space<hbm>>) target_semaphore(%arg33 : memref<!tpu.dma_semaphore, #tpu.memory_space<semaphore_mem>>)
      %dma_start3A_1586 = arith.constant 3072 : i32
      %dma_start3A_1587 = tpu.memref_slice %arg18[%dma_start3A_1586] : memref<8192xf32, #tpu.memory_space<vmem>> -> memref<1024xf32, #tpu.memory_space<vmem>>
      %dma_start3A_1588 = tpu.memref_slice %arg4[%multiple_of3A_1519] : memref<52428800xf32, #tpu.memory_space<hbm>> -> memref<1024xf32, #tpu.memory_space<hbm>>
      %dma_start3A_1589 = tpu.memref_slice %arg4[%multiple_of3A_1519] : memref<52428800xf32, #tpu.memory_space<hbm>> -> memref<1024xf32, #tpu.memory_space<hbm>>
      %dma_start3A_1590 = arith.constant 3072 : i32
      %dma_start3A_1591 = tpu.memref_slice %arg18[%dma_start3A_1590] : memref<8192xf32, #tpu.memory_space<vmem>> -> memref<1024xf32, #tpu.memory_space<vmem>>
      tpu.enqueue_dma source(%dma_start3A_1591 : memref<1024xf32, #tpu.memory_space<vmem>>) target(%dma_start3A_1589 : memref<1024xf32, #tpu.memory_space<hbm>>) target_semaphore(%arg33 : memref<!tpu.dma_semaphore, #tpu.memory_space<semaphore_mem>>)
      %dma_start3A_1592 = arith.constant 4096 : i32
      %dma_start3A_1593 = tpu.memref_slice %arg18[%dma_start3A_1592] : memref<8192xf32, #tpu.memory_space<vmem>> -> memref<1024xf32, #tpu.memory_space<vmem>>
      %dma_start3A_1594 = tpu.memref_slice %arg4[%multiple_of3A_1531] : memref<52428800xf32, #tpu.memory_space<hbm>> -> memref<1024xf32, #tpu.memory_space<hbm>>
      %dma_start3A_1595 = tpu.memref_slice %arg4[%multiple_of3A_1531] : memref<52428800xf32, #tpu.memory_space<hbm>> -> memref<1024xf32, #tpu.memory_space<hbm>>
      %dma_start3A_1596 = arith.constant 4096 : i32
      %dma_start3A_1597 = tpu.memref_slice %arg18[%dma_start3A_1596] : memref<8192xf32, #tpu.memory_space<vmem>> -> memref<1024xf32, #tpu.memory_space<vmem>>
      tpu.enqueue_dma source(%dma_start3A_1597 : memref<1024xf32, #tpu.memory_space<vmem>>) target(%dma_start3A_1595 : memref<1024xf32, #tpu.memory_space<hbm>>) target_semaphore(%arg33 : memref<!tpu.dma_semaphore, #tpu.memory_space<semaphore_mem>>)
      %dma_start3A_1598 = arith.constant 5120 : i32
      %dma_start3A_1599 = tpu.memref_slice %arg18[%dma_start3A_1598] : memref<8192xf32, #tpu.memory_space<vmem>> -> memref<1024xf32, #tpu.memory_space<vmem>>
      %dma_start3A_1600 = tpu.memref_slice %arg4[%multiple_of3A_1543] : memref<52428800xf32, #tpu.memory_space<hbm>> -> memref<1024xf32, #tpu.memory_space<hbm>>
      %dma_start3A_1601 = tpu.memref_slice %arg4[%multiple_of3A_1543] : memref<52428800xf32, #tpu.memory_space<hbm>> -> memref<1024xf32, #tpu.memory_space<hbm>>
      %dma_start3A_1602 = arith.constant 5120 : i32
      %dma_start3A_1603 = tpu.memref_slice %arg18[%dma_start3A_1602] : memref<8192xf32, #tpu.memory_space<vmem>> -> memref<1024xf32, #tpu.memory_space<vmem>>
      tpu.enqueue_dma source(%dma_start3A_1603 : memref<1024xf32, #tpu.memory_space<vmem>>) target(%dma_start3A_1601 : memref<1024xf32, #tpu.memory_space<hbm>>) target_semaphore(%arg33 : memref<!tpu.dma_semaphore, #tpu.memory_space<semaphore_mem>>)
      %dma_start3A_1604 = arith.constant 6144 : i32
      %dma_start3A_1605 = tpu.memref_slice %arg18[%dma_start3A_1604] : memref<8192xf32, #tpu.memory_space<vmem>> -> memref<1024xf32, #tpu.memory_space<vmem>>
      %dma_start3A_1606 = tpu.memref_slice %arg4[%multiple_of3A_1555] : memref<52428800xf32, #tpu.memory_space<hbm>> -> memref<1024xf32, #tpu.memory_space<hbm>>
      %dma_start3A_1607 = tpu.memref_slice %arg4[%multiple_of3A_1555] : memref<52428800xf32, #tpu.memory_space<hbm>> -> memref<1024xf32, #tpu.memory_space<hbm>>
      %dma_start3A_1608 = arith.constant 6144 : i32
      %dma_start3A_1609 = tpu.memref_slice %arg18[%dma_start3A_1608] : memref<8192xf32, #tpu.memory_space<vmem>> -> memref<1024xf32, #tpu.memory_space<vmem>>
      tpu.enqueue_dma source(%dma_start3A_1609 : memref<1024xf32, #tpu.memory_space<vmem>>) target(%dma_start3A_1607 : memref<1024xf32, #tpu.memory_space<hbm>>) target_semaphore(%arg33 : memref<!tpu.dma_semaphore, #tpu.memory_space<semaphore_mem>>)
      %dma_start3A_1610 = arith.constant 7168 : i32
      %dma_start3A_1611 = tpu.memref_slice %arg18[%dma_start3A_1610] : memref<8192xf32, #tpu.memory_space<vmem>> -> memref<1024xf32, #tpu.memory_space<vmem>>
      %dma_start3A_1612 = tpu.memref_slice %arg4[%multiple_of3A_1567] : memref<52428800xf32, #tpu.memory_space<hbm>> -> memref<1024xf32, #tpu.memory_space<hbm>>
      %dma_start3A_1613 = tpu.memref_slice %arg4[%multiple_of3A_1567] : memref<52428800xf32, #tpu.memory_space<hbm>> -> memref<1024xf32, #tpu.memory_space<hbm>>
      %dma_start3A_1614 = arith.constant 7168 : i32
      %dma_start3A_1615 = tpu.memref_slice %arg18[%dma_start3A_1614] : memref<8192xf32, #tpu.memory_space<vmem>> -> memref<1024xf32, #tpu.memory_space<vmem>>
      tpu.enqueue_dma source(%dma_start3A_1615 : memref<1024xf32, #tpu.memory_space<vmem>>) target(%dma_start3A_1613 : memref<1024xf32, #tpu.memory_space<hbm>>) target_semaphore(%arg33 : memref<!tpu.dma_semaphore, #tpu.memory_space<semaphore_mem>>)
      %mul3A_1616 = arith.constant 5 : i32
      %mul3A_1617 = arith.muli %scan3A_848, %mul3A_1616 : i32
      %add3A_1618 = arith.constant 4 : i32
      %add3A_1619 = arith.addi %mul3A_1617, %add3A_1618 : i32
      %add3A_1620 = arith.constant 4 : i32
      %add3A_1621 = arith.addi %add3A_1619, %add3A_1620 : i32
      %lt3A_1622 = arith.constant 200 : i32
      %lt3A_1623 = arith.cmpi slt, %add3A_1621, %lt3A_1622 : i32
      %convert_element_type3A_1624 = arith.extui %lt3A_1623 : i1 to i32
      %cond3A_1625 = arith.constant 0 : i32
      %cond3A_1626 = arith.cmpi ne, %convert_element_type3A_1624, %cond3A_1625 : i32
      scf.if %cond3A_1626 {
        %add3A_1809 = arith.addi %mul3A_2, %add3A_1621 : i32
        %mul3A_1810 = arith.constant 512 : i32
        %mul3A_1811 = arith.muli %add3A_1809, %mul3A_1810 : i32
        %dma_start3A_1812 = tpu.memref_slice %arg2[%mul3A_1811] : memref<3276800xi32, #tpu.memory_space<hbm>> -> memref<512xi32, #tpu.memory_space<hbm>>
        %dma_start3A_1813 = tpu.memref_slice %arg2[%mul3A_1811] : memref<3276800xi32, #tpu.memory_space<hbm>> -> memref<512xi32, #tpu.memory_space<hbm>>
        tpu.enqueue_dma source(%dma_start3A_1813 : memref<512xi32, #tpu.memory_space<hbm>>) target(%arg8 : memref<512xi32, #tpu.memory_space<vmem>>) target_semaphore(%arg23 : memref<!tpu.dma_semaphore, #tpu.memory_space<semaphore_mem>>)
      } else {
      }
      %add3A_1627 = arith.constant 3 : i32
      %add3A_1628 = arith.addi %add3A_1619, %add3A_1627 : i32
      %lt3A_1629 = arith.constant 200 : i32
      %lt3A_1630 = arith.cmpi slt, %add3A_1628, %lt3A_1629 : i32
      %ge3A_1631 = arith.constant 5 : i32
      %ge3A_1632 = arith.cmpi sge, %add3A_1628, %ge3A_1631 : i32
      %and3A_1633 = arith.andi %lt3A_1630, %ge3A_1632 : i1
      %convert_element_type3A_1634 = arith.extui %and3A_1633 : i1 to i32
      %cond3A_1635 = arith.constant 0 : i32
      %cond3A_1636 = arith.cmpi ne, %convert_element_type3A_1634, %cond3A_1635 : i32
      scf.if %cond3A_1636 {
        %sub3A = arith.constant 5 : i32
        %sub3A_1809 = arith.subi %add3A_1628, %sub3A : i32
        %add3A_1810 = arith.addi %mul3A_2, %sub3A_1809 : i32
        %shift_right_arithmetic3A_1811 = arith.constant 8 : i32
        %shift_right_arithmetic3A_1812 = arith.shrsi %add3A_1810, %shift_right_arithmetic3A_1811 : i32
        %shift_left3A_1813 = arith.constant 3 : i32
        %shift_left3A_1814 = arith.shli %shift_right_arithmetic3A_1812, %shift_left3A_1813 : i32
        %and3A_1815 = arith.constant 1 : i32
        %and3A_1816 = arith.andi %add3A_1810, %and3A_1815 : i32
        %shift_left3A_1817 = arith.constant 2 : i32
        %shift_left3A_1818 = arith.shli %and3A_1816, %shift_left3A_1817 : i32
        %add3A_1819 = arith.addi %shift_left3A_1814, %shift_left3A_1818 : i32
        %shift_right_arithmetic3A_1820 = arith.constant 1 : i32
        %shift_right_arithmetic3A_1821 = arith.shrsi %add3A_1810, %shift_right_arithmetic3A_1820 : i32
        %and3A_1822 = arith.constant 127 : i32
        %and3A_1823 = arith.andi %shift_right_arithmetic3A_1821, %and3A_1822 : i32
        %add3A_1824 = arith.constant 0 : i32
        %add3A_1825 = arith.addi %add3A_1819, %add3A_1824 : i32
        %shift_left3A_1826 = arith.constant 1 : i32
        %shift_left3A_1827 = arith.shli %add3A_1825, %shift_left3A_1826 : i32
        %add3A_1828 = arith.constant 0 : i32
        %add3A_1829 = arith.addi %shift_left3A_1827, %add3A_1828 : i32
        %mul3A_1830 = arith.constant 128 : i32
        %mul3A_1831 = arith.muli %add3A_1829, %mul3A_1830 : i32
        %add3A_1832 = arith.addi %mul3A_1831, %and3A_1823 : i32
        %shift_left3A_1833 = arith.constant 10 : i32
        %shift_left3A_1834 = arith.shli %add3A_1832, %shift_left3A_1833 : i32
        %multiple_of3A_1835 = tpu.assume_multiple %shift_left3A_1834, 1024 : i32
        %add3A_1836 = arith.constant 0 : i32
        %add3A_1837 = arith.addi %add3A_1819, %add3A_1836 : i32
        %shift_left3A_1838 = arith.constant 1 : i32
        %shift_left3A_1839 = arith.shli %add3A_1837, %shift_left3A_1838 : i32
        %add3A_1840 = arith.constant 1 : i32
        %add3A_1841 = arith.addi %shift_left3A_1839, %add3A_1840 : i32
        %mul3A_1842 = arith.constant 128 : i32
        %mul3A_1843 = arith.muli %add3A_1841, %mul3A_1842 : i32
        %add3A_1844 = arith.addi %mul3A_1843, %and3A_1823 : i32
        %shift_left3A_1845 = arith.constant 10 : i32
        %shift_left3A_1846 = arith.shli %add3A_1844, %shift_left3A_1845 : i32
        %multiple_of3A_1847 = tpu.assume_multiple %shift_left3A_1846, 1024 : i32
        %add3A_1848 = arith.constant 1 : i32
        %add3A_1849 = arith.addi %add3A_1819, %add3A_1848 : i32
        %shift_left3A_1850 = arith.constant 1 : i32
        %shift_left3A_1851 = arith.shli %add3A_1849, %shift_left3A_1850 : i32
        %add3A_1852 = arith.constant 0 : i32
        %add3A_1853 = arith.addi %shift_left3A_1851, %add3A_1852 : i32
        %mul3A_1854 = arith.constant 128 : i32
        %mul3A_1855 = arith.muli %add3A_1853, %mul3A_1854 : i32
        %add3A_1856 = arith.addi %mul3A_1855, %and3A_1823 : i32
        %shift_left3A_1857 = arith.constant 10 : i32
        %shift_left3A_1858 = arith.shli %add3A_1856, %shift_left3A_1857 : i32
        %multiple_of3A_1859 = tpu.assume_multiple %shift_left3A_1858, 1024 : i32
        %add3A_1860 = arith.constant 1 : i32
        %add3A_1861 = arith.addi %add3A_1819, %add3A_1860 : i32
        %shift_left3A_1862 = arith.constant 1 : i32
        %shift_left3A_1863 = arith.shli %add3A_1861, %shift_left3A_1862 : i32
        %add3A_1864 = arith.constant 1 : i32
        %add3A_1865 = arith.addi %shift_left3A_1863, %add3A_1864 : i32
        %mul3A_1866 = arith.constant 128 : i32
        %mul3A_1867 = arith.muli %add3A_1865, %mul3A_1866 : i32
        %add3A_1868 = arith.addi %mul3A_1867, %and3A_1823 : i32
        %shift_left3A_1869 = arith.constant 10 : i32
        %shift_left3A_1870 = arith.shli %add3A_1868, %shift_left3A_1869 : i32
        %multiple_of3A_1871 = tpu.assume_multiple %shift_left3A_1870, 1024 : i32
        %add3A_1872 = arith.constant 2 : i32
        %add3A_1873 = arith.addi %add3A_1819, %add3A_1872 : i32
        %shift_left3A_1874 = arith.constant 1 : i32
        %shift_left3A_1875 = arith.shli %add3A_1873, %shift_left3A_1874 : i32
        %add3A_1876 = arith.constant 0 : i32
        %add3A_1877 = arith.addi %shift_left3A_1875, %add3A_1876 : i32
        %mul3A_1878 = arith.constant 128 : i32
        %mul3A_1879 = arith.muli %add3A_1877, %mul3A_1878 : i32
        %add3A_1880 = arith.addi %mul3A_1879, %and3A_1823 : i32
        %shift_left3A_1881 = arith.constant 10 : i32
        %shift_left3A_1882 = arith.shli %add3A_1880, %shift_left3A_1881 : i32
        %multiple_of3A_1883 = tpu.assume_multiple %shift_left3A_1882, 1024 : i32
        %add3A_1884 = arith.constant 2 : i32
        %add3A_1885 = arith.addi %add3A_1819, %add3A_1884 : i32
        %shift_left3A_1886 = arith.constant 1 : i32
        %shift_left3A_1887 = arith.shli %add3A_1885, %shift_left3A_1886 : i32
        %add3A_1888 = arith.constant 1 : i32
        %add3A_1889 = arith.addi %shift_left3A_1887, %add3A_1888 : i32
        %mul3A_1890 = arith.constant 128 : i32
        %mul3A_1891 = arith.muli %add3A_1889, %mul3A_1890 : i32
        %add3A_1892 = arith.addi %mul3A_1891, %and3A_1823 : i32
        %shift_left3A_1893 = arith.constant 10 : i32
        %shift_left3A_1894 = arith.shli %add3A_1892, %shift_left3A_1893 : i32
        %multiple_of3A_1895 = tpu.assume_multiple %shift_left3A_1894, 1024 : i32
        %add3A_1896 = arith.constant 3 : i32
        %add3A_1897 = arith.addi %add3A_1819, %add3A_1896 : i32
        %shift_left3A_1898 = arith.constant 1 : i32
        %shift_left3A_1899 = arith.shli %add3A_1897, %shift_left3A_1898 : i32
        %add3A_1900 = arith.constant 0 : i32
        %add3A_1901 = arith.addi %shift_left3A_1899, %add3A_1900 : i32
        %mul3A_1902 = arith.constant 128 : i32
        %mul3A_1903 = arith.muli %add3A_1901, %mul3A_1902 : i32
        %add3A_1904 = arith.addi %mul3A_1903, %and3A_1823 : i32
        %shift_left3A_1905 = arith.constant 10 : i32
        %shift_left3A_1906 = arith.shli %add3A_1904, %shift_left3A_1905 : i32
        %multiple_of3A_1907 = tpu.assume_multiple %shift_left3A_1906, 1024 : i32
        %add3A_1908 = arith.constant 3 : i32
        %add3A_1909 = arith.addi %add3A_1819, %add3A_1908 : i32
        %shift_left3A_1910 = arith.constant 1 : i32
        %shift_left3A_1911 = arith.shli %add3A_1909, %shift_left3A_1910 : i32
        %add3A_1912 = arith.constant 1 : i32
        %add3A_1913 = arith.addi %shift_left3A_1911, %add3A_1912 : i32
        %mul3A_1914 = arith.constant 128 : i32
        %mul3A_1915 = arith.muli %add3A_1913, %mul3A_1914 : i32
        %add3A_1916 = arith.addi %mul3A_1915, %and3A_1823 : i32
        %shift_left3A_1917 = arith.constant 10 : i32
        %shift_left3A_1918 = arith.shli %add3A_1916, %shift_left3A_1917 : i32
        %multiple_of3A_1919 = tpu.assume_multiple %shift_left3A_1918, 1024 : i32
        %dma_wait3A_1920 = arith.constant 0 : i32
        %dma_wait3A_1921 = tpu.memref_slice %arg17[%dma_wait3A_1920] : memref<8192xf32, #tpu.memory_space<vmem>> -> memref<1024xf32, #tpu.memory_space<vmem>>
        %dma_wait3A_1922 = tpu.memref_slice %arg4[%multiple_of3A_1835] : memref<52428800xf32, #tpu.memory_space<hbm>> -> memref<1024xf32, #tpu.memory_space<hbm>>
        %dma_wait3A_1923 = tpu.memref_slice %arg4[%multiple_of3A_1835] : memref<52428800xf32, #tpu.memory_space<hbm>> -> memref<1024xf32, #tpu.memory_space<hbm>>
        %dma_wait3A_1924 = arith.constant 0 : i32
        %dma_wait3A_1925 = tpu.memref_slice %arg17[%dma_wait3A_1924] : memref<8192xf32, #tpu.memory_space<vmem>> -> memref<1024xf32, #tpu.memory_space<vmem>>
        tpu.wait_dma2 semaphore(%arg32 : memref<!tpu.dma_semaphore, #tpu.memory_space<semaphore_mem>>) src(%dma_wait3A_1925 : memref<1024xf32, #tpu.memory_space<vmem>>) dst(%dma_wait3A_1923 : memref<1024xf32, #tpu.memory_space<hbm>>)
        %dma_wait3A_1926 = arith.constant 1024 : i32
        %dma_wait3A_1927 = tpu.memref_slice %arg17[%dma_wait3A_1926] : memref<8192xf32, #tpu.memory_space<vmem>> -> memref<1024xf32, #tpu.memory_space<vmem>>
        %dma_wait3A_1928 = tpu.memref_slice %arg4[%multiple_of3A_1847] : memref<52428800xf32, #tpu.memory_space<hbm>> -> memref<1024xf32, #tpu.memory_space<hbm>>
        %dma_wait3A_1929 = tpu.memref_slice %arg4[%multiple_of3A_1847] : memref<52428800xf32, #tpu.memory_space<hbm>> -> memref<1024xf32, #tpu.memory_space<hbm>>
        %dma_wait3A_1930 = arith.constant 1024 : i32
        %dma_wait3A_1931 = tpu.memref_slice %arg17[%dma_wait3A_1930] : memref<8192xf32, #tpu.memory_space<vmem>> -> memref<1024xf32, #tpu.memory_space<vmem>>
        tpu.wait_dma2 semaphore(%arg32 : memref<!tpu.dma_semaphore, #tpu.memory_space<semaphore_mem>>) src(%dma_wait3A_1931 : memref<1024xf32, #tpu.memory_space<vmem>>) dst(%dma_wait3A_1929 : memref<1024xf32, #tpu.memory_space<hbm>>)
        %dma_wait3A_1932 = arith.constant 2048 : i32
        %dma_wait3A_1933 = tpu.memref_slice %arg17[%dma_wait3A_1932] : memref<8192xf32, #tpu.memory_space<vmem>> -> memref<1024xf32, #tpu.memory_space<vmem>>
        %dma_wait3A_1934 = tpu.memref_slice %arg4[%multiple_of3A_1859] : memref<52428800xf32, #tpu.memory_space<hbm>> -> memref<1024xf32, #tpu.memory_space<hbm>>
        %dma_wait3A_1935 = tpu.memref_slice %arg4[%multiple_of3A_1859] : memref<52428800xf32, #tpu.memory_space<hbm>> -> memref<1024xf32, #tpu.memory_space<hbm>>
        %dma_wait3A_1936 = arith.constant 2048 : i32
        %dma_wait3A_1937 = tpu.memref_slice %arg17[%dma_wait3A_1936] : memref<8192xf32, #tpu.memory_space<vmem>> -> memref<1024xf32, #tpu.memory_space<vmem>>
        tpu.wait_dma2 semaphore(%arg32 : memref<!tpu.dma_semaphore, #tpu.memory_space<semaphore_mem>>) src(%dma_wait3A_1937 : memref<1024xf32, #tpu.memory_space<vmem>>) dst(%dma_wait3A_1935 : memref<1024xf32, #tpu.memory_space<hbm>>)
        %dma_wait3A_1938 = arith.constant 3072 : i32
        %dma_wait3A_1939 = tpu.memref_slice %arg17[%dma_wait3A_1938] : memref<8192xf32, #tpu.memory_space<vmem>> -> memref<1024xf32, #tpu.memory_space<vmem>>
        %dma_wait3A_1940 = tpu.memref_slice %arg4[%multiple_of3A_1871] : memref<52428800xf32, #tpu.memory_space<hbm>> -> memref<1024xf32, #tpu.memory_space<hbm>>
        %dma_wait3A_1941 = tpu.memref_slice %arg4[%multiple_of3A_1871] : memref<52428800xf32, #tpu.memory_space<hbm>> -> memref<1024xf32, #tpu.memory_space<hbm>>
        %dma_wait3A_1942 = arith.constant 3072 : i32
        %dma_wait3A_1943 = tpu.memref_slice %arg17[%dma_wait3A_1942] : memref<8192xf32, #tpu.memory_space<vmem>> -> memref<1024xf32, #tpu.memory_space<vmem>>
        tpu.wait_dma2 semaphore(%arg32 : memref<!tpu.dma_semaphore, #tpu.memory_space<semaphore_mem>>) src(%dma_wait3A_1943 : memref<1024xf32, #tpu.memory_space<vmem>>) dst(%dma_wait3A_1941 : memref<1024xf32, #tpu.memory_space<hbm>>)
        %dma_wait3A_1944 = arith.constant 4096 : i32
        %dma_wait3A_1945 = tpu.memref_slice %arg17[%dma_wait3A_1944] : memref<8192xf32, #tpu.memory_space<vmem>> -> memref<1024xf32, #tpu.memory_space<vmem>>
        %dma_wait3A_1946 = tpu.memref_slice %arg4[%multiple_of3A_1883] : memref<52428800xf32, #tpu.memory_space<hbm>> -> memref<1024xf32, #tpu.memory_space<hbm>>
        %dma_wait3A_1947 = tpu.memref_slice %arg4[%multiple_of3A_1883] : memref<52428800xf32, #tpu.memory_space<hbm>> -> memref<1024xf32, #tpu.memory_space<hbm>>
        %dma_wait3A_1948 = arith.constant 4096 : i32
        %dma_wait3A_1949 = tpu.memref_slice %arg17[%dma_wait3A_1948] : memref<8192xf32, #tpu.memory_space<vmem>> -> memref<1024xf32, #tpu.memory_space<vmem>>
        tpu.wait_dma2 semaphore(%arg32 : memref<!tpu.dma_semaphore, #tpu.memory_space<semaphore_mem>>) src(%dma_wait3A_1949 : memref<1024xf32, #tpu.memory_space<vmem>>) dst(%dma_wait3A_1947 : memref<1024xf32, #tpu.memory_space<hbm>>)
        %dma_wait3A_1950 = arith.constant 5120 : i32
        %dma_wait3A_1951 = tpu.memref_slice %arg17[%dma_wait3A_1950] : memref<8192xf32, #tpu.memory_space<vmem>> -> memref<1024xf32, #tpu.memory_space<vmem>>
        %dma_wait3A_1952 = tpu.memref_slice %arg4[%multiple_of3A_1895] : memref<52428800xf32, #tpu.memory_space<hbm>> -> memref<1024xf32, #tpu.memory_space<hbm>>
        %dma_wait3A_1953 = tpu.memref_slice %arg4[%multiple_of3A_1895] : memref<52428800xf32, #tpu.memory_space<hbm>> -> memref<1024xf32, #tpu.memory_space<hbm>>
        %dma_wait3A_1954 = arith.constant 5120 : i32
        %dma_wait3A_1955 = tpu.memref_slice %arg17[%dma_wait3A_1954] : memref<8192xf32, #tpu.memory_space<vmem>> -> memref<1024xf32, #tpu.memory_space<vmem>>
        tpu.wait_dma2 semaphore(%arg32 : memref<!tpu.dma_semaphore, #tpu.memory_space<semaphore_mem>>) src(%dma_wait3A_1955 : memref<1024xf32, #tpu.memory_space<vmem>>) dst(%dma_wait3A_1953 : memref<1024xf32, #tpu.memory_space<hbm>>)
        %dma_wait3A_1956 = arith.constant 6144 : i32
        %dma_wait3A_1957 = tpu.memref_slice %arg17[%dma_wait3A_1956] : memref<8192xf32, #tpu.memory_space<vmem>> -> memref<1024xf32, #tpu.memory_space<vmem>>
        %dma_wait3A_1958 = tpu.memref_slice %arg4[%multiple_of3A_1907] : memref<52428800xf32, #tpu.memory_space<hbm>> -> memref<1024xf32, #tpu.memory_space<hbm>>
        %dma_wait3A_1959 = tpu.memref_slice %arg4[%multiple_of3A_1907] : memref<52428800xf32, #tpu.memory_space<hbm>> -> memref<1024xf32, #tpu.memory_space<hbm>>
        %dma_wait3A_1960 = arith.constant 6144 : i32
        %dma_wait3A_1961 = tpu.memref_slice %arg17[%dma_wait3A_1960] : memref<8192xf32, #tpu.memory_space<vmem>> -> memref<1024xf32, #tpu.memory_space<vmem>>
        tpu.wait_dma2 semaphore(%arg32 : memref<!tpu.dma_semaphore, #tpu.memory_space<semaphore_mem>>) src(%dma_wait3A_1961 : memref<1024xf32, #tpu.memory_space<vmem>>) dst(%dma_wait3A_1959 : memref<1024xf32, #tpu.memory_space<hbm>>)
        %dma_wait3A_1962 = arith.constant 7168 : i32
        %dma_wait3A_1963 = tpu.memref_slice %arg17[%dma_wait3A_1962] : memref<8192xf32, #tpu.memory_space<vmem>> -> memref<1024xf32, #tpu.memory_space<vmem>>
        %dma_wait3A_1964 = tpu.memref_slice %arg4[%multiple_of3A_1919] : memref<52428800xf32, #tpu.memory_space<hbm>> -> memref<1024xf32, #tpu.memory_space<hbm>>
        %dma_wait3A_1965 = tpu.memref_slice %arg4[%multiple_of3A_1919] : memref<52428800xf32, #tpu.memory_space<hbm>> -> memref<1024xf32, #tpu.memory_space<hbm>>
        %dma_wait3A_1966 = arith.constant 7168 : i32
        %dma_wait3A_1967 = tpu.memref_slice %arg17[%dma_wait3A_1966] : memref<8192xf32, #tpu.memory_space<vmem>> -> memref<1024xf32, #tpu.memory_space<vmem>>
        tpu.wait_dma2 semaphore(%arg32 : memref<!tpu.dma_semaphore, #tpu.memory_space<semaphore_mem>>) src(%dma_wait3A_1967 : memref<1024xf32, #tpu.memory_space<vmem>>) dst(%dma_wait3A_1965 : memref<1024xf32, #tpu.memory_space<hbm>>)
      } else {
      }
      %lt3A_1637 = arith.constant 200 : i32
      %lt3A_1638 = arith.cmpi slt, %add3A_1628, %lt3A_1637 : i32
      %convert_element_type3A_1639 = arith.extui %lt3A_1638 : i1 to i32
      %cond3A_1640 = arith.constant 0 : i32
      %cond3A_1641 = arith.cmpi ne, %convert_element_type3A_1639, %cond3A_1640 : i32
      scf.if %cond3A_1641 {
        %add3A_1809 = arith.addi %mul3A_2, %add3A_1628 : i32
        %mul3A_1810 = arith.constant 512 : i32
        %mul3A_1811 = arith.muli %add3A_1809, %mul3A_1810 : i32
        %dma_wait3A_1812 = tpu.memref_slice %arg2[%mul3A_1811] : memref<3276800xi32, #tpu.memory_space<hbm>> -> memref<512xi32, #tpu.memory_space<hbm>>
        %dma_wait3A_1813 = tpu.memref_slice %arg2[%mul3A_1811] : memref<3276800xi32, #tpu.memory_space<hbm>> -> memref<512xi32, #tpu.memory_space<hbm>>
        tpu.wait_dma2 semaphore(%arg22 : memref<!tpu.dma_semaphore, #tpu.memory_space<semaphore_mem>>) src(%dma_wait3A_1813 : memref<512xi32, #tpu.memory_space<hbm>>) dst(%arg7 : memref<512xi32, #tpu.memory_space<vmem>>)
        %dma_start3A_1814 = arith.constant 0 : i32
        %dma_start3A_1815 = arith.constant 0 : i32
        %dma_start3A_1816 = tpu.memref_slice %arg3[%dma_start3A_1814, %dma_start3A_1815] : memref<1000192x16xf32, #tpu.memory_space<hbm>> -> memref<1000192x16xf32, #tpu.memory_space<hbm>>
        tpu.enqueue_indirect_dma source(%dma_start3A_1816 : memref<1000192x16xf32, #tpu.memory_space<hbm>>) target(%arg12 : memref<512x16xf32, #tpu.memory_space<vmem>>) offsets(%arg7 : memref<512xi32, #tpu.memory_space<vmem>>) semaphore(%arg27 : memref<!tpu.dma_semaphore, #tpu.memory_space<semaphore_mem>>)
      } else {
      }
      %dma_wait3A_1642 = arith.constant 0 : i32
      %dma_wait3A_1643 = arith.constant 0 : i32
      %dma_wait3A_1644 = tpu.memref_slice %arg3[%dma_wait3A_1642, %dma_wait3A_1643] : memref<1000192x16xf32, #tpu.memory_space<hbm>> -> memref<1000192x16xf32, #tpu.memory_space<hbm>>
      tpu.wait_indirect_dma semaphore(%arg29 : memref<!tpu.dma_semaphore, #tpu.memory_space<semaphore_mem>>) src(%dma_wait3A_1644 : memref<1000192x16xf32, #tpu.memory_space<hbm>>) dst(%arg14 : memref<512x16xf32, #tpu.memory_space<vmem>>)
      %parallel_loop3A_1645 = arith.constant 0 : i32
      %parallel_loop3A_1646 = arith.constant 512 : i32
      %parallel_loop3A_1647 = arith.constant 1 : i32
      scf.for %parallel_loop3A_1809 = %parallel_loop3A_1645 to %parallel_loop3A_1646 step %parallel_loop3A_1647  : i32 {
        %parallel_loop3A_1810 = vector.broadcast %parallel_loop3A_1809 : i32 to vector<16xi32>
        %parallel_loop3A_1811 = arith.subi %iota3A, %parallel_loop3A_1810 : vector<16xi32>
        %parallel_loop3A_1812 = arith.constant 15 : i32
        %parallel_loop3A_1813 = vector.broadcast %parallel_loop3A_1812 : i32 to vector<16xi32>
        %parallel_loop3A_1814 = arith.andi %parallel_loop3A_1811, %parallel_loop3A_1813 : vector<16xi32>
        %parallel_loop3A_1815 = arith.index_cast %parallel_loop3A_1809 : i32 to index
        %parallel_loop3A_1816 = arith.constant 0 : index
        %parallel_loop3A_1817 = tpu.vector_load %arg14[%parallel_loop3A_1815, %parallel_loop3A_1816] {strides = array<i32>} : memref<512x16xf32, #tpu.memory_space<vmem>>, vector<16xf32>,
        %parallel_loop3A_1818 = arith.constant 0 : i32
        %parallel_loop3A_1819 = vector.broadcast %parallel_loop3A_1818 : i32 to vector<16xi32>
        %parallel_loop3A_1820 = arith.cmpi slt, %parallel_loop3A_1814, %parallel_loop3A_1819 : vector<16xi32>
        %parallel_loop3A_1821 = arith.constant 16 : i32
        %parallel_loop3A_1822 = vector.broadcast %parallel_loop3A_1821 : i32 to vector<16xi32>
        %parallel_loop3A_1823 = arith.addi %parallel_loop3A_1814, %parallel_loop3A_1822 : vector<16xi32>
        %parallel_loop3A_1824 = arith.select %parallel_loop3A_1820, %parallel_loop3A_1823, %parallel_loop3A_1814 : vector<16xi1>, vector<16xi32>
        %parallel_loop3A_1825 = vector.shape_cast %parallel_loop3A_1824 : vector<16xi32> to vector<16x1xi32>
        %parallel_loop3A_1826 = vector.shape_cast %parallel_loop3A_1825 : vector<16x1xi32> to vector<16xi32>
        %parallel_loop3A_1827 = tpu.dynamic_gather %parallel_loop3A_1817[%parallel_loop3A_1826] in [0] : vector<16xf32>, vector<16xi32> -> vector<16xf32>
        %parallel_loop3A_1828 = arith.index_cast %parallel_loop3A_1809 : i32 to index
        %parallel_loop3A_1829 = arith.constant 0 : index
        %parallel_loop3A_1830 = tpu.vector_load %arg14[%parallel_loop3A_1828, %parallel_loop3A_1829] {strides = array<i32>} : memref<512x16xf32, #tpu.memory_space<vmem>>, vector<16xf32>,
        tpu.vector_store %arg14[%parallel_loop3A_1828, %parallel_loop3A_1829], %parallel_loop3A_1827 {strides = array<i32>} : memref<512x16xf32, #tpu.memory_space<vmem>>, vector<16xf32>,
      } {sc.loop_unroll_factor = 16 : i64, sc.parallel_access}
      %parallel_loop3A_1648 = arith.constant 0 : i32
      %parallel_loop3A_1649 = arith.constant 512 : i32
      %parallel_loop3A_1650 = arith.constant 1 : i32
      scf.for %parallel_loop3A_1809 = %parallel_loop3A_1648 to %parallel_loop3A_1649 step %parallel_loop3A_1650  : i32 {
        %parallel_loop3A_1810 = arith.constant 7 : i32
        %parallel_loop3A_1811 = arith.shrsi %parallel_loop3A_1809, %parallel_loop3A_1810 : i32
        %parallel_loop3A_1812 = arith.constant 4 : i32
        %parallel_loop3A_1813 = arith.shrsi %parallel_loop3A_1809, %parallel_loop3A_1812 : i32
        %parallel_loop3A_1814 = arith.constant 7 : i32
        %parallel_loop3A_1815 = arith.andi %parallel_loop3A_1813, %parallel_loop3A_1814 : i32
        %parallel_loop3A_1816 = arith.constant 4 : i32
        %parallel_loop3A_1817 = arith.shli %parallel_loop3A_1815, %parallel_loop3A_1816 : i32
        %parallel_loop3A_1818 = arith.constant 15 : i32
        %parallel_loop3A_1819 = arith.andi %parallel_loop3A_1809, %parallel_loop3A_1818 : i32
        %parallel_loop3A_1820 = arith.constant 7 : i32
        %parallel_loop3A_1821 = arith.shli %parallel_loop3A_1811, %parallel_loop3A_1820 : i32
        %parallel_loop3A_1822 = arith.addi %parallel_loop3A_1821, %parallel_loop3A_1817 : i32
        %parallel_loop3A_1823 = vector.broadcast %parallel_loop3A_1822 : i32 to vector<16xi32>
        %parallel_loop3A_1824 = arith.addi %parallel_loop3A_1823, %iota3A : vector<16xi32>
        %parallel_loop3A_1825 = vector.broadcast %parallel_loop3A_1819 : i32 to vector<16xi32>
        %parallel_loop3A_1826 = arith.addi %parallel_loop3A_1825, %parallel_loop3A_1824 : vector<16xi32>
        %parallel_loop3A_1827 = arith.constant 15 : i32
        %parallel_loop3A_1828 = vector.broadcast %parallel_loop3A_1827 : i32 to vector<16xi32>
        %parallel_loop3A_1829 = arith.andi %parallel_loop3A_1826, %parallel_loop3A_1828 : vector<16xi32>
        %parallel_loop3A_1830 = tpu.vector_load_idx %arg14[%parallel_loop3A_1824, %parallel_loop3A_1829] : memref<512x16xf32, #tpu.memory_space<vmem>>[vector<16xi32>, vector<16xi32>], vector<16xf32>,
        %parallel_loop3A_1831 = arith.constant 11 : i32
        %parallel_loop3A_1832 = arith.shli %parallel_loop3A_1811, %parallel_loop3A_1831 : i32
        %parallel_loop3A_1833 = arith.constant 3 : i32
        %parallel_loop3A_1834 = arith.shrsi %parallel_loop3A_1819, %parallel_loop3A_1833 : i32
        %parallel_loop3A_1835 = arith.constant 10 : i32
        %parallel_loop3A_1836 = arith.shli %parallel_loop3A_1834, %parallel_loop3A_1835 : i32
        %parallel_loop3A_1837 = arith.addi %parallel_loop3A_1832, %parallel_loop3A_1836 : i32
        %parallel_loop3A_1838 = arith.constant 7 : i32
        %parallel_loop3A_1839 = arith.andi %parallel_loop3A_1819, %parallel_loop3A_1838 : i32
        %parallel_loop3A_1840 = arith.constant 7 : i32
        %parallel_loop3A_1841 = arith.shli %parallel_loop3A_1839, %parallel_loop3A_1840 : i32
        %parallel_loop3A_1842 = arith.addi %parallel_loop3A_1837, %parallel_loop3A_1841 : i32
        %parallel_loop3A_1843 = arith.addi %parallel_loop3A_1842, %parallel_loop3A_1817 : i32
        %parallel_loop3A_1844 = tpu.assume_multiple %parallel_loop3A_1843, 16 : i32
        %parallel_loop3A_1845 = arith.index_cast %parallel_loop3A_1844 : i32 to index
        %parallel_loop3A_1846 = tpu.vector_load %arg19[%parallel_loop3A_1845] {strides = array<i32>} : memref<8192xf32, #tpu.memory_space<vmem>>, vector<16xf32>,
        tpu.vector_store %arg19[%parallel_loop3A_1845], %parallel_loop3A_1830 {strides = array<i32>} : memref<8192xf32, #tpu.memory_space<vmem>>, vector<16xf32>,
      } {sc.loop_unroll_factor = 16 : i64, sc.parallel_access}
      %add3A_1651 = arith.addi %mul3A_2, %add3A_1619 : i32
      %shift_right_arithmetic3A_1652 = arith.constant 8 : i32
      %shift_right_arithmetic3A_1653 = arith.shrsi %add3A_1651, %shift_right_arithmetic3A_1652 : i32
      %shift_left3A_1654 = arith.constant 3 : i32
      %shift_left3A_1655 = arith.shli %shift_right_arithmetic3A_1653, %shift_left3A_1654 : i32
      %and3A_1656 = arith.constant 1 : i32
      %and3A_1657 = arith.andi %add3A_1651, %and3A_1656 : i32
      %shift_left3A_1658 = arith.constant 2 : i32
      %shift_left3A_1659 = arith.shli %and3A_1657, %shift_left3A_1658 : i32
      %add3A_1660 = arith.addi %shift_left3A_1655, %shift_left3A_1659 : i32
      %shift_right_arithmetic3A_1661 = arith.constant 1 : i32
      %shift_right_arithmetic3A_1662 = arith.shrsi %add3A_1651, %shift_right_arithmetic3A_1661 : i32
      %and3A_1663 = arith.constant 127 : i32
      %and3A_1664 = arith.andi %shift_right_arithmetic3A_1662, %and3A_1663 : i32
      %add3A_1665 = arith.constant 0 : i32
      %add3A_1666 = arith.addi %add3A_1660, %add3A_1665 : i32
      %shift_left3A_1667 = arith.constant 1 : i32
      %shift_left3A_1668 = arith.shli %add3A_1666, %shift_left3A_1667 : i32
      %add3A_1669 = arith.constant 0 : i32
      %add3A_1670 = arith.addi %shift_left3A_1668, %add3A_1669 : i32
      %mul3A_1671 = arith.constant 128 : i32
      %mul3A_1672 = arith.muli %add3A_1670, %mul3A_1671 : i32
      %add3A_1673 = arith.addi %mul3A_1672, %and3A_1664 : i32
      %shift_left3A_1674 = arith.constant 10 : i32
      %shift_left3A_1675 = arith.shli %add3A_1673, %shift_left3A_1674 : i32
      %multiple_of3A_1676 = tpu.assume_multiple %shift_left3A_1675, 1024 : i32
      %add3A_1677 = arith.constant 0 : i32
      %add3A_1678 = arith.addi %add3A_1660, %add3A_1677 : i32
      %shift_left3A_1679 = arith.constant 1 : i32
      %shift_left3A_1680 = arith.shli %add3A_1678, %shift_left3A_1679 : i32
      %add3A_1681 = arith.constant 1 : i32
      %add3A_1682 = arith.addi %shift_left3A_1680, %add3A_1681 : i32
      %mul3A_1683 = arith.constant 128 : i32
      %mul3A_1684 = arith.muli %add3A_1682, %mul3A_1683 : i32
      %add3A_1685 = arith.addi %mul3A_1684, %and3A_1664 : i32
      %shift_left3A_1686 = arith.constant 10 : i32
      %shift_left3A_1687 = arith.shli %add3A_1685, %shift_left3A_1686 : i32
      %multiple_of3A_1688 = tpu.assume_multiple %shift_left3A_1687, 1024 : i32
      %add3A_1689 = arith.constant 1 : i32
      %add3A_1690 = arith.addi %add3A_1660, %add3A_1689 : i32
      %shift_left3A_1691 = arith.constant 1 : i32
      %shift_left3A_1692 = arith.shli %add3A_1690, %shift_left3A_1691 : i32
      %add3A_1693 = arith.constant 0 : i32
      %add3A_1694 = arith.addi %shift_left3A_1692, %add3A_1693 : i32
      %mul3A_1695 = arith.constant 128 : i32
      %mul3A_1696 = arith.muli %add3A_1694, %mul3A_1695 : i32
      %add3A_1697 = arith.addi %mul3A_1696, %and3A_1664 : i32
      %shift_left3A_1698 = arith.constant 10 : i32
      %shift_left3A_1699 = arith.shli %add3A_1697, %shift_left3A_1698 : i32
      %multiple_of3A_1700 = tpu.assume_multiple %shift_left3A_1699, 1024 : i32
      %add3A_1701 = arith.constant 1 : i32
      %add3A_1702 = arith.addi %add3A_1660, %add3A_1701 : i32
      %shift_left3A_1703 = arith.constant 1 : i32
      %shift_left3A_1704 = arith.shli %add3A_1702, %shift_left3A_1703 : i32
      %add3A_1705 = arith.constant 1 : i32
      %add3A_1706 = arith.addi %shift_left3A_1704, %add3A_1705 : i32
      %mul3A_1707 = arith.constant 128 : i32
      %mul3A_1708 = arith.muli %add3A_1706, %mul3A_1707 : i32
      %add3A_1709 = arith.addi %mul3A_1708, %and3A_1664 : i32
      %shift_left3A_1710 = arith.constant 10 : i32
      %shift_left3A_1711 = arith.shli %add3A_1709, %shift_left3A_1710 : i32
      %multiple_of3A_1712 = tpu.assume_multiple %shift_left3A_1711, 1024 : i32
      %add3A_1713 = arith.constant 2 : i32
      %add3A_1714 = arith.addi %add3A_1660, %add3A_1713 : i32
      %shift_left3A_1715 = arith.constant 1 : i32
      %shift_left3A_1716 = arith.shli %add3A_1714, %shift_left3A_1715 : i32
      %add3A_1717 = arith.constant 0 : i32
      %add3A_1718 = arith.addi %shift_left3A_1716, %add3A_1717 : i32
      %mul3A_1719 = arith.constant 128 : i32
      %mul3A_1720 = arith.muli %add3A_1718, %mul3A_1719 : i32
      %add3A_1721 = arith.addi %mul3A_1720, %and3A_1664 : i32
      %shift_left3A_1722 = arith.constant 10 : i32
      %shift_left3A_1723 = arith.shli %add3A_1721, %shift_left3A_1722 : i32
      %multiple_of3A_1724 = tpu.assume_multiple %shift_left3A_1723, 1024 : i32
      %add3A_1725 = arith.constant 2 : i32
      %add3A_1726 = arith.addi %add3A_1660, %add3A_1725 : i32
      %shift_left3A_1727 = arith.constant 1 : i32
      %shift_left3A_1728 = arith.shli %add3A_1726, %shift_left3A_1727 : i32
      %add3A_1729 = arith.constant 1 : i32
      %add3A_1730 = arith.addi %shift_left3A_1728, %add3A_1729 : i32
      %mul3A_1731 = arith.constant 128 : i32
      %mul3A_1732 = arith.muli %add3A_1730, %mul3A_1731 : i32
      %add3A_1733 = arith.addi %mul3A_1732, %and3A_1664 : i32
      %shift_left3A_1734 = arith.constant 10 : i32
      %shift_left3A_1735 = arith.shli %add3A_1733, %shift_left3A_1734 : i32
      %multiple_of3A_1736 = tpu.assume_multiple %shift_left3A_1735, 1024 : i32
      %add3A_1737 = arith.constant 3 : i32
      %add3A_1738 = arith.addi %add3A_1660, %add3A_1737 : i32
      %shift_left3A_1739 = arith.constant 1 : i32
      %shift_left3A_1740 = arith.shli %add3A_1738, %shift_left3A_1739 : i32
      %add3A_1741 = arith.constant 0 : i32
      %add3A_1742 = arith.addi %shift_left3A_1740, %add3A_1741 : i32
      %mul3A_1743 = arith.constant 128 : i32
      %mul3A_1744 = arith.muli %add3A_1742, %mul3A_1743 : i32
      %add3A_1745 = arith.addi %mul3A_1744, %and3A_1664 : i32
      %shift_left3A_1746 = arith.constant 10 : i32
      %shift_left3A_1747 = arith.shli %add3A_1745, %shift_left3A_1746 : i32
      %multiple_of3A_1748 = tpu.assume_multiple %shift_left3A_1747, 1024 : i32
      %add3A_1749 = arith.constant 3 : i32
      %add3A_1750 = arith.addi %add3A_1660, %add3A_1749 : i32
      %shift_left3A_1751 = arith.constant 1 : i32
      %shift_left3A_1752 = arith.shli %add3A_1750, %shift_left3A_1751 : i32
      %add3A_1753 = arith.constant 1 : i32
      %add3A_1754 = arith.addi %shift_left3A_1752, %add3A_1753 : i32
      %mul3A_1755 = arith.constant 128 : i32
      %mul3A_1756 = arith.muli %add3A_1754, %mul3A_1755 : i32
      %add3A_1757 = arith.addi %mul3A_1756, %and3A_1664 : i32
      %shift_left3A_1758 = arith.constant 10 : i32
      %shift_left3A_1759 = arith.shli %add3A_1757, %shift_left3A_1758 : i32
      %multiple_of3A_1760 = tpu.assume_multiple %shift_left3A_1759, 1024 : i32
      %dma_start3A_1761 = arith.constant 0 : i32
      %dma_start3A_1762 = tpu.memref_slice %arg19[%dma_start3A_1761] : memref<8192xf32, #tpu.memory_space<vmem>> -> memref<1024xf32, #tpu.memory_space<vmem>>
      %dma_start3A_1763 = tpu.memref_slice %arg4[%multiple_of3A_1676] : memref<52428800xf32, #tpu.memory_space<hbm>> -> memref<1024xf32, #tpu.memory_space<hbm>>
      %dma_start3A_1764 = tpu.memref_slice %arg4[%multiple_of3A_1676] : memref<52428800xf32, #tpu.memory_space<hbm>> -> memref<1024xf32, #tpu.memory_space<hbm>>
      %dma_start3A_1765 = arith.constant 0 : i32
      %dma_start3A_1766 = tpu.memref_slice %arg19[%dma_start3A_1765] : memref<8192xf32, #tpu.memory_space<vmem>> -> memref<1024xf32, #tpu.memory_space<vmem>>
      tpu.enqueue_dma source(%dma_start3A_1766 : memref<1024xf32, #tpu.memory_space<vmem>>) target(%dma_start3A_1764 : memref<1024xf32, #tpu.memory_space<hbm>>) target_semaphore(%arg34 : memref<!tpu.dma_semaphore, #tpu.memory_space<semaphore_mem>>)
      %dma_start3A_1767 = arith.constant 1024 : i32
      %dma_start3A_1768 = tpu.memref_slice %arg19[%dma_start3A_1767] : memref<8192xf32, #tpu.memory_space<vmem>> -> memref<1024xf32, #tpu.memory_space<vmem>>
      %dma_start3A_1769 = tpu.memref_slice %arg4[%multiple_of3A_1688] : memref<52428800xf32, #tpu.memory_space<hbm>> -> memref<1024xf32, #tpu.memory_space<hbm>>
      %dma_start3A_1770 = tpu.memref_slice %arg4[%multiple_of3A_1688] : memref<52428800xf32, #tpu.memory_space<hbm>> -> memref<1024xf32, #tpu.memory_space<hbm>>
      %dma_start3A_1771 = arith.constant 1024 : i32
      %dma_start3A_1772 = tpu.memref_slice %arg19[%dma_start3A_1771] : memref<8192xf32, #tpu.memory_space<vmem>> -> memref<1024xf32, #tpu.memory_space<vmem>>
      tpu.enqueue_dma source(%dma_start3A_1772 : memref<1024xf32, #tpu.memory_space<vmem>>) target(%dma_start3A_1770 : memref<1024xf32, #tpu.memory_space<hbm>>) target_semaphore(%arg34 : memref<!tpu.dma_semaphore, #tpu.memory_space<semaphore_mem>>)
      %dma_start3A_1773 = arith.constant 2048 : i32
      %dma_start3A_1774 = tpu.memref_slice %arg19[%dma_start3A_1773] : memref<8192xf32, #tpu.memory_space<vmem>> -> memref<1024xf32, #tpu.memory_space<vmem>>
      %dma_start3A_1775 = tpu.memref_slice %arg4[%multiple_of3A_1700] : memref<52428800xf32, #tpu.memory_space<hbm>> -> memref<1024xf32, #tpu.memory_space<hbm>>
      %dma_start3A_1776 = tpu.memref_slice %arg4[%multiple_of3A_1700] : memref<52428800xf32, #tpu.memory_space<hbm>> -> memref<1024xf32, #tpu.memory_space<hbm>>
      %dma_start3A_1777 = arith.constant 2048 : i32
      %dma_start3A_1778 = tpu.memref_slice %arg19[%dma_start3A_1777] : memref<8192xf32, #tpu.memory_space<vmem>> -> memref<1024xf32, #tpu.memory_space<vmem>>
      tpu.enqueue_dma source(%dma_start3A_1778 : memref<1024xf32, #tpu.memory_space<vmem>>) target(%dma_start3A_1776 : memref<1024xf32, #tpu.memory_space<hbm>>) target_semaphore(%arg34 : memref<!tpu.dma_semaphore, #tpu.memory_space<semaphore_mem>>)
      %dma_start3A_1779 = arith.constant 3072 : i32
      %dma_start3A_1780 = tpu.memref_slice %arg19[%dma_start3A_1779] : memref<8192xf32, #tpu.memory_space<vmem>> -> memref<1024xf32, #tpu.memory_space<vmem>>
      %dma_start3A_1781 = tpu.memref_slice %arg4[%multiple_of3A_1712] : memref<52428800xf32, #tpu.memory_space<hbm>> -> memref<1024xf32, #tpu.memory_space<hbm>>
      %dma_start3A_1782 = tpu.memref_slice %arg4[%multiple_of3A_1712] : memref<52428800xf32, #tpu.memory_space<hbm>> -> memref<1024xf32, #tpu.memory_space<hbm>>
      %dma_start3A_1783 = arith.constant 3072 : i32
      %dma_start3A_1784 = tpu.memref_slice %arg19[%dma_start3A_1783] : memref<8192xf32, #tpu.memory_space<vmem>> -> memref<1024xf32, #tpu.memory_space<vmem>>
      tpu.enqueue_dma source(%dma_start3A_1784 : memref<1024xf32, #tpu.memory_space<vmem>>) target(%dma_start3A_1782 : memref<1024xf32, #tpu.memory_space<hbm>>) target_semaphore(%arg34 : memref<!tpu.dma_semaphore, #tpu.memory_space<semaphore_mem>>)
      %dma_start3A_1785 = arith.constant 4096 : i32
      %dma_start3A_1786 = tpu.memref_slice %arg19[%dma_start3A_1785] : memref<8192xf32, #tpu.memory_space<vmem>> -> memref<1024xf32, #tpu.memory_space<vmem>>
      %dma_start3A_1787 = tpu.memref_slice %arg4[%multiple_of3A_1724] : memref<52428800xf32, #tpu.memory_space<hbm>> -> memref<1024xf32, #tpu.memory_space<hbm>>
      %dma_start3A_1788 = tpu.memref_slice %arg4[%multiple_of3A_1724] : memref<52428800xf32, #tpu.memory_space<hbm>> -> memref<1024xf32, #tpu.memory_space<hbm>>
      %dma_start3A_1789 = arith.constant 4096 : i32
      %dma_start3A_1790 = tpu.memref_slice %arg19[%dma_start3A_1789] : memref<8192xf32, #tpu.memory_space<vmem>> -> memref<1024xf32, #tpu.memory_space<vmem>>
      tpu.enqueue_dma source(%dma_start3A_1790 : memref<1024xf32, #tpu.memory_space<vmem>>) target(%dma_start3A_1788 : memref<1024xf32, #tpu.memory_space<hbm>>) target_semaphore(%arg34 : memref<!tpu.dma_semaphore, #tpu.memory_space<semaphore_mem>>)
      %dma_start3A_1791 = arith.constant 5120 : i32
      %dma_start3A_1792 = tpu.memref_slice %arg19[%dma_start3A_1791] : memref<8192xf32, #tpu.memory_space<vmem>> -> memref<1024xf32, #tpu.memory_space<vmem>>
      %dma_start3A_1793 = tpu.memref_slice %arg4[%multiple_of3A_1736] : memref<52428800xf32, #tpu.memory_space<hbm>> -> memref<1024xf32, #tpu.memory_space<hbm>>
      %dma_start3A_1794 = tpu.memref_slice %arg4[%multiple_of3A_1736] : memref<52428800xf32, #tpu.memory_space<hbm>> -> memref<1024xf32, #tpu.memory_space<hbm>>
      %dma_start3A_1795 = arith.constant 5120 : i32
      %dma_start3A_1796 = tpu.memref_slice %arg19[%dma_start3A_1795] : memref<8192xf32, #tpu.memory_space<vmem>> -> memref<1024xf32, #tpu.memory_space<vmem>>
      tpu.enqueue_dma source(%dma_start3A_1796 : memref<1024xf32, #tpu.memory_space<vmem>>) target(%dma_start3A_1794 : memref<1024xf32, #tpu.memory_space<hbm>>) target_semaphore(%arg34 : memref<!tpu.dma_semaphore, #tpu.memory_space<semaphore_mem>>)
      %dma_start3A_1797 = arith.constant 6144 : i32
      %dma_start3A_1798 = tpu.memref_slice %arg19[%dma_start3A_1797] : memref<8192xf32, #tpu.memory_space<vmem>> -> memref<1024xf32, #tpu.memory_space<vmem>>
      %dma_start3A_1799 = tpu.memref_slice %arg4[%multiple_of3A_1748] : memref<52428800xf32, #tpu.memory_space<hbm>> -> memref<1024xf32, #tpu.memory_space<hbm>>
      %dma_start3A_1800 = tpu.memref_slice %arg4[%multiple_of3A_1748] : memref<52428800xf32, #tpu.memory_space<hbm>> -> memref<1024xf32, #tpu.memory_space<hbm>>
      %dma_start3A_1801 = arith.constant 6144 : i32
      %dma_start3A_1802 = tpu.memref_slice %arg19[%dma_start3A_1801] : memref<8192xf32, #tpu.memory_space<vmem>> -> memref<1024xf32, #tpu.memory_space<vmem>>
      tpu.enqueue_dma source(%dma_start3A_1802 : memref<1024xf32, #tpu.memory_space<vmem>>) target(%dma_start3A_1800 : memref<1024xf32, #tpu.memory_space<hbm>>) target_semaphore(%arg34 : memref<!tpu.dma_semaphore, #tpu.memory_space<semaphore_mem>>)
      %dma_start3A_1803 = arith.constant 7168 : i32
      %dma_start3A_1804 = tpu.memref_slice %arg19[%dma_start3A_1803] : memref<8192xf32, #tpu.memory_space<vmem>> -> memref<1024xf32, #tpu.memory_space<vmem>>
      %dma_start3A_1805 = tpu.memref_slice %arg4[%multiple_of3A_1760] : memref<52428800xf32, #tpu.memory_space<hbm>> -> memref<1024xf32, #tpu.memory_space<hbm>>
      %dma_start3A_1806 = tpu.memref_slice %arg4[%multiple_of3A_1760] : memref<52428800xf32, #tpu.memory_space<hbm>> -> memref<1024xf32, #tpu.memory_space<hbm>>
      %dma_start3A_1807 = arith.constant 7168 : i32
      %dma_start3A_1808 = tpu.memref_slice %arg19[%dma_start3A_1807] : memref<8192xf32, #tpu.memory_space<vmem>> -> memref<1024xf32, #tpu.memory_space<vmem>>
      tpu.enqueue_dma source(%dma_start3A_1808 : memref<1024xf32, #tpu.memory_space<vmem>>) target(%dma_start3A_1806 : memref<1024xf32, #tpu.memory_space<hbm>>) target_semaphore(%arg34 : memref<!tpu.dma_semaphore, #tpu.memory_space<semaphore_mem>>)
    }
    %scan3A_56 = arith.constant 40 : i32
    %add3A_57 = arith.constant 195 : i32
    %add3A_58 = arith.addi %mul3A_2, %add3A_57 : i32
    %shift_right_arithmetic3A = arith.constant 8 : i32
    %shift_right_arithmetic3A_59 = arith.shrsi %add3A_58, %shift_right_arithmetic3A : i32
    %shift_left3A = arith.constant 3 : i32
    %shift_left3A_60 = arith.shli %shift_right_arithmetic3A_59, %shift_left3A : i32
    %and3A = arith.constant 1 : i32
    %and3A_61 = arith.andi %add3A_58, %and3A : i32
    %shift_left3A_62 = arith.constant 2 : i32
    %shift_left3A_63 = arith.shli %and3A_61, %shift_left3A_62 : i32
    %add3A_64 = arith.addi %shift_left3A_60, %shift_left3A_63 : i32
    %shift_right_arithmetic3A_65 = arith.constant 1 : i32
    %shift_right_arithmetic3A_66 = arith.shrsi %add3A_58, %shift_right_arithmetic3A_65 : i32
    %and3A_67 = arith.constant 127 : i32
    %and3A_68 = arith.andi %shift_right_arithmetic3A_66, %and3A_67 : i32
    %add3A_69 = arith.constant 0 : i32
    %add3A_70 = arith.addi %add3A_64, %add3A_69 : i32
    %shift_left3A_71 = arith.constant 1 : i32
    %shift_left3A_72 = arith.shli %add3A_70, %shift_left3A_71 : i32
    %add3A_73 = arith.constant 0 : i32
    %add3A_74 = arith.addi %shift_left3A_72, %add3A_73 : i32
    %mul3A_75 = arith.constant 128 : i32
    %mul3A_76 = arith.muli %add3A_74, %mul3A_75 : i32
    %add3A_77 = arith.addi %mul3A_76, %and3A_68 : i32
    %shift_left3A_78 = arith.constant 10 : i32
    %shift_left3A_79 = arith.shli %add3A_77, %shift_left3A_78 : i32
    %multiple_of3A = tpu.assume_multiple %shift_left3A_79, 1024 : i32
    %add3A_80 = arith.constant 0 : i32
    %add3A_81 = arith.addi %add3A_64, %add3A_80 : i32
    %shift_left3A_82 = arith.constant 1 : i32
    %shift_left3A_83 = arith.shli %add3A_81, %shift_left3A_82 : i32
    %add3A_84 = arith.constant 1 : i32
    %add3A_85 = arith.addi %shift_left3A_83, %add3A_84 : i32
    %mul3A_86 = arith.constant 128 : i32
    %mul3A_87 = arith.muli %add3A_85, %mul3A_86 : i32
    %add3A_88 = arith.addi %mul3A_87, %and3A_68 : i32
    %shift_left3A_89 = arith.constant 10 : i32
    %shift_left3A_90 = arith.shli %add3A_88, %shift_left3A_89 : i32
    %multiple_of3A_91 = tpu.assume_multiple %shift_left3A_90, 1024 : i32
    %add3A_92 = arith.constant 1 : i32
    %add3A_93 = arith.addi %add3A_64, %add3A_92 : i32
    %shift_left3A_94 = arith.constant 1 : i32
    %shift_left3A_95 = arith.shli %add3A_93, %shift_left3A_94 : i32
    %add3A_96 = arith.constant 0 : i32
    %add3A_97 = arith.addi %shift_left3A_95, %add3A_96 : i32
    %mul3A_98 = arith.constant 128 : i32
    %mul3A_99 = arith.muli %add3A_97, %mul3A_98 : i32
    %add3A_100 = arith.addi %mul3A_99, %and3A_68 : i32
    %shift_left3A_101 = arith.constant 10 : i32
    %shift_left3A_102 = arith.shli %add3A_100, %shift_left3A_101 : i32
    %multiple_of3A_103 = tpu.assume_multiple %shift_left3A_102, 1024 : i32
    %add3A_104 = arith.constant 1 : i32
    %add3A_105 = arith.addi %add3A_64, %add3A_104 : i32
    %shift_left3A_106 = arith.constant 1 : i32
    %shift_left3A_107 = arith.shli %add3A_105, %shift_left3A_106 : i32
    %add3A_108 = arith.constant 1 : i32
    %add3A_109 = arith.addi %shift_left3A_107, %add3A_108 : i32
    %mul3A_110 = arith.constant 128 : i32
    %mul3A_111 = arith.muli %add3A_109, %mul3A_110 : i32
    %add3A_112 = arith.addi %mul3A_111, %and3A_68 : i32
    %shift_left3A_113 = arith.constant 10 : i32
    %shift_left3A_114 = arith.shli %add3A_112, %shift_left3A_113 : i32
    %multiple_of3A_115 = tpu.assume_multiple %shift_left3A_114, 1024 : i32
    %add3A_116 = arith.constant 2 : i32
    %add3A_117 = arith.addi %add3A_64, %add3A_116 : i32
    %shift_left3A_118 = arith.constant 1 : i32
    %shift_left3A_119 = arith.shli %add3A_117, %shift_left3A_118 : i32
    %add3A_120 = arith.constant 0 : i32
    %add3A_121 = arith.addi %shift_left3A_119, %add3A_120 : i32
    %mul3A_122 = arith.constant 128 : i32
    %mul3A_123 = arith.muli %add3A_121, %mul3A_122 : i32
    %add3A_124 = arith.addi %mul3A_123, %and3A_68 : i32
    %shift_left3A_125 = arith.constant 10 : i32
    %shift_left3A_126 = arith.shli %add3A_124, %shift_left3A_125 : i32
    %multiple_of3A_127 = tpu.assume_multiple %shift_left3A_126, 1024 : i32
    %add3A_128 = arith.constant 2 : i32
    %add3A_129 = arith.addi %add3A_64, %add3A_128 : i32
    %shift_left3A_130 = arith.constant 1 : i32
    %shift_left3A_131 = arith.shli %add3A_129, %shift_left3A_130 : i32
    %add3A_132 = arith.constant 1 : i32
    %add3A_133 = arith.addi %shift_left3A_131, %add3A_132 : i32
    %mul3A_134 = arith.constant 128 : i32
    %mul3A_135 = arith.muli %add3A_133, %mul3A_134 : i32
    %add3A_136 = arith.addi %mul3A_135, %and3A_68 : i32
    %shift_left3A_137 = arith.constant 10 : i32
    %shift_left3A_138 = arith.shli %add3A_136, %shift_left3A_137 : i32
    %multiple_of3A_139 = tpu.assume_multiple %shift_left3A_138, 1024 : i32
    %add3A_140 = arith.constant 3 : i32
    %add3A_141 = arith.addi %add3A_64, %add3A_140 : i32
    %shift_left3A_142 = arith.constant 1 : i32
    %shift_left3A_143 = arith.shli %add3A_141, %shift_left3A_142 : i32
    %add3A_144 = arith.constant 0 : i32
    %add3A_145 = arith.addi %shift_left3A_143, %add3A_144 : i32
    %mul3A_146 = arith.constant 128 : i32
    %mul3A_147 = arith.muli %add3A_145, %mul3A_146 : i32
    %add3A_148 = arith.addi %mul3A_147, %and3A_68 : i32
    %shift_left3A_149 = arith.constant 10 : i32
    %shift_left3A_150 = arith.shli %add3A_148, %shift_left3A_149 : i32
    %multiple_of3A_151 = tpu.assume_multiple %shift_left3A_150, 1024 : i32
    %add3A_152 = arith.constant 3 : i32
    %add3A_153 = arith.addi %add3A_64, %add3A_152 : i32
    %shift_left3A_154 = arith.constant 1 : i32
    %shift_left3A_155 = arith.shli %add3A_153, %shift_left3A_154 : i32
    %add3A_156 = arith.constant 1 : i32
    %add3A_157 = arith.addi %shift_left3A_155, %add3A_156 : i32
    %mul3A_158 = arith.constant 128 : i32
    %mul3A_159 = arith.muli %add3A_157, %mul3A_158 : i32
    %add3A_160 = arith.addi %mul3A_159, %and3A_68 : i32
    %shift_left3A_161 = arith.constant 10 : i32
    %shift_left3A_162 = arith.shli %add3A_160, %shift_left3A_161 : i32
    %multiple_of3A_163 = tpu.assume_multiple %shift_left3A_162, 1024 : i32
    %dma_wait3A_164 = arith.constant 0 : i32
    %dma_wait3A_165 = tpu.memref_slice %arg15[%dma_wait3A_164] : memref<8192xf32, #tpu.memory_space<vmem>> -> memref<1024xf32, #tpu.memory_space<vmem>>
    %dma_wait3A_166 = tpu.memref_slice %arg4[%multiple_of3A] : memref<52428800xf32, #tpu.memory_space<hbm>> -> memref<1024xf32, #tpu.memory_space<hbm>>
    %dma_wait3A_167 = tpu.memref_slice %arg4[%multiple_of3A] : memref<52428800xf32, #tpu.memory_space<hbm>> -> memref<1024xf32, #tpu.memory_space<hbm>>
    %dma_wait3A_168 = arith.constant 0 : i32
    %dma_wait3A_169 = tpu.memref_slice %arg15[%dma_wait3A_168] : memref<8192xf32, #tpu.memory_space<vmem>> -> memref<1024xf32, #tpu.memory_space<vmem>>
    tpu.wait_dma2 semaphore(%arg30 : memref<!tpu.dma_semaphore, #tpu.memory_space<semaphore_mem>>) src(%dma_wait3A_169 : memref<1024xf32, #tpu.memory_space<vmem>>) dst(%dma_wait3A_167 : memref<1024xf32, #tpu.memory_space<hbm>>)
    %dma_wait3A_170 = arith.constant 1024 : i32
    %dma_wait3A_171 = tpu.memref_slice %arg15[%dma_wait3A_170] : memref<8192xf32, #tpu.memory_space<vmem>> -> memref<1024xf32, #tpu.memory_space<vmem>>
    %dma_wait3A_172 = tpu.memref_slice %arg4[%multiple_of3A_91] : memref<52428800xf32, #tpu.memory_space<hbm>> -> memref<1024xf32, #tpu.memory_space<hbm>>
    %dma_wait3A_173 = tpu.memref_slice %arg4[%multiple_of3A_91] : memref<52428800xf32, #tpu.memory_space<hbm>> -> memref<1024xf32, #tpu.memory_space<hbm>>
    %dma_wait3A_174 = arith.constant 1024 : i32
    %dma_wait3A_175 = tpu.memref_slice %arg15[%dma_wait3A_174] : memref<8192xf32, #tpu.memory_space<vmem>> -> memref<1024xf32, #tpu.memory_space<vmem>>
    tpu.wait_dma2 semaphore(%arg30 : memref<!tpu.dma_semaphore, #tpu.memory_space<semaphore_mem>>) src(%dma_wait3A_175 : memref<1024xf32, #tpu.memory_space<vmem>>) dst(%dma_wait3A_173 : memref<1024xf32, #tpu.memory_space<hbm>>)
    %dma_wait3A_176 = arith.constant 2048 : i32
    %dma_wait3A_177 = tpu.memref_slice %arg15[%dma_wait3A_176] : memref<8192xf32, #tpu.memory_space<vmem>> -> memref<1024xf32, #tpu.memory_space<vmem>>
    %dma_wait3A_178 = tpu.memref_slice %arg4[%multiple_of3A_103] : memref<52428800xf32, #tpu.memory_space<hbm>> -> memref<1024xf32, #tpu.memory_space<hbm>>
    %dma_wait3A_179 = tpu.memref_slice %arg4[%multiple_of3A_103] : memref<52428800xf32, #tpu.memory_space<hbm>> -> memref<1024xf32, #tpu.memory_space<hbm>>
    %dma_wait3A_180 = arith.constant 2048 : i32
    %dma_wait3A_181 = tpu.memref_slice %arg15[%dma_wait3A_180] : memref<8192xf32, #tpu.memory_space<vmem>> -> memref<1024xf32, #tpu.memory_space<vmem>>
    tpu.wait_dma2 semaphore(%arg30 : memref<!tpu.dma_semaphore, #tpu.memory_space<semaphore_mem>>) src(%dma_wait3A_181 : memref<1024xf32, #tpu.memory_space<vmem>>) dst(%dma_wait3A_179 : memref<1024xf32, #tpu.memory_space<hbm>>)
    %dma_wait3A_182 = arith.constant 3072 : i32
    %dma_wait3A_183 = tpu.memref_slice %arg15[%dma_wait3A_182] : memref<8192xf32, #tpu.memory_space<vmem>> -> memref<1024xf32, #tpu.memory_space<vmem>>
    %dma_wait3A_184 = tpu.memref_slice %arg4[%multiple_of3A_115] : memref<52428800xf32, #tpu.memory_space<hbm>> -> memref<1024xf32, #tpu.memory_space<hbm>>
    %dma_wait3A_185 = tpu.memref_slice %arg4[%multiple_of3A_115] : memref<52428800xf32, #tpu.memory_space<hbm>> -> memref<1024xf32, #tpu.memory_space<hbm>>
    %dma_wait3A_186 = arith.constant 3072 : i32
    %dma_wait3A_187 = tpu.memref_slice %arg15[%dma_wait3A_186] : memref<8192xf32, #tpu.memory_space<vmem>> -> memref<1024xf32, #tpu.memory_space<vmem>>
    tpu.wait_dma2 semaphore(%arg30 : memref<!tpu.dma_semaphore, #tpu.memory_space<semaphore_mem>>) src(%dma_wait3A_187 : memref<1024xf32, #tpu.memory_space<vmem>>) dst(%dma_wait3A_185 : memref<1024xf32, #tpu.memory_space<hbm>>)
    %dma_wait3A_188 = arith.constant 4096 : i32
    %dma_wait3A_189 = tpu.memref_slice %arg15[%dma_wait3A_188] : memref<8192xf32, #tpu.memory_space<vmem>> -> memref<1024xf32, #tpu.memory_space<vmem>>
    %dma_wait3A_190 = tpu.memref_slice %arg4[%multiple_of3A_127] : memref<52428800xf32, #tpu.memory_space<hbm>> -> memref<1024xf32, #tpu.memory_space<hbm>>
    %dma_wait3A_191 = tpu.memref_slice %arg4[%multiple_of3A_127] : memref<52428800xf32, #tpu.memory_space<hbm>> -> memref<1024xf32, #tpu.memory_space<hbm>>
    %dma_wait3A_192 = arith.constant 4096 : i32
    %dma_wait3A_193 = tpu.memref_slice %arg15[%dma_wait3A_192] : memref<8192xf32, #tpu.memory_space<vmem>> -> memref<1024xf32, #tpu.memory_space<vmem>>
    tpu.wait_dma2 semaphore(%arg30 : memref<!tpu.dma_semaphore, #tpu.memory_space<semaphore_mem>>) src(%dma_wait3A_193 : memref<1024xf32, #tpu.memory_space<vmem>>) dst(%dma_wait3A_191 : memref<1024xf32, #tpu.memory_space<hbm>>)
    %dma_wait3A_194 = arith.constant 5120 : i32
    %dma_wait3A_195 = tpu.memref_slice %arg15[%dma_wait3A_194] : memref<8192xf32, #tpu.memory_space<vmem>> -> memref<1024xf32, #tpu.memory_space<vmem>>
    %dma_wait3A_196 = tpu.memref_slice %arg4[%multiple_of3A_139] : memref<52428800xf32, #tpu.memory_space<hbm>> -> memref<1024xf32, #tpu.memory_space<hbm>>
    %dma_wait3A_197 = tpu.memref_slice %arg4[%multiple_of3A_139] : memref<52428800xf32, #tpu.memory_space<hbm>> -> memref<1024xf32, #tpu.memory_space<hbm>>
    %dma_wait3A_198 = arith.constant 5120 : i32
    %dma_wait3A_199 = tpu.memref_slice %arg15[%dma_wait3A_198] : memref<8192xf32, #tpu.memory_space<vmem>> -> memref<1024xf32, #tpu.memory_space<vmem>>
    tpu.wait_dma2 semaphore(%arg30 : memref<!tpu.dma_semaphore, #tpu.memory_space<semaphore_mem>>) src(%dma_wait3A_199 : memref<1024xf32, #tpu.memory_space<vmem>>) dst(%dma_wait3A_197 : memref<1024xf32, #tpu.memory_space<hbm>>)
    %dma_wait3A_200 = arith.constant 6144 : i32
    %dma_wait3A_201 = tpu.memref_slice %arg15[%dma_wait3A_200] : memref<8192xf32, #tpu.memory_space<vmem>> -> memref<1024xf32, #tpu.memory_space<vmem>>
    %dma_wait3A_202 = tpu.memref_slice %arg4[%multiple_of3A_151] : memref<52428800xf32, #tpu.memory_space<hbm>> -> memref<1024xf32, #tpu.memory_space<hbm>>
    %dma_wait3A_203 = tpu.memref_slice %arg4[%multiple_of3A_151] : memref<52428800xf32, #tpu.memory_space<hbm>> -> memref<1024xf32, #tpu.memory_space<hbm>>
    %dma_wait3A_204 = arith.constant 6144 : i32
    %dma_wait3A_205 = tpu.memref_slice %arg15[%dma_wait3A_204] : memref<8192xf32, #tpu.memory_space<vmem>> -> memref<1024xf32, #tpu.memory_space<vmem>>
    tpu.wait_dma2 semaphore(%arg30 : memref<!tpu.dma_semaphore, #tpu.memory_space<semaphore_mem>>) src(%dma_wait3A_205 : memref<1024xf32, #tpu.memory_space<vmem>>) dst(%dma_wait3A_203 : memref<1024xf32, #tpu.memory_space<hbm>>)
    %dma_wait3A_206 = arith.constant 7168 : i32
    %dma_wait3A_207 = tpu.memref_slice %arg15[%dma_wait3A_206] : memref<8192xf32, #tpu.memory_space<vmem>> -> memref<1024xf32, #tpu.memory_space<vmem>>
    %dma_wait3A_208 = tpu.memref_slice %arg4[%multiple_of3A_163] : memref<52428800xf32, #tpu.memory_space<hbm>> -> memref<1024xf32, #tpu.memory_space<hbm>>
    %dma_wait3A_209 = tpu.memref_slice %arg4[%multiple_of3A_163] : memref<52428800xf32, #tpu.memory_space<hbm>> -> memref<1024xf32, #tpu.memory_space<hbm>>
    %dma_wait3A_210 = arith.constant 7168 : i32
    %dma_wait3A_211 = tpu.memref_slice %arg15[%dma_wait3A_210] : memref<8192xf32, #tpu.memory_space<vmem>> -> memref<1024xf32, #tpu.memory_space<vmem>>
    tpu.wait_dma2 semaphore(%arg30 : memref<!tpu.dma_semaphore, #tpu.memory_space<semaphore_mem>>) src(%dma_wait3A_211 : memref<1024xf32, #tpu.memory_space<vmem>>) dst(%dma_wait3A_209 : memref<1024xf32, #tpu.memory_space<hbm>>)
    %add3A_212 = arith.constant 196 : i32
    %add3A_213 = arith.addi %mul3A_2, %add3A_212 : i32
    %shift_right_arithmetic3A_214 = arith.constant 8 : i32
    %shift_right_arithmetic3A_215 = arith.shrsi %add3A_213, %shift_right_arithmetic3A_214 : i32
    %shift_left3A_216 = arith.constant 3 : i32
    %shift_left3A_217 = arith.shli %shift_right_arithmetic3A_215, %shift_left3A_216 : i32
    %and3A_218 = arith.constant 1 : i32
    %and3A_219 = arith.andi %add3A_213, %and3A_218 : i32
    %shift_left3A_220 = arith.constant 2 : i32
    %shift_left3A_221 = arith.shli %and3A_219, %shift_left3A_220 : i32
    %add3A_222 = arith.addi %shift_left3A_217, %shift_left3A_221 : i32
    %shift_right_arithmetic3A_223 = arith.constant 1 : i32
    %shift_right_arithmetic3A_224 = arith.shrsi %add3A_213, %shift_right_arithmetic3A_223 : i32
    %and3A_225 = arith.constant 127 : i32
    %and3A_226 = arith.andi %shift_right_arithmetic3A_224, %and3A_225 : i32
    %add3A_227 = arith.constant 0 : i32
    %add3A_228 = arith.addi %add3A_222, %add3A_227 : i32
    %shift_left3A_229 = arith.constant 1 : i32
    %shift_left3A_230 = arith.shli %add3A_228, %shift_left3A_229 : i32
    %add3A_231 = arith.constant 0 : i32
    %add3A_232 = arith.addi %shift_left3A_230, %add3A_231 : i32
    %mul3A_233 = arith.constant 128 : i32
    %mul3A_234 = arith.muli %add3A_232, %mul3A_233 : i32
    %add3A_235 = arith.addi %mul3A_234, %and3A_226 : i32
    %shift_left3A_236 = arith.constant 10 : i32
    %shift_left3A_237 = arith.shli %add3A_235, %shift_left3A_236 : i32
    %multiple_of3A_238 = tpu.assume_multiple %shift_left3A_237, 1024 : i32
    %add3A_239 = arith.constant 0 : i32
    %add3A_240 = arith.addi %add3A_222, %add3A_239 : i32
    %shift_left3A_241 = arith.constant 1 : i32
    %shift_left3A_242 = arith.shli %add3A_240, %shift_left3A_241 : i32
    %add3A_243 = arith.constant 1 : i32
    %add3A_244 = arith.addi %shift_left3A_242, %add3A_243 : i32
    %mul3A_245 = arith.constant 128 : i32
    %mul3A_246 = arith.muli %add3A_244, %mul3A_245 : i32
    %add3A_247 = arith.addi %mul3A_246, %and3A_226 : i32
    %shift_left3A_248 = arith.constant 10 : i32
    %shift_left3A_249 = arith.shli %add3A_247, %shift_left3A_248 : i32
    %multiple_of3A_250 = tpu.assume_multiple %shift_left3A_249, 1024 : i32
    %add3A_251 = arith.constant 1 : i32
    %add3A_252 = arith.addi %add3A_222, %add3A_251 : i32
    %shift_left3A_253 = arith.constant 1 : i32
    %shift_left3A_254 = arith.shli %add3A_252, %shift_left3A_253 : i32
    %add3A_255 = arith.constant 0 : i32
    %add3A_256 = arith.addi %shift_left3A_254, %add3A_255 : i32
    %mul3A_257 = arith.constant 128 : i32
    %mul3A_258 = arith.muli %add3A_256, %mul3A_257 : i32
    %add3A_259 = arith.addi %mul3A_258, %and3A_226 : i32
    %shift_left3A_260 = arith.constant 10 : i32
    %shift_left3A_261 = arith.shli %add3A_259, %shift_left3A_260 : i32
    %multiple_of3A_262 = tpu.assume_multiple %shift_left3A_261, 1024 : i32
    %add3A_263 = arith.constant 1 : i32
    %add3A_264 = arith.addi %add3A_222, %add3A_263 : i32
    %shift_left3A_265 = arith.constant 1 : i32
    %shift_left3A_266 = arith.shli %add3A_264, %shift_left3A_265 : i32
    %add3A_267 = arith.constant 1 : i32
    %add3A_268 = arith.addi %shift_left3A_266, %add3A_267 : i32
    %mul3A_269 = arith.constant 128 : i32
    %mul3A_270 = arith.muli %add3A_268, %mul3A_269 : i32
    %add3A_271 = arith.addi %mul3A_270, %and3A_226 : i32
    %shift_left3A_272 = arith.constant 10 : i32
    %shift_left3A_273 = arith.shli %add3A_271, %shift_left3A_272 : i32
    %multiple_of3A_274 = tpu.assume_multiple %shift_left3A_273, 1024 : i32
    %add3A_275 = arith.constant 2 : i32
    %add3A_276 = arith.addi %add3A_222, %add3A_275 : i32
    %shift_left3A_277 = arith.constant 1 : i32
    %shift_left3A_278 = arith.shli %add3A_276, %shift_left3A_277 : i32
    %add3A_279 = arith.constant 0 : i32
    %add3A_280 = arith.addi %shift_left3A_278, %add3A_279 : i32
    %mul3A_281 = arith.constant 128 : i32
    %mul3A_282 = arith.muli %add3A_280, %mul3A_281 : i32
    %add3A_283 = arith.addi %mul3A_282, %and3A_226 : i32
    %shift_left3A_284 = arith.constant 10 : i32
    %shift_left3A_285 = arith.shli %add3A_283, %shift_left3A_284 : i32
    %multiple_of3A_286 = tpu.assume_multiple %shift_left3A_285, 1024 : i32
    %add3A_287 = arith.constant 2 : i32
    %add3A_288 = arith.addi %add3A_222, %add3A_287 : i32
    %shift_left3A_289 = arith.constant 1 : i32
    %shift_left3A_290 = arith.shli %add3A_288, %shift_left3A_289 : i32
    %add3A_291 = arith.constant 1 : i32
    %add3A_292 = arith.addi %shift_left3A_290, %add3A_291 : i32
    %mul3A_293 = arith.constant 128 : i32
    %mul3A_294 = arith.muli %add3A_292, %mul3A_293 : i32
    %add3A_295 = arith.addi %mul3A_294, %and3A_226 : i32
    %shift_left3A_296 = arith.constant 10 : i32
    %shift_left3A_297 = arith.shli %add3A_295, %shift_left3A_296 : i32
    %multiple_of3A_298 = tpu.assume_multiple %shift_left3A_297, 1024 : i32
    %add3A_299 = arith.constant 3 : i32
    %add3A_300 = arith.addi %add3A_222, %add3A_299 : i32
    %shift_left3A_301 = arith.constant 1 : i32
    %shift_left3A_302 = arith.shli %add3A_300, %shift_left3A_301 : i32
    %add3A_303 = arith.constant 0 : i32
    %add3A_304 = arith.addi %shift_left3A_302, %add3A_303 : i32
    %mul3A_305 = arith.constant 128 : i32
    %mul3A_306 = arith.muli %add3A_304, %mul3A_305 : i32
    %add3A_307 = arith.addi %mul3A_306, %and3A_226 : i32
    %shift_left3A_308 = arith.constant 10 : i32
    %shift_left3A_309 = arith.shli %add3A_307, %shift_left3A_308 : i32
    %multiple_of3A_310 = tpu.assume_multiple %shift_left3A_309, 1024 : i32
    %add3A_311 = arith.constant 3 : i32
    %add3A_312 = arith.addi %add3A_222, %add3A_311 : i32
    %shift_left3A_313 = arith.constant 1 : i32
    %shift_left3A_314 = arith.shli %add3A_312, %shift_left3A_313 : i32
    %add3A_315 = arith.constant 1 : i32
    %add3A_316 = arith.addi %shift_left3A_314, %add3A_315 : i32
    %mul3A_317 = arith.constant 128 : i32
    %mul3A_318 = arith.muli %add3A_316, %mul3A_317 : i32
    %add3A_319 = arith.addi %mul3A_318, %and3A_226 : i32
    %shift_left3A_320 = arith.constant 10 : i32
    %shift_left3A_321 = arith.shli %add3A_319, %shift_left3A_320 : i32
    %multiple_of3A_322 = tpu.assume_multiple %shift_left3A_321, 1024 : i32
    %dma_wait3A_323 = arith.constant 0 : i32
    %dma_wait3A_324 = tpu.memref_slice %arg16[%dma_wait3A_323] : memref<8192xf32, #tpu.memory_space<vmem>> -> memref<1024xf32, #tpu.memory_space<vmem>>
    %dma_wait3A_325 = tpu.memref_slice %arg4[%multiple_of3A_238] : memref<52428800xf32, #tpu.memory_space<hbm>> -> memref<1024xf32, #tpu.memory_space<hbm>>
    %dma_wait3A_326 = tpu.memref_slice %arg4[%multiple_of3A_238] : memref<52428800xf32, #tpu.memory_space<hbm>> -> memref<1024xf32, #tpu.memory_space<hbm>>
    %dma_wait3A_327 = arith.constant 0 : i32
    %dma_wait3A_328 = tpu.memref_slice %arg16[%dma_wait3A_327] : memref<8192xf32, #tpu.memory_space<vmem>> -> memref<1024xf32, #tpu.memory_space<vmem>>
    tpu.wait_dma2 semaphore(%arg31 : memref<!tpu.dma_semaphore, #tpu.memory_space<semaphore_mem>>) src(%dma_wait3A_328 : memref<1024xf32, #tpu.memory_space<vmem>>) dst(%dma_wait3A_326 : memref<1024xf32, #tpu.memory_space<hbm>>)
    %dma_wait3A_329 = arith.constant 1024 : i32
    %dma_wait3A_330 = tpu.memref_slice %arg16[%dma_wait3A_329] : memref<8192xf32, #tpu.memory_space<vmem>> -> memref<1024xf32, #tpu.memory_space<vmem>>
    %dma_wait3A_331 = tpu.memref_slice %arg4[%multiple_of3A_250] : memref<52428800xf32, #tpu.memory_space<hbm>> -> memref<1024xf32, #tpu.memory_space<hbm>>
    %dma_wait3A_332 = tpu.memref_slice %arg4[%multiple_of3A_250] : memref<52428800xf32, #tpu.memory_space<hbm>> -> memref<1024xf32, #tpu.memory_space<hbm>>
    %dma_wait3A_333 = arith.constant 1024 : i32
    %dma_wait3A_334 = tpu.memref_slice %arg16[%dma_wait3A_333] : memref<8192xf32, #tpu.memory_space<vmem>> -> memref<1024xf32, #tpu.memory_space<vmem>>
    tpu.wait_dma2 semaphore(%arg31 : memref<!tpu.dma_semaphore, #tpu.memory_space<semaphore_mem>>) src(%dma_wait3A_334 : memref<1024xf32, #tpu.memory_space<vmem>>) dst(%dma_wait3A_332 : memref<1024xf32, #tpu.memory_space<hbm>>)
    %dma_wait3A_335 = arith.constant 2048 : i32
    %dma_wait3A_336 = tpu.memref_slice %arg16[%dma_wait3A_335] : memref<8192xf32, #tpu.memory_space<vmem>> -> memref<1024xf32, #tpu.memory_space<vmem>>
    %dma_wait3A_337 = tpu.memref_slice %arg4[%multiple_of3A_262] : memref<52428800xf32, #tpu.memory_space<hbm>> -> memref<1024xf32, #tpu.memory_space<hbm>>
    %dma_wait3A_338 = tpu.memref_slice %arg4[%multiple_of3A_262] : memref<52428800xf32, #tpu.memory_space<hbm>> -> memref<1024xf32, #tpu.memory_space<hbm>>
    %dma_wait3A_339 = arith.constant 2048 : i32
    %dma_wait3A_340 = tpu.memref_slice %arg16[%dma_wait3A_339] : memref<8192xf32, #tpu.memory_space<vmem>> -> memref<1024xf32, #tpu.memory_space<vmem>>
    tpu.wait_dma2 semaphore(%arg31 : memref<!tpu.dma_semaphore, #tpu.memory_space<semaphore_mem>>) src(%dma_wait3A_340 : memref<1024xf32, #tpu.memory_space<vmem>>) dst(%dma_wait3A_338 : memref<1024xf32, #tpu.memory_space<hbm>>)
    %dma_wait3A_341 = arith.constant 3072 : i32
    %dma_wait3A_342 = tpu.memref_slice %arg16[%dma_wait3A_341] : memref<8192xf32, #tpu.memory_space<vmem>> -> memref<1024xf32, #tpu.memory_space<vmem>>
    %dma_wait3A_343 = tpu.memref_slice %arg4[%multiple_of3A_274] : memref<52428800xf32, #tpu.memory_space<hbm>> -> memref<1024xf32, #tpu.memory_space<hbm>>
    %dma_wait3A_344 = tpu.memref_slice %arg4[%multiple_of3A_274] : memref<52428800xf32, #tpu.memory_space<hbm>> -> memref<1024xf32, #tpu.memory_space<hbm>>
    %dma_wait3A_345 = arith.constant 3072 : i32
    %dma_wait3A_346 = tpu.memref_slice %arg16[%dma_wait3A_345] : memref<8192xf32, #tpu.memory_space<vmem>> -> memref<1024xf32, #tpu.memory_space<vmem>>
    tpu.wait_dma2 semaphore(%arg31 : memref<!tpu.dma_semaphore, #tpu.memory_space<semaphore_mem>>) src(%dma_wait3A_346 : memref<1024xf32, #tpu.memory_space<vmem>>) dst(%dma_wait3A_344 : memref<1024xf32, #tpu.memory_space<hbm>>)
    %dma_wait3A_347 = arith.constant 4096 : i32
    %dma_wait3A_348 = tpu.memref_slice %arg16[%dma_wait3A_347] : memref<8192xf32, #tpu.memory_space<vmem>> -> memref<1024xf32, #tpu.memory_space<vmem>>
    %dma_wait3A_349 = tpu.memref_slice %arg4[%multiple_of3A_286] : memref<52428800xf32, #tpu.memory_space<hbm>> -> memref<1024xf32, #tpu.memory_space<hbm>>
    %dma_wait3A_350 = tpu.memref_slice %arg4[%multiple_of3A_286] : memref<52428800xf32, #tpu.memory_space<hbm>> -> memref<1024xf32, #tpu.memory_space<hbm>>
    %dma_wait3A_351 = arith.constant 4096 : i32
    %dma_wait3A_352 = tpu.memref_slice %arg16[%dma_wait3A_351] : memref<8192xf32, #tpu.memory_space<vmem>> -> memref<1024xf32, #tpu.memory_space<vmem>>
    tpu.wait_dma2 semaphore(%arg31 : memref<!tpu.dma_semaphore, #tpu.memory_space<semaphore_mem>>) src(%dma_wait3A_352 : memref<1024xf32, #tpu.memory_space<vmem>>) dst(%dma_wait3A_350 : memref<1024xf32, #tpu.memory_space<hbm>>)
    %dma_wait3A_353 = arith.constant 5120 : i32
    %dma_wait3A_354 = tpu.memref_slice %arg16[%dma_wait3A_353] : memref<8192xf32, #tpu.memory_space<vmem>> -> memref<1024xf32, #tpu.memory_space<vmem>>
    %dma_wait3A_355 = tpu.memref_slice %arg4[%multiple_of3A_298] : memref<52428800xf32, #tpu.memory_space<hbm>> -> memref<1024xf32, #tpu.memory_space<hbm>>
    %dma_wait3A_356 = tpu.memref_slice %arg4[%multiple_of3A_298] : memref<52428800xf32, #tpu.memory_space<hbm>> -> memref<1024xf32, #tpu.memory_space<hbm>>
    %dma_wait3A_357 = arith.constant 5120 : i32
    %dma_wait3A_358 = tpu.memref_slice %arg16[%dma_wait3A_357] : memref<8192xf32, #tpu.memory_space<vmem>> -> memref<1024xf32, #tpu.memory_space<vmem>>
    tpu.wait_dma2 semaphore(%arg31 : memref<!tpu.dma_semaphore, #tpu.memory_space<semaphore_mem>>) src(%dma_wait3A_358 : memref<1024xf32, #tpu.memory_space<vmem>>) dst(%dma_wait3A_356 : memref<1024xf32, #tpu.memory_space<hbm>>)
    %dma_wait3A_359 = arith.constant 6144 : i32
    %dma_wait3A_360 = tpu.memref_slice %arg16[%dma_wait3A_359] : memref<8192xf32, #tpu.memory_space<vmem>> -> memref<1024xf32, #tpu.memory_space<vmem>>
    %dma_wait3A_361 = tpu.memref_slice %arg4[%multiple_of3A_310] : memref<52428800xf32, #tpu.memory_space<hbm>> -> memref<1024xf32, #tpu.memory_space<hbm>>
    %dma_wait3A_362 = tpu.memref_slice %arg4[%multiple_of3A_310] : memref<52428800xf32, #tpu.memory_space<hbm>> -> memref<1024xf32, #tpu.memory_space<hbm>>
    %dma_wait3A_363 = arith.constant 6144 : i32
    %dma_wait3A_364 = tpu.memref_slice %arg16[%dma_wait3A_363] : memref<8192xf32, #tpu.memory_space<vmem>> -> memref<1024xf32, #tpu.memory_space<vmem>>
    tpu.wait_dma2 semaphore(%arg31 : memref<!tpu.dma_semaphore, #tpu.memory_space<semaphore_mem>>) src(%dma_wait3A_364 : memref<1024xf32, #tpu.memory_space<vmem>>) dst(%dma_wait3A_362 : memref<1024xf32, #tpu.memory_space<hbm>>)
    %dma_wait3A_365 = arith.constant 7168 : i32
    %dma_wait3A_366 = tpu.memref_slice %arg16[%dma_wait3A_365] : memref<8192xf32, #tpu.memory_space<vmem>> -> memref<1024xf32, #tpu.memory_space<vmem>>
    %dma_wait3A_367 = tpu.memref_slice %arg4[%multiple_of3A_322] : memref<52428800xf32, #tpu.memory_space<hbm>> -> memref<1024xf32, #tpu.memory_space<hbm>>
    %dma_wait3A_368 = tpu.memref_slice %arg4[%multiple_of3A_322] : memref<52428800xf32, #tpu.memory_space<hbm>> -> memref<1024xf32, #tpu.memory_space<hbm>>
    %dma_wait3A_369 = arith.constant 7168 : i32
    %dma_wait3A_370 = tpu.memref_slice %arg16[%dma_wait3A_369] : memref<8192xf32, #tpu.memory_space<vmem>> -> memref<1024xf32, #tpu.memory_space<vmem>>
    tpu.wait_dma2 semaphore(%arg31 : memref<!tpu.dma_semaphore, #tpu.memory_space<semaphore_mem>>) src(%dma_wait3A_370 : memref<1024xf32, #tpu.memory_space<vmem>>) dst(%dma_wait3A_368 : memref<1024xf32, #tpu.memory_space<hbm>>)
    %add3A_371 = arith.constant 197 : i32
    %add3A_372 = arith.addi %mul3A_2, %add3A_371 : i32
    %shift_right_arithmetic3A_373 = arith.constant 8 : i32
    %shift_right_arithmetic3A_374 = arith.shrsi %add3A_372, %shift_right_arithmetic3A_373 : i32
    %shift_left3A_375 = arith.constant 3 : i32
    %shift_left3A_376 = arith.shli %shift_right_arithmetic3A_374, %shift_left3A_375 : i32
    %and3A_377 = arith.constant 1 : i32
    %and3A_378 = arith.andi %add3A_372, %and3A_377 : i32
    %shift_left3A_379 = arith.constant 2 : i32
    %shift_left3A_380 = arith.shli %and3A_378, %shift_left3A_379 : i32
    %add3A_381 = arith.addi %shift_left3A_376, %shift_left3A_380 : i32
    %shift_right_arithmetic3A_382 = arith.constant 1 : i32
    %shift_right_arithmetic3A_383 = arith.shrsi %add3A_372, %shift_right_arithmetic3A_382 : i32
    %and3A_384 = arith.constant 127 : i32
    %and3A_385 = arith.andi %shift_right_arithmetic3A_383, %and3A_384 : i32
    %add3A_386 = arith.constant 0 : i32
    %add3A_387 = arith.addi %add3A_381, %add3A_386 : i32
    %shift_left3A_388 = arith.constant 1 : i32
    %shift_left3A_389 = arith.shli %add3A_387, %shift_left3A_388 : i32
    %add3A_390 = arith.constant 0 : i32
    %add3A_391 = arith.addi %shift_left3A_389, %add3A_390 : i32
    %mul3A_392 = arith.constant 128 : i32
    %mul3A_393 = arith.muli %add3A_391, %mul3A_392 : i32
    %add3A_394 = arith.addi %mul3A_393, %and3A_385 : i32
    %shift_left3A_395 = arith.constant 10 : i32
    %shift_left3A_396 = arith.shli %add3A_394, %shift_left3A_395 : i32
    %multiple_of3A_397 = tpu.assume_multiple %shift_left3A_396, 1024 : i32
    %add3A_398 = arith.constant 0 : i32
    %add3A_399 = arith.addi %add3A_381, %add3A_398 : i32
    %shift_left3A_400 = arith.constant 1 : i32
    %shift_left3A_401 = arith.shli %add3A_399, %shift_left3A_400 : i32
    %add3A_402 = arith.constant 1 : i32
    %add3A_403 = arith.addi %shift_left3A_401, %add3A_402 : i32
    %mul3A_404 = arith.constant 128 : i32
    %mul3A_405 = arith.muli %add3A_403, %mul3A_404 : i32
    %add3A_406 = arith.addi %mul3A_405, %and3A_385 : i32
    %shift_left3A_407 = arith.constant 10 : i32
    %shift_left3A_408 = arith.shli %add3A_406, %shift_left3A_407 : i32
    %multiple_of3A_409 = tpu.assume_multiple %shift_left3A_408, 1024 : i32
    %add3A_410 = arith.constant 1 : i32
    %add3A_411 = arith.addi %add3A_381, %add3A_410 : i32
    %shift_left3A_412 = arith.constant 1 : i32
    %shift_left3A_413 = arith.shli %add3A_411, %shift_left3A_412 : i32
    %add3A_414 = arith.constant 0 : i32
    %add3A_415 = arith.addi %shift_left3A_413, %add3A_414 : i32
    %mul3A_416 = arith.constant 128 : i32
    %mul3A_417 = arith.muli %add3A_415, %mul3A_416 : i32
    %add3A_418 = arith.addi %mul3A_417, %and3A_385 : i32
    %shift_left3A_419 = arith.constant 10 : i32
    %shift_left3A_420 = arith.shli %add3A_418, %shift_left3A_419 : i32
    %multiple_of3A_421 = tpu.assume_multiple %shift_left3A_420, 1024 : i32
    %add3A_422 = arith.constant 1 : i32
    %add3A_423 = arith.addi %add3A_381, %add3A_422 : i32
    %shift_left3A_424 = arith.constant 1 : i32
    %shift_left3A_425 = arith.shli %add3A_423, %shift_left3A_424 : i32
    %add3A_426 = arith.constant 1 : i32
    %add3A_427 = arith.addi %shift_left3A_425, %add3A_426 : i32
    %mul3A_428 = arith.constant 128 : i32
    %mul3A_429 = arith.muli %add3A_427, %mul3A_428 : i32
    %add3A_430 = arith.addi %mul3A_429, %and3A_385 : i32
    %shift_left3A_431 = arith.constant 10 : i32
    %shift_left3A_432 = arith.shli %add3A_430, %shift_left3A_431 : i32
    %multiple_of3A_433 = tpu.assume_multiple %shift_left3A_432, 1024 : i32
    %add3A_434 = arith.constant 2 : i32
    %add3A_435 = arith.addi %add3A_381, %add3A_434 : i32
    %shift_left3A_436 = arith.constant 1 : i32
    %shift_left3A_437 = arith.shli %add3A_435, %shift_left3A_436 : i32
    %add3A_438 = arith.constant 0 : i32
    %add3A_439 = arith.addi %shift_left3A_437, %add3A_438 : i32
    %mul3A_440 = arith.constant 128 : i32
    %mul3A_441 = arith.muli %add3A_439, %mul3A_440 : i32
    %add3A_442 = arith.addi %mul3A_441, %and3A_385 : i32
    %shift_left3A_443 = arith.constant 10 : i32
    %shift_left3A_444 = arith.shli %add3A_442, %shift_left3A_443 : i32
    %multiple_of3A_445 = tpu.assume_multiple %shift_left3A_444, 1024 : i32
    %add3A_446 = arith.constant 2 : i32
    %add3A_447 = arith.addi %add3A_381, %add3A_446 : i32
    %shift_left3A_448 = arith.constant 1 : i32
    %shift_left3A_449 = arith.shli %add3A_447, %shift_left3A_448 : i32
    %add3A_450 = arith.constant 1 : i32
    %add3A_451 = arith.addi %shift_left3A_449, %add3A_450 : i32
    %mul3A_452 = arith.constant 128 : i32
    %mul3A_453 = arith.muli %add3A_451, %mul3A_452 : i32
    %add3A_454 = arith.addi %mul3A_453, %and3A_385 : i32
    %shift_left3A_455 = arith.constant 10 : i32
    %shift_left3A_456 = arith.shli %add3A_454, %shift_left3A_455 : i32
    %multiple_of3A_457 = tpu.assume_multiple %shift_left3A_456, 1024 : i32
    %add3A_458 = arith.constant 3 : i32
    %add3A_459 = arith.addi %add3A_381, %add3A_458 : i32
    %shift_left3A_460 = arith.constant 1 : i32
    %shift_left3A_461 = arith.shli %add3A_459, %shift_left3A_460 : i32
    %add3A_462 = arith.constant 0 : i32
    %add3A_463 = arith.addi %shift_left3A_461, %add3A_462 : i32
    %mul3A_464 = arith.constant 128 : i32
    %mul3A_465 = arith.muli %add3A_463, %mul3A_464 : i32
    %add3A_466 = arith.addi %mul3A_465, %and3A_385 : i32
    %shift_left3A_467 = arith.constant 10 : i32
    %shift_left3A_468 = arith.shli %add3A_466, %shift_left3A_467 : i32
    %multiple_of3A_469 = tpu.assume_multiple %shift_left3A_468, 1024 : i32
    %add3A_470 = arith.constant 3 : i32
    %add3A_471 = arith.addi %add3A_381, %add3A_470 : i32
    %shift_left3A_472 = arith.constant 1 : i32
    %shift_left3A_473 = arith.shli %add3A_471, %shift_left3A_472 : i32
    %add3A_474 = arith.constant 1 : i32
    %add3A_475 = arith.addi %shift_left3A_473, %add3A_474 : i32
    %mul3A_476 = arith.constant 128 : i32
    %mul3A_477 = arith.muli %add3A_475, %mul3A_476 : i32
    %add3A_478 = arith.addi %mul3A_477, %and3A_385 : i32
    %shift_left3A_479 = arith.constant 10 : i32
    %shift_left3A_480 = arith.shli %add3A_478, %shift_left3A_479 : i32
    %multiple_of3A_481 = tpu.assume_multiple %shift_left3A_480, 1024 : i32
    %dma_wait3A_482 = arith.constant 0 : i32
    %dma_wait3A_483 = tpu.memref_slice %arg17[%dma_wait3A_482] : memref<8192xf32, #tpu.memory_space<vmem>> -> memref<1024xf32, #tpu.memory_space<vmem>>
    %dma_wait3A_484 = tpu.memref_slice %arg4[%multiple_of3A_397] : memref<52428800xf32, #tpu.memory_space<hbm>> -> memref<1024xf32, #tpu.memory_space<hbm>>
    %dma_wait3A_485 = tpu.memref_slice %arg4[%multiple_of3A_397] : memref<52428800xf32, #tpu.memory_space<hbm>> -> memref<1024xf32, #tpu.memory_space<hbm>>
    %dma_wait3A_486 = arith.constant 0 : i32
    %dma_wait3A_487 = tpu.memref_slice %arg17[%dma_wait3A_486] : memref<8192xf32, #tpu.memory_space<vmem>> -> memref<1024xf32, #tpu.memory_space<vmem>>
    tpu.wait_dma2 semaphore(%arg32 : memref<!tpu.dma_semaphore, #tpu.memory_space<semaphore_mem>>) src(%dma_wait3A_487 : memref<1024xf32, #tpu.memory_space<vmem>>) dst(%dma_wait3A_485 : memref<1024xf32, #tpu.memory_space<hbm>>)
    %dma_wait3A_488 = arith.constant 1024 : i32
    %dma_wait3A_489 = tpu.memref_slice %arg17[%dma_wait3A_488] : memref<8192xf32, #tpu.memory_space<vmem>> -> memref<1024xf32, #tpu.memory_space<vmem>>
    %dma_wait3A_490 = tpu.memref_slice %arg4[%multiple_of3A_409] : memref<52428800xf32, #tpu.memory_space<hbm>> -> memref<1024xf32, #tpu.memory_space<hbm>>
    %dma_wait3A_491 = tpu.memref_slice %arg4[%multiple_of3A_409] : memref<52428800xf32, #tpu.memory_space<hbm>> -> memref<1024xf32, #tpu.memory_space<hbm>>
    %dma_wait3A_492 = arith.constant 1024 : i32
    %dma_wait3A_493 = tpu.memref_slice %arg17[%dma_wait3A_492] : memref<8192xf32, #tpu.memory_space<vmem>> -> memref<1024xf32, #tpu.memory_space<vmem>>
    tpu.wait_dma2 semaphore(%arg32 : memref<!tpu.dma_semaphore, #tpu.memory_space<semaphore_mem>>) src(%dma_wait3A_493 : memref<1024xf32, #tpu.memory_space<vmem>>) dst(%dma_wait3A_491 : memref<1024xf32, #tpu.memory_space<hbm>>)
    %dma_wait3A_494 = arith.constant 2048 : i32
    %dma_wait3A_495 = tpu.memref_slice %arg17[%dma_wait3A_494] : memref<8192xf32, #tpu.memory_space<vmem>> -> memref<1024xf32, #tpu.memory_space<vmem>>
    %dma_wait3A_496 = tpu.memref_slice %arg4[%multiple_of3A_421] : memref<52428800xf32, #tpu.memory_space<hbm>> -> memref<1024xf32, #tpu.memory_space<hbm>>
    %dma_wait3A_497 = tpu.memref_slice %arg4[%multiple_of3A_421] : memref<52428800xf32, #tpu.memory_space<hbm>> -> memref<1024xf32, #tpu.memory_space<hbm>>
    %dma_wait3A_498 = arith.constant 2048 : i32
    %dma_wait3A_499 = tpu.memref_slice %arg17[%dma_wait3A_498] : memref<8192xf32, #tpu.memory_space<vmem>> -> memref<1024xf32, #tpu.memory_space<vmem>>
    tpu.wait_dma2 semaphore(%arg32 : memref<!tpu.dma_semaphore, #tpu.memory_space<semaphore_mem>>) src(%dma_wait3A_499 : memref<1024xf32, #tpu.memory_space<vmem>>) dst(%dma_wait3A_497 : memref<1024xf32, #tpu.memory_space<hbm>>)
    %dma_wait3A_500 = arith.constant 3072 : i32
    %dma_wait3A_501 = tpu.memref_slice %arg17[%dma_wait3A_500] : memref<8192xf32, #tpu.memory_space<vmem>> -> memref<1024xf32, #tpu.memory_space<vmem>>
    %dma_wait3A_502 = tpu.memref_slice %arg4[%multiple_of3A_433] : memref<52428800xf32, #tpu.memory_space<hbm>> -> memref<1024xf32, #tpu.memory_space<hbm>>
    %dma_wait3A_503 = tpu.memref_slice %arg4[%multiple_of3A_433] : memref<52428800xf32, #tpu.memory_space<hbm>> -> memref<1024xf32, #tpu.memory_space<hbm>>
    %dma_wait3A_504 = arith.constant 3072 : i32
    %dma_wait3A_505 = tpu.memref_slice %arg17[%dma_wait3A_504] : memref<8192xf32, #tpu.memory_space<vmem>> -> memref<1024xf32, #tpu.memory_space<vmem>>
    tpu.wait_dma2 semaphore(%arg32 : memref<!tpu.dma_semaphore, #tpu.memory_space<semaphore_mem>>) src(%dma_wait3A_505 : memref<1024xf32, #tpu.memory_space<vmem>>) dst(%dma_wait3A_503 : memref<1024xf32, #tpu.memory_space<hbm>>)
    %dma_wait3A_506 = arith.constant 4096 : i32
    %dma_wait3A_507 = tpu.memref_slice %arg17[%dma_wait3A_506] : memref<8192xf32, #tpu.memory_space<vmem>> -> memref<1024xf32, #tpu.memory_space<vmem>>
    %dma_wait3A_508 = tpu.memref_slice %arg4[%multiple_of3A_445] : memref<52428800xf32, #tpu.memory_space<hbm>> -> memref<1024xf32, #tpu.memory_space<hbm>>
    %dma_wait3A_509 = tpu.memref_slice %arg4[%multiple_of3A_445] : memref<52428800xf32, #tpu.memory_space<hbm>> -> memref<1024xf32, #tpu.memory_space<hbm>>
    %dma_wait3A_510 = arith.constant 4096 : i32
    %dma_wait3A_511 = tpu.memref_slice %arg17[%dma_wait3A_510] : memref<8192xf32, #tpu.memory_space<vmem>> -> memref<1024xf32, #tpu.memory_space<vmem>>
    tpu.wait_dma2 semaphore(%arg32 : memref<!tpu.dma_semaphore, #tpu.memory_space<semaphore_mem>>) src(%dma_wait3A_511 : memref<1024xf32, #tpu.memory_space<vmem>>) dst(%dma_wait3A_509 : memref<1024xf32, #tpu.memory_space<hbm>>)
    %dma_wait3A_512 = arith.constant 5120 : i32
    %dma_wait3A_513 = tpu.memref_slice %arg17[%dma_wait3A_512] : memref<8192xf32, #tpu.memory_space<vmem>> -> memref<1024xf32, #tpu.memory_space<vmem>>
    %dma_wait3A_514 = tpu.memref_slice %arg4[%multiple_of3A_457] : memref<52428800xf32, #tpu.memory_space<hbm>> -> memref<1024xf32, #tpu.memory_space<hbm>>
    %dma_wait3A_515 = tpu.memref_slice %arg4[%multiple_of3A_457] : memref<52428800xf32, #tpu.memory_space<hbm>> -> memref<1024xf32, #tpu.memory_space<hbm>>
    %dma_wait3A_516 = arith.constant 5120 : i32
    %dma_wait3A_517 = tpu.memref_slice %arg17[%dma_wait3A_516] : memref<8192xf32, #tpu.memory_space<vmem>> -> memref<1024xf32, #tpu.memory_space<vmem>>
    tpu.wait_dma2 semaphore(%arg32 : memref<!tpu.dma_semaphore, #tpu.memory_space<semaphore_mem>>) src(%dma_wait3A_517 : memref<1024xf32, #tpu.memory_space<vmem>>) dst(%dma_wait3A_515 : memref<1024xf32, #tpu.memory_space<hbm>>)
    %dma_wait3A_518 = arith.constant 6144 : i32
    %dma_wait3A_519 = tpu.memref_slice %arg17[%dma_wait3A_518] : memref<8192xf32, #tpu.memory_space<vmem>> -> memref<1024xf32, #tpu.memory_space<vmem>>
    %dma_wait3A_520 = tpu.memref_slice %arg4[%multiple_of3A_469] : memref<52428800xf32, #tpu.memory_space<hbm>> -> memref<1024xf32, #tpu.memory_space<hbm>>
    %dma_wait3A_521 = tpu.memref_slice %arg4[%multiple_of3A_469] : memref<52428800xf32, #tpu.memory_space<hbm>> -> memref<1024xf32, #tpu.memory_space<hbm>>
    %dma_wait3A_522 = arith.constant 6144 : i32
    %dma_wait3A_523 = tpu.memref_slice %arg17[%dma_wait3A_522] : memref<8192xf32, #tpu.memory_space<vmem>> -> memref<1024xf32, #tpu.memory_space<vmem>>
    tpu.wait_dma2 semaphore(%arg32 : memref<!tpu.dma_semaphore, #tpu.memory_space<semaphore_mem>>) src(%dma_wait3A_523 : memref<1024xf32, #tpu.memory_space<vmem>>) dst(%dma_wait3A_521 : memref<1024xf32, #tpu.memory_space<hbm>>)
    %dma_wait3A_524 = arith.constant 7168 : i32
    %dma_wait3A_525 = tpu.memref_slice %arg17[%dma_wait3A_524] : memref<8192xf32, #tpu.memory_space<vmem>> -> memref<1024xf32, #tpu.memory_space<vmem>>
    %dma_wait3A_526 = tpu.memref_slice %arg4[%multiple_of3A_481] : memref<52428800xf32, #tpu.memory_space<hbm>> -> memref<1024xf32, #tpu.memory_space<hbm>>
    %dma_wait3A_527 = tpu.memref_slice %arg4[%multiple_of3A_481] : memref<52428800xf32, #tpu.memory_space<hbm>> -> memref<1024xf32, #tpu.memory_space<hbm>>
    %dma_wait3A_528 = arith.constant 7168 : i32
    %dma_wait3A_529 = tpu.memref_slice %arg17[%dma_wait3A_528] : memref<8192xf32, #tpu.memory_space<vmem>> -> memref<1024xf32, #tpu.memory_space<vmem>>
    tpu.wait_dma2 semaphore(%arg32 : memref<!tpu.dma_semaphore, #tpu.memory_space<semaphore_mem>>) src(%dma_wait3A_529 : memref<1024xf32, #tpu.memory_space<vmem>>) dst(%dma_wait3A_527 : memref<1024xf32, #tpu.memory_space<hbm>>)
    %add3A_530 = arith.constant 198 : i32
    %add3A_531 = arith.addi %mul3A_2, %add3A_530 : i32
    %shift_right_arithmetic3A_532 = arith.constant 8 : i32
    %shift_right_arithmetic3A_533 = arith.shrsi %add3A_531, %shift_right_arithmetic3A_532 : i32
    %shift_left3A_534 = arith.constant 3 : i32
    %shift_left3A_535 = arith.shli %shift_right_arithmetic3A_533, %shift_left3A_534 : i32
    %and3A_536 = arith.constant 1 : i32
    %and3A_537 = arith.andi %add3A_531, %and3A_536 : i32
    %shift_left3A_538 = arith.constant 2 : i32
    %shift_left3A_539 = arith.shli %and3A_537, %shift_left3A_538 : i32
    %add3A_540 = arith.addi %shift_left3A_535, %shift_left3A_539 : i32
    %shift_right_arithmetic3A_541 = arith.constant 1 : i32
    %shift_right_arithmetic3A_542 = arith.shrsi %add3A_531, %shift_right_arithmetic3A_541 : i32
    %and3A_543 = arith.constant 127 : i32
    %and3A_544 = arith.andi %shift_right_arithmetic3A_542, %and3A_543 : i32
    %add3A_545 = arith.constant 0 : i32
    %add3A_546 = arith.addi %add3A_540, %add3A_545 : i32
    %shift_left3A_547 = arith.constant 1 : i32
    %shift_left3A_548 = arith.shli %add3A_546, %shift_left3A_547 : i32
    %add3A_549 = arith.constant 0 : i32
    %add3A_550 = arith.addi %shift_left3A_548, %add3A_549 : i32
    %mul3A_551 = arith.constant 128 : i32
    %mul3A_552 = arith.muli %add3A_550, %mul3A_551 : i32
    %add3A_553 = arith.addi %mul3A_552, %and3A_544 : i32
    %shift_left3A_554 = arith.constant 10 : i32
    %shift_left3A_555 = arith.shli %add3A_553, %shift_left3A_554 : i32
    %multiple_of3A_556 = tpu.assume_multiple %shift_left3A_555, 1024 : i32
    %add3A_557 = arith.constant 0 : i32
    %add3A_558 = arith.addi %add3A_540, %add3A_557 : i32
    %shift_left3A_559 = arith.constant 1 : i32
    %shift_left3A_560 = arith.shli %add3A_558, %shift_left3A_559 : i32
    %add3A_561 = arith.constant 1 : i32
    %add3A_562 = arith.addi %shift_left3A_560, %add3A_561 : i32
    %mul3A_563 = arith.constant 128 : i32
    %mul3A_564 = arith.muli %add3A_562, %mul3A_563 : i32
    %add3A_565 = arith.addi %mul3A_564, %and3A_544 : i32
    %shift_left3A_566 = arith.constant 10 : i32
    %shift_left3A_567 = arith.shli %add3A_565, %shift_left3A_566 : i32
    %multiple_of3A_568 = tpu.assume_multiple %shift_left3A_567, 1024 : i32
    %add3A_569 = arith.constant 1 : i32
    %add3A_570 = arith.addi %add3A_540, %add3A_569 : i32
    %shift_left3A_571 = arith.constant 1 : i32
    %shift_left3A_572 = arith.shli %add3A_570, %shift_left3A_571 : i32
    %add3A_573 = arith.constant 0 : i32
    %add3A_574 = arith.addi %shift_left3A_572, %add3A_573 : i32
    %mul3A_575 = arith.constant 128 : i32
    %mul3A_576 = arith.muli %add3A_574, %mul3A_575 : i32
    %add3A_577 = arith.addi %mul3A_576, %and3A_544 : i32
    %shift_left3A_578 = arith.constant 10 : i32
    %shift_left3A_579 = arith.shli %add3A_577, %shift_left3A_578 : i32
    %multiple_of3A_580 = tpu.assume_multiple %shift_left3A_579, 1024 : i32
    %add3A_581 = arith.constant 1 : i32
    %add3A_582 = arith.addi %add3A_540, %add3A_581 : i32
    %shift_left3A_583 = arith.constant 1 : i32
    %shift_left3A_584 = arith.shli %add3A_582, %shift_left3A_583 : i32
    %add3A_585 = arith.constant 1 : i32
    %add3A_586 = arith.addi %shift_left3A_584, %add3A_585 : i32
    %mul3A_587 = arith.constant 128 : i32
    %mul3A_588 = arith.muli %add3A_586, %mul3A_587 : i32
    %add3A_589 = arith.addi %mul3A_588, %and3A_544 : i32
    %shift_left3A_590 = arith.constant 10 : i32
    %shift_left3A_591 = arith.shli %add3A_589, %shift_left3A_590 : i32
    %multiple_of3A_592 = tpu.assume_multiple %shift_left3A_591, 1024 : i32
    %add3A_593 = arith.constant 2 : i32
    %add3A_594 = arith.addi %add3A_540, %add3A_593 : i32
    %shift_left3A_595 = arith.constant 1 : i32
    %shift_left3A_596 = arith.shli %add3A_594, %shift_left3A_595 : i32
    %add3A_597 = arith.constant 0 : i32
    %add3A_598 = arith.addi %shift_left3A_596, %add3A_597 : i32
    %mul3A_599 = arith.constant 128 : i32
    %mul3A_600 = arith.muli %add3A_598, %mul3A_599 : i32
    %add3A_601 = arith.addi %mul3A_600, %and3A_544 : i32
    %shift_left3A_602 = arith.constant 10 : i32
    %shift_left3A_603 = arith.shli %add3A_601, %shift_left3A_602 : i32
    %multiple_of3A_604 = tpu.assume_multiple %shift_left3A_603, 1024 : i32
    %add3A_605 = arith.constant 2 : i32
    %add3A_606 = arith.addi %add3A_540, %add3A_605 : i32
    %shift_left3A_607 = arith.constant 1 : i32
    %shift_left3A_608 = arith.shli %add3A_606, %shift_left3A_607 : i32
    %add3A_609 = arith.constant 1 : i32
    %add3A_610 = arith.addi %shift_left3A_608, %add3A_609 : i32
    %mul3A_611 = arith.constant 128 : i32
    %mul3A_612 = arith.muli %add3A_610, %mul3A_611 : i32
    %add3A_613 = arith.addi %mul3A_612, %and3A_544 : i32
    %shift_left3A_614 = arith.constant 10 : i32
    %shift_left3A_615 = arith.shli %add3A_613, %shift_left3A_614 : i32
    %multiple_of3A_616 = tpu.assume_multiple %shift_left3A_615, 1024 : i32
    %add3A_617 = arith.constant 3 : i32
    %add3A_618 = arith.addi %add3A_540, %add3A_617 : i32
    %shift_left3A_619 = arith.constant 1 : i32
    %shift_left3A_620 = arith.shli %add3A_618, %shift_left3A_619 : i32
    %add3A_621 = arith.constant 0 : i32
    %add3A_622 = arith.addi %shift_left3A_620, %add3A_621 : i32
    %mul3A_623 = arith.constant 128 : i32
    %mul3A_624 = arith.muli %add3A_622, %mul3A_623 : i32
    %add3A_625 = arith.addi %mul3A_624, %and3A_544 : i32
    %shift_left3A_626 = arith.constant 10 : i32
    %shift_left3A_627 = arith.shli %add3A_625, %shift_left3A_626 : i32
    %multiple_of3A_628 = tpu.assume_multiple %shift_left3A_627, 1024 : i32
    %add3A_629 = arith.constant 3 : i32
    %add3A_630 = arith.addi %add3A_540, %add3A_629 : i32
    %shift_left3A_631 = arith.constant 1 : i32
    %shift_left3A_632 = arith.shli %add3A_630, %shift_left3A_631 : i32
    %add3A_633 = arith.constant 1 : i32
    %add3A_634 = arith.addi %shift_left3A_632, %add3A_633 : i32
    %mul3A_635 = arith.constant 128 : i32
    %mul3A_636 = arith.muli %add3A_634, %mul3A_635 : i32
    %add3A_637 = arith.addi %mul3A_636, %and3A_544 : i32
    %shift_left3A_638 = arith.constant 10 : i32
    %shift_left3A_639 = arith.shli %add3A_637, %shift_left3A_638 : i32
    %multiple_of3A_640 = tpu.assume_multiple %shift_left3A_639, 1024 : i32
    %dma_wait3A_641 = arith.constant 0 : i32
    %dma_wait3A_642 = tpu.memref_slice %arg18[%dma_wait3A_641] : memref<8192xf32, #tpu.memory_space<vmem>> -> memref<1024xf32, #tpu.memory_space<vmem>>
    %dma_wait3A_643 = tpu.memref_slice %arg4[%multiple_of3A_556] : memref<52428800xf32, #tpu.memory_space<hbm>> -> memref<1024xf32, #tpu.memory_space<hbm>>
    %dma_wait3A_644 = tpu.memref_slice %arg4[%multiple_of3A_556] : memref<52428800xf32, #tpu.memory_space<hbm>> -> memref<1024xf32, #tpu.memory_space<hbm>>
    %dma_wait3A_645 = arith.constant 0 : i32
    %dma_wait3A_646 = tpu.memref_slice %arg18[%dma_wait3A_645] : memref<8192xf32, #tpu.memory_space<vmem>> -> memref<1024xf32, #tpu.memory_space<vmem>>
    tpu.wait_dma2 semaphore(%arg33 : memref<!tpu.dma_semaphore, #tpu.memory_space<semaphore_mem>>) src(%dma_wait3A_646 : memref<1024xf32, #tpu.memory_space<vmem>>) dst(%dma_wait3A_644 : memref<1024xf32, #tpu.memory_space<hbm>>)
    %dma_wait3A_647 = arith.constant 1024 : i32
    %dma_wait3A_648 = tpu.memref_slice %arg18[%dma_wait3A_647] : memref<8192xf32, #tpu.memory_space<vmem>> -> memref<1024xf32, #tpu.memory_space<vmem>>
    %dma_wait3A_649 = tpu.memref_slice %arg4[%multiple_of3A_568] : memref<52428800xf32, #tpu.memory_space<hbm>> -> memref<1024xf32, #tpu.memory_space<hbm>>
    %dma_wait3A_650 = tpu.memref_slice %arg4[%multiple_of3A_568] : memref<52428800xf32, #tpu.memory_space<hbm>> -> memref<1024xf32, #tpu.memory_space<hbm>>
    %dma_wait3A_651 = arith.constant 1024 : i32
    %dma_wait3A_652 = tpu.memref_slice %arg18[%dma_wait3A_651] : memref<8192xf32, #tpu.memory_space<vmem>> -> memref<1024xf32, #tpu.memory_space<vmem>>
    tpu.wait_dma2 semaphore(%arg33 : memref<!tpu.dma_semaphore, #tpu.memory_space<semaphore_mem>>) src(%dma_wait3A_652 : memref<1024xf32, #tpu.memory_space<vmem>>) dst(%dma_wait3A_650 : memref<1024xf32, #tpu.memory_space<hbm>>)
    %dma_wait3A_653 = arith.constant 2048 : i32
    %dma_wait3A_654 = tpu.memref_slice %arg18[%dma_wait3A_653] : memref<8192xf32, #tpu.memory_space<vmem>> -> memref<1024xf32, #tpu.memory_space<vmem>>
    %dma_wait3A_655 = tpu.memref_slice %arg4[%multiple_of3A_580] : memref<52428800xf32, #tpu.memory_space<hbm>> -> memref<1024xf32, #tpu.memory_space<hbm>>
    %dma_wait3A_656 = tpu.memref_slice %arg4[%multiple_of3A_580] : memref<52428800xf32, #tpu.memory_space<hbm>> -> memref<1024xf32, #tpu.memory_space<hbm>>
    %dma_wait3A_657 = arith.constant 2048 : i32
    %dma_wait3A_658 = tpu.memref_slice %arg18[%dma_wait3A_657] : memref<8192xf32, #tpu.memory_space<vmem>> -> memref<1024xf32, #tpu.memory_space<vmem>>
    tpu.wait_dma2 semaphore(%arg33 : memref<!tpu.dma_semaphore, #tpu.memory_space<semaphore_mem>>) src(%dma_wait3A_658 : memref<1024xf32, #tpu.memory_space<vmem>>) dst(%dma_wait3A_656 : memref<1024xf32, #tpu.memory_space<hbm>>)
    %dma_wait3A_659 = arith.constant 3072 : i32
    %dma_wait3A_660 = tpu.memref_slice %arg18[%dma_wait3A_659] : memref<8192xf32, #tpu.memory_space<vmem>> -> memref<1024xf32, #tpu.memory_space<vmem>>
    %dma_wait3A_661 = tpu.memref_slice %arg4[%multiple_of3A_592] : memref<52428800xf32, #tpu.memory_space<hbm>> -> memref<1024xf32, #tpu.memory_space<hbm>>
    %dma_wait3A_662 = tpu.memref_slice %arg4[%multiple_of3A_592] : memref<52428800xf32, #tpu.memory_space<hbm>> -> memref<1024xf32, #tpu.memory_space<hbm>>
    %dma_wait3A_663 = arith.constant 3072 : i32
    %dma_wait3A_664 = tpu.memref_slice %arg18[%dma_wait3A_663] : memref<8192xf32, #tpu.memory_space<vmem>> -> memref<1024xf32, #tpu.memory_space<vmem>>
    tpu.wait_dma2 semaphore(%arg33 : memref<!tpu.dma_semaphore, #tpu.memory_space<semaphore_mem>>) src(%dma_wait3A_664 : memref<1024xf32, #tpu.memory_space<vmem>>) dst(%dma_wait3A_662 : memref<1024xf32, #tpu.memory_space<hbm>>)
    %dma_wait3A_665 = arith.constant 4096 : i32
    %dma_wait3A_666 = tpu.memref_slice %arg18[%dma_wait3A_665] : memref<8192xf32, #tpu.memory_space<vmem>> -> memref<1024xf32, #tpu.memory_space<vmem>>
    %dma_wait3A_667 = tpu.memref_slice %arg4[%multiple_of3A_604] : memref<52428800xf32, #tpu.memory_space<hbm>> -> memref<1024xf32, #tpu.memory_space<hbm>>
    %dma_wait3A_668 = tpu.memref_slice %arg4[%multiple_of3A_604] : memref<52428800xf32, #tpu.memory_space<hbm>> -> memref<1024xf32, #tpu.memory_space<hbm>>
    %dma_wait3A_669 = arith.constant 4096 : i32
    %dma_wait3A_670 = tpu.memref_slice %arg18[%dma_wait3A_669] : memref<8192xf32, #tpu.memory_space<vmem>> -> memref<1024xf32, #tpu.memory_space<vmem>>
    tpu.wait_dma2 semaphore(%arg33 : memref<!tpu.dma_semaphore, #tpu.memory_space<semaphore_mem>>) src(%dma_wait3A_670 : memref<1024xf32, #tpu.memory_space<vmem>>) dst(%dma_wait3A_668 : memref<1024xf32, #tpu.memory_space<hbm>>)
    %dma_wait3A_671 = arith.constant 5120 : i32
    %dma_wait3A_672 = tpu.memref_slice %arg18[%dma_wait3A_671] : memref<8192xf32, #tpu.memory_space<vmem>> -> memref<1024xf32, #tpu.memory_space<vmem>>
    %dma_wait3A_673 = tpu.memref_slice %arg4[%multiple_of3A_616] : memref<52428800xf32, #tpu.memory_space<hbm>> -> memref<1024xf32, #tpu.memory_space<hbm>>
    %dma_wait3A_674 = tpu.memref_slice %arg4[%multiple_of3A_616] : memref<52428800xf32, #tpu.memory_space<hbm>> -> memref<1024xf32, #tpu.memory_space<hbm>>
    %dma_wait3A_675 = arith.constant 5120 : i32
    %dma_wait3A_676 = tpu.memref_slice %arg18[%dma_wait3A_675] : memref<8192xf32, #tpu.memory_space<vmem>> -> memref<1024xf32, #tpu.memory_space<vmem>>
    tpu.wait_dma2 semaphore(%arg33 : memref<!tpu.dma_semaphore, #tpu.memory_space<semaphore_mem>>) src(%dma_wait3A_676 : memref<1024xf32, #tpu.memory_space<vmem>>) dst(%dma_wait3A_674 : memref<1024xf32, #tpu.memory_space<hbm>>)
    %dma_wait3A_677 = arith.constant 6144 : i32
    %dma_wait3A_678 = tpu.memref_slice %arg18[%dma_wait3A_677] : memref<8192xf32, #tpu.memory_space<vmem>> -> memref<1024xf32, #tpu.memory_space<vmem>>
    %dma_wait3A_679 = tpu.memref_slice %arg4[%multiple_of3A_628] : memref<52428800xf32, #tpu.memory_space<hbm>> -> memref<1024xf32, #tpu.memory_space<hbm>>
    %dma_wait3A_680 = tpu.memref_slice %arg4[%multiple_of3A_628] : memref<52428800xf32, #tpu.memory_space<hbm>> -> memref<1024xf32, #tpu.memory_space<hbm>>
    %dma_wait3A_681 = arith.constant 6144 : i32
    %dma_wait3A_682 = tpu.memref_slice %arg18[%dma_wait3A_681] : memref<8192xf32, #tpu.memory_space<vmem>> -> memref<1024xf32, #tpu.memory_space<vmem>>
    tpu.wait_dma2 semaphore(%arg33 : memref<!tpu.dma_semaphore, #tpu.memory_space<semaphore_mem>>) src(%dma_wait3A_682 : memref<1024xf32, #tpu.memory_space<vmem>>) dst(%dma_wait3A_680 : memref<1024xf32, #tpu.memory_space<hbm>>)
    %dma_wait3A_683 = arith.constant 7168 : i32
    %dma_wait3A_684 = tpu.memref_slice %arg18[%dma_wait3A_683] : memref<8192xf32, #tpu.memory_space<vmem>> -> memref<1024xf32, #tpu.memory_space<vmem>>
    %dma_wait3A_685 = tpu.memref_slice %arg4[%multiple_of3A_640] : memref<52428800xf32, #tpu.memory_space<hbm>> -> memref<1024xf32, #tpu.memory_space<hbm>>
    %dma_wait3A_686 = tpu.memref_slice %arg4[%multiple_of3A_640] : memref<52428800xf32, #tpu.memory_space<hbm>> -> memref<1024xf32, #tpu.memory_space<hbm>>
    %dma_wait3A_687 = arith.constant 7168 : i32
    %dma_wait3A_688 = tpu.memref_slice %arg18[%dma_wait3A_687] : memref<8192xf32, #tpu.memory_space<vmem>> -> memref<1024xf32, #tpu.memory_space<vmem>>
    tpu.wait_dma2 semaphore(%arg33 : memref<!tpu.dma_semaphore, #tpu.memory_space<semaphore_mem>>) src(%dma_wait3A_688 : memref<1024xf32, #tpu.memory_space<vmem>>) dst(%dma_wait3A_686 : memref<1024xf32, #tpu.memory_space<hbm>>)
    %add3A_689 = arith.constant 199 : i32
    %add3A_690 = arith.addi %mul3A_2, %add3A_689 : i32
    %shift_right_arithmetic3A_691 = arith.constant 8 : i32
    %shift_right_arithmetic3A_692 = arith.shrsi %add3A_690, %shift_right_arithmetic3A_691 : i32
    %shift_left3A_693 = arith.constant 3 : i32
    %shift_left3A_694 = arith.shli %shift_right_arithmetic3A_692, %shift_left3A_693 : i32
    %and3A_695 = arith.constant 1 : i32
    %and3A_696 = arith.andi %add3A_690, %and3A_695 : i32
    %shift_left3A_697 = arith.constant 2 : i32
    %shift_left3A_698 = arith.shli %and3A_696, %shift_left3A_697 : i32
    %add3A_699 = arith.addi %shift_left3A_694, %shift_left3A_698 : i32
    %shift_right_arithmetic3A_700 = arith.constant 1 : i32
    %shift_right_arithmetic3A_701 = arith.shrsi %add3A_690, %shift_right_arithmetic3A_700 : i32
    %and3A_702 = arith.constant 127 : i32
    %and3A_703 = arith.andi %shift_right_arithmetic3A_701, %and3A_702 : i32
    %add3A_704 = arith.constant 0 : i32
    %add3A_705 = arith.addi %add3A_699, %add3A_704 : i32
    %shift_left3A_706 = arith.constant 1 : i32
    %shift_left3A_707 = arith.shli %add3A_705, %shift_left3A_706 : i32
    %add3A_708 = arith.constant 0 : i32
    %add3A_709 = arith.addi %shift_left3A_707, %add3A_708 : i32
    %mul3A_710 = arith.constant 128 : i32
    %mul3A_711 = arith.muli %add3A_709, %mul3A_710 : i32
    %add3A_712 = arith.addi %mul3A_711, %and3A_703 : i32
    %shift_left3A_713 = arith.constant 10 : i32
    %shift_left3A_714 = arith.shli %add3A_712, %shift_left3A_713 : i32
    %multiple_of3A_715 = tpu.assume_multiple %shift_left3A_714, 1024 : i32
    %add3A_716 = arith.constant 0 : i32
    %add3A_717 = arith.addi %add3A_699, %add3A_716 : i32
    %shift_left3A_718 = arith.constant 1 : i32
    %shift_left3A_719 = arith.shli %add3A_717, %shift_left3A_718 : i32
    %add3A_720 = arith.constant 1 : i32
    %add3A_721 = arith.addi %shift_left3A_719, %add3A_720 : i32
    %mul3A_722 = arith.constant 128 : i32
    %mul3A_723 = arith.muli %add3A_721, %mul3A_722 : i32
    %add3A_724 = arith.addi %mul3A_723, %and3A_703 : i32
    %shift_left3A_725 = arith.constant 10 : i32
    %shift_left3A_726 = arith.shli %add3A_724, %shift_left3A_725 : i32
    %multiple_of3A_727 = tpu.assume_multiple %shift_left3A_726, 1024 : i32
    %add3A_728 = arith.constant 1 : i32
    %add3A_729 = arith.addi %add3A_699, %add3A_728 : i32
    %shift_left3A_730 = arith.constant 1 : i32
    %shift_left3A_731 = arith.shli %add3A_729, %shift_left3A_730 : i32
    %add3A_732 = arith.constant 0 : i32
    %add3A_733 = arith.addi %shift_left3A_731, %add3A_732 : i32
    %mul3A_734 = arith.constant 128 : i32
    %mul3A_735 = arith.muli %add3A_733, %mul3A_734 : i32
    %add3A_736 = arith.addi %mul3A_735, %and3A_703 : i32
    %shift_left3A_737 = arith.constant 10 : i32
    %shift_left3A_738 = arith.shli %add3A_736, %shift_left3A_737 : i32
    %multiple_of3A_739 = tpu.assume_multiple %shift_left3A_738, 1024 : i32
    %add3A_740 = arith.constant 1 : i32
    %add3A_741 = arith.addi %add3A_699, %add3A_740 : i32
    %shift_left3A_742 = arith.constant 1 : i32
    %shift_left3A_743 = arith.shli %add3A_741, %shift_left3A_742 : i32
    %add3A_744 = arith.constant 1 : i32
    %add3A_745 = arith.addi %shift_left3A_743, %add3A_744 : i32
    %mul3A_746 = arith.constant 128 : i32
    %mul3A_747 = arith.muli %add3A_745, %mul3A_746 : i32
    %add3A_748 = arith.addi %mul3A_747, %and3A_703 : i32
    %shift_left3A_749 = arith.constant 10 : i32
    %shift_left3A_750 = arith.shli %add3A_748, %shift_left3A_749 : i32
    %multiple_of3A_751 = tpu.assume_multiple %shift_left3A_750, 1024 : i32
    %add3A_752 = arith.constant 2 : i32
    %add3A_753 = arith.addi %add3A_699, %add3A_752 : i32
    %shift_left3A_754 = arith.constant 1 : i32
    %shift_left3A_755 = arith.shli %add3A_753, %shift_left3A_754 : i32
    %add3A_756 = arith.constant 0 : i32
    %add3A_757 = arith.addi %shift_left3A_755, %add3A_756 : i32
    %mul3A_758 = arith.constant 128 : i32
    %mul3A_759 = arith.muli %add3A_757, %mul3A_758 : i32
    %add3A_760 = arith.addi %mul3A_759, %and3A_703 : i32
    %shift_left3A_761 = arith.constant 10 : i32
    %shift_left3A_762 = arith.shli %add3A_760, %shift_left3A_761 : i32
    %multiple_of3A_763 = tpu.assume_multiple %shift_left3A_762, 1024 : i32
    %add3A_764 = arith.constant 2 : i32
    %add3A_765 = arith.addi %add3A_699, %add3A_764 : i32
    %shift_left3A_766 = arith.constant 1 : i32
    %shift_left3A_767 = arith.shli %add3A_765, %shift_left3A_766 : i32
    %add3A_768 = arith.constant 1 : i32
    %add3A_769 = arith.addi %shift_left3A_767, %add3A_768 : i32
    %mul3A_770 = arith.constant 128 : i32
    %mul3A_771 = arith.muli %add3A_769, %mul3A_770 : i32
    %add3A_772 = arith.addi %mul3A_771, %and3A_703 : i32
    %shift_left3A_773 = arith.constant 10 : i32
    %shift_left3A_774 = arith.shli %add3A_772, %shift_left3A_773 : i32
    %multiple_of3A_775 = tpu.assume_multiple %shift_left3A_774, 1024 : i32
    %add3A_776 = arith.constant 3 : i32
    %add3A_777 = arith.addi %add3A_699, %add3A_776 : i32
    %shift_left3A_778 = arith.constant 1 : i32
    %shift_left3A_779 = arith.shli %add3A_777, %shift_left3A_778 : i32
    %add3A_780 = arith.constant 0 : i32
    %add3A_781 = arith.addi %shift_left3A_779, %add3A_780 : i32
    %mul3A_782 = arith.constant 128 : i32
    %mul3A_783 = arith.muli %add3A_781, %mul3A_782 : i32
    %add3A_784 = arith.addi %mul3A_783, %and3A_703 : i32
    %shift_left3A_785 = arith.constant 10 : i32
    %shift_left3A_786 = arith.shli %add3A_784, %shift_left3A_785 : i32
    %multiple_of3A_787 = tpu.assume_multiple %shift_left3A_786, 1024 : i32
    %add3A_788 = arith.constant 3 : i32
    %add3A_789 = arith.addi %add3A_699, %add3A_788 : i32
    %shift_left3A_790 = arith.constant 1 : i32
    %shift_left3A_791 = arith.shli %add3A_789, %shift_left3A_790 : i32
    %add3A_792 = arith.constant 1 : i32
    %add3A_793 = arith.addi %shift_left3A_791, %add3A_792 : i32
    %mul3A_794 = arith.constant 128 : i32
    %mul3A_795 = arith.muli %add3A_793, %mul3A_794 : i32
    %add3A_796 = arith.addi %mul3A_795, %and3A_703 : i32
    %shift_left3A_797 = arith.constant 10 : i32
    %shift_left3A_798 = arith.shli %add3A_796, %shift_left3A_797 : i32
    %multiple_of3A_799 = tpu.assume_multiple %shift_left3A_798, 1024 : i32
    %dma_wait3A_800 = arith.constant 0 : i32
    %dma_wait3A_801 = tpu.memref_slice %arg19[%dma_wait3A_800] : memref<8192xf32, #tpu.memory_space<vmem>> -> memref<1024xf32, #tpu.memory_space<vmem>>
    %dma_wait3A_802 = tpu.memref_slice %arg4[%multiple_of3A_715] : memref<52428800xf32, #tpu.memory_space<hbm>> -> memref<1024xf32, #tpu.memory_space<hbm>>
    %dma_wait3A_803 = tpu.memref_slice %arg4[%multiple_of3A_715] : memref<52428800xf32, #tpu.memory_space<hbm>> -> memref<1024xf32, #tpu.memory_space<hbm>>
    %dma_wait3A_804 = arith.constant 0 : i32
    %dma_wait3A_805 = tpu.memref_slice %arg19[%dma_wait3A_804] : memref<8192xf32, #tpu.memory_space<vmem>> -> memref<1024xf32, #tpu.memory_space<vmem>>
    tpu.wait_dma2 semaphore(%arg34 : memref<!tpu.dma_semaphore, #tpu.memory_space<semaphore_mem>>) src(%dma_wait3A_805 : memref<1024xf32, #tpu.memory_space<vmem>>) dst(%dma_wait3A_803 : memref<1024xf32, #tpu.memory_space<hbm>>)
    %dma_wait3A_806 = arith.constant 1024 : i32
    %dma_wait3A_807 = tpu.memref_slice %arg19[%dma_wait3A_806] : memref<8192xf32, #tpu.memory_space<vmem>> -> memref<1024xf32, #tpu.memory_space<vmem>>
    %dma_wait3A_808 = tpu.memref_slice %arg4[%multiple_of3A_727] : memref<52428800xf32, #tpu.memory_space<hbm>> -> memref<1024xf32, #tpu.memory_space<hbm>>
    %dma_wait3A_809 = tpu.memref_slice %arg4[%multiple_of3A_727] : memref<52428800xf32, #tpu.memory_space<hbm>> -> memref<1024xf32, #tpu.memory_space<hbm>>
    %dma_wait3A_810 = arith.constant 1024 : i32
    %dma_wait3A_811 = tpu.memref_slice %arg19[%dma_wait3A_810] : memref<8192xf32, #tpu.memory_space<vmem>> -> memref<1024xf32, #tpu.memory_space<vmem>>
    tpu.wait_dma2 semaphore(%arg34 : memref<!tpu.dma_semaphore, #tpu.memory_space<semaphore_mem>>) src(%dma_wait3A_811 : memref<1024xf32, #tpu.memory_space<vmem>>) dst(%dma_wait3A_809 : memref<1024xf32, #tpu.memory_space<hbm>>)
    %dma_wait3A_812 = arith.constant 2048 : i32
    %dma_wait3A_813 = tpu.memref_slice %arg19[%dma_wait3A_812] : memref<8192xf32, #tpu.memory_space<vmem>> -> memref<1024xf32, #tpu.memory_space<vmem>>
    %dma_wait3A_814 = tpu.memref_slice %arg4[%multiple_of3A_739] : memref<52428800xf32, #tpu.memory_space<hbm>> -> memref<1024xf32, #tpu.memory_space<hbm>>
    %dma_wait3A_815 = tpu.memref_slice %arg4[%multiple_of3A_739] : memref<52428800xf32, #tpu.memory_space<hbm>> -> memref<1024xf32, #tpu.memory_space<hbm>>
    %dma_wait3A_816 = arith.constant 2048 : i32
    %dma_wait3A_817 = tpu.memref_slice %arg19[%dma_wait3A_816] : memref<8192xf32, #tpu.memory_space<vmem>> -> memref<1024xf32, #tpu.memory_space<vmem>>
    tpu.wait_dma2 semaphore(%arg34 : memref<!tpu.dma_semaphore, #tpu.memory_space<semaphore_mem>>) src(%dma_wait3A_817 : memref<1024xf32, #tpu.memory_space<vmem>>) dst(%dma_wait3A_815 : memref<1024xf32, #tpu.memory_space<hbm>>)
    %dma_wait3A_818 = arith.constant 3072 : i32
    %dma_wait3A_819 = tpu.memref_slice %arg19[%dma_wait3A_818] : memref<8192xf32, #tpu.memory_space<vmem>> -> memref<1024xf32, #tpu.memory_space<vmem>>
    %dma_wait3A_820 = tpu.memref_slice %arg4[%multiple_of3A_751] : memref<52428800xf32, #tpu.memory_space<hbm>> -> memref<1024xf32, #tpu.memory_space<hbm>>
    %dma_wait3A_821 = tpu.memref_slice %arg4[%multiple_of3A_751] : memref<52428800xf32, #tpu.memory_space<hbm>> -> memref<1024xf32, #tpu.memory_space<hbm>>
    %dma_wait3A_822 = arith.constant 3072 : i32
    %dma_wait3A_823 = tpu.memref_slice %arg19[%dma_wait3A_822] : memref<8192xf32, #tpu.memory_space<vmem>> -> memref<1024xf32, #tpu.memory_space<vmem>>
    tpu.wait_dma2 semaphore(%arg34 : memref<!tpu.dma_semaphore, #tpu.memory_space<semaphore_mem>>) src(%dma_wait3A_823 : memref<1024xf32, #tpu.memory_space<vmem>>) dst(%dma_wait3A_821 : memref<1024xf32, #tpu.memory_space<hbm>>)
    %dma_wait3A_824 = arith.constant 4096 : i32
    %dma_wait3A_825 = tpu.memref_slice %arg19[%dma_wait3A_824] : memref<8192xf32, #tpu.memory_space<vmem>> -> memref<1024xf32, #tpu.memory_space<vmem>>
    %dma_wait3A_826 = tpu.memref_slice %arg4[%multiple_of3A_763] : memref<52428800xf32, #tpu.memory_space<hbm>> -> memref<1024xf32, #tpu.memory_space<hbm>>
    %dma_wait3A_827 = tpu.memref_slice %arg4[%multiple_of3A_763] : memref<52428800xf32, #tpu.memory_space<hbm>> -> memref<1024xf32, #tpu.memory_space<hbm>>
    %dma_wait3A_828 = arith.constant 4096 : i32
    %dma_wait3A_829 = tpu.memref_slice %arg19[%dma_wait3A_828] : memref<8192xf32, #tpu.memory_space<vmem>> -> memref<1024xf32, #tpu.memory_space<vmem>>
    tpu.wait_dma2 semaphore(%arg34 : memref<!tpu.dma_semaphore, #tpu.memory_space<semaphore_mem>>) src(%dma_wait3A_829 : memref<1024xf32, #tpu.memory_space<vmem>>) dst(%dma_wait3A_827 : memref<1024xf32, #tpu.memory_space<hbm>>)
    %dma_wait3A_830 = arith.constant 5120 : i32
    %dma_wait3A_831 = tpu.memref_slice %arg19[%dma_wait3A_830] : memref<8192xf32, #tpu.memory_space<vmem>> -> memref<1024xf32, #tpu.memory_space<vmem>>
    %dma_wait3A_832 = tpu.memref_slice %arg4[%multiple_of3A_775] : memref<52428800xf32, #tpu.memory_space<hbm>> -> memref<1024xf32, #tpu.memory_space<hbm>>
    %dma_wait3A_833 = tpu.memref_slice %arg4[%multiple_of3A_775] : memref<52428800xf32, #tpu.memory_space<hbm>> -> memref<1024xf32, #tpu.memory_space<hbm>>
    %dma_wait3A_834 = arith.constant 5120 : i32
    %dma_wait3A_835 = tpu.memref_slice %arg19[%dma_wait3A_834] : memref<8192xf32, #tpu.memory_space<vmem>> -> memref<1024xf32, #tpu.memory_space<vmem>>
    tpu.wait_dma2 semaphore(%arg34 : memref<!tpu.dma_semaphore, #tpu.memory_space<semaphore_mem>>) src(%dma_wait3A_835 : memref<1024xf32, #tpu.memory_space<vmem>>) dst(%dma_wait3A_833 : memref<1024xf32, #tpu.memory_space<hbm>>)
    %dma_wait3A_836 = arith.constant 6144 : i32
    %dma_wait3A_837 = tpu.memref_slice %arg19[%dma_wait3A_836] : memref<8192xf32, #tpu.memory_space<vmem>> -> memref<1024xf32, #tpu.memory_space<vmem>>
    %dma_wait3A_838 = tpu.memref_slice %arg4[%multiple_of3A_787] : memref<52428800xf32, #tpu.memory_space<hbm>> -> memref<1024xf32, #tpu.memory_space<hbm>>
    %dma_wait3A_839 = tpu.memref_slice %arg4[%multiple_of3A_787] : memref<52428800xf32, #tpu.memory_space<hbm>> -> memref<1024xf32, #tpu.memory_space<hbm>>
    %dma_wait3A_840 = arith.constant 6144 : i32
    %dma_wait3A_841 = tpu.memref_slice %arg19[%dma_wait3A_840] : memref<8192xf32, #tpu.memory_space<vmem>> -> memref<1024xf32, #tpu.memory_space<vmem>>
    tpu.wait_dma2 semaphore(%arg34 : memref<!tpu.dma_semaphore, #tpu.memory_space<semaphore_mem>>) src(%dma_wait3A_841 : memref<1024xf32, #tpu.memory_space<vmem>>) dst(%dma_wait3A_839 : memref<1024xf32, #tpu.memory_space<hbm>>)
    %dma_wait3A_842 = arith.constant 7168 : i32
    %dma_wait3A_843 = tpu.memref_slice %arg19[%dma_wait3A_842] : memref<8192xf32, #tpu.memory_space<vmem>> -> memref<1024xf32, #tpu.memory_space<vmem>>
    %dma_wait3A_844 = tpu.memref_slice %arg4[%multiple_of3A_799] : memref<52428800xf32, #tpu.memory_space<hbm>> -> memref<1024xf32, #tpu.memory_space<hbm>>
    %dma_wait3A_845 = tpu.memref_slice %arg4[%multiple_of3A_799] : memref<52428800xf32, #tpu.memory_space<hbm>> -> memref<1024xf32, #tpu.memory_space<hbm>>
    %dma_wait3A_846 = arith.constant 7168 : i32
    %dma_wait3A_847 = tpu.memref_slice %arg19[%dma_wait3A_846] : memref<8192xf32, #tpu.memory_space<vmem>> -> memref<1024xf32, #tpu.memory_space<vmem>>
    tpu.wait_dma2 semaphore(%arg34 : memref<!tpu.dma_semaphore, #tpu.memory_space<semaphore_mem>>) src(%dma_wait3A_847 : memref<1024xf32, #tpu.memory_space<vmem>>) dst(%dma_wait3A_845 : memref<1024xf32, #tpu.memory_space<hbm>>)
    return
  }
}

</mosaic_0001>

<sc_bundles>
// kernel: kernel.4.cloned.1.call-start
scs
__scs_entry_jumppad:
0x0: {  	(pc) =	sbr.rel $0x88, $3  }
0x1: {  	(tag) =	ssettag $0x0;
	lr =	simm.s32 $0x1  }
0x2: {  	[smem:$0x3F9F] =	sst lr;
	_ =	strace $0xD0000000  }
0x3: {  	_ = 	snop  }
0x4: {  	_ = 	snop  }
0x5: {  	_ = 	snop  }
0x6: {  	_ = 	snop  }
0x7: {  	_ = 	snop  }
__scs_overlays_trampoline_lowered:
0x8: {  	[smem:$0x3FAE] =	sst s0  }
0x9: {  	[smem:$0x3FAF] =	sst s1  }
0xa: {  	[smem:$0x3FB0] =	sst s2  }
0xb: {  	[smem:$0x3FB1] =	sst s3  }
0xc: {  	[smem:$0x3FB2] =	sst s4  }
0xd: {  	[smem:$0x3FB3] =	sst s5  }
0xe: {  	[smem:$0x3FB4] =	sst s6  }
0xf: {  	[smem:$0x3FB5] =	sst s7  }
0x10: {  	[smem:$0x3FB6] =	sst s8  }
0x11: {  	[smem:$0x3FB7] =	sst s9;
	s0 =	simm.s32 @!p0 $0x0  }
0x12: {  	s1 =	sld [smem:$0x3F9D];
	s0 =	simm.s32 @p0 $0x1  }
0x13: {  	[smem:$0x3FB8] =	sst s0;
	s0 =	simm.s32 @!p1 $0x0  }
0x14: {  	s2 =	sld [smem:$0x3F9C];
	s0 =	simm.s32 @p1 $0x1  }
0x15: {  	[smem:$0x3FB9] =	sst s0;
	s0 =	simm.s32 @!p2 $0x0  }
0x16: {  	s3 =	sld [smem:$0x3FDB];
	s0 =	simm.s32 @p2 $0x1  }
0x17: {  	s4 =	simm.s32 $0x1BF5;
	[smem:$0x3FBB] =	sst s0  }
0x18: {  	s0 =	sld [smem:$0x3F9E];
	_ =	swait.ge [sflag:s4], $0x0  }
0x19: {  	s7 =	sld [smem:$0x3F9F]  }
0x1a: {  	s8 =	sadd.s32 $0xFFFFE003, lr  }
0x1b: {  	s9 =	sadd.s32 $0xFFFFFEF7, lr;
	s5 =	simm.s32 $0xFFFFFFFF;
	p2 =	slt.u32 s8, $0xFFFFF086  }
0x1c: {  	p1 =	slt.u32 s9, $0xF7A;
	s5 =	simm.s32 @!p2 $0x0  }
0x1d: {  	s5 =	simm.s32 @p1 $0x1;
	p0 =	seq.s32 s7, s2  }
0x1e: {  	s7 =	smul.u32 @!p0 $0xF7A, s2;
	p2 =	seq.s32 @!p0 s5, $0x0  }
0x1f: {  	s9 =	smul.u32 $0xF7A, s1;
	s8 =	simm.s32 @!p0 $0x1BF5;
	p2 =	por !p2, p0  }
0x20: {  	[sflag:s8] =	ssyncset.s32 @!p0 $0xFFFFF086;
	s6 =	sadd.s32 @!p0 s3, s7;
	s7 =	simm.s32 @!p0 $0x108  }
0x21: {  	s3 =	sadd.s32 s3, s9;
	s6 =	sadd.s32 @!p0 $0x88, s6;
	s7 =	simm.s32 @p2 $0x1082  }
0x22: {  	[simem:s7], [sflag:s8] =	dma.local @!p0 [hbm:s6], $0xF7A  }
0x23: {  	s9 =	sor.u32 $0xD0000000, s2;
	s6 =	simm.s32 $0x108;
	_ =	swait.ge @!p0 [sflag:s8], $0x0  }
0x24: {  	s3 =	sadd.s32 $0x88, s3;
	s6 =	simm.s32 @!p1 $0x1082;
	[sflag:s4] =	ssyncset.s32 $0xFFFFF086  }
0x25: {  	[simem:s6], [sflag:s4] =	dma.local [hbm:s3], $0xF7A  }
0x26: {  	[smem:$0x3F9F] =	sst s1;
	(tag) =	ssettag s2;
	_ =	strace s9  }
0x27: {  	s1 =	sld [smem:$0x3FAF]  }
0x28: {  	s2 =	sld [smem:$0x3FB0]  }
0x29: {  	s4 =	sld [smem:$0x3FB2]  }
0x2a: {  	p0 =	seq.s32 s5, $0x0;
	s5 =	sld [smem:$0x3FB3]  }
0x2b: {  	s6 =	sld [smem:$0x3FB4]  }
0x2c: {  	s7 =	sld [smem:$0x3FB5]  }
0x2d: {  	s3 =	simm.s32 $0x108;
	s8 =	sld [smem:$0x3FB6]  }
0x2e: {  	s3 =	simm.s32 @!p0 $0x1082;
	s9 =	sld [smem:$0x3FB7]  }
0x2f: {  	lr =	sadd.s32 s0, s3;
	s0 =	sld [smem:$0x3FAE]  }
0x30: {  	s3 =	sld [smem:$0x3FB1]  }
0x31: {  	[smem:$0x3FBA] =	sst s10  }
0x32: {  	s10 =	sld [smem:$0x3FB8];
	_ =	sdelay $0x3  }
0x33: {  	p0 =	seq.s32 s10, $0x1;
	s10 =	sld [smem:$0x3FBA];
	_ =	sdelay $0x3  }
0x34: {  	[smem:$0x3FBA] =	sst s10  }
0x35: {  	s10 =	sld [smem:$0x3FB9];
	_ =	sdelay $0x3  }
0x36: {  	p1 =	seq.s32 s10, $0x1;
	s10 =	sld [smem:$0x3FBA];
	_ =	sdelay $0x3  }
0x37: {  	[smem:$0x3FBA] =	sst s10  }
0x38: {  	s10 =	sld [smem:$0x3FBB]  }
0x39: {  	_ = 	snop;
	(pc) =	sbr.ind lr, $3  }
0x3a: {  	_ = 	snop  }
0x3b: {  	_ = 	snop  }
0x3c: {  	p2 =	seq.s32 s10, $0x1;
	s10 =	sld [smem:$0x3FBA]  }
0x3d: {  	_ =	shalt  }
0x3e: {  	_ =	shalt  }
0x3f: {  	_ =	shalt  }
0x40: {  	_ =	shalt  }
0x41: {  	_ =	shalt  }
0x42: {  	_ =	shalt  }
0x43: {  	_ =	shalt  }
0x44: {  	_ =	shalt  }
0x45: {  	_ =	shalt  }
0x46: {  	_ =	shalt  }
0x47: {  	_ =	shalt  }
0x48: {  	_ =	shalt  }
0x49: {  	_ =	shalt  }
0x4a: {  	_ =	shalt  }
0x4b: {  	_ =	shalt  }
0x4c: {  	_ =	shalt  }
0x4d: {  	_ =	shalt  }
0x4e: {  	_ =	shalt  }
0x4f: {  	_ =	shalt  }
0x50: {  	_ =	shalt  }
0x51: {  	_ =	shalt  }
0x52: {  	_ =	shalt  }
0x53: {  	_ =	shalt  }
0x54: {  	_ =	shalt  }
0x55: {  	_ =	shalt  }
0x56: {  	_ =	shalt  }
0x57: {  	_ =	shalt  }
0x58: {  	_ =	shalt  }
0x59: {  	_ =	shalt  }
0x5a: {  	_ =	shalt  }
0x5b: {  	_ =	shalt  }
0x5c: {  	_ =	shalt  }
0x5d: {  	_ =	shalt  }
0x5e: {  	_ =	shalt  }
0x5f: {  	_ =	shalt  }
0x60: {  	_ =	shalt  }
0x61: {  	_ =	shalt  }
0x62: {  	_ =	shalt  }
0x63: {  	_ =	shalt  }
0x64: {  	_ =	shalt  }
0x65: {  	_ =	shalt  }
0x66: {  	_ =	shalt  }
0x67: {  	_ =	shalt  }
0x68: {  	_ =	shalt  }
0x69: {  	_ =	shalt  }
0x6a: {  	_ =	shalt  }
0x6b: {  	_ =	shalt  }
0x6c: {  	_ =	shalt  }
0x6d: {  	_ =	shalt  }
0x6e: {  	_ =	shalt  }
0x6f: {  	_ =	shalt  }
0x70: {  	_ =	shalt  }
0x71: {  	_ =	shalt  }
0x72: {  	_ =	shalt  }
0x73: {  	_ =	shalt  }
0x74: {  	_ =	shalt  }
0x75: {  	_ =	shalt  }
0x76: {  	_ =	shalt  }
0x77: {  	_ =	shalt  }
0x78: {  	_ =	shalt  }
0x79: {  	_ =	shalt  }
0x7a: {  	_ =	shalt  }
0x7b: {  	_ =	shalt  }
0x7c: {  	_ =	shalt  }
0x7d: {  	_ =	shalt  }
0x7e: {  	_ =	shalt  }
0x7f: {  	_ =	shalt  }
0x80: {  	_ =	shalt  }
0x81: {  	_ =	shalt  }
0x82: {  	_ =	shalt  }
0x83: {  	_ =	shalt  }
0x84: {  	_ =	shalt  }
0x85: {  	_ =	shalt  }
0x86: {  	_ =	shalt  }
0x87: {  	_ =	shalt  }
.Lfunc_end0:
.L_simem_size_0:
called_computation_lowered:
.L_overlay_start_0:
0x88: {  	s2 =	sld [smem:$0x3FD9]  }
0x89: {  	s3 =	sld [smem:$0x3FFE];
	_ =	sdelay $0x1  }
0x8a: {  	s1 =	srdreg.scid  }
0x8b: {  	s0 =	sand.u32 $0x1, s1  }
0x8c: {  	s17 =	sshll.u32 s0, $0xA;
	s2 =	sadd.s32 s3, s2  }
0x8d: {  	s2 =	sadd.s32 s2, s17  }
0x8e: {  	[smem:$0x3FC6] =	sst s2  }
0x8f: {  	_ = 	snop  }
0x90: {  	s2 =	sld [smem:$0x3FD0];
	(tm) =	ssettm $0x1  }
0x91: {  	s18 =	sld [smem:$0x3FFB];
	_ =	sdelay $0x3  }
0x92: {  	_ =	strace s18  }
0x93: {  	s3 =	sld [smem:$0x3FFC];
	_ =	sdelay $0x3  }
0x94: {  	_ =	strace s3  }
0x95: {  	s3 =	sld [smem:$0x3FFD];
	_ =	sdelay $0x3  }
0x96: {  	_ =	strace s3  }
0x97: {  	_ =	strace $0x8FFFFFFF  }
0x98: {  	s19 =	sld [smem:$0x3FDB];
	_ =	sdelay $0x1  }
0x99: {  	s4 =	simm.s32 $_scs_section_size  }
0x9a: {  	s5 =	simm.s32 $_size__tile_overlayer_lowered;
	s6 =	simm.s32 $_tile_overlayer_lowered  }
0x9b: {  	s22 =	simm.s32 $0x1BFF;
	s21 =	sshll.u32 s6, $0x1;
	s3 =	sadd.s32 s4, s19  }
0x9c: {  	s7 =	simm.s32 $0x0;
	s20 =	sshll.u32 s5, $0x1;
	s5 =	sadd.s32 s21, s3  }
0x9d: {  	[timem:s7], [sflag:s22] =	dma.local [hbm:s5], s20  }
0x9e: {  	_ =	swait.ge [sflag:s22], s20  }
0x9f: {  	s4 =	ssub.s32 $0x0, s20;
	[sflag:s22] =	ssyncset.done $0x0  }
0xa0: {  	[sflag:s22] =	ssyncadd.s32 s4;
	_ =	sdelay $0x1  }
0xa1: {  	s23 =	simm.s32 $0x1B8B  }
0xa2: {  	_ =	swait.ge [sflag:s23], $0x1  }
0xa3: {  	[sflag:s23] =	ssyncset.done $0x0  }
0xa4: {  	s25 =	simm.s32 $0x1B8E;
	s24 =	sld [smem:$0x3FFE];
	[sflag:s23] =	ssyncadd.s32 $0xFFFFFFFF  }
0xa5: {  	s26 =	simm.s32 $execute0_lowered;
	[smem:$0x3FD2] =	sst s25  }
0xa6: {  	s5 =	sshll.u32 s26, $0x1;
	_ =	strace $0x80000046;
	[dreg:$0x1] =	wrdreg $0xFFFFFFFF  }
0xa7: {  	s28 =	simm.s32 $_size_execute0_lowered;
	s3 =	sadd.s32 s3, s5;
	[dreg:$0x0] =	wrdreg $0x0  }
0xa8: {  	s5 =	sshll.u32 s28, $0x1;
	[dreg:$0x2] =	wrdreg s3  }
0xa9: {  	[dreg:$0x3] =	wrdreg s5  }
0xaa: {  	[dreg:$0x4] =	wrdreg $0xC0  }
0xab: {  	_ =	task [dreg:s7], $0x5FFFF  }
0xac: {  	[dreg:$0x1] =	wrdreg $0xFFFFFFFF  }
0xad: {  	[dreg:$0x0] =	wrdreg $0x60  }
0xae: {  	[dreg:$0x2] =	wrdreg s2  }
0xaf: {  	[dreg:$0x3] =	wrdreg s24  }
0xb0: {  	[dreg:$0x4] =	wrdreg $0x9  }
0xb1: {  	_ =	task.clear_ibuf [dreg:s7], $0x5FFFF;
	_ =	strace $0x90000046  }
0xb2: {  	s29 =	simm.s32 $0x9;
	_ =	strace $0x80000048  }
0xb3: {  	_ =	swait.ge [sflag:s29], $0x1  }
0xb4: {  	[sflag:s29] =	ssyncadd.s32 $0xFFFFFFFF  }
0xb5: {  	_ =	strace $0x90000048  }
0xb6: {  	_ =	sfence  }
0xb7: {  	s30 =	sld [smem:$0x0];
	_ =	sdelay $0x2  }
0xb8: {  	s31 =	sshll.u32 s1, $0xD;
	s1 =	sshrl.u32 s1, $0x2  }
0xb9: {  	s3 =	sand.u32 $0x4000, s31;
	s1 =	sadd.s32 s1, s30  }
0xba: {  	s0 =	sor.u32 s3, s0;
	s1 =	sshll.u32 s1, $0x11  }
0xbb: {  	s0 =	sor.u32 s1, s0  }
0xbc: {  	s0 =	sadd.s32 $0x8F2B, s0  }
0xbd: {  	[sflag:s0] =	ssyncadd.remote.s32 $0x1  }
0xbe: {  	_ =	sfence.sel $0xFFFF  }
0xbf: {  	[dreg:$0x0] =	wrdreg $0xFFFFFFFF;
	(pc) =	sbr.abs _section_cstart, $3  }
0xc0: {  	[dreg:$0x1] =	wrdreg $0xFFFFFFFF  }
0xc1: {  	_ =	task.clear_ibuf [dreg:s7], $0x2FFFF;
	_ =	strace $0x9FFFFFFF  }
0xc2: {  	(tm) =	ssettm $0x7FFFFFFF  }
0xc3: {  	_ =	shalt  }
tec
execute0_lowered:
.L_overlay_start_1:
0x0: {  	(tag) =	ssettag $0x1  }
0x1: {  	v0 =	vimm.s32 $0xFEDCBA9  }
0x2: {  	v1 =	vimm.s32 $0x87654321;
	v3 =	vimm.s32 $0xA9876543;
	v6 =	vimm.s32 $0xCBA98765  }
0x3: {  	v7 =	vimm.s32 $0xFEDCBA98;
	v18 =	vimm.s32 $0x76543210;
	v0 =	vunpack.c.l.s4.s8 v0  }
0x4: {  	v1 =	vunpack.c.l.s4.s8 v1;
	v3 =	vunpack.c.l.s4.s8 v3;
	v6 =	vunpack.c.l.s4.s8 v6  }
0x5: {  	v7 =	vunpack.c.l.s4.s8 v7;
	v18 =	vunpack.c.l.s4.s8 v18;
	v8 =	vunpack.c.0.s8.s32 v0  }
0x6: {  	v0 =	vimm.s32 $0x10FEDCBA;
	v9 =	vunpack.c.0.s8.s32 v1;
	v13 =	vunpack.c.0.s8.s32 v3  }
0x7: {  	v17 =	vunpack.c.0.s8.s32 v6;
	v6 =	vimm.s32 $0xEDCBA987;
	v7 =	vunpack.c.0.s8.s32 v7  }
0x8: {  	v18 =	vunpack.c.0.s8.s32 v18;
	v1 =	vunpack.c.l.s4.s8 v0;
	v0 =	vimm.s32 $0x98765432  }
0x9: {  	v6 =	vunpack.c.l.s4.s8 v6;
	v2 =	vunpack.c.l.s4.s8 v0;
	v0 =	vimm.s32 $0x210FEDCB  }
0xa: {  	v7 =	vand.u32 $0xF, v7;
	v4 =	vunpack.c.l.s4.s8 v0;
	v0 =	vcombine.low v9, v8  }
0xb: {  	v10 =	vunpack.c.0.s8.s32 v1;
	v1 =	vimm.s32 $0x3210FEDC;
	v22 =	vunpack.c.0.s8.s32 v6  }
0xc: {  	v7 =	vcombine.low v7, v18;
	v8 =	vcombine.low v8, v9;
	v11 =	vunpack.c.0.s8.s32 v2  }
0xd: {  	v3 =	vunpack.c.l.s4.s8 v1;
	v1 =	vimm.s32 $0xBA987654;
	v2 =	vimm.s32 $0x43210FED  }
0xe: {  	s0 =	rddreg [dreg:$0x0];
	v12 =	vunpack.c.0.s8.s32 v4;
	v4 =	vunpack.c.l.s4.s8 v1;
	v5 =	vunpack.c.l.s4.s8 v2  }
0xf: {  	s4 =	rddreg [dreg:$0x1];
	s2 =	simm.s32 $0x0;
	s5 =	srdreg.scid;
	v1 =	vcombine.low v11, v10;
	v14 =	vunpack.c.0.s8.s32 v3;
	v3 =	vimm.s32 $0x543210FE  }
0x10: {  	s1 =	stileid.u32;
	s12 =	simm.s32 $0x1;
	s13 =	simm.s32 $0x2000;
	v9 =	vcombine.low v10, v11;
	v15 =	vunpack.c.0.s8.s32 v4;
	v16 =	vunpack.c.0.s8.s32 v5  }
0x11: {  	s14 =	simm.s32 $0x2;
	s15 =	simm.s32 $0x3000;
	s16 =	simm.s32 $0x0;
	v4 =	vimm.s32 $0xDCBA9876;
	v3 =	vunpack.c.l.s4.s8 v3;
	v5 =	vimm.s32 $0x6543210F  }
0x12: {  	[smem:$0x7FF] =	sst s2;
	s5 =	sand.u32 $0x1, s5;
	s6 =	sshll.u32 s1, $0x1;
	v2 =	vcombine.low v13, v12;
	v4 =	vunpack.c.l.s4.s8 v4;
	v5 =	vunpack.c.l.s4.s8 v5  }
.Ltmp0:
0x13: {  	s4 =	sadd.s32 $0x800, s4;
	_ =	strace $0x80000047;
	v10 =	vcombine.low v12, v13;
	v19 =	vunpack.c.0.s8.s32 v3;
	v3 =	vcombine.low v15, v14;
	(pc) =	sbr.rel .LBB2_1-.Ltmp0, $4  }
0x14: {  	s7 =	ssub.s32 $0x2, s5;
	s5 =	sor.u32 s5, s6;
	s6 =	sadd.s32 $0xF4300, s0;
	v12 =	vcombine.low v14, v15;
	v20 =	vunpack.c.0.s8.s32 v4;
	v21 =	vunpack.c.0.s8.s32 v5  }
0x15: {  	s8 =	sshrl.u32 s7, $0x1;
	s9 =	sshll.u32 s5, $0x8;
	p0 =	sgt.u32 s5, $0x2;
	v13 =	vcombine.low v16, v17;
	v4 =	vcombine.low v17, v16  }
0x16: {  	s10 =	ssub.s32 s7, s8;
	s31 =	sadd.s32 s0, s9;
	s8 =	sadd.s32 s9, s6;
	v11 =	vlaneseq.u32;
	v5 =	vcombine.low v20, v19;
	v6 =	vcombine.low v22, v21  }
0x17: {  	s9 =	sor.u32 $0x40, s5;
	[dreg:$0x3] =	wrdreg s31;
	s10 =	smax.u32 s10, $0x1;
	v14 =	vmul.u32 $0x10, v11;
	v15 =	vcombine.low v19, v20;
	v16 =	vcombine.low v21, v22  }
.LBB2_15:
0x18: {  	s16 =	sadd.s32 $0x1, s16  }
0x19: {  	p1 =	sne.s32 s16, s10  }
.Ltmp1:
0x1a: {  	_ = 	snop;
	(pc) =	sbr.rel @!p1 .LBB2_16-.Ltmp1, $4  }
0x1b: {  	s1 =	simm.s32 @!p0 $0x3  }
0x1c: {  	_ =	swait.ge @!p0 [sflag:s1], $0x1000  }
0x1d: {  	[sflag:s1] =	ssyncset.done @!p0 $0x0  }
0x1e: {  	[sflag:s1] =	ssyncadd.s32 @!p0 $0xFFFFF000  }
.LBB2_1:
.Ltmp2:
0x1f: {  	(pc) =	sbr.rel .LBB2_2-.Ltmp2, $4  }
0x20: {  	s1 =	rddreg [dreg:$0x3]  }
0x21: {  	[tilespmem:s2], [sflag:$0x1] =	stream.linear.gather [hbm4b:s1+s2], $0x800, $0x38;
	[tilespmem:$0x4000] =	vst v63  }
0x22: {  	s31 =	simm.s32 $0x800;
	s17 =	simm.s32 $0x0  }
0x23: {  	[tilespmem:s31], [sflag:$0x1] =	stream.linear.gather [hbm4b:s8+s2], $0x800, $0x38;
	[tilespmem:$0x4000] =	vst v63  }
.LBB2_14:
0x24: {  	s17 =	sadd.s32 $0x1, s17  }
0x25: {  	p1 =	sne.s32 s17, $0x3E  }
.Ltmp3:
0x26: {  	_ = 	snop;
	(pc) =	sbr.rel @!p1 .LBB2_15-.Ltmp3, $1  }
0x27: {  	_ =	sdelay $0x3  }
.LBB2_2:
0x28: {  	s19 =	sshll.u32 s17, $0x6  }
0x29: {  	s20 =	sor.u32 s5, s19  }
0x2a: {  	s18 =	sor.u32 $0x20, s20  }
0x2b: {  	p1 =	sgt.u32 s18, $0xF42  }
0x2c: {  	s21 =	sshll.u32 @!p1 s18, $0x8  }
0x2d: {  	s23 =	simm.s32 @!p1 $0x0;
	s24 =	simm.s32 @!p1 $0x1000;
	s22 =	sadd.s32 @!p1 s0, s21  }
0x2e: {  	[tilespmem:s24], [sflag:$0x2] =	stream.linear.gather @!p1 [hbm4b:s22+s23], $0x800, $0x38;
	[tilespmem:$0x4000] =	vst v63  }
0x2f: {  	p3 =	sgt.u32 s20, $0xF42;
	s21 =	sadd.s32 @!p1 s21, s6;
	s22 =	simm.s32 @!p1 $0x1800  }
0x30: {  	[tilespmem:s22], [sflag:$0x2] =	stream.linear.gather @!p1 [hbm4b:s21+s23], $0x800, $0x38;
	[tilespmem:$0x4000] =	vst v63  }
.Ltmp4:
0x31: {  	p2 =	seq.s32 s17, $0x0;
	(pc) =	sbr.rel @p3 .LBB2_8-.Ltmp4, $4  }
0x32: {  	s21 =	simm.s32 @!p2 $0x3  }
0x33: {  	_ =	swait.ge @!p2 [sflag:s21], $0x1000  }
0x34: {  	[sflag:s21] =	ssyncset.done @!p2 $0x0  }
0x35: {  	[sflag:s21] =	ssyncadd.s32 @!p2 $0xFFFFF000  }
0x36: {  	s21 =	simm.s32 $0x0;
	_ =	swait.ge [sflag:s12], $0x800  }
0x37: {  	s24 =	simm.s32 $0x0;
	s22 =	sand.u32 $0x6, s21;
	s21 =	sand.u32 $0x8, s21  }
0x38: {  	[sflag:s12] =	ssyncset.done $0x0;
	s24 =	sand.u32 $0x80, s24;
	s23 =	sor.u32 s22, s21  }
0x39: {  	s25 =	sor.u32 $0x1, s22;
	v18 =	vmov s24;
	s11 =	sor.u32 $0x20, s24;
	s26 =	sor.u32 $0x70, s24  }
0x3a: {  	[sflag:s12] =	ssyncadd.s32 $0xFFFFF800;
	s28 =	sor.u32 $0x10, s24;
	s30 =	sor.u32 $0x40, s24;
	v17 =	vadd.s32 s23, v11;
	v21 =	vmov s11;
	v22 =	vmov s26  }
0x3b: {  	s31 =	sor.u32 $0x30, s24;
	s21 =	sor.u32 s21, s25;
	s26 =	sor.u32 $0x60, s24;
	v18 =	vshll.u32 v18, $0x4;
	v27 =	vmov s30;
	v17 =	vand.u32 $0xF, v17  }
0x3c: {  	_ =	swait.ge [sflag:s12], $0x800;
	s23 =	simm.s32 $0x0;
	s24 =	sor.u32 $0x50, s24;
	v19 =	vadd.s32 s21, v11;
	v23 =	vmov s26;
	v26 =	vor.u32 v14, v18  }
0x3d: {  	s25 =	sshll.u32 s25, $0x7;
	[sflag:s12] =	ssyncset.done $0x0;
	s21 =	sand.u32 $0x3FFFFC00, s23;
	v28 =	vmov s24;
	v27 =	vshll.u32 v27, $0x4;
	v20 =	vand.u32 $0xF, v19  }
0x3e: {  	s29 =	sshll.u32 s22, $0x7;
	v19 =	vshll.u32 v21, $0x4;
	v21 =	vshll.u32 v22, $0x4;
	[sflag:s12] =	ssyncadd.s32 $0xFFFFF800;
	s22 =	sor.u32 s25, s21;
	v23 =	vshll.u32 v23, $0x4  }
0x3f: {  	v36 =	vshll.u32 v28, $0x4;
	v41 =	vor.u32 v14, v27;
	v22 =	vor.u32 v14, v19;
	v29 =	vld [tilespmem:s22+$0x20]  }
0x40: {  	s23 =	sor.u32 s29, s21;
	v25 =	vor.u32 v14, v21;
	v19 =	vmov s28;
	v31 =	vor.u32 v26, v20;
	v38 =	vld [tilespmem:s22+$0x0]  }
0x41: {  	v34 =	vld [tilespmem:s23+$0x10];
	v40 =	vor.u32 v14, v23;
	v42 =	vor.u32 v14, v36;
	v27 =	vor.u32 v17, v41  }
0x42: {  	v33 =	vld [tilespmem:s22+$0x60];
	v18 =	vor.u32 v17, v25;
	v21 =	vshll.u32 v19, $0x4;
	v19 =	vor.u32 v17, v22  }
0x43: {  	v28 =	vld [tilespmem:s23+$0x50];
	v32 =	vor.u32 v20, v22;
	v22 =	vmov s31;
	v24 =	vor.u32 v14, v21  }
0x44: {  	v39 =	vld [tilespmem:s23+$0x60];
	v35 =	vor.u32 v17, v40;
	v22 =	vshll.u32 v22, $0x4;
	v30 =	vor.u32 v17, v24  }
0x45: {  	s24 =	simm.s32 $0x0;
	v36 =	vld [tilespmem:s22+$0x50];
	v37 =	vor.u32 v20, v42;
	v40 =	vor.u32 v20, v40;
	v23 =	vor.u32 v14, v22  }
0x46: {  	s26 =	simm.s32 $0x1;
	s25 =	simm.s32 $0x2;
	s21 =	simm.s32 $0x2080;
	v21 =	vld [tilespmem:s23+$0x40];
	v24 =	vor.u32 v20, v24;
	v22 =	vor.u32 v20, v23;
	v23 =	vor.u32 v17, v23  }
.LBB2_4:
0x47: {  	s24 =	sadd.s32 $0x10, s24;
	s28 =	sand.u32 $0x6, s25;
	s29 =	sand.u32 $0x8, s26;
	v42 =	vor.u32 v17, v42;
	[tilespmem:v31+s13+$0x0] =	vst.idx.msk $0xffff, v38;
	v38 =	vld [tilespmem:s22+$0x10];
	v31 =	vor.u32 v20, v41  }
0x48: {  	v41 =	vor.u32 v17, v26;
	v43 =	vor.u32 v20, v25;
	s30 =	sor.u32 s28, s29;
	s31 =	sshll.u32 s24, $0x1;
	s1 =	sor.u32 $0x1, s28;
	[tilespmem:v32+s13+$0x0] =	vst.idx.msk $0xffff, v29;
	v29 =	vld [tilespmem:s22+$0x40]  }
0x49: {  	s3 =	sshll.u32 s24, $0x4;
	s31 =	sand.u32 $0x80, s31;
	v17 =	vadd.s32 s30, v11;
	s29 =	sor.u32 s29, s1;
	[tilespmem:v30+s13+$0x0] =	vst.idx.msk $0xffff, v34;
	v34 =	vld [tilespmem:s23+$0x70]  }
0x4a: {  	s3 =	sand.u32 $0x3FFFFC00, s3;
	v25 =	vmov s31;
	v17 =	vand.u32 $0xF, v17;
	s30 =	sor.u32 $0x20, s31;
	s11 =	sor.u32 $0x70, s31;
	v20 =	vadd.s32 s29, v11;
	v44 =	vld [tilespmem:s23+$0x30];
	[tilespmem:v35+s13+$0x0] =	vst.idx.msk $0xffff, v39  }
0x4b: {  	s1 =	sshll.u32 s1, $0x7;
	s29 =	sor.u32 $0x10, s31;
	v26 =	vmov s30;
	s30 =	sor.u32 $0x60, s31;
	v30 =	vmov s11;
	v20 =	vand.u32 $0xF, v20;
	[tilespmem:v40+s13+$0x0] =	vst.idx.msk $0xffff, v33;
	v33 =	vld [tilespmem:s22+$0x70]  }
0x4c: {  	s7 =	sor.u32 $0x50, s31;
	s11 =	sshll.u32 s28, $0x7;
	v32 =	vshll.u32 v25, $0x4;
	s28 =	sor.u32 $0x30, s31;
	v25 =	vshll.u32 v26, $0x4;
	v26 =	vshll.u32 v30, $0x4;
	v35 =	vld [tilespmem:s23+$0x20];
	[tilespmem:v37+s13+$0x0] =	vst.idx.msk $0xffff, v36  }
0x4d: {  	p3 =	slt.u32 s24, $0xF0;
	s31 =	sor.u32 $0x40, s31;
	v36 =	vmov s30;
	v30 =	vor.u32 v14, v25;
	v25 =	vor.u32 v14, v26;
	[tilespmem:v42+s13+$0x0] =	vst.idx.msk $0xffff, v28;
	v37 =	vld [tilespmem:s22+$0x30]  }
0x4e: {  	v26 =	vor.u32 v14, v32;
	v28 =	vmov s29;
	v39 =	vor.u32 v17, v25;
	v40 =	vld [tilespmem:s23+$0x0];
	[tilespmem:v31+s13+$0x0] =	vst.idx.msk $0xffff, v29  }
0x4f: {  	s22 =	sor.u32 s1, s3;
	v28 =	vshll.u32 v28, $0x4;
	v42 =	vor.u32 v17, v30;
	v31 =	vor.u32 v26, v20;
	[tilespmem:v24+s13+$0x0] =	vst.idx.msk $0xffff, v38  }
0x50: {  	s23 =	sor.u32 s11, s3;
	v32 =	vor.u32 v20, v30;
	v24 =	vor.u32 v14, v28;
	v28 =	vmov s31;
	v29 =	vld [tilespmem:s22+$0x20];
	[tilespmem:v27+s13+$0x0] =	vst.idx.msk $0xffff, v21  }
0x51: {  	v45 =	vmov s7;
	v30 =	vor.u32 v17, v24;
	v27 =	vmov s28;
	v21 =	vld [tilespmem:s23+$0x40];
	[tilespmem:v43+s13+$0x0] =	vst.idx.msk $0xffff, v33  }
0x52: {  	v28 =	vshll.u32 v28, $0x4;
	v24 =	vor.u32 v20, v24;
	v33 =	vshll.u32 v36, $0x4;
	v38 =	vld [tilespmem:s22+$0x0];
	[tilespmem:v18+s13+$0x0] =	vst.idx.msk $0xffff, v34;
	v18 =	vmovc v39  }
.Ltmp5:
0x53: {  	v27 =	vshll.u32 v27, $0x4;
	v36 =	vshll.u32 v45, $0x4;
	v43 =	vor.u32 v14, v33;
	v34 =	vld [tilespmem:s23+$0x10];
	[tilespmem:v19+s13+$0x0] =	vst.idx.msk $0xffff, v35;
	v19 =	vmovc v42;
	(pc) =	sbr.rel @p3 .LBB2_4-.Ltmp5, $4  }
0x54: {  	v27 =	vor.u32 v14, v27;
	v35 =	vor.u32 v17, v43;
	v33 =	vld [tilespmem:s22+$0x60];
	[tilespmem:v41+s13+$0x0] =	vst.idx.msk $0xffff, v40  }
0x55: {  	v41 =	vor.u32 v14, v28;
	v40 =	vor.u32 v20, v27;
	v28 =	vld [tilespmem:s23+$0x50];
	[tilespmem:v23+s13+$0x0] =	vst.idx.msk $0xffff, v44  }
0x56: {  	v42 =	vor.u32 v14, v36;
	v23 =	vor.u32 v17, v27;
	v39 =	vld [tilespmem:s23+$0x60];
	[tilespmem:v22+s13+$0x0] =	vst.idx.msk $0xffff, v37;
	v22 =	vmov v40  }
0x57: {  	s25 =	sadd.s32 $0x2, s25;
	s26 =	sadd.s32 $0x1, s26;
	v27 =	vor.u32 v17, v41;
	v37 =	vor.u32 v20, v42;
	v40 =	vor.u32 v20, v43;
	v36 =	vld [tilespmem:s22+$0x50]  }
0x58: {  	_ =	sdelay $0x3  }
0x59: {  	[tilespmem:v31+s13+$0x0] =	vst.idx.msk $0xffff, v38  }
0x5a: {  	[tilespmem:v32+s13+$0x0] =	vst.idx.msk $0xffff, v29  }
0x5b: {  	v58 =	vor.u32 v17, v42;
	[tilespmem:v30+s13+$0x0] =	vst.idx.msk $0xffff, v34  }
0x5c: {  	v59 =	vor.u32 v20, v41;
	v60 =	vld [tilespmem:s22+$0x40];
	[tilespmem:v27+s13+$0x0] =	vst.idx.msk $0xffff, v21  }
0x5d: {  	v61 =	vld [tilespmem:s22+$0x10];
	[tilespmem:v40+s13+$0x0] =	vst.idx.msk $0xffff, v33  }
0x5e: {  	v20 =	vor.u32 v20, v25;
	v25 =	vld [tilespmem:s22+$0x70];
	[tilespmem:v35+s13+$0x0] =	vst.idx.msk $0xffff, v39  }
0x5f: {  	v62 =	vld [tilespmem:s23+$0x70];
	[tilespmem:v37+s13+$0x0] =	vst.idx.msk $0xffff, v36  }
0x60: {  	v63 =	vld [tilespmem:s23+$0x20];
	[tilespmem:v58+s13+$0x0] =	vst.idx.msk $0xffff, v28  }
0x61: {  	v17 =	vor.u32 v17, v26;
	v26 =	vld [tilespmem:s23+$0x0];
	[tilespmem:v59+s13+$0x0] =	vst.idx.msk $0xffff, v60  }
0x62: {  	v21 =	vld [tilespmem:s22+$0x30];
	[tilespmem:v24+s13+$0x0] =	vst.idx.msk $0xffff, v61  }
0x63: {  	v24 =	vld [tilespmem:s23+$0x30];
	[tilespmem:v20+s13+$0x0] =	vst.idx.msk $0xffff, v25  }
0x64: {  	[tilespmem:v18+s13+$0x0] =	vst.idx.msk $0xffff, v62  }
0x65: {  	[tilespmem:v19+s13+$0x0] =	vst.idx.msk $0xffff, v63  }
0x66: {  	[tilespmem:v17+s13+$0x0] =	vst.idx.msk $0xffff, v26  }
0x67: {  	[tilespmem:v22+s13+$0x0] =	vst.idx.msk $0xffff, v21  }
0x68: {  	[tilespmem:v23+s13+$0x0] =	vst.idx.msk $0xffff, v24  }
0x69: {  	v17 =	vld [tilespmem:s21+$0x70]  }
0x6a: {  	v18 =	vld [tilespmem:s21+$0xFFFFFF90]  }
0x6b: {  	v19 =	vld [tilespmem:s21+$0xFFFFFFA0]  }
0x6c: {  	v20 =	vld [tilespmem:s21+$0xFFFFFFB0]  }
0x6d: {  	v21 =	vld [tilespmem:s21+$0xFFFFFFC0]  }
0x6e: {  	v22 =	vld [tilespmem:s21+$0xFFFFFFD0];
	v17 =	vperm.xlane v17, v16  }
0x6f: {  	v23 =	vld [tilespmem:s21+$0xFFFFFFE0];
	v18 =	vperm.xlane v18, v0  }
0x70: {  	v24 =	vld [tilespmem:s21+$0xFFFFFFF0];
	v19 =	vperm.xlane v19, v1;
	v17 =	vmul.f32 $4.000000000e+00, v17  }
0x71: {  	v25 =	vld [tilespmem:s21+$0x0];
	v20 =	vperm.xlane v20, v2;
	v18 =	vmul.f32 $4.000000000e+00, v18  }
0x72: {  	v26 =	vld [tilespmem:s21+$0x10];
	v21 =	vperm.xlane v21, v3;
	v19 =	vmul.f32 $4.000000000e+00, v19;
	[tilespmem:s21+$0x70] =	vst v17  }
0x73: {  	v27 =	vld [tilespmem:s21+$0x20];
	[tilespmem:s21+$0xFFFFFF90] =	vst v18;
	v18 =	vmul.f32 $4.000000000e+00, v20;
	v20 =	vperm.xlane v22, v4  }
0x74: {  	[tilespmem:s21+$0xFFFFFFA0] =	vst v19;
	v19 =	vmul.f32 $4.000000000e+00, v21;
	v21 =	vperm.xlane v23, v5;
	v17 =	vld [tilespmem:s21+$0x30]  }
0x75: {  	v22 =	vperm.xlane v24, v6;
	[tilespmem:s21+$0xFFFFFFB0] =	vst v18;
	v20 =	vmul.f32 $4.000000000e+00, v20;
	v18 =	vld [tilespmem:s21+$0x40]  }
0x76: {  	v25 =	vperm.xlane v25, v7;
	[tilespmem:s21+$0xFFFFFFC0] =	vst v19;
	v24 =	vmul.f32 $4.000000000e+00, v21;
	v19 =	vld [tilespmem:s21+$0x50]  }
0x77: {  	v23 =	vperm.xlane v26, v8;
	v22 =	vmul.f32 $4.000000000e+00, v22;
	[tilespmem:s21+$0xFFFFFFD0] =	vst v20;
	v20 =	vld [tilespmem:s21+$0x60]  }
0x78: {  	s22 =	simm.s32 $0x0;
	s23 =	simm.s32 $0x2180;
	v21 =	vld [tilespmem:s21+$0xFFFFFF80];
	[tilespmem:s21+$0xFFFFFFE0] =	vst v24;
	v24 =	vmul.f32 $4.000000000e+00, v25;
	v25 =	vperm.xlane v27, v9  }
.LBB2_6:
0x79: {  	v26 =	vld [tilespmem:s23+$0x70];
	s22 =	sadd.s32 $0x10, s22;
	[tilespmem:s21+$0xFFFFFFF0] =	vst v22;
	v22 =	vmul.f32 $4.000000000e+00, v23;
	v17 =	vperm.xlane v17, v10  }
0x7a: {  	v23 =	vld [tilespmem:s23+$0xFFFFFF90];
	p3 =	slt.u32 s22, $0xF0;
	[tilespmem:s21+$0x0] =	vst v24;
	v24 =	vmul.f32 $4.000000000e+00, v25;
	v18 =	vperm.xlane v18, v12  }
0x7b: {  	v25 =	vld [tilespmem:s23+$0xFFFFFFA0];
	[tilespmem:s21+$0x10] =	vst v22;
	v17 =	vmul.f32 $4.000000000e+00, v17;
	v19 =	vperm.xlane v19, v13  }
0x7c: {  	v22 =	vld [tilespmem:s23+$0xFFFFFFB0];
	[tilespmem:s21+$0x20] =	vst v24;
	v18 =	vmul.f32 $4.000000000e+00, v18;
	v20 =	vperm.xlane v20, v15  }
0x7d: {  	v24 =	vld [tilespmem:s23+$0xFFFFFFC0];
	v21 =	vperm.xlane v21, v11;
	[tilespmem:s21+$0x30] =	vst v17;
	v17 =	vmul.f32 $4.000000000e+00, v19  }
0x7e: {  	v19 =	vld [tilespmem:s23+$0xFFFFFFD0];
	v26 =	vperm.xlane v26, v16;
	[tilespmem:s21+$0x40] =	vst v18;
	v18 =	vmul.f32 $4.000000000e+00, v20  }
0x7f: {  	v20 =	vperm.xlane v23, v0;
	v23 =	vld [tilespmem:s23+$0xFFFFFFE0];
	v21 =	vmul.f32 $4.000000000e+00, v21;
	[tilespmem:s21+$0x50] =	vst v17  }
0x80: {  	v17 =	vperm.xlane v25, v1;
	v25 =	vld [tilespmem:s23+$0xFFFFFFF0];
	v26 =	vmul.f32 $4.000000000e+00, v26;
	[tilespmem:s21+$0x60] =	vst v18  }
0x81: {  	v18 =	vmul.f32 $4.000000000e+00, v20;
	v20 =	vperm.xlane v22, v2;
	v22 =	vld [tilespmem:s23+$0x0];
	[tilespmem:s21+$0xFFFFFF80] =	vst v21;
	s21 =	smov.u32 s23  }
0x82: {  	v17 =	vmul.f32 $4.000000000e+00, v17;
	v21 =	vperm.xlane v24, v3;
	v24 =	vld [tilespmem:s23+$0x10];
	[tilespmem:s23+$0x70] =	vst v26  }
0x83: {  	[tilespmem:s23+$0xFFFFFF90] =	vst v18;
	v18 =	vmul.f32 $4.000000000e+00, v20;
	v19 =	vperm.xlane v19, v4;
	v26 =	vld [tilespmem:s23+$0x20]  }
.Ltmp6:
0x84: {  	[tilespmem:s23+$0xFFFFFFA0] =	vst v17;
	v20 =	vmul.f32 $4.000000000e+00, v21;
	v21 =	vperm.xlane v23, v5;
	v17 =	vld [tilespmem:s23+$0x30];
	(pc) =	sbr.rel @p3 .LBB2_6-.Ltmp6, $4  }
0x85: {  	[tilespmem:s23+$0xFFFFFFB0] =	vst v18;
	v23 =	vmul.f32 $4.000000000e+00, v19;
	v25 =	vperm.xlane v25, v6;
	v18 =	vld [tilespmem:s23+$0x40]  }
0x86: {  	[tilespmem:s23+$0xFFFFFFC0] =	vst v20;
	v27 =	vmul.f32 $4.000000000e+00, v21;
	v28 =	vperm.xlane v22, v7;
	v19 =	vld [tilespmem:s23+$0x50]  }
0x87: {  	[tilespmem:s23+$0xFFFFFFD0] =	vst v23;
	v22 =	vmul.f32 $4.000000000e+00, v25;
	v23 =	vperm.xlane v24, v8;
	v20 =	vld [tilespmem:s23+$0x60]  }
0x88: {  	s23 =	sadd.s32 $0x100, s23;
	v21 =	vld [tilespmem:s21+$0xFFFFFF80];
	[tilespmem:s21+$0xFFFFFFE0] =	vst v27;
	v24 =	vmul.f32 $4.000000000e+00, v28;
	v25 =	vperm.xlane v26, v9  }
0x89: {  	[tilespmem:s21+$0xFFFFFFF0] =	vst v22;
	v62 =	vmul.f32 $4.000000000e+00, v23;
	v17 =	vperm.xlane v17, v10  }
0x8a: {  	[tilespmem:s21+$0x0] =	vst v24;
	v63 =	vmul.f32 $4.000000000e+00, v25;
	v18 =	vperm.xlane v18, v12  }
0x8b: {  	[tilespmem:s21+$0x10] =	vst v62;
	v17 =	vmul.f32 $4.000000000e+00, v17;
	v19 =	vperm.xlane v19, v13  }
0x8c: {  	[tilespmem:s21+$0x20] =	vst v63;
	v18 =	vmul.f32 $4.000000000e+00, v18;
	v20 =	vperm.xlane v20, v15  }
0x8d: {  	v21 =	vperm.xlane v21, v11;
	[tilespmem:s21+$0x30] =	vst v17;
	v17 =	vmul.f32 $4.000000000e+00, v19  }
0x8e: {  	[tilespmem:s21+$0x40] =	vst v18;
	v18 =	vmul.f32 $4.000000000e+00, v20  }
0x8f: {  	v19 =	vmul.f32 $4.000000000e+00, v21;
	[tilespmem:s21+$0x50] =	vst v17  }
0x90: {  	s1 =	sshll.u32 s20, $0x9;
	[tilespmem:s21+$0x60] =	vst v18  }
0x91: {  	s1 =	sadd.s32 s4, s1;
	[tilespmem:s21+$0xFFFFFF80] =	vst v19  }
0x92: {  	[hbm4b:s1+s2] =	stream.linear.scatter [tilespmem:s13], [sflag:$0x3], $0x1000, $0x38;
	[tilespmem:$0x4000] =	vst v63  }
.LBB2_8:
0x93: {  	s1 =	sadd.s32 s9, s19  }
0x94: {  	p3 =	sgt.u32 s1, $0xF42  }
0x95: {  	s1 =	sshll.u32 @!p3 s1, $0x8  }
0x96: {  	s7 =	simm.s32 @!p3 $0x0;
	s3 =	sadd.s32 @!p3 s0, s1  }
0x97: {  	[tilespmem:s7], [sflag:$0x1] =	stream.linear.gather @!p3 [hbm4b:s3+s7], $0x800, $0x38;
	[tilespmem:$0x4000] =	vst v63  }
0x98: {  	s1 =	sadd.s32 @!p3 s1, s6;
	s3 =	simm.s32 @!p3 $0x800  }
0x99: {  	[tilespmem:s3], [sflag:$0x1] =	stream.linear.gather @!p3 [hbm4b:s1+s7], $0x800, $0x38;
	[tilespmem:$0x4000] =	vst v63  }
.Ltmp7:
0x9a: {  	_ = 	snop;
	(pc) =	sbr.rel @p1 .LBB2_14-.Ltmp7, $4  }
0x9b: {  	s1 =	simm.s32 @!p2 $0x4  }
0x9c: {  	_ =	swait.ge @!p2 [sflag:s1], $0x1000  }
0x9d: {  	[sflag:s1] =	ssyncset.done @!p2 $0x0  }
0x9e: {  	[sflag:s1] =	ssyncadd.s32 @!p2 $0xFFFFF000  }
0x9f: {  	_ =	swait.ge [sflag:s14], $0x800;
	s20 =	simm.s32 $0x0  }
0xa0: {  	s1 =	simm.s32 $0x0;
	s3 =	simm.s32 $0x0;
	[sflag:s14] =	ssyncset.done $0x0  }
0xa1: {  	s7 =	sand.u32 $0x6, s20;
	s1 =	sand.u32 $0x80, s1;
	s3 =	sand.u32 $0x3FFFFC00, s3  }
0xa2: {  	[sflag:s14] =	ssyncadd.s32 $0xFFFFF800;
	s11 =	sor.u32 $0x10, s1;
	s19 =	sor.u32 $0x20, s1  }
0xa3: {  	s21 =	sor.u32 $0x70, s1;
	s3 =	sadd.s32 $0x1000, s3;
	_ =	swait.ge [sflag:s14], $0x800  }
0xa4: {  	v17 =	vmov s1;
	s25 =	sshll.u32 s7, $0x7;
	s26 =	sor.u32 $0x40, s1;
	v18 =	vmov s19;
	[sflag:s14] =	ssyncset.done $0x0  }
0xa5: {  	s22 =	sand.u32 $0x8, s20;
	v20 =	vmov s11;
	v19 =	vmov s21;
	s19 =	sor.u32 s25, s3;
	v21 =	vmov s26;
	[sflag:s14] =	ssyncadd.s32 $0xFFFFF800  }
0xa6: {  	s28 =	sor.u32 $0x1, s7;
	s29 =	sor.u32 $0x30, s1;
	s7 =	sor.u32 s7, s22;
	v17 =	vshll.u32 v17, $0x4;
	v18 =	vshll.u32 v18, $0x4;
	v22 =	vshll.u32 v19, $0x4;
	v19 =	vld [tilespmem:s19+$0x40]  }
0xa7: {  	s23 =	sshll.u32 s28, $0x7;
	v23 =	vmov s29;
	v26 =	vadd.s32 s7, v11;
	v24 =	vor.u32 v14, v18;
	v18 =	vld [tilespmem:s19+$0x50]  }
0xa8: {  	v21 =	vshll.u32 v21, $0x4;
	v20 =	vshll.u32 v20, $0x4;
	s21 =	sor.u32 s23, s3;
	v35 =	vor.u32 v14, v22;
	v22 =	vld [tilespmem:s19+$0x10]  }
0xa9: {  	s30 =	sor.u32 $0x60, s1;
	s1 =	sor.u32 $0x50, s1;
	v27 =	vor.u32 v14, v17;
	v42 =	vor.u32 v14, v20;
	v20 =	vshll.u32 v23, $0x4;
	v17 =	vld [tilespmem:s21+$0x60]  }
0xaa: {  	s31 =	sor.u32 s22, s28;
	v28 =	vand.u32 $0xF, v26;
	v26 =	vmov s1;
	v25 =	vor.u32 v14, v20;
	v36 =	vld [tilespmem:s19+$0x30]  }
0xab: {  	v31 =	vadd.s32 s31, v11;
	v33 =	vor.u32 v28, v27;
	v23 =	vld [tilespmem:s19+$0x60];
	v37 =	vor.u32 v28, v25  }
0xac: {  	v30 =	vshll.u32 v26, $0x4;
	v31 =	vand.u32 $0xF, v31;
	v20 =	vmov s30;
	v40 =	vld [tilespmem:s19+$0x0]  }
0xad: {  	v26 =	vor.u32 v28, v42;
	v32 =	vor.u32 v14, v30;
	v30 =	vor.u32 v14, v21;
	v39 =	vld [tilespmem:s19+$0x70]  }
0xae: {  	v34 =	vor.u32 v28, v24;
	v41 =	vor.u32 v28, v35;
	v38 =	vld [tilespmem:s19+$0x20];
	v20 =	vshll.u32 v20, $0x4  }
0xaf: {  	s22 =	simm.s32 $0x0;
	s23 =	simm.s32 $0x0;
	v21 =	vor.u32 v31, v42;
	v35 =	vor.u32 v31, v35;
	s19 =	simm.s32 $0x3080;
	v29 =	vor.u32 v14, v20;
	v20 =	vld [tilespmem:s21+$0x50]  }
.LBB2_10:
0xb0: {  	s22 =	sadd.s32 $0x10, s22;
	[tilespmem:v37+s15+$0x0] =	vst.idx.msk $0xffff, v36;
	v42 =	vor.u32 v31, v24;
	v36 =	vor.u32 v31, v29;
	v24 =	vld [tilespmem:s21+$0x70];
	s20 =	sadd.s32 $0x2, s20;
	s23 =	sadd.s32 $0x1, s23  }
0xb1: {  	v37 =	vor.u32 v28, v32;
	v43 =	vor.u32 v27, v31;
	v45 =	vor.u32 v31, v25;
	s1 =	sand.u32 $0x8, s23;
	s3 =	sshll.u32 s22, $0x4;
	s7 =	sshll.u32 s22, $0x1;
	v44 =	vld [tilespmem:s21+$0x10]  }
0xb2: {  	v25 =	vor.u32 v28, v29;
	v32 =	vor.u32 v31, v32;
	s11 =	sand.u32 $0x6, s20;
	s3 =	sand.u32 $0x3FFFFC00, s3;
	s25 =	sand.u32 $0x80, s7;
	[tilespmem:v33+s15+$0x0] =	vst.idx.msk $0xffff, v40;
	v40 =	vld [tilespmem:s21+$0x20]  }
0xb3: {  	v28 =	vor.u32 v28, v30;
	v30 =	vor.u32 v31, v30;
	v27 =	vmov s25;
	s7 =	sor.u32 $0x10, s25;
	s24 =	sor.u32 $0x20, s25;
	s26 =	sor.u32 $0x70, s25;
	[tilespmem:v41+s15+$0x0] =	vst.idx.msk $0xffff, v39;
	v46 =	vld [tilespmem:s21+$0x30]  }
0xb4: {  	s28 =	sor.u32 $0x60, s25;
	v29 =	vmov s7;
	v31 =	vmov s24;
	s7 =	sor.u32 $0x30, s25;
	s24 =	sor.u32 $0x40, s25;
	v33 =	vmov s26;
	[tilespmem:v34+s15+$0x0] =	vst.idx.msk $0xffff, v38  }
0xb5: {  	s29 =	sshll.u32 s11, $0x7;
	s3 =	sadd.s32 $0x1000, s3;
	s26 =	sor.u32 s11, s1;
	v31 =	vshll.u32 v31, $0x4;
	v34 =	vmov s24;
	v33 =	vshll.u32 v33, $0x4;
	v38 =	vld [tilespmem:s21+$0x0];
	[tilespmem:v35+s15+$0x0] =	vst.idx.msk $0xffff, v24  }
0xb6: {  	p1 =	slt.u32 s22, $0xF0;
	s11 =	sor.u32 $0x1, s11;
	s24 =	sor.u32 s29, s3;
	v24 =	vor.u32 v14, v31;
	v31 =	vshll.u32 v34, $0x4;
	v35 =	vor.u32 v14, v33;
	[tilespmem:v26+s15+$0x0] =	vst.idx.msk $0xffff, v22;
	v34 =	vld [tilespmem:s21+$0x40]  }
0xb7: {  	s1 =	sor.u32 s1, s11;
	v22 =	vshll.u32 v27, $0x4;
	v26 =	vshll.u32 v29, $0x4;
	v27 =	vmov s7;
	s7 =	sshll.u32 s11, $0x7;
	v39 =	vld [tilespmem:s24+$0x40];
	[tilespmem:v37+s15+$0x0] =	vst.idx.msk $0xffff, v18  }
0xb8: {  	v29 =	vadd.s32 s26, v11;
	v47 =	vor.u32 v14, v26;
	v26 =	vshll.u32 v27, $0x4;
	s21 =	sor.u32 s7, s3;
	v18 =	vld [tilespmem:s24+$0x50];
	[tilespmem:v25+s15+$0x0] =	vst.idx.msk $0xffff, v23  }
0xb9: {  	v27 =	vor.u32 v14, v22;
	v25 =	vor.u32 v14, v26;
	v23 =	vmov s28;
	v22 =	vld [tilespmem:s24+$0x10];
	[tilespmem:v28+s15+$0x0] =	vst.idx.msk $0xffff, v19  }
0xba: {  	s3 =	sor.u32 $0x50, s25;
	v28 =	vand.u32 $0xF, v29;
	v19 =	vshll.u32 v23, $0x4;
	[tilespmem:v36+s15+$0x0] =	vst.idx.msk $0xffff, v17;
	v17 =	vld [tilespmem:s21+$0x60]  }
0xbb: {  	v23 =	vmov s3;
	v37 =	vor.u32 v28, v25;
	v29 =	vor.u32 v14, v19;
	v36 =	vld [tilespmem:s24+$0x30];
	[tilespmem:v32+s15+$0x0] =	vst.idx.msk $0xffff, v20  }
.Ltmp8:
0xbc: {  	v33 =	vor.u32 v28, v27;
	v26 =	vor.u32 v28, v47;
	v41 =	vshll.u32 v23, $0x4;
	v23 =	vld [tilespmem:s24+$0x60];
	[tilespmem:v42+s15+$0x0] =	vst.idx.msk $0xffff, v40;
	(pc) =	sbr.rel @p1 .LBB2_10-.Ltmp8, $4  }
0xbd: {  	v32 =	vor.u32 v14, v41;
	v19 =	vmov v39;
	v20 =	vld [tilespmem:s21+$0x50];
	[tilespmem:v30+s15+$0x0] =	vst.idx.msk $0xffff, v34  }
0xbe: {  	v30 =	vor.u32 v14, v31;
	v31 =	vadd.s32 s1, v11;
	v40 =	vld [tilespmem:s24+$0x0];
	[tilespmem:v43+s15+$0x0] =	vst.idx.msk $0xffff, v38  }
0xbf: {  	v41 =	vor.u32 v28, v35;
	v34 =	vor.u32 v28, v24;
	v31 =	vand.u32 $0xF, v31;
	v39 =	vld [tilespmem:s24+$0x70];
	[tilespmem:v21+s15+$0x0] =	vst.idx.msk $0xffff, v44  }
0xc0: {  	v21 =	vor.u32 v31, v47;
	v35 =	vor.u32 v31, v35;
	v38 =	vld [tilespmem:s24+$0x20];
	[tilespmem:v45+s15+$0x0] =	vst.idx.msk $0xffff, v46  }
0xc1: {  	_ =	sdelay $0x3  }
0xc2: {  	v42 =	vld [tilespmem:s21+$0x70];
	[tilespmem:v37+s15+$0x0] =	vst.idx.msk $0xffff, v36  }
0xc3: {  	v59 =	vor.u32 v28, v32;
	[tilespmem:v26+s15+$0x0] =	vst.idx.msk $0xffff, v22  }
0xc4: {  	v60 =	vor.u32 v28, v29;
	[tilespmem:v33+s15+$0x0] =	vst.idx.msk $0xffff, v40  }
0xc5: {  	v61 =	vor.u32 v28, v30;
	[tilespmem:v41+s15+$0x0] =	vst.idx.msk $0xffff, v39  }
0xc6: {  	v62 =	vor.u32 v31, v29;
	[tilespmem:v34+s15+$0x0] =	vst.idx.msk $0xffff, v38  }
0xc7: {  	v63 =	vor.u32 v31, v32;
	[tilespmem:v35+s15+$0x0] =	vst.idx.msk $0xffff, v42  }
0xc8: {  	v22 =	vor.u32 v31, v24;
	v24 =	vld [tilespmem:s21+$0x20];
	[tilespmem:v59+s15+$0x0] =	vst.idx.msk $0xffff, v18  }
0xc9: {  	v26 =	vld [tilespmem:s21+$0x40];
	v18 =	vor.u32 v31, v30;
	[tilespmem:v60+s15+$0x0] =	vst.idx.msk $0xffff, v23  }
0xca: {  	v23 =	vor.u32 v27, v31;
	v27 =	vld [tilespmem:s21+$0x0];
	[tilespmem:v61+s15+$0x0] =	vst.idx.msk $0xffff, v19  }
0xcb: {  	v19 =	vld [tilespmem:s21+$0x10];
	[tilespmem:v62+s15+$0x0] =	vst.idx.msk $0xffff, v17  }
0xcc: {  	v17 =	vor.u32 v31, v25;
	v25 =	vld [tilespmem:s21+$0x30];
	[tilespmem:v63+s15+$0x0] =	vst.idx.msk $0xffff, v20  }
0xcd: {  	[tilespmem:v22+s15+$0x0] =	vst.idx.msk $0xffff, v24  }
0xce: {  	[tilespmem:v18+s15+$0x0] =	vst.idx.msk $0xffff, v26  }
0xcf: {  	[tilespmem:v23+s15+$0x0] =	vst.idx.msk $0xffff, v27  }
0xd0: {  	[tilespmem:v21+s15+$0x0] =	vst.idx.msk $0xffff, v19  }
0xd1: {  	[tilespmem:v17+s15+$0x0] =	vst.idx.msk $0xffff, v25  }
0xd2: {  	v17 =	vld [tilespmem:s19+$0x70]  }
0xd3: {  	v18 =	vld [tilespmem:s19+$0xFFFFFF90]  }
0xd4: {  	v19 =	vld [tilespmem:s19+$0xFFFFFFA0]  }
0xd5: {  	v20 =	vld [tilespmem:s19+$0xFFFFFFB0]  }
0xd6: {  	v21 =	vld [tilespmem:s19+$0xFFFFFFC0]  }
0xd7: {  	v22 =	vld [tilespmem:s19+$0xFFFFFFD0];
	v17 =	vperm.xlane v17, v16  }
0xd8: {  	v23 =	vld [tilespmem:s19+$0xFFFFFFE0];
	v18 =	vperm.xlane v18, v0  }
0xd9: {  	v24 =	vld [tilespmem:s19+$0xFFFFFFF0];
	v19 =	vperm.xlane v19, v1;
	v17 =	vmul.f32 $4.000000000e+00, v17  }
0xda: {  	v25 =	vld [tilespmem:s19+$0x0];
	v20 =	vperm.xlane v20, v2;
	v18 =	vmul.f32 $4.000000000e+00, v18  }
0xdb: {  	v26 =	vld [tilespmem:s19+$0x10];
	v21 =	vperm.xlane v21, v3;
	v19 =	vmul.f32 $4.000000000e+00, v19;
	[tilespmem:s19+$0x70] =	vst v17  }
0xdc: {  	v27 =	vld [tilespmem:s19+$0x20];
	[tilespmem:s19+$0xFFFFFF90] =	vst v18;
	v18 =	vmul.f32 $4.000000000e+00, v20;
	v20 =	vperm.xlane v22, v4  }
0xdd: {  	[tilespmem:s19+$0xFFFFFFA0] =	vst v19;
	v19 =	vmul.f32 $4.000000000e+00, v21;
	v21 =	vperm.xlane v23, v5;
	v17 =	vld [tilespmem:s19+$0x30]  }
0xde: {  	v22 =	vperm.xlane v24, v6;
	[tilespmem:s19+$0xFFFFFFB0] =	vst v18;
	v20 =	vmul.f32 $4.000000000e+00, v20;
	v18 =	vld [tilespmem:s19+$0x40]  }
0xdf: {  	v25 =	vperm.xlane v25, v7;
	[tilespmem:s19+$0xFFFFFFC0] =	vst v19;
	v24 =	vmul.f32 $4.000000000e+00, v21;
	v19 =	vld [tilespmem:s19+$0x50]  }
0xe0: {  	v23 =	vperm.xlane v26, v8;
	v22 =	vmul.f32 $4.000000000e+00, v22;
	[tilespmem:s19+$0xFFFFFFD0] =	vst v20;
	v20 =	vld [tilespmem:s19+$0x60]  }
0xe1: {  	s20 =	simm.s32 $0x0;
	s21 =	simm.s32 $0x3180;
	v21 =	vld [tilespmem:s19+$0xFFFFFF80];
	[tilespmem:s19+$0xFFFFFFE0] =	vst v24;
	v24 =	vmul.f32 $4.000000000e+00, v25;
	v25 =	vperm.xlane v27, v9  }
.LBB2_12:
0xe2: {  	v26 =	vld [tilespmem:s21+$0x70];
	s20 =	sadd.s32 $0x10, s20;
	[tilespmem:s19+$0xFFFFFFF0] =	vst v22;
	v22 =	vmul.f32 $4.000000000e+00, v23;
	v17 =	vperm.xlane v17, v10  }
0xe3: {  	v23 =	vld [tilespmem:s21+$0xFFFFFF90];
	p1 =	slt.u32 s20, $0xF0;
	[tilespmem:s19+$0x0] =	vst v24;
	v24 =	vmul.f32 $4.000000000e+00, v25;
	v18 =	vperm.xlane v18, v12  }
0xe4: {  	v25 =	vld [tilespmem:s21+$0xFFFFFFA0];
	[tilespmem:s19+$0x10] =	vst v22;
	v17 =	vmul.f32 $4.000000000e+00, v17;
	v19 =	vperm.xlane v19, v13  }
0xe5: {  	v22 =	vld [tilespmem:s21+$0xFFFFFFB0];
	[tilespmem:s19+$0x20] =	vst v24;
	v18 =	vmul.f32 $4.000000000e+00, v18;
	v20 =	vperm.xlane v20, v15  }
0xe6: {  	v24 =	vld [tilespmem:s21+$0xFFFFFFC0];
	v21 =	vperm.xlane v21, v11;
	[tilespmem:s19+$0x30] =	vst v17;
	v17 =	vmul.f32 $4.000000000e+00, v19  }
0xe7: {  	v19 =	vld [tilespmem:s21+$0xFFFFFFD0];
	v26 =	vperm.xlane v26, v16;
	[tilespmem:s19+$0x40] =	vst v18;
	v18 =	vmul.f32 $4.000000000e+00, v20  }
0xe8: {  	v20 =	vperm.xlane v23, v0;
	v23 =	vld [tilespmem:s21+$0xFFFFFFE0];
	v21 =	vmul.f32 $4.000000000e+00, v21;
	[tilespmem:s19+$0x50] =	vst v17  }
0xe9: {  	v17 =	vperm.xlane v25, v1;
	v25 =	vld [tilespmem:s21+$0xFFFFFFF0];
	v26 =	vmul.f32 $4.000000000e+00, v26;
	[tilespmem:s19+$0x60] =	vst v18  }
0xea: {  	v18 =	vmul.f32 $4.000000000e+00, v20;
	v20 =	vperm.xlane v22, v2;
	v22 =	vld [tilespmem:s21+$0x0];
	[tilespmem:s19+$0xFFFFFF80] =	vst v21;
	s19 =	smov.u32 s21  }
0xeb: {  	v17 =	vmul.f32 $4.000000000e+00, v17;
	v21 =	vperm.xlane v24, v3;
	v24 =	vld [tilespmem:s21+$0x10];
	[tilespmem:s21+$0x70] =	vst v26  }
0xec: {  	[tilespmem:s21+$0xFFFFFF90] =	vst v18;
	v18 =	vmul.f32 $4.000000000e+00, v20;
	v19 =	vperm.xlane v19, v4;
	v26 =	vld [tilespmem:s21+$0x20]  }
.Ltmp9:
0xed: {  	[tilespmem:s21+$0xFFFFFFA0] =	vst v17;
	v20 =	vmul.f32 $4.000000000e+00, v21;
	v21 =	vperm.xlane v23, v5;
	v17 =	vld [tilespmem:s21+$0x30];
	(pc) =	sbr.rel @p1 .LBB2_12-.Ltmp9, $4  }
0xee: {  	[tilespmem:s21+$0xFFFFFFB0] =	vst v18;
	v23 =	vmul.f32 $4.000000000e+00, v19;
	v25 =	vperm.xlane v25, v6;
	v18 =	vld [tilespmem:s21+$0x40]  }
0xef: {  	[tilespmem:s21+$0xFFFFFFC0] =	vst v20;
	v27 =	vmul.f32 $4.000000000e+00, v21;
	v28 =	vperm.xlane v22, v7;
	v19 =	vld [tilespmem:s21+$0x50]  }
0xf0: {  	[tilespmem:s21+$0xFFFFFFD0] =	vst v23;
	v22 =	vmul.f32 $4.000000000e+00, v25;
	v23 =	vperm.xlane v24, v8;
	v20 =	vld [tilespmem:s21+$0x60]  }
0xf1: {  	s21 =	sadd.s32 $0x100, s21;
	v21 =	vld [tilespmem:s19+$0xFFFFFF80];
	[tilespmem:s19+$0xFFFFFFE0] =	vst v27;
	v24 =	vmul.f32 $4.000000000e+00, v28;
	v25 =	vperm.xlane v26, v9  }
0xf2: {  	[tilespmem:s19+$0xFFFFFFF0] =	vst v22;
	v62 =	vmul.f32 $4.000000000e+00, v23;
	v17 =	vperm.xlane v17, v10  }
0xf3: {  	[tilespmem:s19+$0x0] =	vst v24;
	v63 =	vmul.f32 $4.000000000e+00, v25;
	v18 =	vperm.xlane v18, v12  }
0xf4: {  	[tilespmem:s19+$0x10] =	vst v62;
	v17 =	vmul.f32 $4.000000000e+00, v17;
	v19 =	vperm.xlane v19, v13  }
0xf5: {  	[tilespmem:s19+$0x20] =	vst v63;
	v18 =	vmul.f32 $4.000000000e+00, v18;
	v20 =	vperm.xlane v20, v15  }
0xf6: {  	v21 =	vperm.xlane v21, v11;
	[tilespmem:s19+$0x30] =	vst v17;
	v17 =	vmul.f32 $4.000000000e+00, v19  }
.Ltmp10:
0xf7: {  	[tilespmem:s19+$0x40] =	vst v18;
	v18 =	vmul.f32 $4.000000000e+00, v20;
	(pc) =	sbr.rel .LBB2_14-.Ltmp10, $4  }
0xf8: {  	v19 =	vmul.f32 $4.000000000e+00, v21;
	[tilespmem:s19+$0x50] =	vst v17  }
0xf9: {  	s1 =	sshll.u32 s18, $0x9;
	[tilespmem:s19+$0x60] =	vst v18  }
0xfa: {  	s1 =	sadd.s32 s4, s1;
	[tilespmem:s19+$0xFFFFFF80] =	vst v19  }
0xfb: {  	[hbm4b:s1+s2] =	stream.linear.scatter [tilespmem:s15], [sflag:$0x4], $0x1000, $0x38;
	[tilespmem:$0x4000] =	vst v63  }
.LBB2_16:
0xfc: {  	_ =	sfence.sel $0x180000  }
0xfd: {  	[bflag:$0x0] =	sbarrier.arrive $0xFFFF  }
0xfe: {  	_ =	strace $0x90000047  }
0xff: {  	s0 =	stileid.u32;
	[bflag:$0x2] =	sbarrier.arrive $0xFFFF  }
0x100: {  	p0 =	sne.s32 s0, $0x0;
	s0 =	rddreg [dreg:$0x2]  }
0x101: {  	s0 =	sadd.s32 @!p0 $0x100000, s0  }
0x102: {  	[sflag:s0] =	ssyncadd.tile.s32 @!p0 $0x1;
	_ =	shalt  }
.Lfunc_end2:
_tile_overlayer_lowered:
.L_overlay_start_2:
0x103: {  	(tag) =	ssettag $0x2  }
0x104: {  	s0 =	rddreg [dreg:$0x0];
	s2 =	stileid.u32  }
0x105: {  	s1 =	rddreg [dreg:$0x1];
	p0 =	sne.s32 s2, $0x0  }
0x106: {  	s3 =	rddreg [dreg:$0x2];
	[bflag:$0x3] =	sbarrier.arrive $0xFFFF;
	s2 =	simm.s32 @!p0 $0x1C05  }
0x107: {  	[timem:s3], [sflag:s2] =	dma.local @!p0 [hbm:s0], s1  }
0x108: {  	s0 =	simm.s32 @!p0 $0x5  }
0x109: {  	_ =	swait.ge @!p0 [sflag:s0], s1  }
0x10a: {  	s1 =	ssub.s32 @!p0 $0x0, s1;
	[sflag:s0] =	ssyncset.done @!p0 $0x0  }
0x10b: {  	[sflag:s0] =	ssyncadd.s32 @!p0 s1  }
0x10c: {  	[bflag:$0x3] =	sbarrier.arrive $0xFFFF  }
0x10d: {  	_ =	shalt  }

// kernel: kernel.7.cloned.1.call-start
scs
__scs_entry_jumppad:
0x0: {  	(pc) =	sbr.rel $0x88, $3  }
0x1: {  	(tag) =	ssettag $0x0;
	lr =	simm.s32 $0x1  }
0x2: {  	[smem:$0x3F9F] =	sst lr;
	_ =	strace $0xD0000000  }
0x3: {  	_ = 	snop  }
0x4: {  	_ = 	snop  }
0x5: {  	_ = 	snop  }
0x6: {  	_ = 	snop  }
0x7: {  	_ = 	snop  }
__scs_overlays_trampoline_lowered:
0x8: {  	[smem:$0x3FAE] =	sst s0  }
0x9: {  	[smem:$0x3FAF] =	sst s1  }
0xa: {  	[smem:$0x3FB0] =	sst s2  }
0xb: {  	[smem:$0x3FB1] =	sst s3  }
0xc: {  	[smem:$0x3FB2] =	sst s4  }
0xd: {  	[smem:$0x3FB3] =	sst s5  }
0xe: {  	[smem:$0x3FB4] =	sst s6  }
0xf: {  	[smem:$0x3FB5] =	sst s7  }
0x10: {  	[smem:$0x3FB6] =	sst s8  }
0x11: {  	[smem:$0x3FB7] =	sst s9;
	s0 =	simm.s32 @!p0 $0x0  }
0x12: {  	s1 =	sld [smem:$0x3F9D];
	s0 =	simm.s32 @p0 $0x1  }
0x13: {  	[smem:$0x3FB8] =	sst s0;
	s0 =	simm.s32 @!p1 $0x0  }
0x14: {  	s2 =	sld [smem:$0x3F9C];
	s0 =	simm.s32 @p1 $0x1  }
0x15: {  	[smem:$0x3FB9] =	sst s0;
	s0 =	simm.s32 @!p2 $0x0  }
0x16: {  	s3 =	sld [smem:$0x3FDB];
	s0 =	simm.s32 @p2 $0x1  }
0x17: {  	s4 =	simm.s32 $0x1BF5;
	[smem:$0x3FBB] =	sst s0  }
0x18: {  	s0 =	sld [smem:$0x3F9E];
	_ =	swait.ge [sflag:s4], $0x0  }
0x19: {  	s7 =	sld [smem:$0x3F9F]  }
0x1a: {  	s8 =	sadd.s32 $0xFFFFE003, lr  }
0x1b: {  	s9 =	sadd.s32 $0xFFFFFEF7, lr;
	s5 =	simm.s32 $0xFFFFFFFF;
	p2 =	slt.u32 s8, $0xFFFFF086  }
0x1c: {  	p1 =	slt.u32 s9, $0xF7A;
	s5 =	simm.s32 @!p2 $0x0  }
0x1d: {  	s5 =	simm.s32 @p1 $0x1;
	p0 =	seq.s32 s7, s2  }
0x1e: {  	s7 =	smul.u32 @!p0 $0xF7A, s2;
	p2 =	seq.s32 @!p0 s5, $0x0  }
0x1f: {  	s9 =	smul.u32 $0xF7A, s1;
	s8 =	simm.s32 @!p0 $0x1BF5;
	p2 =	por !p2, p0  }
0x20: {  	[sflag:s8] =	ssyncset.s32 @!p0 $0xFFFFF086;
	s6 =	sadd.s32 @!p0 s3, s7;
	s7 =	simm.s32 @!p0 $0x108  }
0x21: {  	s3 =	sadd.s32 s3, s9;
	s6 =	sadd.s32 @!p0 $0x88, s6;
	s7 =	simm.s32 @p2 $0x1082  }
0x22: {  	[simem:s7], [sflag:s8] =	dma.local @!p0 [hbm:s6], $0xF7A  }
0x23: {  	s9 =	sor.u32 $0xD0000000, s2;
	s6 =	simm.s32 $0x108;
	_ =	swait.ge @!p0 [sflag:s8], $0x0  }
0x24: {  	s3 =	sadd.s32 $0x88, s3;
	s6 =	simm.s32 @!p1 $0x1082;
	[sflag:s4] =	ssyncset.s32 $0xFFFFF086  }
0x25: {  	[simem:s6], [sflag:s4] =	dma.local [hbm:s3], $0xF7A  }
0x26: {  	[smem:$0x3F9F] =	sst s1;
	(tag) =	ssettag s2;
	_ =	strace s9  }
0x27: {  	s1 =	sld [smem:$0x3FAF]  }
0x28: {  	s2 =	sld [smem:$0x3FB0]  }
0x29: {  	s4 =	sld [smem:$0x3FB2]  }
0x2a: {  	p0 =	seq.s32 s5, $0x0;
	s5 =	sld [smem:$0x3FB3]  }
0x2b: {  	s6 =	sld [smem:$0x3FB4]  }
0x2c: {  	s7 =	sld [smem:$0x3FB5]  }
0x2d: {  	s3 =	simm.s32 $0x108;
	s8 =	sld [smem:$0x3FB6]  }
0x2e: {  	s3 =	simm.s32 @!p0 $0x1082;
	s9 =	sld [smem:$0x3FB7]  }
0x2f: {  	lr =	sadd.s32 s0, s3;
	s0 =	sld [smem:$0x3FAE]  }
0x30: {  	s3 =	sld [smem:$0x3FB1]  }
0x31: {  	[smem:$0x3FBA] =	sst s10  }
0x32: {  	s10 =	sld [smem:$0x3FB8];
	_ =	sdelay $0x3  }
0x33: {  	p0 =	seq.s32 s10, $0x1;
	s10 =	sld [smem:$0x3FBA];
	_ =	sdelay $0x3  }
0x34: {  	[smem:$0x3FBA] =	sst s10  }
0x35: {  	s10 =	sld [smem:$0x3FB9];
	_ =	sdelay $0x3  }
0x36: {  	p1 =	seq.s32 s10, $0x1;
	s10 =	sld [smem:$0x3FBA];
	_ =	sdelay $0x3  }
0x37: {  	[smem:$0x3FBA] =	sst s10  }
0x38: {  	s10 =	sld [smem:$0x3FBB]  }
0x39: {  	_ = 	snop;
	(pc) =	sbr.ind lr, $3  }
0x3a: {  	_ = 	snop  }
0x3b: {  	_ = 	snop  }
0x3c: {  	p2 =	seq.s32 s10, $0x1;
	s10 =	sld [smem:$0x3FBA]  }
0x3d: {  	_ =	shalt  }
0x3e: {  	_ =	shalt  }
0x3f: {  	_ =	shalt  }
0x40: {  	_ =	shalt  }
0x41: {  	_ =	shalt  }
0x42: {  	_ =	shalt  }
0x43: {  	_ =	shalt  }
0x44: {  	_ =	shalt  }
0x45: {  	_ =	shalt  }
0x46: {  	_ =	shalt  }
0x47: {  	_ =	shalt  }
0x48: {  	_ =	shalt  }
0x49: {  	_ =	shalt  }
0x4a: {  	_ =	shalt  }
0x4b: {  	_ =	shalt  }
0x4c: {  	_ =	shalt  }
0x4d: {  	_ =	shalt  }
0x4e: {  	_ =	shalt  }
0x4f: {  	_ =	shalt  }
0x50: {  	_ =	shalt  }
0x51: {  	_ =	shalt  }
0x52: {  	_ =	shalt  }
0x53: {  	_ =	shalt  }
0x54: {  	_ =	shalt  }
0x55: {  	_ =	shalt  }
0x56: {  	_ =	shalt  }
0x57: {  	_ =	shalt  }
0x58: {  	_ =	shalt  }
0x59: {  	_ =	shalt  }
0x5a: {  	_ =	shalt  }
0x5b: {  	_ =	shalt  }
0x5c: {  	_ =	shalt  }
0x5d: {  	_ =	shalt  }
0x5e: {  	_ =	shalt  }
0x5f: {  	_ =	shalt  }
0x60: {  	_ =	shalt  }
0x61: {  	_ =	shalt  }
0x62: {  	_ =	shalt  }
0x63: {  	_ =	shalt  }
0x64: {  	_ =	shalt  }
0x65: {  	_ =	shalt  }
0x66: {  	_ =	shalt  }
0x67: {  	_ =	shalt  }
0x68: {  	_ =	shalt  }
0x69: {  	_ =	shalt  }
0x6a: {  	_ =	shalt  }
0x6b: {  	_ =	shalt  }
0x6c: {  	_ =	shalt  }
0x6d: {  	_ =	shalt  }
0x6e: {  	_ =	shalt  }
0x6f: {  	_ =	shalt  }
0x70: {  	_ =	shalt  }
0x71: {  	_ =	shalt  }
0x72: {  	_ =	shalt  }
0x73: {  	_ =	shalt  }
0x74: {  	_ =	shalt  }
0x75: {  	_ =	shalt  }
0x76: {  	_ =	shalt  }
0x77: {  	_ =	shalt  }
0x78: {  	_ =	shalt  }
0x79: {  	_ =	shalt  }
0x7a: {  	_ =	shalt  }
0x7b: {  	_ =	shalt  }
0x7c: {  	_ =	shalt  }
0x7d: {  	_ =	shalt  }
0x7e: {  	_ =	shalt  }
0x7f: {  	_ =	shalt  }
0x80: {  	_ =	shalt  }
0x81: {  	_ =	shalt  }
0x82: {  	_ =	shalt  }
0x83: {  	_ =	shalt  }
0x84: {  	_ =	shalt  }
0x85: {  	_ =	shalt  }
0x86: {  	_ =	shalt  }
0x87: {  	_ =	shalt  }
.Lfunc_end0:
.L_simem_size_0:
called_computation.1_lowered:
.L_overlay_start_0:
0x88: {  	s2 =	sld [smem:$0x3FD9]  }
0x89: {  	s3 =	sld [smem:$0x3FFE];
	_ =	sdelay $0x1  }
0x8a: {  	s1 =	srdreg.scid  }
0x8b: {  	s0 =	sand.u32 $0x1, s1  }
0x8c: {  	s17 =	sshll.u32 s0, $0xA;
	s2 =	sadd.s32 s3, s2  }
0x8d: {  	s2 =	sadd.s32 s2, s17  }
0x8e: {  	[smem:$0x3FC6] =	sst s2  }
0x8f: {  	_ = 	snop  }
0x90: {  	s2 =	sld [smem:$0x3FC9]  }
0x91: {  	s18 =	sld [smem:$0x3FD0];
	(tm) =	ssettm $0x1  }
0x92: {  	s4 =	sld [smem:$0x3FFB];
	_ =	sdelay $0x3  }
0x93: {  	_ =	strace s4  }
0x94: {  	s4 =	sld [smem:$0x3FFC];
	_ =	sdelay $0x3  }
0x95: {  	_ =	strace s4  }
0x96: {  	s4 =	sld [smem:$0x3FFD];
	_ =	sdelay $0x3  }
0x97: {  	_ =	strace s4  }
0x98: {  	_ =	strace $0x8FFFFFFF  }
0x99: {  	s19 =	sld [smem:$0x3FDB];
	_ =	sdelay $0x1  }
0x9a: {  	s5 =	simm.s32 $_scs_section_size  }
0x9b: {  	s6 =	simm.s32 $_size__tile_overlayer_lowered;
	s7 =	simm.s32 $_tile_overlayer_lowered  }
0x9c: {  	s22 =	simm.s32 $0x1BFF;
	s21 =	sshll.u32 s7, $0x1;
	s4 =	sadd.s32 s5, s19  }
0x9d: {  	s8 =	simm.s32 $0x0;
	s20 =	sshll.u32 s6, $0x1;
	s6 =	sadd.s32 s21, s4  }
0x9e: {  	[timem:s8], [sflag:s22] =	dma.local [hbm:s6], s20  }
0x9f: {  	_ =	swait.ge [sflag:s22], s20  }
0xa0: {  	s5 =	ssub.s32 $0x0, s20;
	[sflag:s22] =	ssyncset.done $0x0  }
0xa1: {  	[sflag:s22] =	ssyncadd.s32 s5;
	_ =	sdelay $0x1  }
0xa2: {  	s23 =	simm.s32 $0x1B8B  }
0xa3: {  	_ =	swait.ge [sflag:s23], $0x1  }
0xa4: {  	[sflag:s23] =	ssyncset.done $0x0  }
0xa5: {  	s25 =	simm.s32 $0x1B8E;
	s24 =	sld [smem:$0x3FFE];
	[sflag:s23] =	ssyncadd.s32 $0xFFFFFFFF  }
0xa6: {  	s26 =	simm.s32 $execute0_lowered;
	[smem:$0x3FD2] =	sst s25  }
0xa7: {  	s6 =	sshll.u32 s26, $0x1;
	_ =	strace $0x80000049;
	[dreg:$0x1] =	wrdreg $0xFFFFFFFF  }
0xa8: {  	s28 =	simm.s32 $_size_execute0_lowered;
	s4 =	sadd.s32 s4, s6;
	[dreg:$0x0] =	wrdreg $0x0  }
0xa9: {  	s6 =	sshll.u32 s28, $0x1;
	[dreg:$0x2] =	wrdreg s4  }
0xaa: {  	[dreg:$0x3] =	wrdreg s6  }
0xab: {  	[dreg:$0x4] =	wrdreg $0xC0  }
0xac: {  	_ =	task [dreg:s8], $0x5FFFF  }
0xad: {  	[dreg:$0x1] =	wrdreg $0xFFFFFFFF  }
0xae: {  	[dreg:$0x0] =	wrdreg $0x60  }
0xaf: {  	[dreg:$0x2] =	wrdreg s2  }
0xb0: {  	[dreg:$0x3] =	wrdreg s24  }
0xb1: {  	[dreg:$0x4] =	wrdreg s18  }
0xb2: {  	[dreg:$0x5] =	wrdreg $0x9  }
0xb3: {  	_ =	task.clear_ibuf [dreg:s8], $0x6FFFF;
	_ =	strace $0x90000049  }
0xb4: {  	s29 =	simm.s32 $0x9;
	_ =	strace $0x8000004B  }
0xb5: {  	_ =	swait.ge [sflag:s29], $0x1  }
0xb6: {  	[sflag:s29] =	ssyncadd.s32 $0xFFFFFFFF  }
0xb7: {  	_ =	strace $0x9000004B  }
0xb8: {  	_ =	sfence  }
0xb9: {  	s30 =	sld [smem:$0x0];
	_ =	sdelay $0x2  }
0xba: {  	s31 =	sshll.u32 s1, $0xD;
	s1 =	sshrl.u32 s1, $0x2  }
0xbb: {  	s3 =	sand.u32 $0x4000, s31;
	s1 =	sadd.s32 s1, s30  }
0xbc: {  	s0 =	sor.u32 s3, s0;
	s1 =	sshll.u32 s1, $0x11  }
0xbd: {  	s0 =	sor.u32 s1, s0  }
0xbe: {  	s0 =	sadd.s32 $0x8F2B, s0  }
0xbf: {  	[sflag:s0] =	ssyncadd.remote.s32 $0x1  }
0xc0: {  	_ =	sfence.sel $0xFFFF  }
0xc1: {  	[dreg:$0x0] =	wrdreg $0xFFFFFFFF;
	(pc) =	sbr.abs _section_cstart, $3  }
0xc2: {  	[dreg:$0x1] =	wrdreg $0xFFFFFFFF  }
0xc3: {  	_ =	task.clear_ibuf [dreg:s8], $0x2FFFF;
	_ =	strace $0x9FFFFFFF  }
0xc4: {  	(tm) =	ssettm $0x7FFFFFFF  }
0xc5: {  	_ =	shalt  }
tec
execute0_lowered:
.L_overlay_start_1:
0x0: {  	(tag) =	ssettag $0x1  }
0x1: {  	v0 =	vimm.s32 $0xEDCBA987;
	v1 =	vimm.s32 $0x6543210F  }
0x2: {  	v2 =	vimm.s32 $0xDCBA9876;
	v3 =	vimm.s32 $0x543210FE;
	v5 =	vimm.s32 $0xA9876543  }
0x3: {  	v6 =	vimm.s32 $0x210FEDCB;
	v7 =	vimm.s32 $0xFEDCBA98;
	v18 =	vimm.s32 $0x76543210  }
0x4: {  	v0 =	vunpack.c.l.s4.s8 v0;
	v1 =	vunpack.c.l.s4.s8 v1;
	v2 =	vunpack.c.l.s4.s8 v2  }
0x5: {  	v5 =	vunpack.c.l.s4.s8 v5;
	v6 =	vunpack.c.l.s4.s8 v6;
	v7 =	vunpack.c.l.s4.s8 v7  }
0x6: {  	v18 =	vunpack.c.l.s4.s8 v18;
	v8 =	vunpack.c.0.s8.s32 v0;
	v0 =	vunpack.c.l.s4.s8 v3  }
0x7: {  	v9 =	vunpack.c.0.s8.s32 v1;
	v10 =	vunpack.c.0.s8.s32 v2;
	v1 =	vimm.s32 $0xCBA98765  }
0x8: {  	s21 =	rddreg [dreg:$0x0];
	v16 =	vunpack.c.0.s8.s32 v5;
	v17 =	vunpack.c.0.s8.s32 v6;
	v5 =	vimm.s32 $0x87654321  }
0x9: {  	s0 =	rddreg [dreg:$0x1];
	s1 =	srdreg.scid;
	v6 =	vimm.s32 $0xFEDCBA9;
	v7 =	vunpack.c.0.s8.s32 v7;
	v18 =	vunpack.c.0.s8.s32 v18  }
0xa: {  	s2 =	stileid.u32;
	s3 =	rddreg [dreg:$0x2];
	v2 =	vunpack.c.l.s4.s8 v1;
	v1 =	vimm.s32 $0x43210FED;
	v5 =	vunpack.c.l.s4.s8 v5  }
0xb: {  	s4 =	simm.s32 $0x0;
	s1 =	sand.u32 $0x1, s1;
	s2 =	sshll.u32 s2, $0x1;
	v6 =	vunpack.c.l.s4.s8 v6;
	v11 =	vunpack.c.0.s8.s32 v0;
	v0 =	vcombine.low v9, v8  }
0xc: {  	s30 =	simm.s32 $0xA00;
	s29 =	simm.s32 $0x800;
	s2 =	sor.u32 s1, s2;
	v3 =	vunpack.c.l.s4.s8 v1;
	v7 =	vand.u32 $0xF, v7;
	v8 =	vcombine.low v8, v9  }
0xd: {  	s10 =	simm.s32 $0x6A00;
	s31 =	simm.s32 $0x8A00;
	s6 =	smul.u32 $0x3200, s2;
	v12 =	vunpack.c.0.s8.s32 v2;
	v2 =	vimm.s32 $0xBA987654;
	v21 =	vunpack.c.0.s8.s32 v5  }
0xe: {  	[smem:$0x7FF] =	sst s4;
	s7 =	sadd.s32 $0x800, s0;
	s2 =	smul.u32 $0xC8, s2;
	v22 =	vunpack.c.0.s8.s32 v6;
	v7 =	vcombine.low v7, v18;
	v1 =	vcombine.low v11, v10  }
0xf: {  	s12 =	sadd.s32 $0x4000, s3;
	s13 =	sadd.s32 $0x8000, s3;
	s14 =	sadd.s32 $0xC000, s3;
	v13 =	vunpack.c.0.s8.s32 v3;
	v3 =	vunpack.c.l.s4.s8 v2;
	v2 =	vimm.s32 $0x3210FEDC  }
0x10: {  	_ =	strace $0x8000004A;
	s5 =	sadd.s32 s21, s6;
	[dreg:$0x4] =	wrdreg s2;
	v9 =	vcombine.low v10, v11;
	v23 =	vand.u32 $0xF, v8;
	v30 =	vand.u32 $0xF, v0  }
0x11: {  	s15 =	sadd.s32 $0x10000, s3;
	s22 =	sor.u32 $0x4, s2;
	[dreg:$0x5] =	wrdreg s5;
	v4 =	vunpack.c.l.s4.s8 v2;
	v6 =	vcombine.low v22, v21;
	v2 =	vcombine.low v13, v12  }
0x12: {  	s16 =	sadd.s32 $0x14000, s3;
	s23 =	sor.u32 $0x5, s2;
	[dreg:$0x9] =	wrdreg s22;
	v14 =	vunpack.c.0.s8.s32 v3;
	v3 =	vimm.s32 $0x98765432;
	v10 =	vcombine.low v12, v13  }
0x13: {  	s17 =	sadd.s32 $0x18000, s3;
	s24 =	sor.u32 $0x6, s2;
	[dreg:$0xa] =	wrdreg s23;
	v12 =	vcombine.low v21, v22;
	v13 =	vlaneseq.u32;
	v22 =	vand.u32 $0xF, v9  }
0x14: {  	s1 =	ssub.s32 $0x2, s1;
	s25 =	sor.u32 $0x2, s2;
	[dreg:$0xb] =	wrdreg s24;
	v15 =	vunpack.c.0.s8.s32 v4;
	v4 =	vimm.s32 $0x10FEDCBA;
	v3 =	vunpack.c.l.s4.s8 v3  }
0x15: {  	s8 =	sshrl.u32 s1, $0x1;
	s26 =	sor.u32 $0x7, s2;
	[dreg:$0xc] =	wrdreg s25;
	v29 =	vand.u32 $0xF, v1;
	v24 =	vand.u32 $0xF, v6;
	v4 =	vunpack.c.l.s4.s8 v4  }
0x16: {  	s11 =	ssub.s32 s1, s8;
	s28 =	sadd.s32 $0x8, s2;
	[dreg:$0xd] =	wrdreg s26;
	v21 =	vand.u32 $0xF, v10;
	v28 =	vand.u32 $0xF, v2;
	v19 =	vunpack.c.0.s8.s32 v3  }
0x17: {  	s8 =	simm.s32 $0x4A00;
	s0 =	smax.u32 s11, $0x1;
	[dreg:$0xe] =	wrdreg s28;
	v3 =	vcombine.low v15, v14;
	v14 =	vcombine.low v14, v15;
	v20 =	vunpack.c.0.s8.s32 v4  }
0x18: {  	s1 =	simm.s32 $0x0;
	s18 =	sadd.s32 $0x40, s5;
	[dreg:$0xf] =	wrdreg s0;
	v15 =	vcombine.low v16, v17;
	v4 =	vcombine.low v17, v16;
	v16 =	vmul.u32 $0x10, v13  }
0x19: {  	s2 =	simm.s32 $0x2A00;
	s19 =	sadd.s32 $0x80, s5;
	[dreg:$0x6] =	wrdreg s18;
	v17 =	vand.u32 $0xF, v12;
	v5 =	vcombine.low v20, v19;
	v11 =	vcombine.low v19, v20  }
0x1a: {  	s6 =	simm.s32 $0xF;
	s20 =	sadd.s32 $0xC0, s5;
	[dreg:$0x7] =	wrdreg s19;
	v27 =	vand.u32 $0xF, v3;
	v19 =	vand.u32 $0xF, v15;
	v20 =	vand.u32 $0xF, v14  }
0x1b: {  	[dreg:$0x8] =	wrdreg s20;
	s18 =	sadd.s32 $0x1C000, s3;
	s3 =	simm.s32 $0x200;
	v26 =	vand.u32 $0xF, v4;
	v18 =	vand.u32 $0xF, v11;
	v25 =	vand.u32 $0xF, v5  }
.LBB2_1:
0x1c: {  	[dreg:$0x10] =	wrdreg s1  }
0x1d: {  	s0 =	rddreg [dreg:$0x5]  }
0x1e: {  	[tilespmem:s4], [sflag:$0x1] =	stream.linear.gather [hbm4b:s0+s4], $0x200, $0x38;
	[tilespmem:$0x14A00] =	vst v63  }
0x1f: {  	s20 =	rddreg [dreg:$0x6]  }
0x20: {  	[tilespmem:s3], [sflag:$0x2] =	stream.linear.gather [hbm4b:s20+s4], $0x200, $0x38;
	[tilespmem:$0x14A00] =	vst v63  }
0x21: {  	s22 =	rddreg [dreg:$0x7];
	s23 =	simm.s32 $0x400  }
0x22: {  	[tilespmem:s23], [sflag:$0x3] =	stream.linear.gather [hbm4b:s22+s4], $0x200, $0x38;
	[tilespmem:$0x14A00] =	vst v63  }
0x23: {  	s24 =	rddreg [dreg:$0x8];
	s5 =	simm.s32 $0x600;
	s25 =	simm.s32 $0x1  }
0x24: {  	[tilespmem:s5], [sflag:$0x4] =	stream.linear.gather [hbm4b:s24+s4], $0x200, $0x38;
	[tilespmem:$0x14A00] =	vst v63  }
0x25: {  	_ =	swait.ge [sflag:s25], $0x200  }
0x26: {  	[sflag:s25] =	ssyncset.done $0x0  }
0x27: {  	s26 =	simm.s32 $0x2;
	[sflag:s25] =	ssyncadd.s32 $0xFFFFFE00  }
0x28: {  	[tilespmem:s30], [sflag:$0x6] =	stream.indirect.gather [hbm4b:s7+s3], $0x10, s4, s3, $0xb8;
	[tilespmem:$0x14A00] =	vst v63  }
0x29: {  	_ =	swait.ge [sflag:s26], $0x200  }
0x2a: {  	[sflag:s26] =	ssyncset.done $0x0  }
0x2b: {  	s28 =	simm.s32 $0x3;
	[sflag:s26] =	ssyncadd.s32 $0xFFFFFE00  }
0x2c: {  	[tilespmem:s2], [sflag:$0x7] =	stream.indirect.gather [hbm4b:s7+s3], $0x10, s3, s3, $0xb8;
	[tilespmem:$0x14A00] =	vst v63  }
0x2d: {  	_ =	swait.ge [sflag:s28], $0x200  }
0x2e: {  	[sflag:s28] =	ssyncset.done $0x0  }
0x2f: {  	s20 =	simm.s32 $0x0;
	[sflag:s28] =	ssyncadd.s32 $0xFFFFFE00  }
0x30: {  	[tilespmem:s8], [sflag:$0x8] =	stream.indirect.gather [hbm4b:s7+s3], $0x10, s23, s3, $0xb8;
	[tilespmem:$0x14A00] =	vst v63  }
.LBB2_2:
0x31: {  	s26 =	smul.u32 $0x5, s20  }
0x32: {  	s0 =	rddreg [dreg:$0x9]  }
0x33: {  	s22 =	sadd.s32 s26, s0  }
0x34: {  	s0 =	sshll.u32 s22, $0x6  }
0x35: {  	s23 =	sadd.s32 $0xFFFFFFFE, s26;
	[dreg:$0x11] =	wrdreg s0;
	s0 =	sand.u32 $0x1FFFFFC0, s0  }
0x36: {  	p0 =	sgt.u32 s23, $0xC2;
	s0 =	sadd.s32 s21, s0  }
0x37: {  	[tilespmem:s29], [sflag:$0x5] =	stream.linear.gather [hbm4b:s0+s4], $0x200, $0x38;
	[tilespmem:$0x14A00] =	vst v63  }
0x38: {  	s0 =	simm.s32 @!p0 $0xE  }
0x39: {  	_ =	swait.ge @!p0 [sflag:s0], $0x400  }
0x3a: {  	[sflag:s0] =	ssyncset.done @!p0 $0x0  }
0x3b: {  	[sflag:s0] =	ssyncadd.s32 @!p0 $0xFFFFFC00  }
0x3c: {  	_ =	swait.ge @!p0 [sflag:s0], $0x400  }
0x3d: {  	[sflag:s0] =	ssyncset.done @!p0 $0x0  }
0x3e: {  	[sflag:s0] =	ssyncadd.s32 @!p0 $0xFFFFFC00  }
0x3f: {  	_ =	swait.ge @!p0 [sflag:s0], $0x400  }
0x40: {  	[sflag:s0] =	ssyncset.done @!p0 $0x0  }
0x41: {  	[sflag:s0] =	ssyncadd.s32 @!p0 $0xFFFFFC00  }
0x42: {  	_ =	swait.ge @!p0 [sflag:s0], $0x400  }
0x43: {  	[sflag:s0] =	ssyncset.done @!p0 $0x0  }
0x44: {  	[sflag:s0] =	ssyncadd.s32 @!p0 $0xFFFFFC00  }
0x45: {  	_ =	swait.ge @!p0 [sflag:s0], $0x400  }
0x46: {  	[sflag:s0] =	ssyncset.done @!p0 $0x0  }
0x47: {  	[sflag:s0] =	ssyncadd.s32 @!p0 $0xFFFFFC00  }
0x48: {  	_ =	swait.ge @!p0 [sflag:s0], $0x400  }
0x49: {  	[sflag:s0] =	ssyncset.done @!p0 $0x0  }
0x4a: {  	[sflag:s0] =	ssyncadd.s32 @!p0 $0xFFFFFC00  }
0x4b: {  	_ =	swait.ge @!p0 [sflag:s0], $0x400  }
0x4c: {  	[sflag:s0] =	ssyncset.done @!p0 $0x0  }
0x4d: {  	[sflag:s0] =	ssyncadd.s32 @!p0 $0xFFFFFC00  }
0x4e: {  	_ =	swait.ge @!p0 [sflag:s0], $0x400  }
0x4f: {  	[sflag:s0] =	ssyncset.done @!p0 $0x0  }
0x50: {  	s24 =	simm.s32 $0x4;
	[sflag:s0] =	ssyncadd.s32 @!p0 $0xFFFFFC00  }
0x51: {  	_ =	swait.ge [sflag:s24], $0x200  }
0x52: {  	[sflag:s24] =	ssyncset.done $0x0  }
0x53: {  	s25 =	simm.s32 $0x600;
	s28 =	simm.s32 $0x6;
	[sflag:s24] =	ssyncadd.s32 $0xFFFFFE00  }
0x54: {  	[tilespmem:s10], [sflag:$0x9] =	stream.indirect.gather [hbm4b:s7+s3], $0x10, s25, s3, $0xb8;
	[tilespmem:$0x14A00] =	vst v63  }
0x55: {  	_ =	swait.ge [sflag:s28], $0x2000  }
0x56: {  	[sflag:s28] =	ssyncset.done $0x0  }
0x57: {  	s9 =	simm.s32 $0xA80;
	[sflag:s28] =	ssyncadd.s32 $0xFFFFE000  }
0x58: {  	v31 =	vld [tilespmem:s9+$0x70]  }
0x59: {  	v32 =	vld [tilespmem:s9+$0xFFFFFF90]  }
0x5a: {  	v33 =	vld [tilespmem:s9+$0xFFFFFFA0]  }
0x5b: {  	v34 =	vld [tilespmem:s9+$0xFFFFFFB0]  }
0x5c: {  	v35 =	vld [tilespmem:s9+$0xFFFFFFC0]  }
0x5d: {  	v36 =	vld [tilespmem:s9+$0xFFFFFFD0];
	v31 =	vperm.xlane v31, v12  }
0x5e: {  	v37 =	vld [tilespmem:s9+$0xFFFFFFE0];
	v32 =	vperm.xlane v32, v0  }
0x5f: {  	v38 =	vld [tilespmem:s9+$0xFFFFFFF0];
	v33 =	vperm.xlane v33, v1;
	[tilespmem:s9+$0x70] =	vst v31  }
0x60: {  	v60 =	vld [tilespmem:s9+$0x0];
	[tilespmem:s9+$0xFFFFFF90] =	vst v32;
	v31 =	vperm.xlane v34, v2  }
0x61: {  	v39 =	vld [tilespmem:s9+$0x10];
	v61 =	vperm.xlane v35, v3;
	[tilespmem:s9+$0xFFFFFFA0] =	vst v33  }
0x62: {  	v40 =	vld [tilespmem:s9+$0x20];
	[tilespmem:s9+$0xFFFFFFB0] =	vst v31;
	v31 =	vperm.xlane v36, v4  }
0x63: {  	v62 =	vperm.xlane v37, v5;
	v35 =	vld [tilespmem:s9+$0x30];
	[tilespmem:s9+$0xFFFFFFC0] =	vst v61  }
0x64: {  	v32 =	vld [tilespmem:s9+$0x40];
	[tilespmem:s9+$0xFFFFFFD0] =	vst v31;
	v31 =	vperm.xlane v38, v6  }
0x65: {  	v63 =	vperm.xlane v60, v7;
	[tilespmem:s9+$0xFFFFFFE0] =	vst v62;
	v33 =	vld [tilespmem:s9+$0x50]  }
0x66: {  	v36 =	vperm.xlane v39, v8;
	[tilespmem:s9+$0xFFFFFFF0] =	vst v31;
	v31 =	vld [tilespmem:s9+$0x60]  }
0x67: {  	s11 =	simm.s32 $0xB80;
	s23 =	simm.s32 $0x0;
	s25 =	sadd.s32 $0x3, s26;
	v37 =	vperm.xlane v40, v9;
	v34 =	vld [tilespmem:s9+$0xFFFFFF80];
	[tilespmem:s9+$0x0] =	vst v63  }
.LBB2_3:
0x68: {  	v38 =	vld [tilespmem:s11+$0x70];
	s23 =	sadd.s32 $0x10, s23;
	[tilespmem:s9+$0x10] =	vst v36;
	v35 =	vperm.xlane v35, v10  }
0x69: {  	v36 =	vld [tilespmem:s11+$0xFFFFFF90];
	p0 =	slt.u32 s23, $0x1F0;
	[tilespmem:s9+$0x20] =	vst v37;
	v32 =	vperm.xlane v32, v14  }
0x6a: {  	v37 =	vld [tilespmem:s11+$0xFFFFFFA0];
	[tilespmem:s9+$0x30] =	vst v35;
	v33 =	vperm.xlane v33, v15  }
0x6b: {  	v35 =	vld [tilespmem:s11+$0xFFFFFFB0];
	[tilespmem:s9+$0x40] =	vst v32;
	v31 =	vperm.xlane v31, v11  }
0x6c: {  	v32 =	vld [tilespmem:s11+$0xFFFFFFC0];
	v34 =	vperm.xlane v34, v13;
	[tilespmem:s9+$0x50] =	vst v33  }
0x6d: {  	v33 =	vld [tilespmem:s11+$0xFFFFFFD0];
	v38 =	vperm.xlane v38, v12;
	[tilespmem:s9+$0x60] =	vst v31  }
0x6e: {  	v31 =	vperm.xlane v36, v0;
	v36 =	vld [tilespmem:s11+$0xFFFFFFE0];
	[tilespmem:s9+$0xFFFFFF80] =	vst v34;
	s9 =	smov.u32 s11  }
0x6f: {  	s0 =	simm.s32 $0x0;
	v34 =	vperm.xlane v37, v1;
	v37 =	vld [tilespmem:s11+$0xFFFFFFF0];
	[tilespmem:s11+$0x70] =	vst v38  }
0x70: {  	[tilespmem:s11+$0xFFFFFF90] =	vst v31;
	v31 =	vperm.xlane v35, v2;
	v38 =	vld [tilespmem:s11+$0x0]  }
0x71: {  	[tilespmem:s11+$0xFFFFFFA0] =	vst v34;
	v32 =	vperm.xlane v32, v3;
	v34 =	vld [tilespmem:s11+$0x10]  }
0x72: {  	[tilespmem:s11+$0xFFFFFFB0] =	vst v31;
	v31 =	vperm.xlane v33, v4;
	v39 =	vld [tilespmem:s11+$0x20]  }
.Ltmp0:
0x73: {  	[tilespmem:s11+$0xFFFFFFC0] =	vst v32;
	v33 =	vperm.xlane v36, v5;
	v35 =	vld [tilespmem:s11+$0x30];
	(pc) =	sbr.rel @p0 .LBB2_3-.Ltmp0, $4  }
0x74: {  	[tilespmem:s11+$0xFFFFFFD0] =	vst v31;
	v31 =	vperm.xlane v37, v6;
	v32 =	vld [tilespmem:s11+$0x40]  }
0x75: {  	[tilespmem:s11+$0xFFFFFFE0] =	vst v33;
	v37 =	vperm.xlane v38, v7;
	v33 =	vld [tilespmem:s11+$0x50]  }
0x76: {  	[tilespmem:s11+$0xFFFFFFF0] =	vst v31;
	v36 =	vperm.xlane v34, v8;
	v31 =	vld [tilespmem:s11+$0x60]  }
0x77: {  	s11 =	sadd.s32 $0x100, s11;
	v34 =	vld [tilespmem:s9+$0xFFFFFF80];
	[tilespmem:s9+$0x0] =	vst v37;
	v37 =	vperm.xlane v39, v9  }
0x78: {  	s1 =	simm.s32 $0x0  }
0x79: {  	v38 =	vmov s1  }
0x7a: {  	[tilespmem:s9+$0x10] =	vst v36;
	v35 =	vperm.xlane v35, v10;
	v42 =	vshll.u32 v38, $0x4  }
0x7b: {  	[tilespmem:s9+$0x20] =	vst v37;
	v32 =	vperm.xlane v32, v14;
	v36 =	vor.u32 v16, v42  }
0x7c: {  	[tilespmem:s9+$0x30] =	vst v35;
	v33 =	vperm.xlane v33, v15;
	v43 =	vor.u32 v30, v36  }
0x7d: {  	[tilespmem:s9+$0x40] =	vst v32;
	v31 =	vperm.xlane v31, v11;
	v44 =	vor.u32 v29, v36  }
0x7e: {  	v34 =	vperm.xlane v34, v13;
	[tilespmem:s9+$0x50] =	vst v33;
	v45 =	vor.u32 v28, v36  }
0x7f: {  	v46 =	vor.u32 v26, v36;
	[tilespmem:s9+$0x60] =	vst v31  }
0x80: {  	v47 =	vor.u32 v25, v36;
	[tilespmem:s9+$0xFFFFFF80] =	vst v34  }
0x81: {  	v48 =	vor.u32 v24, v36;
	v35 =	vld.idx.msk [tilespmem:v43+s30+$0x0], $0xffff  }
0x82: {  	v39 =	vor.u32 v7, v36;
	v32 =	vld.idx.msk [tilespmem:v44+s30+$0x0], $0xffff  }
0x83: {  	v40 =	vor.u32 v23, v36;
	v33 =	vld.idx.msk [tilespmem:v45+s30+$0x0], $0xffff  }
0x84: {  	v41 =	vor.u32 v22, v36;
	v34 =	vld.idx.msk [tilespmem:v46+s30+$0x0], $0xffff  }
0x85: {  	s28 =	sand.u32 $0x7, s0;
	v42 =	vor.u32 v21, v36;
	v37 =	vld.idx.msk [tilespmem:v47+s30+$0x0], $0xffff  }
0x86: {  	s11 =	sor.u32 s0, s1;
	v31 =	vor.u32 v27, v36;
	s9 =	sshll.u32 s28, $0x4;
	v38 =	vld.idx.msk [tilespmem:v48+s30+$0x0], $0xffff  }
0x87: {  	s5 =	sand.u32 $0x1800, s0;
	s11 =	sor.u32 $0x780, s11;
	v50 =	vor.u32 v13, v36;
	s9 =	sadd.s32 $0x0, s9;
	v49 =	vld.idx.msk [tilespmem:v39+s30+$0x0], $0xffff  }
0x88: {  	s1 =	sand.u32 $0x70, s1;
	s19 =	sor.u32 $0x700, s9;
	s9 =	simm.s32 $0x10;
	v44 =	vor.u32 v17, v36;
	v51 =	vld.idx.msk [tilespmem:v40+s30+$0x0], $0xffff;
	[tilespmem:s11+$0xAA00] =	vst v35  }
0x89: {  	s23 =	sor.u32 s1, s5;
	v52 =	vmov s9;
	v45 =	vor.u32 v19, v36;
	v53 =	vld.idx.msk [tilespmem:v41+s30+$0x0], $0xffff;
	[tilespmem:s19+$0xAA00] =	vst v32  }
0x8a: {  	v43 =	vor.u32 v20, v36;
	v36 =	vor.u32 v18, v36;
	v54 =	vld.idx.msk [tilespmem:v42+s30+$0x0], $0xffff;
	v40 =	vshll.u32 v52, $0x4;
	[tilespmem:s23+$0xB080] =	vst v33  }
0x8b: {  	v31 =	vld.idx.msk [tilespmem:v31+s30+$0x0], $0xffff;
	v46 =	vor.u32 v16, v40;
	[tilespmem:s23+$0xAF80] =	vst v34  }
0x8c: {  	v59 =	vld.idx.msk [tilespmem:v50+s30+$0x0], $0xffff;
	v55 =	vor.u32 v30, v46;
	[tilespmem:s23+$0xAF00] =	vst v37  }
0x8d: {  	v56 =	vor.u32 v29, v46;
	v57 =	vld.idx.msk [tilespmem:v44+s30+$0x0], $0xffff;
	[tilespmem:s23+$0xAE80] =	vst v38  }
0x8e: {  	v58 =	vor.u32 v28, v46;
	v61 =	vld.idx.msk [tilespmem:v45+s30+$0x0], $0xffff;
	[tilespmem:s23+$0xAE00] =	vst v49  }
0x8f: {  	v60 =	vor.u32 v27, v46;
	v35 =	vld.idx.msk [tilespmem:v36+s30+$0x0], $0xffff;
	[tilespmem:s23+$0xAD80] =	vst v51  }
0x90: {  	v62 =	vor.u32 v26, v46;
	[tilespmem:s23+$0xB000] =	vst v31;
	v31 =	vld.idx.msk [tilespmem:v43+s30+$0x0], $0xffff  }
0x91: {  	v47 =	vor.u32 v25, v46;
	[tilespmem:s23+$0xAC80] =	vst v54;
	v48 =	vld.idx.msk [tilespmem:v55+s30+$0x0], $0xffff  }
0x92: {  	v63 =	vor.u32 v7, v46;
	[tilespmem:s23+$0xAD00] =	vst v53;
	v50 =	vld.idx.msk [tilespmem:v56+s30+$0x0], $0xffff  }
0x93: {  	s24 =	simm.s32 $0x1;
	v49 =	vor.u32 v24, v46;
	[tilespmem:s23+$0xAA00] =	vst v59;
	v39 =	vld.idx.msk [tilespmem:v58+s30+$0x0], $0xffff  }
0x94: {  	s0 =	simm.s32 $0x100;
	s19 =	sand.u32 $0x7, s24;
	v44 =	vor.u32 v23, v46;
	v36 =	vld.idx.msk [tilespmem:v60+s30+$0x0], $0xffff;
	[tilespmem:s23+$0xAB80] =	vst v61  }
0x95: {  	s28 =	sor.u32 s0, s9;
	v42 =	vor.u32 v22, v46;
	s1 =	sshll.u32 s19, $0x4;
	v37 =	vld.idx.msk [tilespmem:v62+s30+$0x0], $0xffff;
	[tilespmem:s23+$0xAA80] =	vst v57  }
0x96: {  	v33 =	vor.u32 v13, v46;
	s11 =	sor.u32 $0x780, s28;
	v43 =	vor.u32 v21, v46;
	s1 =	sadd.s32 $0x100, s1;
	v38 =	vld.idx.msk [tilespmem:v47+s30+$0x0], $0xffff;
	[tilespmem:s23+$0xAC00] =	vst v31  }
0x97: {  	s5 =	sand.u32 $0x70, s9;
	v34 =	vor.u32 v17, v46;
	s28 =	sand.u32 $0x1800, s0;
	v45 =	vor.u32 v20, v46;
	s1 =	sor.u32 $0x700, s1;
	v41 =	vld.idx.msk [tilespmem:v63+s30+$0x0], $0xffff;
	[tilespmem:s11+$0xAA00] =	vst v48  }
0x98: {  	v32 =	vor.u32 v18, v46;
	s19 =	sor.u32 s5, s28;
	v40 =	vld.idx.msk [tilespmem:v49+s30+$0x0], $0xffff;
	v31 =	vor.u32 v19, v46;
	[tilespmem:s1+$0xAA00] =	vst v50  }
.LBB2_5:
0x99: {  	s9 =	sadd.s32 $0x10, s9;
	v44 =	vld.idx.msk [tilespmem:v44+s30+$0x0], $0xffff;
	[tilespmem:s19+$0xB080] =	vst v39;
	s0 =	sadd.s32 $0x100, s0;
	s24 =	sadd.s32 $0x1, s24  }
0x9a: {  	s28 =	sand.u32 $0x70, s9;
	v39 =	vmov s9;
	s11 =	sor.u32 s0, s9;
	p0 =	slt.u32 s9, $0x1F0;
	v42 =	vld.idx.msk [tilespmem:v42+s30+$0x0], $0xffff;
	[tilespmem:s23+$0xAB00] =	vst v35  }
0x9b: {  	s23 =	smov.u32 s19;
	v35 =	vshll.u32 v39, $0x4;
	v39 =	vld.idx.msk [tilespmem:v43+s30+$0x0], $0xffff;
	[tilespmem:s19+$0xB000] =	vst v36  }
0x9c: {  	v46 =	vor.u32 v16, v35;
	v36 =	vld.idx.msk [tilespmem:v45+s30+$0x0], $0xffff;
	[tilespmem:s23+$0xAF80] =	vst v37  }
0x9d: {  	v35 =	vor.u32 v13, v46;
	v37 =	vor.u32 v19, v46;
	v43 =	vor.u32 v30, v46;
	[tilespmem:s23+$0xAF00] =	vst v38  }
0x9e: {  	v38 =	vor.u32 v18, v46;
	v45 =	vor.u32 v29, v46;
	v47 =	vld.idx.msk [tilespmem:v34+s30+$0x0], $0xffff;
	v34 =	vor.u32 v17, v46  }
0x9f: {  	v48 =	vor.u32 v28, v46;
	v49 =	vld.idx.msk [tilespmem:v33+s30+$0x0], $0xffff;
	[tilespmem:s23+$0xAE80] =	vst v40;
	v33 =	vmov v35  }
0xa0: {  	v40 =	vor.u32 v27, v46;
	v50 =	vld.idx.msk [tilespmem:v31+s30+$0x0], $0xffff;
	[tilespmem:s23+$0xAE00] =	vst v41;
	v31 =	vmov v37  }
0xa1: {  	v37 =	vor.u32 v26, v46;
	v35 =	vld.idx.msk [tilespmem:v32+s30+$0x0], $0xffff;
	[tilespmem:s23+$0xAD80] =	vst v44;
	v32 =	vmov v38  }
0xa2: {  	v38 =	vor.u32 v25, v46;
	v41 =	vld.idx.msk [tilespmem:v43+s30+$0x0], $0xffff;
	[tilespmem:s23+$0xAC00] =	vst v36  }
0xa3: {  	v51 =	vor.u32 v24, v46;
	v52 =	vld.idx.msk [tilespmem:v45+s30+$0x0], $0xffff;
	[tilespmem:s23+$0xAC80] =	vst v39  }
0xa4: {  	v53 =	vor.u32 v7, v46;
	v39 =	vld.idx.msk [tilespmem:v48+s30+$0x0], $0xffff;
	[tilespmem:s23+$0xAD00] =	vst v42  }
.Ltmp1:
0xa5: {  	s1 =	sand.u32 $0x7, s24;
	v44 =	vor.u32 v23, v46;
	v36 =	vld.idx.msk [tilespmem:v40+s30+$0x0], $0xffff;
	[tilespmem:s23+$0xAA00] =	vst v49;
	(pc) =	sbr.rel @p0 .LBB2_5-.Ltmp1, $4  }
0xa6: {  	s1 =	sshll.u32 s1, $0x4;
	v42 =	vor.u32 v22, v46;
	v37 =	vld.idx.msk [tilespmem:v37+s30+$0x0], $0xffff;
	[tilespmem:s23+$0xAB80] =	vst v50  }
0xa7: {  	s11 =	sor.u32 $0x780, s11;
	s1 =	sadd.s32 s1, s0;
	v43 =	vor.u32 v21, v46;
	v38 =	vld.idx.msk [tilespmem:v38+s30+$0x0], $0xffff;
	[tilespmem:s23+$0xAA80] =	vst v47  }
0xa8: {  	s19 =	sand.u32 $0x1800, s0;
	s1 =	sor.u32 $0x700, s1;
	v45 =	vor.u32 v20, v46;
	v40 =	vld.idx.msk [tilespmem:v51+s30+$0x0], $0xffff;
	[tilespmem:s11+$0xAA00] =	vst v41  }
0xa9: {  	s19 =	sor.u32 s28, s19;
	v41 =	vld.idx.msk [tilespmem:v53+s30+$0x0], $0xffff;
	[tilespmem:s1+$0xAA00] =	vst v52  }
0xaa: {  	_ =	sdelay $0x1  }
0xab: {  	[tilespmem:s19+$0xB080] =	vst v39  }
0xac: {  	[tilespmem:s23+$0xAB00] =	vst v35  }
0xad: {  	v47 =	vld.idx.msk [tilespmem:v44+s30+$0x0], $0xffff;
	[tilespmem:s19+$0xB000] =	vst v36  }
0xae: {  	v48 =	vld.idx.msk [tilespmem:v45+s30+$0x0], $0xffff;
	[tilespmem:s19+$0xAF80] =	vst v37  }
0xaf: {  	[tilespmem:s19+$0xAF00] =	vst v38  }
0xb0: {  	[tilespmem:s19+$0xAE80] =	vst v40  }
0xb1: {  	v49 =	vld.idx.msk [tilespmem:v43+s30+$0x0], $0xffff;
	[tilespmem:s19+$0xAE00] =	vst v41  }
0xb2: {  	v50 =	vld.idx.msk [tilespmem:v42+s30+$0x0], $0xffff;
	[tilespmem:s19+$0xAD80] =	vst v47  }
0xb3: {  	v33 =	vld.idx.msk [tilespmem:v33+s30+$0x0], $0xffff;
	[tilespmem:s19+$0xAC00] =	vst v48  }
0xb4: {  	v31 =	vld.idx.msk [tilespmem:v31+s30+$0x0], $0xffff;
	s0 =	rddreg [dreg:$0x4]  }
0xb5: {  	v34 =	vld.idx.msk [tilespmem:v34+s30+$0x0], $0xffff;
	s0 =	sadd.s32 s0, s26  }
0xb6: {  	v32 =	vld.idx.msk [tilespmem:v32+s30+$0x0], $0xffff;
	s9 =	sshll.u32 s20, $0x2;
	[tilespmem:s19+$0xAC80] =	vst v49;
	s1 =	sshrl.u32 s0, $0x5  }
0xb7: {  	s23 =	sand.u32 $0x4, s9;
	[tilespmem:s19+$0xAD00] =	vst v50;
	s1 =	sand.u32 $0x3FF8, s1  }
0xb8: {  	[tilespmem:s19+$0xAA00] =	vst v33;
	s0 =	sshll.u32 s0, $0x6;
	s1 =	sor.u32 s23, s1  }
0xb9: {  	[tilespmem:s19+$0xAB80] =	vst v31;
	s0 =	sand.u32 $0x3F80, s0;
	s1 =	sshll.u32 s1, $0xF  }
0xba: {  	s11 =	rddreg [dreg:$0x2];
	[tilespmem:s19+$0xAA80] =	vst v34;
	s0 =	sor.u32 s0, s1  }
0xbb: {  	s5 =	simm.s32 $0xAA00;
	[tilespmem:s19+$0xAB00] =	vst v32;
	s1 =	sadd.s32 s11, s0  }
0xbc: {  	[hbm4b:s1+s4] =	stream.linear.scatter [tilespmem:s5], [sflag:$0xB], $0x400, $0x38;
	[tilespmem:$0x14A00] =	vst v63  }
0xbd: {  	s24 =	simm.s32 $0xAE00;
	s19 =	sadd.s32 s0, s12  }
0xbe: {  	[hbm4b:s19+s4] =	stream.linear.scatter [tilespmem:s24], [sflag:$0xB], $0x400, $0x38;
	[tilespmem:$0x14A00] =	vst v63  }
0xbf: {  	s9 =	sadd.s32 s0, s13;
	s11 =	simm.s32 $0xB200  }
0xc0: {  	[hbm4b:s9+s4] =	stream.linear.scatter [tilespmem:s11], [sflag:$0xB], $0x400, $0x38;
	[tilespmem:$0x14A00] =	vst v63  }
0xc1: {  	s19 =	sadd.s32 s0, s14;
	s24 =	simm.s32 $0xB600  }
0xc2: {  	[hbm4b:s19+s4] =	stream.linear.scatter [tilespmem:s24], [sflag:$0xB], $0x400, $0x38;
	[tilespmem:$0x14A00] =	vst v63  }
0xc3: {  	s9 =	sadd.s32 s0, s15;
	s11 =	simm.s32 $0xBA00  }
0xc4: {  	[hbm4b:s9+s4] =	stream.linear.scatter [tilespmem:s11], [sflag:$0xB], $0x400, $0x38;
	[tilespmem:$0x14A00] =	vst v63  }
0xc5: {  	s19 =	sadd.s32 s0, s16;
	s24 =	simm.s32 $0xBE00  }
0xc6: {  	[hbm4b:s19+s4] =	stream.linear.scatter [tilespmem:s24], [sflag:$0xB], $0x400, $0x38;
	[tilespmem:$0x14A00] =	vst v63  }
0xc7: {  	s9 =	sadd.s32 s0, s17;
	s11 =	simm.s32 $0xC200  }
0xc8: {  	[hbm4b:s9+s4] =	stream.linear.scatter [tilespmem:s11], [sflag:$0xB], $0x400, $0x38;
	[tilespmem:$0x14A00] =	vst v63  }
0xc9: {  	s0 =	sadd.s32 s0, s18;
	s19 =	simm.s32 $0xC600  }
0xca: {  	[hbm4b:s0+s4] =	stream.linear.scatter [tilespmem:s19], [sflag:$0xB], $0x400, $0x38;
	[tilespmem:$0x14A00] =	vst v63  }
0xcb: {  	p0 =	seq.s32 s20, $0x27;
	s0 =	rddreg [dreg:$0xa]  }
0xcc: {  	s0 =	sadd.s32 @!p0 s26, s0  }
0xcd: {  	s0 =	sshll.u32 @!p0 s0, $0x6  }
0xce: {  	s0 =	sand.u32 @!p0 $0x1FFFFFC0, s0  }
0xcf: {  	s1 =	simm.s32 @!p0 $0x0;
	s0 =	sadd.s32 @!p0 s21, s0  }
0xd0: {  	[tilespmem:s1], [sflag:$0x1] =	stream.linear.gather @!p0 [hbm4b:s0+s1], $0x200, $0x38;
	[tilespmem:$0x14A00] =	vst v63  }
0xd1: {  	s0 =	sadd.s32 @!p0 $0xFFFFFFFF, s26  }
0xd2: {  	p1 =	sgt.u32 @!p0 s0, $0xC2  }
0xd3: {  	p1 =	por p0, !p1  }
0xd4: {  	_ =	swait.ge @p1 [sflag:s6], $0x400  }
0xd5: {  	[sflag:s6] =	ssyncset.done @p1 $0x0  }
0xd6: {  	[sflag:s6] =	ssyncadd.s32 @p1 $0xFFFFFC00  }
0xd7: {  	_ =	swait.ge @p1 [sflag:s6], $0x400  }
0xd8: {  	[sflag:s6] =	ssyncset.done @p1 $0x0  }
0xd9: {  	[sflag:s6] =	ssyncadd.s32 @p1 $0xFFFFFC00  }
0xda: {  	_ =	swait.ge @p1 [sflag:s6], $0x400  }
0xdb: {  	[sflag:s6] =	ssyncset.done @p1 $0x0  }
0xdc: {  	[sflag:s6] =	ssyncadd.s32 @p1 $0xFFFFFC00  }
0xdd: {  	_ =	swait.ge @p1 [sflag:s6], $0x400  }
0xde: {  	[sflag:s6] =	ssyncset.done @p1 $0x0  }
0xdf: {  	[sflag:s6] =	ssyncadd.s32 @p1 $0xFFFFFC00  }
0xe0: {  	_ =	swait.ge @p1 [sflag:s6], $0x400  }
0xe1: {  	[sflag:s6] =	ssyncset.done @p1 $0x0  }
0xe2: {  	[sflag:s6] =	ssyncadd.s32 @p1 $0xFFFFFC00  }
0xe3: {  	_ =	swait.ge @p1 [sflag:s6], $0x400  }
0xe4: {  	[sflag:s6] =	ssyncset.done @p1 $0x0  }
0xe5: {  	[sflag:s6] =	ssyncadd.s32 @p1 $0xFFFFFC00  }
0xe6: {  	_ =	swait.ge @p1 [sflag:s6], $0x400  }
0xe7: {  	[sflag:s6] =	ssyncset.done @p1 $0x0  }
0xe8: {  	[sflag:s6] =	ssyncadd.s32 @p1 $0xFFFFFC00  }
0xe9: {  	_ =	swait.ge @p1 [sflag:s6], $0x400  }
0xea: {  	[sflag:s6] =	ssyncset.done @p1 $0x0  }
0xeb: {  	s24 =	simm.s32 $0x5;
	[sflag:s6] =	ssyncadd.s32 @p1 $0xFFFFFC00  }
0xec: {  	_ =	swait.ge [sflag:s24], $0x200  }
0xed: {  	[sflag:s24] =	ssyncset.done $0x0  }
0xee: {  	[sflag:s24] =	ssyncadd.s32 $0xFFFFFE00  }
0xef: {  	[tilespmem:s31], [sflag:$0xA] =	stream.indirect.gather [hbm4b:s7+s3], $0x10, s29, s3, $0xb8;
	[tilespmem:$0x14A00] =	vst v63  }
0xf0: {  	s29 =	simm.s32 $0x7  }
0xf1: {  	_ =	swait.ge [sflag:s29], $0x2000  }
0xf2: {  	[sflag:s29] =	ssyncset.done $0x0  }
0xf3: {  	s24 =	simm.s32 $0x2A80;
	[sflag:s29] =	ssyncadd.s32 $0xFFFFE000  }
0xf4: {  	v31 =	vld [tilespmem:s24+$0x70]  }
0xf5: {  	v51 =	vld [tilespmem:s24+$0xFFFFFF90]  }
0xf6: {  	v52 =	vld [tilespmem:s24+$0xFFFFFFA0]  }
0xf7: {  	v53 =	vld [tilespmem:s24+$0xFFFFFFB0]  }
0xf8: {  	v54 =	vld [tilespmem:s24+$0xFFFFFFC0]  }
0xf9: {  	v55 =	vld [tilespmem:s24+$0xFFFFFFD0];
	v31 =	vperm.xlane v31, v12  }
0xfa: {  	v56 =	vld [tilespmem:s24+$0xFFFFFFE0];
	v32 =	vperm.xlane v51, v0  }
0xfb: {  	v57 =	vld [tilespmem:s24+$0xFFFFFFF0];
	v33 =	vperm.xlane v52, v1;
	[tilespmem:s24+$0x70] =	vst v31  }
0xfc: {  	v58 =	vld [tilespmem:s24+$0x0];
	[tilespmem:s24+$0xFFFFFF90] =	vst v32;
	v31 =	vperm.xlane v53, v2  }
0xfd: {  	v60 =	vld [tilespmem:s24+$0x10];
	v59 =	vperm.xlane v54, v3;
	[tilespmem:s24+$0xFFFFFFA0] =	vst v33  }
0xfe: {  	v61 =	vld [tilespmem:s24+$0x20];
	[tilespmem:s24+$0xFFFFFFB0] =	vst v31;
	v31 =	vperm.xlane v55, v4  }
0xff: {  	v35 =	vld [tilespmem:s24+$0x30];
	v62 =	vperm.xlane v56, v5;
	[tilespmem:s24+$0xFFFFFFC0] =	vst v59  }
0x100: {  	v32 =	vld [tilespmem:s24+$0x40];
	[tilespmem:s24+$0xFFFFFFD0] =	vst v31;
	v31 =	vperm.xlane v57, v6  }
0x101: {  	v63 =	vperm.xlane v58, v7;
	[tilespmem:s24+$0xFFFFFFE0] =	vst v62;
	v33 =	vld [tilespmem:s24+$0x50]  }
0x102: {  	v36 =	vperm.xlane v60, v8;
	[tilespmem:s24+$0xFFFFFFF0] =	vst v31;
	v31 =	vld [tilespmem:s24+$0x60]  }
0x103: {  	s28 =	simm.s32 $0x0;
	s9 =	sadd.s32 $0x1, s26;
	s11 =	simm.s32 $0x2B80;
	v34 =	vld [tilespmem:s24+$0xFFFFFF80];
	v37 =	vperm.xlane v61, v9;
	[tilespmem:s24+$0x0] =	vst v63  }
.LBB2_7:
0x104: {  	v38 =	vld [tilespmem:s11+$0x70];
	s28 =	sadd.s32 $0x10, s28;
	[tilespmem:s24+$0x10] =	vst v36;
	v35 =	vperm.xlane v35, v10  }
0x105: {  	v36 =	vld [tilespmem:s11+$0xFFFFFF90];
	p1 =	slt.u32 s28, $0x1F0;
	[tilespmem:s24+$0x20] =	vst v37;
	v32 =	vperm.xlane v32, v14  }
0x106: {  	v37 =	vld [tilespmem:s11+$0xFFFFFFA0];
	[tilespmem:s24+$0x30] =	vst v35;
	v33 =	vperm.xlane v33, v15  }
0x107: {  	v35 =	vld [tilespmem:s11+$0xFFFFFFB0];
	[tilespmem:s24+$0x40] =	vst v32;
	v31 =	vperm.xlane v31, v11  }
0x108: {  	v32 =	vld [tilespmem:s11+$0xFFFFFFC0];
	v34 =	vperm.xlane v34, v13;
	[tilespmem:s24+$0x50] =	vst v33  }
0x109: {  	v33 =	vld [tilespmem:s11+$0xFFFFFFD0];
	v38 =	vperm.xlane v38, v12;
	[tilespmem:s24+$0x60] =	vst v31  }
0x10a: {  	v31 =	vperm.xlane v36, v0;
	v36 =	vld [tilespmem:s11+$0xFFFFFFE0];
	[tilespmem:s24+$0xFFFFFF80] =	vst v34;
	s24 =	smov.u32 s11  }
0x10b: {  	s0 =	simm.s32 $0x0;
	v34 =	vperm.xlane v37, v1;
	v37 =	vld [tilespmem:s11+$0xFFFFFFF0];
	[tilespmem:s11+$0x70] =	vst v38  }
0x10c: {  	[tilespmem:s11+$0xFFFFFF90] =	vst v31;
	v31 =	vperm.xlane v35, v2;
	v38 =	vld [tilespmem:s11+$0x0]  }
0x10d: {  	[tilespmem:s11+$0xFFFFFFA0] =	vst v34;
	v32 =	vperm.xlane v32, v3;
	v34 =	vld [tilespmem:s11+$0x10]  }
0x10e: {  	[tilespmem:s11+$0xFFFFFFB0] =	vst v31;
	v31 =	vperm.xlane v33, v4;
	v39 =	vld [tilespmem:s11+$0x20]  }
.Ltmp2:
0x10f: {  	[tilespmem:s11+$0xFFFFFFC0] =	vst v32;
	v33 =	vperm.xlane v36, v5;
	v35 =	vld [tilespmem:s11+$0x30];
	(pc) =	sbr.rel @p1 .LBB2_7-.Ltmp2, $4  }
0x110: {  	[tilespmem:s11+$0xFFFFFFD0] =	vst v31;
	v31 =	vperm.xlane v37, v6;
	v32 =	vld [tilespmem:s11+$0x40]  }
0x111: {  	[tilespmem:s11+$0xFFFFFFE0] =	vst v33;
	v37 =	vperm.xlane v38, v7;
	v33 =	vld [tilespmem:s11+$0x50]  }
0x112: {  	[tilespmem:s11+$0xFFFFFFF0] =	vst v31;
	v36 =	vperm.xlane v34, v8;
	v31 =	vld [tilespmem:s11+$0x60]  }
0x113: {  	s11 =	sadd.s32 $0x100, s11;
	v34 =	vld [tilespmem:s24+$0xFFFFFF80];
	[tilespmem:s24+$0x0] =	vst v37;
	v37 =	vperm.xlane v39, v9  }
0x114: {  	s1 =	simm.s32 $0x0  }
0x115: {  	v38 =	vmov s1  }
0x116: {  	[tilespmem:s24+$0x10] =	vst v36;
	v35 =	vperm.xlane v35, v10;
	v42 =	vshll.u32 v38, $0x4  }
0x117: {  	[tilespmem:s24+$0x20] =	vst v37;
	v32 =	vperm.xlane v32, v14;
	v36 =	vor.u32 v16, v42  }
0x118: {  	[tilespmem:s24+$0x30] =	vst v35;
	v33 =	vperm.xlane v33, v15;
	v43 =	vor.u32 v30, v36  }
0x119: {  	[tilespmem:s24+$0x40] =	vst v32;
	v31 =	vperm.xlane v31, v11;
	v44 =	vor.u32 v29, v36  }
0x11a: {  	v34 =	vperm.xlane v34, v13;
	[tilespmem:s24+$0x50] =	vst v33;
	v45 =	vor.u32 v28, v36  }
0x11b: {  	v46 =	vor.u32 v26, v36;
	[tilespmem:s24+$0x60] =	vst v31  }
0x11c: {  	v47 =	vor.u32 v25, v36;
	[tilespmem:s24+$0xFFFFFF80] =	vst v34  }
0x11d: {  	v48 =	vor.u32 v24, v36;
	v35 =	vld.idx.msk [tilespmem:v43+s2+$0x0], $0xffff  }
0x11e: {  	v39 =	vor.u32 v7, v36;
	v32 =	vld.idx.msk [tilespmem:v44+s2+$0x0], $0xffff  }
0x11f: {  	v40 =	vor.u32 v23, v36;
	v33 =	vld.idx.msk [tilespmem:v45+s2+$0x0], $0xffff  }
0x120: {  	v41 =	vor.u32 v22, v36;
	v34 =	vld.idx.msk [tilespmem:v46+s2+$0x0], $0xffff  }
0x121: {  	s11 =	sand.u32 $0x7, s0;
	v42 =	vor.u32 v21, v36;
	v37 =	vld.idx.msk [tilespmem:v47+s2+$0x0], $0xffff  }
0x122: {  	s19 =	sor.u32 s0, s1;
	s11 =	sshll.u32 s11, $0x4;
	v31 =	vor.u32 v27, v36;
	v38 =	vld.idx.msk [tilespmem:v48+s2+$0x0], $0xffff  }
0x123: {  	s5 =	sand.u32 $0x1800, s0;
	s11 =	sadd.s32 $0x0, s11;
	s19 =	sor.u32 $0x780, s19;
	v50 =	vor.u32 v13, v36;
	v49 =	vld.idx.msk [tilespmem:v39+s2+$0x0], $0xffff  }
0x124: {  	s1 =	sand.u32 $0x70, s1;
	s11 =	sor.u32 $0x700, s11;
	s24 =	simm.s32 $0x10;
	v44 =	vor.u32 v17, v36;
	v51 =	vld.idx.msk [tilespmem:v40+s2+$0x0], $0xffff;
	[tilespmem:s19+$0xCA00] =	vst v35  }
0x125: {  	s29 =	sor.u32 s1, s5;
	v52 =	vmov s24;
	v45 =	vor.u32 v19, v36;
	v53 =	vld.idx.msk [tilespmem:v41+s2+$0x0], $0xffff;
	[tilespmem:s11+$0xCA00] =	vst v32  }
0x126: {  	v43 =	vor.u32 v20, v36;
	v40 =	vshll.u32 v52, $0x4;
	v36 =	vor.u32 v18, v36;
	v54 =	vld.idx.msk [tilespmem:v42+s2+$0x0], $0xffff;
	[tilespmem:s29+$0xD080] =	vst v33  }
0x127: {  	v31 =	vld.idx.msk [tilespmem:v31+s2+$0x0], $0xffff;
	v46 =	vor.u32 v16, v40;
	[tilespmem:s29+$0xCF80] =	vst v34  }
0x128: {  	v59 =	vld.idx.msk [tilespmem:v50+s2+$0x0], $0xffff;
	v55 =	vor.u32 v30, v46;
	[tilespmem:s29+$0xCF00] =	vst v37  }
0x129: {  	v56 =	vor.u32 v29, v46;
	v57 =	vld.idx.msk [tilespmem:v44+s2+$0x0], $0xffff;
	[tilespmem:s29+$0xCE80] =	vst v38  }
0x12a: {  	v58 =	vor.u32 v28, v46;
	v61 =	vld.idx.msk [tilespmem:v45+s2+$0x0], $0xffff;
	[tilespmem:s29+$0xCE00] =	vst v49  }
0x12b: {  	v60 =	vor.u32 v27, v46;
	v35 =	vld.idx.msk [tilespmem:v36+s2+$0x0], $0xffff;
	[tilespmem:s29+$0xCD80] =	vst v51  }
0x12c: {  	v62 =	vor.u32 v26, v46;
	[tilespmem:s29+$0xD000] =	vst v31;
	v31 =	vld.idx.msk [tilespmem:v43+s2+$0x0], $0xffff  }
0x12d: {  	v47 =	vor.u32 v25, v46;
	[tilespmem:s29+$0xCC80] =	vst v54;
	v48 =	vld.idx.msk [tilespmem:v55+s2+$0x0], $0xffff  }
0x12e: {  	v63 =	vor.u32 v7, v46;
	[tilespmem:s29+$0xCD00] =	vst v53;
	v50 =	vld.idx.msk [tilespmem:v56+s2+$0x0], $0xffff  }
0x12f: {  	s0 =	simm.s32 $0x1;
	v49 =	vor.u32 v24, v46;
	[tilespmem:s29+$0xCA00] =	vst v59;
	v39 =	vld.idx.msk [tilespmem:v58+s2+$0x0], $0xffff  }
0x130: {  	s28 =	simm.s32 $0x100;
	s11 =	sand.u32 $0x7, s0;
	v44 =	vor.u32 v23, v46;
	v36 =	vld.idx.msk [tilespmem:v60+s2+$0x0], $0xffff;
	[tilespmem:s29+$0xCB80] =	vst v61  }
0x131: {  	v42 =	vor.u32 v22, v46;
	s19 =	sor.u32 s28, s24;
	s1 =	sshll.u32 s11, $0x4;
	v37 =	vld.idx.msk [tilespmem:v62+s2+$0x0], $0xffff;
	[tilespmem:s29+$0xCA80] =	vst v57  }
0x132: {  	v33 =	vor.u32 v13, v46;
	s11 =	sor.u32 $0x780, s19;
	v43 =	vor.u32 v21, v46;
	v38 =	vld.idx.msk [tilespmem:v47+s2+$0x0], $0xffff;
	s1 =	sadd.s32 $0x100, s1;
	[tilespmem:s29+$0xCC00] =	vst v31  }
0x133: {  	s3 =	sand.u32 $0x1800, s28;
	v34 =	vor.u32 v17, v46;
	v45 =	vor.u32 v20, v46;
	s19 =	sand.u32 $0x70, s24;
	v41 =	vld.idx.msk [tilespmem:v63+s2+$0x0], $0xffff;
	s5 =	sor.u32 $0x700, s1;
	[tilespmem:s11+$0xCA00] =	vst v48  }
0x134: {  	v32 =	vor.u32 v18, v46;
	s1 =	sor.u32 s19, s3;
	v40 =	vld.idx.msk [tilespmem:v49+s2+$0x0], $0xffff;
	v31 =	vor.u32 v19, v46;
	[tilespmem:s5+$0xCA00] =	vst v50  }
.LBB2_9:
0x135: {  	s24 =	sadd.s32 $0x10, s24;
	v44 =	vld.idx.msk [tilespmem:v44+s2+$0x0], $0xffff;
	[tilespmem:s1+$0xD080] =	vst v39;
	s28 =	sadd.s32 $0x100, s28;
	s0 =	sadd.s32 $0x1, s0  }
0x136: {  	s11 =	sand.u32 $0x70, s24;
	v39 =	vmov s24;
	s19 =	sor.u32 s28, s24;
	p1 =	slt.u32 s24, $0x1F0;
	v42 =	vld.idx.msk [tilespmem:v42+s2+$0x0], $0xffff;
	[tilespmem:s29+$0xCB00] =	vst v35  }
0x137: {  	s29 =	smov.u32 s1;
	v35 =	vshll.u32 v39, $0x4;
	v39 =	vld.idx.msk [tilespmem:v43+s2+$0x0], $0xffff;
	[tilespmem:s1+$0xD000] =	vst v36  }
0x138: {  	v46 =	vor.u32 v16, v35;
	v36 =	vld.idx.msk [tilespmem:v45+s2+$0x0], $0xffff;
	[tilespmem:s29+$0xCF80] =	vst v37  }
0x139: {  	v35 =	vor.u32 v13, v46;
	v37 =	vor.u32 v19, v46;
	v43 =	vor.u32 v30, v46;
	[tilespmem:s29+$0xCF00] =	vst v38  }
0x13a: {  	v38 =	vor.u32 v18, v46;
	v45 =	vor.u32 v29, v46;
	v47 =	vld.idx.msk [tilespmem:v34+s2+$0x0], $0xffff;
	v34 =	vor.u32 v17, v46  }
0x13b: {  	v48 =	vor.u32 v28, v46;
	v49 =	vld.idx.msk [tilespmem:v33+s2+$0x0], $0xffff;
	[tilespmem:s29+$0xCE80] =	vst v40;
	v33 =	vmov v35  }
0x13c: {  	v40 =	vor.u32 v27, v46;
	v50 =	vld.idx.msk [tilespmem:v31+s2+$0x0], $0xffff;
	[tilespmem:s29+$0xCE00] =	vst v41;
	v31 =	vmov v37  }
0x13d: {  	v37 =	vor.u32 v26, v46;
	v35 =	vld.idx.msk [tilespmem:v32+s2+$0x0], $0xffff;
	[tilespmem:s29+$0xCD80] =	vst v44;
	v32 =	vmov v38  }
0x13e: {  	v38 =	vor.u32 v25, v46;
	v41 =	vld.idx.msk [tilespmem:v43+s2+$0x0], $0xffff;
	[tilespmem:s29+$0xCC00] =	vst v36  }
0x13f: {  	v51 =	vor.u32 v24, v46;
	v52 =	vld.idx.msk [tilespmem:v45+s2+$0x0], $0xffff;
	[tilespmem:s29+$0xCC80] =	vst v39  }
0x140: {  	v53 =	vor.u32 v7, v46;
	v39 =	vld.idx.msk [tilespmem:v48+s2+$0x0], $0xffff;
	[tilespmem:s29+$0xCD00] =	vst v42  }
.Ltmp3:
0x141: {  	s1 =	sand.u32 $0x7, s0;
	v44 =	vor.u32 v23, v46;
	v36 =	vld.idx.msk [tilespmem:v40+s2+$0x0], $0xffff;
	[tilespmem:s29+$0xCA00] =	vst v49;
	(pc) =	sbr.rel @p1 .LBB2_9-.Ltmp3, $4  }
0x142: {  	s1 =	sshll.u32 s1, $0x4;
	v42 =	vor.u32 v22, v46;
	v37 =	vld.idx.msk [tilespmem:v37+s2+$0x0], $0xffff;
	[tilespmem:s29+$0xCB80] =	vst v50  }
0x143: {  	s3 =	sor.u32 $0x780, s19;
	s1 =	sadd.s32 s1, s28;
	v43 =	vor.u32 v21, v46;
	v38 =	vld.idx.msk [tilespmem:v38+s2+$0x0], $0xffff;
	[tilespmem:s29+$0xCA80] =	vst v47  }
0x144: {  	s5 =	sand.u32 $0x1800, s28;
	s19 =	sor.u32 $0x700, s1;
	v45 =	vor.u32 v20, v46;
	v40 =	vld.idx.msk [tilespmem:v51+s2+$0x0], $0xffff;
	[tilespmem:s3+$0xCA00] =	vst v41  }
0x145: {  	s1 =	sor.u32 s11, s5;
	v41 =	vld.idx.msk [tilespmem:v53+s2+$0x0], $0xffff;
	[tilespmem:s19+$0xCA00] =	vst v52  }
0x146: {  	_ =	sdelay $0x1  }
0x147: {  	[tilespmem:s1+$0xD080] =	vst v39  }
0x148: {  	[tilespmem:s29+$0xCB00] =	vst v35  }
0x149: {  	v47 =	vld.idx.msk [tilespmem:v44+s2+$0x0], $0xffff;
	[tilespmem:s1+$0xD000] =	vst v36  }
0x14a: {  	v48 =	vld.idx.msk [tilespmem:v45+s2+$0x0], $0xffff;
	[tilespmem:s1+$0xCF80] =	vst v37  }
0x14b: {  	[tilespmem:s1+$0xCF00] =	vst v38  }
0x14c: {  	[tilespmem:s1+$0xCE80] =	vst v40  }
0x14d: {  	v49 =	vld.idx.msk [tilespmem:v43+s2+$0x0], $0xffff;
	[tilespmem:s1+$0xCE00] =	vst v41  }
0x14e: {  	v50 =	vld.idx.msk [tilespmem:v42+s2+$0x0], $0xffff;
	[tilespmem:s1+$0xCD80] =	vst v47  }
0x14f: {  	v33 =	vld.idx.msk [tilespmem:v33+s2+$0x0], $0xffff;
	[tilespmem:s1+$0xCC00] =	vst v48  }
0x150: {  	v31 =	vld.idx.msk [tilespmem:v31+s2+$0x0], $0xffff;
	s0 =	rddreg [dreg:$0x4]  }
0x151: {  	v34 =	vld.idx.msk [tilespmem:v34+s2+$0x0], $0xffff;
	s0 =	sadd.s32 s0, s9  }
0x152: {  	v32 =	vld.idx.msk [tilespmem:v32+s2+$0x0], $0xffff;
	s5 =	sshll.u32 s9, $0x2;
	[tilespmem:s1+$0xCC80] =	vst v49;
	s3 =	sshrl.u32 s0, $0x5  }
0x153: {  	s5 =	sand.u32 $0x4, s5;
	[tilespmem:s1+$0xCD00] =	vst v50;
	s3 =	sand.u32 $0x3FF8, s3  }
0x154: {  	[tilespmem:s1+$0xCA00] =	vst v33;
	s0 =	sshll.u32 s0, $0x6;
	s3 =	sor.u32 s5, s3  }
0x155: {  	[tilespmem:s1+$0xCB80] =	vst v31;
	s0 =	sand.u32 $0x3F80, s0;
	s3 =	sshll.u32 s3, $0xF  }
0x156: {  	s11 =	rddreg [dreg:$0x2];
	[tilespmem:s1+$0xCA80] =	vst v34;
	s0 =	sor.u32 s0, s3  }
0x157: {  	s19 =	simm.s32 $0xCA00;
	[tilespmem:s1+$0xCB00] =	vst v32;
	s1 =	sadd.s32 s11, s0  }
0x158: {  	[hbm4b:s1+s4] =	stream.linear.scatter [tilespmem:s19], [sflag:$0xC], $0x400, $0x38;
	[tilespmem:$0x14A00] =	vst v63  }
0x159: {  	s28 =	simm.s32 $0xCE00;
	s24 =	sadd.s32 s0, s12  }
0x15a: {  	[hbm4b:s24+s4] =	stream.linear.scatter [tilespmem:s28], [sflag:$0xC], $0x400, $0x38;
	[tilespmem:$0x14A00] =	vst v63  }
0x15b: {  	s9 =	simm.s32 $0xD200;
	s5 =	sadd.s32 s0, s13  }
0x15c: {  	[hbm4b:s5+s4] =	stream.linear.scatter [tilespmem:s9], [sflag:$0xC], $0x400, $0x38;
	[tilespmem:$0x14A00] =	vst v63  }
0x15d: {  	s11 =	sadd.s32 s0, s14;
	s19 =	simm.s32 $0xD600  }
0x15e: {  	[hbm4b:s11+s4] =	stream.linear.scatter [tilespmem:s19], [sflag:$0xC], $0x400, $0x38;
	[tilespmem:$0x14A00] =	vst v63  }
0x15f: {  	s24 =	sadd.s32 s0, s15;
	s28 =	simm.s32 $0xDA00  }
0x160: {  	[hbm4b:s24+s4] =	stream.linear.scatter [tilespmem:s28], [sflag:$0xC], $0x400, $0x38;
	[tilespmem:$0x14A00] =	vst v63  }
0x161: {  	s5 =	sadd.s32 s0, s16;
	s9 =	simm.s32 $0xDE00  }
0x162: {  	[hbm4b:s5+s4] =	stream.linear.scatter [tilespmem:s9], [sflag:$0xC], $0x400, $0x38;
	[tilespmem:$0x14A00] =	vst v63  }
0x163: {  	s11 =	sadd.s32 s0, s17;
	s19 =	simm.s32 $0xE200  }
0x164: {  	[hbm4b:s11+s4] =	stream.linear.scatter [tilespmem:s19], [sflag:$0xC], $0x400, $0x38;
	[tilespmem:$0x14A00] =	vst v63  }
0x165: {  	s0 =	sadd.s32 s0, s18;
	s24 =	simm.s32 $0xE600  }
0x166: {  	[hbm4b:s0+s4] =	stream.linear.scatter [tilespmem:s24], [sflag:$0xC], $0x400, $0x38;
	[tilespmem:$0x14A00] =	vst v63  }
0x167: {  	s0 =	rddreg [dreg:$0xb]  }
0x168: {  	s0 =	sadd.s32 @!p0 s26, s0  }
0x169: {  	s0 =	sshll.u32 @!p0 s0, $0x6  }
0x16a: {  	s0 =	sand.u32 @!p0 $0x1FFFFFC0, s0  }
0x16b: {  	s3 =	simm.s32 @!p0 $0x200;
	s1 =	simm.s32 @!p0 $0x0;
	s0 =	sadd.s32 @!p0 s21, s0  }
0x16c: {  	[tilespmem:s3], [sflag:$0x2] =	stream.linear.gather @!p0 [hbm4b:s0+s1], $0x200, $0x38;
	[tilespmem:$0x14A00] =	vst v63  }
0x16d: {  	s0 =	simm.s32 @!p0 $0xB  }
0x16e: {  	_ =	swait.ge @!p0 [sflag:s0], $0x400  }
0x16f: {  	[sflag:s0] =	ssyncset.done @!p0 $0x0  }
0x170: {  	[sflag:s0] =	ssyncadd.s32 @!p0 $0xFFFFFC00  }
0x171: {  	_ =	swait.ge @!p0 [sflag:s0], $0x400  }
0x172: {  	[sflag:s0] =	ssyncset.done @!p0 $0x0  }
0x173: {  	[sflag:s0] =	ssyncadd.s32 @!p0 $0xFFFFFC00  }
0x174: {  	_ =	swait.ge @!p0 [sflag:s0], $0x400  }
0x175: {  	[sflag:s0] =	ssyncset.done @!p0 $0x0  }
0x176: {  	[sflag:s0] =	ssyncadd.s32 @!p0 $0xFFFFFC00  }
0x177: {  	_ =	swait.ge @!p0 [sflag:s0], $0x400  }
0x178: {  	[sflag:s0] =	ssyncset.done @!p0 $0x0  }
0x179: {  	[sflag:s0] =	ssyncadd.s32 @!p0 $0xFFFFFC00  }
0x17a: {  	_ =	swait.ge @!p0 [sflag:s0], $0x400  }
0x17b: {  	[sflag:s0] =	ssyncset.done @!p0 $0x0  }
0x17c: {  	[sflag:s0] =	ssyncadd.s32 @!p0 $0xFFFFFC00  }
0x17d: {  	_ =	swait.ge @!p0 [sflag:s0], $0x400  }
0x17e: {  	[sflag:s0] =	ssyncset.done @!p0 $0x0  }
0x17f: {  	[sflag:s0] =	ssyncadd.s32 @!p0 $0xFFFFFC00  }
0x180: {  	_ =	swait.ge @!p0 [sflag:s0], $0x400  }
0x181: {  	[sflag:s0] =	ssyncset.done @!p0 $0x0  }
0x182: {  	[sflag:s0] =	ssyncadd.s32 @!p0 $0xFFFFFC00  }
0x183: {  	_ =	swait.ge @!p0 [sflag:s0], $0x400  }
0x184: {  	[sflag:s0] =	ssyncset.done @!p0 $0x0  }
0x185: {  	[sflag:s0] =	ssyncadd.s32 @!p0 $0xFFFFFC00;
	s0 =	simm.s32 @!p0 $0x1  }
0x186: {  	_ =	swait.ge @!p0 [sflag:s0], $0x200  }
0x187: {  	[sflag:s0] =	ssyncset.done @!p0 $0x0  }
0x188: {  	s28 =	simm.s32 $0x8;
	[sflag:s0] =	ssyncadd.s32 @!p0 $0xFFFFFE00;
	s0 =	simm.s32 @!p0 $0xA00  }
0x189: {  	[tilespmem:s0], [sflag:$0x6] =	stream.indirect.gather @!p0 [hbm4b:s7+s3], $0x10, s1, s3, $0xb8;
	[tilespmem:$0x14A00] =	vst v63  }
0x18a: {  	_ =	swait.ge [sflag:s28], $0x2000  }
0x18b: {  	[sflag:s28] =	ssyncset.done $0x0  }
0x18c: {  	s9 =	simm.s32 $0x4A80;
	[sflag:s28] =	ssyncadd.s32 $0xFFFFE000  }
0x18d: {  	v31 =	vld [tilespmem:s9+$0x70]  }
0x18e: {  	v51 =	vld [tilespmem:s9+$0xFFFFFF90]  }
0x18f: {  	v52 =	vld [tilespmem:s9+$0xFFFFFFA0]  }
0x190: {  	v53 =	vld [tilespmem:s9+$0xFFFFFFB0]  }
0x191: {  	v54 =	vld [tilespmem:s9+$0xFFFFFFC0]  }
0x192: {  	v55 =	vld [tilespmem:s9+$0xFFFFFFD0];
	v31 =	vperm.xlane v31, v12  }
0x193: {  	v56 =	vld [tilespmem:s9+$0xFFFFFFE0];
	v32 =	vperm.xlane v51, v0  }
0x194: {  	v57 =	vld [tilespmem:s9+$0xFFFFFFF0];
	v33 =	vperm.xlane v52, v1;
	[tilespmem:s9+$0x70] =	vst v31  }
0x195: {  	v58 =	vld [tilespmem:s9+$0x0];
	[tilespmem:s9+$0xFFFFFF90] =	vst v32;
	v31 =	vperm.xlane v53, v2  }
0x196: {  	v60 =	vld [tilespmem:s9+$0x10];
	v59 =	vperm.xlane v54, v3;
	[tilespmem:s9+$0xFFFFFFA0] =	vst v33  }
0x197: {  	v61 =	vld [tilespmem:s9+$0x20];
	[tilespmem:s9+$0xFFFFFFB0] =	vst v31;
	v31 =	vperm.xlane v55, v4  }
0x198: {  	v35 =	vld [tilespmem:s9+$0x30];
	v62 =	vperm.xlane v56, v5;
	[tilespmem:s9+$0xFFFFFFC0] =	vst v59  }
0x199: {  	v33 =	vld [tilespmem:s9+$0x40];
	[tilespmem:s9+$0xFFFFFFD0] =	vst v31;
	v31 =	vperm.xlane v57, v6  }
0x19a: {  	v34 =	vld [tilespmem:s9+$0x50];
	v63 =	vperm.xlane v58, v7;
	[tilespmem:s9+$0xFFFFFFE0] =	vst v62  }
0x19b: {  	v36 =	vperm.xlane v60, v8;
	[tilespmem:s9+$0xFFFFFFF0] =	vst v31;
	v31 =	vld [tilespmem:s9+$0x60]  }
0x19c: {  	s29 =	smov.u32 s21;
	s11 =	simm.s32 $0x4B80;
	s24 =	simm.s32 $0x0;
	v37 =	vperm.xlane v61, v9;
	v32 =	vld [tilespmem:s9+$0xFFFFFF80];
	[tilespmem:s9+$0x0] =	vst v63  }
.LBB2_11:
0x19d: {  	v38 =	vld [tilespmem:s11+$0x70];
	s24 =	sadd.s32 $0x10, s24;
	[tilespmem:s9+$0x10] =	vst v36;
	v35 =	vperm.xlane v35, v10  }
0x19e: {  	v36 =	vld [tilespmem:s11+$0xFFFFFF90];
	p1 =	slt.u32 s24, $0x1F0;
	[tilespmem:s9+$0x20] =	vst v37;
	v33 =	vperm.xlane v33, v14  }
0x19f: {  	v37 =	vld [tilespmem:s11+$0xFFFFFFA0];
	[tilespmem:s9+$0x30] =	vst v35;
	v34 =	vperm.xlane v34, v15  }
0x1a0: {  	v35 =	vld [tilespmem:s11+$0xFFFFFFB0];
	[tilespmem:s9+$0x40] =	vst v33;
	v31 =	vperm.xlane v31, v11  }
0x1a1: {  	v33 =	vld [tilespmem:s11+$0xFFFFFFC0];
	v32 =	vperm.xlane v32, v13;
	[tilespmem:s9+$0x50] =	vst v34  }
0x1a2: {  	v34 =	vld [tilespmem:s11+$0xFFFFFFD0];
	v38 =	vperm.xlane v38, v12;
	[tilespmem:s9+$0x60] =	vst v31  }
0x1a3: {  	v31 =	vperm.xlane v36, v0;
	v36 =	vld [tilespmem:s11+$0xFFFFFFE0];
	[tilespmem:s9+$0xFFFFFF80] =	vst v32;
	s9 =	smov.u32 s11  }
0x1a4: {  	s0 =	simm.s32 $0x0;
	v32 =	vperm.xlane v37, v1;
	v37 =	vld [tilespmem:s11+$0xFFFFFFF0];
	[tilespmem:s11+$0x70] =	vst v38  }
0x1a5: {  	[tilespmem:s11+$0xFFFFFF90] =	vst v31;
	v31 =	vperm.xlane v35, v2;
	v38 =	vld [tilespmem:s11+$0x0]  }
0x1a6: {  	[tilespmem:s11+$0xFFFFFFA0] =	vst v32;
	v32 =	vperm.xlane v33, v3;
	v39 =	vld [tilespmem:s11+$0x10]  }
0x1a7: {  	[tilespmem:s11+$0xFFFFFFB0] =	vst v31;
	v31 =	vperm.xlane v34, v4;
	v40 =	vld [tilespmem:s11+$0x20]  }
.Ltmp4:
0x1a8: {  	[tilespmem:s11+$0xFFFFFFC0] =	vst v32;
	v32 =	vperm.xlane v36, v5;
	v35 =	vld [tilespmem:s11+$0x30];
	(pc) =	sbr.rel @p1 .LBB2_11-.Ltmp4, $4  }
0x1a9: {  	[tilespmem:s11+$0xFFFFFFD0] =	vst v31;
	v31 =	vperm.xlane v37, v6;
	v33 =	vld [tilespmem:s11+$0x40]  }
0x1aa: {  	[tilespmem:s11+$0xFFFFFFE0] =	vst v32;
	v37 =	vperm.xlane v38, v7;
	v34 =	vld [tilespmem:s11+$0x50]  }
0x1ab: {  	[tilespmem:s11+$0xFFFFFFF0] =	vst v31;
	v36 =	vperm.xlane v39, v8;
	v31 =	vld [tilespmem:s11+$0x60]  }
0x1ac: {  	s11 =	sadd.s32 $0x100, s11;
	v32 =	vld [tilespmem:s9+$0xFFFFFF80];
	[tilespmem:s9+$0x0] =	vst v37;
	v37 =	vperm.xlane v40, v9  }
0x1ad: {  	s1 =	simm.s32 $0x0  }
0x1ae: {  	v38 =	vmov s1  }
0x1af: {  	[tilespmem:s9+$0x10] =	vst v36;
	v35 =	vperm.xlane v35, v10;
	v42 =	vshll.u32 v38, $0x4  }
0x1b0: {  	[tilespmem:s9+$0x20] =	vst v37;
	v33 =	vperm.xlane v33, v14;
	v36 =	vor.u32 v16, v42  }
0x1b1: {  	[tilespmem:s9+$0x30] =	vst v35;
	v34 =	vperm.xlane v34, v15;
	v43 =	vor.u32 v30, v36  }
0x1b2: {  	[tilespmem:s9+$0x40] =	vst v33;
	v31 =	vperm.xlane v31, v11;
	v44 =	vor.u32 v29, v36  }
0x1b3: {  	v32 =	vperm.xlane v32, v13;
	[tilespmem:s9+$0x50] =	vst v34;
	v45 =	vor.u32 v28, v36  }
0x1b4: {  	v46 =	vor.u32 v26, v36;
	[tilespmem:s9+$0x60] =	vst v31  }
0x1b5: {  	v47 =	vor.u32 v25, v36;
	[tilespmem:s9+$0xFFFFFF80] =	vst v32  }
0x1b6: {  	v48 =	vor.u32 v24, v36;
	v35 =	vld.idx.msk [tilespmem:v43+s8+$0x0], $0xffff  }
0x1b7: {  	v39 =	vor.u32 v7, v36;
	v33 =	vld.idx.msk [tilespmem:v44+s8+$0x0], $0xffff  }
0x1b8: {  	v40 =	vor.u32 v23, v36;
	v34 =	vld.idx.msk [tilespmem:v45+s8+$0x0], $0xffff  }
0x1b9: {  	v41 =	vor.u32 v22, v36;
	v32 =	vld.idx.msk [tilespmem:v46+s8+$0x0], $0xffff  }
0x1ba: {  	s3 =	sand.u32 $0x7, s0;
	v42 =	vor.u32 v21, v36;
	v37 =	vld.idx.msk [tilespmem:v47+s8+$0x0], $0xffff  }
0x1bb: {  	s5 =	sor.u32 s0, s1;
	s3 =	sshll.u32 s3, $0x4;
	v31 =	vor.u32 v27, v36;
	v38 =	vld.idx.msk [tilespmem:v48+s8+$0x0], $0xffff  }
0x1bc: {  	s24 =	sand.u32 $0x1800, s0;
	s3 =	sadd.s32 $0x0, s3;
	s5 =	sor.u32 $0x780, s5;
	v50 =	vor.u32 v13, v36;
	v49 =	vld.idx.msk [tilespmem:v39+s8+$0x0], $0xffff  }
0x1bd: {  	s1 =	sand.u32 $0x70, s1;
	s3 =	sor.u32 $0x700, s3;
	s9 =	simm.s32 $0x10;
	v44 =	vor.u32 v17, v36;
	v51 =	vld.idx.msk [tilespmem:v40+s8+$0x0], $0xffff;
	[tilespmem:s5+$0xEA00] =	vst v35  }
0x1be: {  	s24 =	sor.u32 s1, s24;
	v52 =	vmov s9;
	v45 =	vor.u32 v19, v36;
	v53 =	vld.idx.msk [tilespmem:v41+s8+$0x0], $0xffff;
	[tilespmem:s3+$0xEA00] =	vst v33  }
0x1bf: {  	v43 =	vor.u32 v20, v36;
	v40 =	vshll.u32 v52, $0x4;
	v36 =	vor.u32 v18, v36;
	v54 =	vld.idx.msk [tilespmem:v42+s8+$0x0], $0xffff;
	[tilespmem:s24+$0xF080] =	vst v34  }
0x1c0: {  	v31 =	vld.idx.msk [tilespmem:v31+s8+$0x0], $0xffff;
	v46 =	vor.u32 v16, v40;
	[tilespmem:s24+$0xEF80] =	vst v32  }
0x1c1: {  	v59 =	vld.idx.msk [tilespmem:v50+s8+$0x0], $0xffff;
	v55 =	vor.u32 v30, v46;
	[tilespmem:s24+$0xEF00] =	vst v37  }
0x1c2: {  	v56 =	vor.u32 v29, v46;
	v57 =	vld.idx.msk [tilespmem:v44+s8+$0x0], $0xffff;
	[tilespmem:s24+$0xEE80] =	vst v38  }
0x1c3: {  	v58 =	vor.u32 v28, v46;
	v61 =	vld.idx.msk [tilespmem:v45+s8+$0x0], $0xffff;
	[tilespmem:s24+$0xEE00] =	vst v49  }
0x1c4: {  	v60 =	vor.u32 v27, v46;
	v35 =	vld.idx.msk [tilespmem:v36+s8+$0x0], $0xffff;
	[tilespmem:s24+$0xED80] =	vst v51  }
0x1c5: {  	v62 =	vor.u32 v26, v46;
	[tilespmem:s24+$0xF000] =	vst v31;
	v31 =	vld.idx.msk [tilespmem:v43+s8+$0x0], $0xffff  }
0x1c6: {  	v47 =	vor.u32 v25, v46;
	[tilespmem:s24+$0xEC80] =	vst v54;
	v48 =	vld.idx.msk [tilespmem:v55+s8+$0x0], $0xffff  }
0x1c7: {  	v63 =	vor.u32 v7, v46;
	[tilespmem:s24+$0xED00] =	vst v53;
	v50 =	vld.idx.msk [tilespmem:v56+s8+$0x0], $0xffff  }
0x1c8: {  	s0 =	simm.s32 $0x1;
	v49 =	vor.u32 v24, v46;
	[tilespmem:s24+$0xEA00] =	vst v59;
	v39 =	vld.idx.msk [tilespmem:v58+s8+$0x0], $0xffff  }
0x1c9: {  	s28 =	simm.s32 $0x100;
	s11 =	sand.u32 $0x7, s0;
	v44 =	vor.u32 v23, v46;
	v36 =	vld.idx.msk [tilespmem:v60+s8+$0x0], $0xffff;
	[tilespmem:s24+$0xEB80] =	vst v61  }
0x1ca: {  	s1 =	sshll.u32 s11, $0x4;
	s19 =	sor.u32 s28, s9;
	v42 =	vor.u32 v22, v46;
	v37 =	vld.idx.msk [tilespmem:v62+s8+$0x0], $0xffff;
	[tilespmem:s24+$0xEA80] =	vst v57  }
0x1cb: {  	s1 =	sadd.s32 $0x100, s1;
	v33 =	vor.u32 v13, v46;
	s3 =	sor.u32 $0x780, s19;
	v43 =	vor.u32 v21, v46;
	v38 =	vld.idx.msk [tilespmem:v47+s8+$0x0], $0xffff;
	[tilespmem:s24+$0xEC00] =	vst v31  }
0x1cc: {  	s11 =	sand.u32 $0x1800, s28;
	v34 =	vor.u32 v17, v46;
	s5 =	sand.u32 $0x70, s9;
	s19 =	sor.u32 $0x700, s1;
	v45 =	vor.u32 v20, v46;
	v41 =	vld.idx.msk [tilespmem:v63+s8+$0x0], $0xffff;
	[tilespmem:s3+$0xEA00] =	vst v48  }
0x1cd: {  	v32 =	vor.u32 v18, v46;
	s1 =	sor.u32 s5, s11;
	v40 =	vld.idx.msk [tilespmem:v49+s8+$0x0], $0xffff;
	v31 =	vor.u32 v19, v46;
	[tilespmem:s19+$0xEA00] =	vst v50  }
.LBB2_13:
0x1ce: {  	s9 =	sadd.s32 $0x10, s9;
	v44 =	vld.idx.msk [tilespmem:v44+s8+$0x0], $0xffff;
	[tilespmem:s1+$0xF080] =	vst v39;
	s28 =	sadd.s32 $0x100, s28;
	s0 =	sadd.s32 $0x1, s0  }
0x1cf: {  	s11 =	sand.u32 $0x70, s9;
	v39 =	vmov s9;
	s19 =	sor.u32 s28, s9;
	p1 =	slt.u32 s9, $0x1F0;
	v42 =	vld.idx.msk [tilespmem:v42+s8+$0x0], $0xffff;
	[tilespmem:s24+$0xEB00] =	vst v35  }
0x1d0: {  	s24 =	smov.u32 s1;
	v35 =	vshll.u32 v39, $0x4;
	v39 =	vld.idx.msk [tilespmem:v43+s8+$0x0], $0xffff;
	[tilespmem:s1+$0xF000] =	vst v36  }
0x1d1: {  	v46 =	vor.u32 v16, v35;
	v36 =	vld.idx.msk [tilespmem:v45+s8+$0x0], $0xffff;
	[tilespmem:s24+$0xEF80] =	vst v37  }
0x1d2: {  	v35 =	vor.u32 v13, v46;
	v37 =	vor.u32 v19, v46;
	v43 =	vor.u32 v30, v46;
	[tilespmem:s24+$0xEF00] =	vst v38  }
0x1d3: {  	v38 =	vor.u32 v18, v46;
	v45 =	vor.u32 v29, v46;
	v47 =	vld.idx.msk [tilespmem:v34+s8+$0x0], $0xffff;
	v34 =	vor.u32 v17, v46  }
0x1d4: {  	v48 =	vor.u32 v28, v46;
	v49 =	vld.idx.msk [tilespmem:v33+s8+$0x0], $0xffff;
	[tilespmem:s24+$0xEE80] =	vst v40;
	v33 =	vmov v35  }
0x1d5: {  	v40 =	vor.u32 v27, v46;
	v50 =	vld.idx.msk [tilespmem:v31+s8+$0x0], $0xffff;
	[tilespmem:s24+$0xEE00] =	vst v41;
	v31 =	vmov v37  }
0x1d6: {  	v37 =	vor.u32 v26, v46;
	v35 =	vld.idx.msk [tilespmem:v32+s8+$0x0], $0xffff;
	[tilespmem:s24+$0xED80] =	vst v44;
	v32 =	vmov v38  }
0x1d7: {  	v38 =	vor.u32 v25, v46;
	v41 =	vld.idx.msk [tilespmem:v43+s8+$0x0], $0xffff;
	[tilespmem:s24+$0xEC00] =	vst v36  }
0x1d8: {  	v51 =	vor.u32 v24, v46;
	v52 =	vld.idx.msk [tilespmem:v45+s8+$0x0], $0xffff;
	[tilespmem:s24+$0xEC80] =	vst v39  }
0x1d9: {  	v53 =	vor.u32 v7, v46;
	v39 =	vld.idx.msk [tilespmem:v48+s8+$0x0], $0xffff;
	[tilespmem:s24+$0xED00] =	vst v42  }
.Ltmp5:
0x1da: {  	s1 =	sand.u32 $0x7, s0;
	v44 =	vor.u32 v23, v46;
	v36 =	vld.idx.msk [tilespmem:v40+s8+$0x0], $0xffff;
	[tilespmem:s24+$0xEA00] =	vst v49;
	(pc) =	sbr.rel @p1 .LBB2_13-.Ltmp5, $4  }
0x1db: {  	s1 =	sshll.u32 s1, $0x4;
	v42 =	vor.u32 v22, v46;
	v37 =	vld.idx.msk [tilespmem:v37+s8+$0x0], $0xffff;
	[tilespmem:s24+$0xEB80] =	vst v50  }
0x1dc: {  	s3 =	sor.u32 $0x780, s19;
	s1 =	sadd.s32 s1, s28;
	v43 =	vor.u32 v21, v46;
	v38 =	vld.idx.msk [tilespmem:v38+s8+$0x0], $0xffff;
	[tilespmem:s24+$0xEA80] =	vst v47  }
0x1dd: {  	s5 =	sand.u32 $0x1800, s28;
	s19 =	sor.u32 $0x700, s1;
	v45 =	vor.u32 v20, v46;
	v40 =	vld.idx.msk [tilespmem:v51+s8+$0x0], $0xffff;
	[tilespmem:s3+$0xEA00] =	vst v41  }
0x1de: {  	s1 =	sor.u32 s11, s5;
	v41 =	vld.idx.msk [tilespmem:v53+s8+$0x0], $0xffff;
	[tilespmem:s19+$0xEA00] =	vst v52  }
0x1df: {  	_ =	sdelay $0x1  }
0x1e0: {  	[tilespmem:s1+$0xF080] =	vst v39  }
0x1e1: {  	[tilespmem:s24+$0xEB00] =	vst v35  }
0x1e2: {  	v47 =	vld.idx.msk [tilespmem:v44+s8+$0x0], $0xffff;
	[tilespmem:s1+$0xF000] =	vst v36  }
0x1e3: {  	v48 =	vld.idx.msk [tilespmem:v45+s8+$0x0], $0xffff;
	[tilespmem:s1+$0xEF80] =	vst v37  }
0x1e4: {  	[tilespmem:s1+$0xEF00] =	vst v38  }
0x1e5: {  	[tilespmem:s1+$0xEE80] =	vst v40  }
0x1e6: {  	v49 =	vld.idx.msk [tilespmem:v43+s8+$0x0], $0xffff;
	[tilespmem:s1+$0xEE00] =	vst v41  }
0x1e7: {  	v50 =	vld.idx.msk [tilespmem:v42+s8+$0x0], $0xffff;
	[tilespmem:s1+$0xED80] =	vst v47  }
0x1e8: {  	v33 =	vld.idx.msk [tilespmem:v33+s8+$0x0], $0xffff;
	[tilespmem:s1+$0xEC00] =	vst v48  }
0x1e9: {  	v31 =	vld.idx.msk [tilespmem:v31+s8+$0x0], $0xffff;
	s0 =	rddreg [dreg:$0xc]  }
0x1ea: {  	v34 =	vld.idx.msk [tilespmem:v34+s8+$0x0], $0xffff;
	s0 =	sadd.s32 s26, s0  }
0x1eb: {  	v32 =	vld.idx.msk [tilespmem:v32+s8+$0x0], $0xffff;
	[tilespmem:s1+$0xEC80] =	vst v49;
	s3 =	sshrl.u32 s0, $0x5  }
0x1ec: {  	[tilespmem:s1+$0xED00] =	vst v50;
	s3 =	sand.u32 $0x3FF8, s3  }
0x1ed: {  	[tilespmem:s1+$0xEA00] =	vst v33;
	s0 =	sshll.u32 s0, $0x6;
	s3 =	sor.u32 s23, s3  }
0x1ee: {  	[tilespmem:s1+$0xEB80] =	vst v31;
	s0 =	sand.u32 $0x3F80, s0;
	s3 =	sshll.u32 s3, $0xF  }
0x1ef: {  	s24 =	rddreg [dreg:$0x2];
	[tilespmem:s1+$0xEA80] =	vst v34;
	s0 =	sor.u32 s0, s3  }
0x1f0: {  	s28 =	simm.s32 $0xEA00;
	[tilespmem:s1+$0xEB00] =	vst v32;
	s1 =	sadd.s32 s24, s0  }
0x1f1: {  	[hbm4b:s1+s4] =	stream.linear.scatter [tilespmem:s28], [sflag:$0xD], $0x400, $0x38;
	[tilespmem:$0x14A00] =	vst v63  }
0x1f2: {  	s9 =	simm.s32 $0xEE00;
	s5 =	sadd.s32 s0, s12  }
0x1f3: {  	[hbm4b:s5+s4] =	stream.linear.scatter [tilespmem:s9], [sflag:$0xD], $0x400, $0x38;
	[tilespmem:$0x14A00] =	vst v63  }
0x1f4: {  	s19 =	simm.s32 $0xF200;
	s11 =	sadd.s32 s0, s13  }
0x1f5: {  	[hbm4b:s11+s4] =	stream.linear.scatter [tilespmem:s19], [sflag:$0xD], $0x400, $0x38;
	[tilespmem:$0x14A00] =	vst v63  }
0x1f6: {  	s24 =	sadd.s32 s0, s14;
	s28 =	simm.s32 $0xF600  }
0x1f7: {  	[hbm4b:s24+s4] =	stream.linear.scatter [tilespmem:s28], [sflag:$0xD], $0x400, $0x38;
	[tilespmem:$0x14A00] =	vst v63  }
0x1f8: {  	s3 =	sadd.s32 s0, s15;
	s5 =	simm.s32 $0xFA00  }
0x1f9: {  	[hbm4b:s3+s4] =	stream.linear.scatter [tilespmem:s5], [sflag:$0xD], $0x400, $0x38;
	[tilespmem:$0x14A00] =	vst v63  }
0x1fa: {  	s9 =	sadd.s32 s0, s16;
	s11 =	simm.s32 $0xFE00  }
0x1fb: {  	[hbm4b:s9+s4] =	stream.linear.scatter [tilespmem:s11], [sflag:$0xD], $0x400, $0x38;
	[tilespmem:$0x14A00] =	vst v63  }
0x1fc: {  	s19 =	sadd.s32 s0, s17;
	s24 =	simm.s32 $0x10200  }
0x1fd: {  	[hbm4b:s19+s4] =	stream.linear.scatter [tilespmem:s24], [sflag:$0xD], $0x400, $0x38;
	[tilespmem:$0x14A00] =	vst v63  }
0x1fe: {  	s0 =	sadd.s32 s0, s18;
	s28 =	simm.s32 $0x10600  }
0x1ff: {  	[hbm4b:s0+s4] =	stream.linear.scatter [tilespmem:s28], [sflag:$0xD], $0x400, $0x38;
	[tilespmem:$0x14A00] =	vst v63  }
0x200: {  	s0 =	rddreg [dreg:$0xd]  }
0x201: {  	s0 =	sadd.s32 @!p0 s26, s0  }
0x202: {  	s0 =	sshll.u32 @!p0 s0, $0x6  }
0x203: {  	s0 =	sand.u32 @!p0 $0x1FFFFFC0, s0  }
0x204: {  	s1 =	simm.s32 @!p0 $0x0;
	s3 =	simm.s32 @!p0 $0x400;
	s0 =	sadd.s32 @!p0 s29, s0  }
0x205: {  	[tilespmem:s3], [sflag:$0x3] =	stream.linear.gather @!p0 [hbm4b:s0+s1], $0x200, $0x38;
	[tilespmem:$0x14A00] =	vst v63  }
0x206: {  	s0 =	simm.s32 @!p0 $0xC  }
0x207: {  	_ =	swait.ge @!p0 [sflag:s0], $0x400  }
0x208: {  	[sflag:s0] =	ssyncset.done @!p0 $0x0  }
0x209: {  	[sflag:s0] =	ssyncadd.s32 @!p0 $0xFFFFFC00  }
0x20a: {  	_ =	swait.ge @!p0 [sflag:s0], $0x400  }
0x20b: {  	[sflag:s0] =	ssyncset.done @!p0 $0x0  }
0x20c: {  	[sflag:s0] =	ssyncadd.s32 @!p0 $0xFFFFFC00  }
0x20d: {  	_ =	swait.ge @!p0 [sflag:s0], $0x400  }
0x20e: {  	[sflag:s0] =	ssyncset.done @!p0 $0x0  }
0x20f: {  	[sflag:s0] =	ssyncadd.s32 @!p0 $0xFFFFFC00  }
0x210: {  	_ =	swait.ge @!p0 [sflag:s0], $0x400  }
0x211: {  	[sflag:s0] =	ssyncset.done @!p0 $0x0  }
0x212: {  	[sflag:s0] =	ssyncadd.s32 @!p0 $0xFFFFFC00  }
0x213: {  	_ =	swait.ge @!p0 [sflag:s0], $0x400  }
0x214: {  	[sflag:s0] =	ssyncset.done @!p0 $0x0  }
0x215: {  	[sflag:s0] =	ssyncadd.s32 @!p0 $0xFFFFFC00  }
0x216: {  	_ =	swait.ge @!p0 [sflag:s0], $0x400  }
0x217: {  	[sflag:s0] =	ssyncset.done @!p0 $0x0  }
0x218: {  	[sflag:s0] =	ssyncadd.s32 @!p0 $0xFFFFFC00  }
0x219: {  	_ =	swait.ge @!p0 [sflag:s0], $0x400  }
0x21a: {  	[sflag:s0] =	ssyncset.done @!p0 $0x0  }
0x21b: {  	[sflag:s0] =	ssyncadd.s32 @!p0 $0xFFFFFC00  }
0x21c: {  	_ =	swait.ge @!p0 [sflag:s0], $0x400  }
0x21d: {  	[sflag:s0] =	ssyncset.done @!p0 $0x0  }
0x21e: {  	[sflag:s0] =	ssyncadd.s32 @!p0 $0xFFFFFC00;
	s0 =	simm.s32 @!p0 $0x2  }
0x21f: {  	_ =	swait.ge @!p0 [sflag:s0], $0x200  }
0x220: {  	s29 =	simm.s32 $0x9;
	[sflag:s0] =	ssyncset.done @!p0 $0x0  }
0x221: {  	s1 =	simm.s32 @!p0 $0x2A00;
	[sflag:s0] =	ssyncadd.s32 @!p0 $0xFFFFFE00;
	s0 =	simm.s32 @!p0 $0x200  }
0x222: {  	[tilespmem:s1], [sflag:$0x7] =	stream.indirect.gather @!p0 [hbm4b:s7+s0], $0x10, s0, s0, $0xb8;
	[tilespmem:$0x14A00] =	vst v63  }
0x223: {  	_ =	swait.ge [sflag:s29], $0x2000  }
0x224: {  	[sflag:s29] =	ssyncset.done $0x0  }
0x225: {  	s9 =	simm.s32 $0x6A80;
	[sflag:s29] =	ssyncadd.s32 $0xFFFFE000  }
0x226: {  	v31 =	vld [tilespmem:s9+$0x70]  }
0x227: {  	v51 =	vld [tilespmem:s9+$0xFFFFFF90]  }
0x228: {  	v52 =	vld [tilespmem:s9+$0xFFFFFFA0]  }
0x229: {  	v53 =	vld [tilespmem:s9+$0xFFFFFFB0]  }
0x22a: {  	v54 =	vld [tilespmem:s9+$0xFFFFFFC0]  }
0x22b: {  	v55 =	vld [tilespmem:s9+$0xFFFFFFD0];
	v31 =	vperm.xlane v31, v12  }
0x22c: {  	v56 =	vld [tilespmem:s9+$0xFFFFFFE0];
	v32 =	vperm.xlane v51, v0  }
0x22d: {  	v57 =	vld [tilespmem:s9+$0xFFFFFFF0];
	v33 =	vperm.xlane v52, v1;
	[tilespmem:s9+$0x70] =	vst v31  }
0x22e: {  	v58 =	vld [tilespmem:s9+$0x0];
	[tilespmem:s9+$0xFFFFFF90] =	vst v32;
	v31 =	vperm.xlane v53, v2  }
0x22f: {  	v60 =	vld [tilespmem:s9+$0x10];
	v59 =	vperm.xlane v54, v3;
	[tilespmem:s9+$0xFFFFFFA0] =	vst v33  }
0x230: {  	v61 =	vld [tilespmem:s9+$0x20];
	[tilespmem:s9+$0xFFFFFFB0] =	vst v31;
	v31 =	vperm.xlane v55, v4  }
0x231: {  	v35 =	vld [tilespmem:s9+$0x30];
	v62 =	vperm.xlane v56, v5;
	[tilespmem:s9+$0xFFFFFFC0] =	vst v59  }
0x232: {  	v33 =	vld [tilespmem:s9+$0x40];
	[tilespmem:s9+$0xFFFFFFD0] =	vst v31;
	v31 =	vperm.xlane v57, v6  }
0x233: {  	v34 =	vld [tilespmem:s9+$0x50];
	v63 =	vperm.xlane v58, v7;
	[tilespmem:s9+$0xFFFFFFE0] =	vst v62  }
0x234: {  	v36 =	vperm.xlane v60, v8;
	[tilespmem:s9+$0xFFFFFFF0] =	vst v31;
	v31 =	vld [tilespmem:s9+$0x60]  }
0x235: {  	s24 =	simm.s32 $0x6B80;
	s0 =	simm.s32 $0x0;
	v37 =	vperm.xlane v61, v9;
	v32 =	vld [tilespmem:s9+$0xFFFFFF80];
	[tilespmem:s9+$0x0] =	vst v63  }
.LBB2_15:
0x236: {  	v38 =	vld [tilespmem:s24+$0x70];
	s0 =	sadd.s32 $0x10, s0;
	[tilespmem:s9+$0x10] =	vst v36;
	v35 =	vperm.xlane v35, v10  }
0x237: {  	v36 =	vld [tilespmem:s24+$0xFFFFFF90];
	p1 =	slt.u32 s0, $0x1F0;
	[tilespmem:s9+$0x20] =	vst v37;
	v33 =	vperm.xlane v33, v14  }
0x238: {  	v37 =	vld [tilespmem:s24+$0xFFFFFFA0];
	[tilespmem:s9+$0x30] =	vst v35;
	v34 =	vperm.xlane v34, v15  }
0x239: {  	v35 =	vld [tilespmem:s24+$0xFFFFFFB0];
	[tilespmem:s9+$0x40] =	vst v33;
	v31 =	vperm.xlane v31, v11  }
0x23a: {  	v33 =	vld [tilespmem:s24+$0xFFFFFFC0];
	v32 =	vperm.xlane v32, v13;
	[tilespmem:s9+$0x50] =	vst v34  }
0x23b: {  	v34 =	vld [tilespmem:s24+$0xFFFFFFD0];
	v38 =	vperm.xlane v38, v12;
	[tilespmem:s9+$0x60] =	vst v31  }
0x23c: {  	v31 =	vperm.xlane v36, v0;
	v36 =	vld [tilespmem:s24+$0xFFFFFFE0];
	[tilespmem:s9+$0xFFFFFF80] =	vst v32;
	s9 =	smov.u32 s24  }
0x23d: {  	s11 =	simm.s32 $0x0;
	v32 =	vperm.xlane v37, v1;
	v37 =	vld [tilespmem:s24+$0xFFFFFFF0];
	[tilespmem:s24+$0x70] =	vst v38  }
0x23e: {  	[tilespmem:s24+$0xFFFFFF90] =	vst v31;
	v31 =	vperm.xlane v35, v2;
	v38 =	vld [tilespmem:s24+$0x0]  }
0x23f: {  	[tilespmem:s24+$0xFFFFFFA0] =	vst v32;
	v32 =	vperm.xlane v33, v3;
	v39 =	vld [tilespmem:s24+$0x10]  }
0x240: {  	[tilespmem:s24+$0xFFFFFFB0] =	vst v31;
	v31 =	vperm.xlane v34, v4;
	v40 =	vld [tilespmem:s24+$0x20]  }
.Ltmp6:
0x241: {  	[tilespmem:s24+$0xFFFFFFC0] =	vst v32;
	v32 =	vperm.xlane v36, v5;
	v35 =	vld [tilespmem:s24+$0x30];
	(pc) =	sbr.rel @p1 .LBB2_15-.Ltmp6, $4  }
0x242: {  	[tilespmem:s24+$0xFFFFFFD0] =	vst v31;
	v31 =	vperm.xlane v37, v6;
	v33 =	vld [tilespmem:s24+$0x40]  }
0x243: {  	[tilespmem:s24+$0xFFFFFFE0] =	vst v32;
	v37 =	vperm.xlane v38, v7;
	v34 =	vld [tilespmem:s24+$0x50]  }
0x244: {  	[tilespmem:s24+$0xFFFFFFF0] =	vst v31;
	v36 =	vperm.xlane v39, v8;
	v31 =	vld [tilespmem:s24+$0x60]  }
0x245: {  	s24 =	sadd.s32 $0x100, s24;
	v32 =	vld [tilespmem:s9+$0xFFFFFF80];
	[tilespmem:s9+$0x0] =	vst v37;
	v37 =	vperm.xlane v40, v9  }
0x246: {  	s0 =	simm.s32 $0x0  }
0x247: {  	v38 =	vmov s0  }
0x248: {  	[tilespmem:s9+$0x10] =	vst v36;
	v35 =	vperm.xlane v35, v10;
	v43 =	vshll.u32 v38, $0x4  }
0x249: {  	[tilespmem:s9+$0x20] =	vst v37;
	v33 =	vperm.xlane v33, v14;
	v36 =	vor.u32 v16, v43  }
0x24a: {  	[tilespmem:s9+$0x30] =	vst v35;
	v34 =	vperm.xlane v34, v15;
	v44 =	vor.u32 v30, v36  }
0x24b: {  	[tilespmem:s9+$0x40] =	vst v33;
	v31 =	vperm.xlane v31, v11;
	v45 =	vor.u32 v29, v36  }
0x24c: {  	v32 =	vperm.xlane v32, v13;
	[tilespmem:s9+$0x50] =	vst v34;
	v46 =	vor.u32 v28, v36  }
0x24d: {  	v47 =	vor.u32 v26, v36;
	[tilespmem:s9+$0x60] =	vst v31  }
0x24e: {  	v48 =	vor.u32 v25, v36;
	[tilespmem:s9+$0xFFFFFF80] =	vst v32  }
0x24f: {  	v49 =	vor.u32 v24, v36;
	v35 =	vld.idx.msk [tilespmem:v44+s10+$0x0], $0xffff  }
0x250: {  	v39 =	vor.u32 v7, v36;
	v33 =	vld.idx.msk [tilespmem:v45+s10+$0x0], $0xffff  }
0x251: {  	v40 =	vor.u32 v23, v36;
	v34 =	vld.idx.msk [tilespmem:v46+s10+$0x0], $0xffff  }
0x252: {  	v41 =	vor.u32 v22, v36;
	v32 =	vld.idx.msk [tilespmem:v47+s10+$0x0], $0xffff  }
0x253: {  	s1 =	sand.u32 $0x7, s11;
	v42 =	vor.u32 v21, v36;
	v37 =	vld.idx.msk [tilespmem:v48+s10+$0x0], $0xffff  }
0x254: {  	s3 =	sand.u32 $0x70, s0;
	s0 =	sor.u32 s11, s0;
	s1 =	sshll.u32 s1, $0x4;
	v31 =	vor.u32 v27, v36;
	v38 =	vld.idx.msk [tilespmem:v49+s10+$0x0], $0xffff  }
0x255: {  	s5 =	sand.u32 $0x1800, s11;
	s1 =	sadd.s32 $0x0, s1;
	s0 =	sor.u32 $0x780, s0;
	v50 =	vor.u32 v13, v36;
	v39 =	vld.idx.msk [tilespmem:v39+s10+$0x0], $0xffff  }
0x256: {  	s3 =	sor.u32 s3, s5;
	s1 =	sor.u32 $0x700, s1;
	s9 =	simm.s32 $0x10;
	v44 =	vor.u32 v17, v36;
	v51 =	vld.idx.msk [tilespmem:v40+s10+$0x0], $0xffff;
	[tilespmem:s0+$0x10A00] =	vst v35  }
0x257: {  	s24 =	sadd.s32 $0x10A00, s3;
	v52 =	vmov s9;
	v45 =	vor.u32 v19, v36;
	v53 =	vld.idx.msk [tilespmem:v41+s10+$0x0], $0xffff;
	[tilespmem:s1+$0x10A00] =	vst v33  }
0x258: {  	v43 =	vor.u32 v20, v36;
	v40 =	vshll.u32 v52, $0x4;
	v36 =	vor.u32 v18, v36;
	v54 =	vld.idx.msk [tilespmem:v42+s10+$0x0], $0xffff;
	[tilespmem:s24+$0x680] =	vst v34  }
0x259: {  	v31 =	vld.idx.msk [tilespmem:v31+s10+$0x0], $0xffff;
	v46 =	vor.u32 v16, v40;
	[tilespmem:s24+$0x580] =	vst v32  }
0x25a: {  	v59 =	vld.idx.msk [tilespmem:v50+s10+$0x0], $0xffff;
	v55 =	vor.u32 v30, v46;
	[tilespmem:s24+$0x500] =	vst v37  }
0x25b: {  	v56 =	vor.u32 v29, v46;
	v57 =	vld.idx.msk [tilespmem:v44+s10+$0x0], $0xffff;
	[tilespmem:s24+$0x480] =	vst v38  }
0x25c: {  	v58 =	vor.u32 v28, v46;
	v35 =	vld.idx.msk [tilespmem:v45+s10+$0x0], $0xffff;
	[tilespmem:s24+$0x400] =	vst v39  }
0x25d: {  	v60 =	vor.u32 v27, v46;
	v62 =	vld.idx.msk [tilespmem:v36+s10+$0x0], $0xffff;
	[tilespmem:s24+$0x380] =	vst v51  }
0x25e: {  	v61 =	vor.u32 v26, v46;
	[tilespmem:s24+$0x600] =	vst v31;
	v31 =	vld.idx.msk [tilespmem:v43+s10+$0x0], $0xffff  }
0x25f: {  	v47 =	vor.u32 v25, v46;
	[tilespmem:s24+$0x280] =	vst v54;
	v48 =	vld.idx.msk [tilespmem:v55+s10+$0x0], $0xffff  }
0x260: {  	v49 =	vor.u32 v24, v46;
	[tilespmem:s24+$0x300] =	vst v53;
	v50 =	vld.idx.msk [tilespmem:v56+s10+$0x0], $0xffff  }
0x261: {  	s29 =	simm.s32 $0x1;
	v63 =	vor.u32 v7, v46;
	[tilespmem:s3+$0x10A00] =	vst v59;
	v38 =	vld.idx.msk [tilespmem:v58+s10+$0x0], $0xffff  }
0x262: {  	s5 =	sand.u32 $0x7, s29;
	s0 =	simm.s32 $0x100;
	v44 =	vor.u32 v23, v46;
	v36 =	vld.idx.msk [tilespmem:v60+s10+$0x0], $0xffff;
	[tilespmem:s24+$0x80] =	vst v57  }
0x263: {  	v42 =	vor.u32 v22, v46;
	s3 =	sand.u32 $0x70, s9;
	s1 =	sshll.u32 s5, $0x4;
	s11 =	sor.u32 s0, s9;
	v37 =	vld.idx.msk [tilespmem:v61+s10+$0x0], $0xffff;
	[tilespmem:s24+$0x100] =	vst v62  }
0x264: {  	v34 =	vor.u32 v13, v46;
	s19 =	sand.u32 $0x1800, s0;
	s1 =	sadd.s32 $0x100, s1;
	v43 =	vor.u32 v21, v46;
	v39 =	vld.idx.msk [tilespmem:v47+s10+$0x0], $0xffff;
	s5 =	sor.u32 $0x780, s11;
	[tilespmem:s24+$0x200] =	vst v31  }
0x265: {  	v33 =	vor.u32 v17, v46;
	v45 =	vor.u32 v20, v46;
	s28 =	sor.u32 s3, s19;
	v40 =	vld.idx.msk [tilespmem:v49+s10+$0x0], $0xffff;
	s19 =	sor.u32 $0x700, s1;
	[tilespmem:s5+$0x10A00] =	vst v48  }
0x266: {  	v32 =	vor.u32 v18, v46;
	v41 =	vld.idx.msk [tilespmem:v63+s10+$0x0], $0xffff;
	s1 =	sadd.s32 $0x10A00, s28;
	v31 =	vor.u32 v19, v46;
	[tilespmem:s19+$0x10A00] =	vst v50  }
.LBB2_17:
0x267: {  	s9 =	sadd.s32 $0x10, s9;
	v44 =	vld.idx.msk [tilespmem:v44+s10+$0x0], $0xffff;
	[tilespmem:s1+$0x680] =	vst v38;
	s0 =	sadd.s32 $0x100, s0;
	s29 =	sadd.s32 $0x1, s29  }
0x268: {  	s11 =	sand.u32 $0x70, s9;
	v38 =	vmov s9;
	s19 =	sor.u32 s0, s9;
	p1 =	slt.u32 s9, $0x1F0;
	v42 =	vld.idx.msk [tilespmem:v42+s10+$0x0], $0xffff;
	[tilespmem:s24+$0x180] =	vst v35  }
0x269: {  	s24 =	smov.u32 s1;
	v35 =	vshll.u32 v38, $0x4;
	v38 =	vld.idx.msk [tilespmem:v43+s10+$0x0], $0xffff;
	[tilespmem:s1+$0x600] =	vst v36  }
0x26a: {  	v46 =	vor.u32 v16, v35;
	v36 =	vld.idx.msk [tilespmem:v45+s10+$0x0], $0xffff;
	[tilespmem:s24+$0x580] =	vst v37  }
0x26b: {  	v35 =	vor.u32 v13, v46;
	v37 =	vor.u32 v19, v46;
	v43 =	vor.u32 v30, v46;
	[tilespmem:s24+$0x500] =	vst v39  }
0x26c: {  	v39 =	vor.u32 v18, v46;
	v45 =	vor.u32 v29, v46;
	v47 =	vld.idx.msk [tilespmem:v33+s10+$0x0], $0xffff;
	v33 =	vor.u32 v17, v46  }
0x26d: {  	v48 =	vor.u32 v28, v46;
	v49 =	vld.idx.msk [tilespmem:v34+s10+$0x0], $0xffff;
	[tilespmem:s24+$0x480] =	vst v40;
	v34 =	vmov v35  }
0x26e: {  	v40 =	vor.u32 v27, v46;
	v35 =	vld.idx.msk [tilespmem:v31+s10+$0x0], $0xffff;
	[tilespmem:s24+$0x400] =	vst v41;
	v31 =	vmov v37  }
0x26f: {  	v37 =	vor.u32 v26, v46;
	v41 =	vld.idx.msk [tilespmem:v32+s10+$0x0], $0xffff;
	[tilespmem:s24+$0x380] =	vst v44;
	v32 =	vmov v39  }
0x270: {  	v39 =	vor.u32 v25, v46;
	v50 =	vld.idx.msk [tilespmem:v43+s10+$0x0], $0xffff;
	[tilespmem:s24+$0x200] =	vst v36  }
0x271: {  	v51 =	vor.u32 v24, v46;
	v52 =	vld.idx.msk [tilespmem:v45+s10+$0x0], $0xffff;
	[tilespmem:s24+$0x280] =	vst v38  }
0x272: {  	v53 =	vor.u32 v7, v46;
	v38 =	vld.idx.msk [tilespmem:v48+s10+$0x0], $0xffff;
	[tilespmem:s24+$0x300] =	vst v42  }
.Ltmp7:
0x273: {  	s1 =	sand.u32 $0x7, s29;
	v44 =	vor.u32 v23, v46;
	v36 =	vld.idx.msk [tilespmem:v40+s10+$0x0], $0xffff;
	[tilespmem:s28+$0x10A00] =	vst v49;
	(pc) =	sbr.rel @p1 .LBB2_17-.Ltmp7, $4  }
0x274: {  	s1 =	sshll.u32 s1, $0x4;
	v42 =	vor.u32 v22, v46;
	v37 =	vld.idx.msk [tilespmem:v37+s10+$0x0], $0xffff;
	[tilespmem:s24+$0x80] =	vst v47  }
0x275: {  	s3 =	sand.u32 $0x1800, s0;
	s5 =	sor.u32 $0x780, s19;
	s1 =	sadd.s32 s1, s0;
	v43 =	vor.u32 v21, v46;
	v39 =	vld.idx.msk [tilespmem:v39+s10+$0x0], $0xffff;
	[tilespmem:s24+$0x100] =	vst v41  }
0x276: {  	v45 =	vor.u32 v20, v46;
	s28 =	sor.u32 s11, s3;
	s3 =	sor.u32 $0x700, s1;
	v40 =	vld.idx.msk [tilespmem:v51+s10+$0x0], $0xffff;
	[tilespmem:s5+$0x10A00] =	vst v50  }
0x277: {  	s1 =	sadd.s32 $0x10A00, s28;
	v41 =	vld.idx.msk [tilespmem:v53+s10+$0x0], $0xffff;
	[tilespmem:s3+$0x10A00] =	vst v52  }
0x278: {  	_ =	sdelay $0x1  }
0x279: {  	[tilespmem:s1+$0x680] =	vst v38  }
0x27a: {  	[tilespmem:s24+$0x180] =	vst v35  }
0x27b: {  	v47 =	vld.idx.msk [tilespmem:v44+s10+$0x0], $0xffff;
	[tilespmem:s1+$0x600] =	vst v36  }
0x27c: {  	v48 =	vld.idx.msk [tilespmem:v45+s10+$0x0], $0xffff;
	[tilespmem:s1+$0x580] =	vst v37  }
0x27d: {  	[tilespmem:s1+$0x500] =	vst v39  }
0x27e: {  	[tilespmem:s1+$0x480] =	vst v40  }
0x27f: {  	v34 =	vld.idx.msk [tilespmem:v34+s10+$0x0], $0xffff;
	[tilespmem:s1+$0x400] =	vst v41  }
0x280: {  	v49 =	vld.idx.msk [tilespmem:v43+s10+$0x0], $0xffff;
	[tilespmem:s1+$0x380] =	vst v47  }
0x281: {  	v50 =	vld.idx.msk [tilespmem:v42+s10+$0x0], $0xffff;
	[tilespmem:s1+$0x200] =	vst v48  }
0x282: {  	v33 =	vld.idx.msk [tilespmem:v33+s10+$0x0], $0xffff;
	s0 =	rddreg [dreg:$0x4]  }
0x283: {  	v32 =	vld.idx.msk [tilespmem:v32+s10+$0x0], $0xffff;
	s0 =	sadd.s32 s0, s25  }
0x284: {  	v31 =	vld.idx.msk [tilespmem:v31+s10+$0x0], $0xffff;
	s5 =	sshll.u32 s25, $0x2;
	[tilespmem:s28+$0x10A00] =	vst v34;
	s3 =	sshrl.u32 s0, $0x5  }
0x285: {  	s5 =	sand.u32 $0x4, s5;
	[tilespmem:s1+$0x280] =	vst v49;
	s3 =	sand.u32 $0x3FF8, s3  }
0x286: {  	[tilespmem:s1+$0x300] =	vst v50;
	s0 =	sshll.u32 s0, $0x6;
	s3 =	sor.u32 s5, s3  }
0x287: {  	[tilespmem:s1+$0x80] =	vst v33;
	s0 =	sand.u32 $0x3F80, s0;
	s3 =	sshll.u32 s3, $0xF  }
0x288: {  	[tilespmem:s1+$0x100] =	vst v32;
	s5 =	rddreg [dreg:$0x2];
	s0 =	sor.u32 s0, s3  }
0x289: {  	s9 =	simm.s32 $0x10A00;
	[tilespmem:s1+$0x180] =	vst v31;
	s1 =	sadd.s32 s5, s0  }
0x28a: {  	[hbm4b:s1+s4] =	stream.linear.scatter [tilespmem:s9], [sflag:$0xE], $0x400, $0x38;
	[tilespmem:$0x14A00] =	vst v63  }
0x28b: {  	s19 =	simm.s32 $0x10E00;
	s11 =	sadd.s32 s0, s12  }
0x28c: {  	[hbm4b:s11+s4] =	stream.linear.scatter [tilespmem:s19], [sflag:$0xE], $0x400, $0x38;
	[tilespmem:$0x14A00] =	vst v63  }
0x28d: {  	s25 =	simm.s32 $0x11200;
	s24 =	sadd.s32 s0, s13  }
0x28e: {  	[hbm4b:s24+s4] =	stream.linear.scatter [tilespmem:s25], [sflag:$0xE], $0x400, $0x38;
	[tilespmem:$0x14A00] =	vst v63  }
0x28f: {  	s29 =	simm.s32 $0x11600;
	s28 =	sadd.s32 s0, s14  }
0x290: {  	[hbm4b:s28+s4] =	stream.linear.scatter [tilespmem:s29], [sflag:$0xE], $0x400, $0x38;
	[tilespmem:$0x14A00] =	vst v63  }
0x291: {  	s5 =	sadd.s32 s0, s15;
	s9 =	simm.s32 $0x11A00  }
0x292: {  	[hbm4b:s5+s4] =	stream.linear.scatter [tilespmem:s9], [sflag:$0xE], $0x400, $0x38;
	[tilespmem:$0x14A00] =	vst v63  }
0x293: {  	s11 =	sadd.s32 s0, s16;
	s19 =	simm.s32 $0x11E00  }
0x294: {  	[hbm4b:s11+s4] =	stream.linear.scatter [tilespmem:s19], [sflag:$0xE], $0x400, $0x38;
	[tilespmem:$0x14A00] =	vst v63  }
0x295: {  	s24 =	sadd.s32 s0, s17;
	s25 =	simm.s32 $0x12200  }
0x296: {  	[hbm4b:s24+s4] =	stream.linear.scatter [tilespmem:s25], [sflag:$0xE], $0x400, $0x38;
	[tilespmem:$0x14A00] =	vst v63  }
0x297: {  	s0 =	sadd.s32 s0, s18;
	s28 =	simm.s32 $0x12600  }
0x298: {  	[hbm4b:s0+s4] =	stream.linear.scatter [tilespmem:s28], [sflag:$0xE], $0x400, $0x38;
	[tilespmem:$0x14A00] =	vst v63  }
0x299: {  	s0 =	rddreg [dreg:$0xe]  }
0x29a: {  	s0 =	sadd.s32 @!p0 s26, s0  }
0x29b: {  	s0 =	sshll.u32 @!p0 s0, $0x6  }
0x29c: {  	s0 =	sand.u32 @!p0 $0x1FFFFFC0, s0  }
0x29d: {  	s3 =	simm.s32 @!p0 $0x600;
	s1 =	simm.s32 @!p0 $0x0;
	s0 =	sadd.s32 @!p0 s21, s0  }
0x29e: {  	[tilespmem:s3], [sflag:$0x4] =	stream.linear.gather @!p0 [hbm4b:s0+s1], $0x200, $0x38;
	[tilespmem:$0x14A00] =	vst v63  }
0x29f: {  	s0 =	simm.s32 @!p0 $0xD  }
0x2a0: {  	_ =	swait.ge @!p0 [sflag:s0], $0x400  }
0x2a1: {  	[sflag:s0] =	ssyncset.done @!p0 $0x0  }
0x2a2: {  	[sflag:s0] =	ssyncadd.s32 @!p0 $0xFFFFFC00  }
0x2a3: {  	_ =	swait.ge @!p0 [sflag:s0], $0x400  }
0x2a4: {  	[sflag:s0] =	ssyncset.done @!p0 $0x0  }
0x2a5: {  	[sflag:s0] =	ssyncadd.s32 @!p0 $0xFFFFFC00  }
0x2a6: {  	_ =	swait.ge @!p0 [sflag:s0], $0x400  }
0x2a7: {  	[sflag:s0] =	ssyncset.done @!p0 $0x0  }
0x2a8: {  	[sflag:s0] =	ssyncadd.s32 @!p0 $0xFFFFFC00  }
0x2a9: {  	_ =	swait.ge @!p0 [sflag:s0], $0x400  }
0x2aa: {  	[sflag:s0] =	ssyncset.done @!p0 $0x0  }
0x2ab: {  	[sflag:s0] =	ssyncadd.s32 @!p0 $0xFFFFFC00  }
0x2ac: {  	_ =	swait.ge @!p0 [sflag:s0], $0x400  }
0x2ad: {  	[sflag:s0] =	ssyncset.done @!p0 $0x0  }
0x2ae: {  	[sflag:s0] =	ssyncadd.s32 @!p0 $0xFFFFFC00  }
0x2af: {  	_ =	swait.ge @!p0 [sflag:s0], $0x400  }
0x2b0: {  	[sflag:s0] =	ssyncset.done @!p0 $0x0  }
0x2b1: {  	[sflag:s0] =	ssyncadd.s32 @!p0 $0xFFFFFC00  }
0x2b2: {  	_ =	swait.ge @!p0 [sflag:s0], $0x400  }
0x2b3: {  	[sflag:s0] =	ssyncset.done @!p0 $0x0  }
0x2b4: {  	[sflag:s0] =	ssyncadd.s32 @!p0 $0xFFFFFC00  }
0x2b5: {  	_ =	swait.ge @!p0 [sflag:s0], $0x400  }
0x2b6: {  	[sflag:s0] =	ssyncset.done @!p0 $0x0  }
0x2b7: {  	[sflag:s0] =	ssyncadd.s32 @!p0 $0xFFFFFC00;
	s0 =	simm.s32 @!p0 $0x3  }
0x2b8: {  	_ =	swait.ge @!p0 [sflag:s0], $0x200  }
0x2b9: {  	s29 =	simm.s32 $0xA;
	s1 =	simm.s32 @!p0 $0x400;
	[sflag:s0] =	ssyncset.done @!p0 $0x0  }
0x2ba: {  	s3 =	simm.s32 @!p0 $0x4A00;
	[sflag:s0] =	ssyncadd.s32 @!p0 $0xFFFFFE00;
	s0 =	simm.s32 @!p0 $0x200  }
0x2bb: {  	[tilespmem:s3], [sflag:$0x8] =	stream.indirect.gather @!p0 [hbm4b:s7+s0], $0x10, s1, s0, $0xb8;
	[tilespmem:$0x14A00] =	vst v63  }
0x2bc: {  	_ =	swait.ge [sflag:s29], $0x2000  }
0x2bd: {  	[sflag:s29] =	ssyncset.done $0x0  }
0x2be: {  	s9 =	simm.s32 $0x8A80;
	[sflag:s29] =	ssyncadd.s32 $0xFFFFE000  }
0x2bf: {  	v31 =	vld [tilespmem:s9+$0x70]  }
0x2c0: {  	v51 =	vld [tilespmem:s9+$0xFFFFFF90]  }
0x2c1: {  	v52 =	vld [tilespmem:s9+$0xFFFFFFA0]  }
0x2c2: {  	v53 =	vld [tilespmem:s9+$0xFFFFFFB0]  }
0x2c3: {  	v54 =	vld [tilespmem:s9+$0xFFFFFFC0]  }
0x2c4: {  	v55 =	vld [tilespmem:s9+$0xFFFFFFD0];
	v31 =	vperm.xlane v31, v12  }
0x2c5: {  	v56 =	vld [tilespmem:s9+$0xFFFFFFE0];
	v32 =	vperm.xlane v51, v0  }
0x2c6: {  	v57 =	vld [tilespmem:s9+$0xFFFFFFF0];
	v33 =	vperm.xlane v52, v1;
	[tilespmem:s9+$0x70] =	vst v31  }
0x2c7: {  	v58 =	vld [tilespmem:s9+$0x0];
	[tilespmem:s9+$0xFFFFFF90] =	vst v32;
	v31 =	vperm.xlane v53, v2  }
0x2c8: {  	v60 =	vld [tilespmem:s9+$0x10];
	v59 =	vperm.xlane v54, v3;
	[tilespmem:s9+$0xFFFFFFA0] =	vst v33  }
0x2c9: {  	v61 =	vld [tilespmem:s9+$0x20];
	[tilespmem:s9+$0xFFFFFFB0] =	vst v31;
	v31 =	vperm.xlane v55, v4  }
0x2ca: {  	v35 =	vld [tilespmem:s9+$0x30];
	v62 =	vperm.xlane v56, v5;
	[tilespmem:s9+$0xFFFFFFC0] =	vst v59  }
0x2cb: {  	v33 =	vld [tilespmem:s9+$0x40];
	[tilespmem:s9+$0xFFFFFFD0] =	vst v31;
	v31 =	vperm.xlane v57, v6  }
0x2cc: {  	v34 =	vld [tilespmem:s9+$0x50];
	v63 =	vperm.xlane v58, v7;
	[tilespmem:s9+$0xFFFFFFE0] =	vst v62  }
0x2cd: {  	v36 =	vperm.xlane v60, v8;
	[tilespmem:s9+$0xFFFFFFF0] =	vst v31;
	v31 =	vld [tilespmem:s9+$0x60]  }
0x2ce: {  	s24 =	simm.s32 $0x8B80;
	s0 =	simm.s32 $0x0;
	v37 =	vperm.xlane v61, v9;
	v32 =	vld [tilespmem:s9+$0xFFFFFF80];
	[tilespmem:s9+$0x0] =	vst v63  }
.LBB2_19:
0x2cf: {  	v38 =	vld [tilespmem:s24+$0x70];
	s0 =	sadd.s32 $0x10, s0;
	[tilespmem:s9+$0x10] =	vst v36;
	v35 =	vperm.xlane v35, v10  }
0x2d0: {  	v36 =	vld [tilespmem:s24+$0xFFFFFF90];
	p0 =	slt.u32 s0, $0x1F0;
	[tilespmem:s9+$0x20] =	vst v37;
	v33 =	vperm.xlane v33, v14  }
0x2d1: {  	v37 =	vld [tilespmem:s24+$0xFFFFFFA0];
	[tilespmem:s9+$0x30] =	vst v35;
	v34 =	vperm.xlane v34, v15  }
0x2d2: {  	v35 =	vld [tilespmem:s24+$0xFFFFFFB0];
	[tilespmem:s9+$0x40] =	vst v33;
	v31 =	vperm.xlane v31, v11  }
0x2d3: {  	v33 =	vld [tilespmem:s24+$0xFFFFFFC0];
	v32 =	vperm.xlane v32, v13;
	[tilespmem:s9+$0x50] =	vst v34  }
0x2d4: {  	v34 =	vld [tilespmem:s24+$0xFFFFFFD0];
	v38 =	vperm.xlane v38, v12;
	[tilespmem:s9+$0x60] =	vst v31  }
0x2d5: {  	v31 =	vperm.xlane v36, v0;
	v36 =	vld [tilespmem:s24+$0xFFFFFFE0];
	[tilespmem:s9+$0xFFFFFF80] =	vst v32;
	s9 =	smov.u32 s24  }
0x2d6: {  	s11 =	simm.s32 $0x0;
	v32 =	vperm.xlane v37, v1;
	v37 =	vld [tilespmem:s24+$0xFFFFFFF0];
	[tilespmem:s24+$0x70] =	vst v38  }
0x2d7: {  	[tilespmem:s24+$0xFFFFFF90] =	vst v31;
	v31 =	vperm.xlane v35, v2;
	v38 =	vld [tilespmem:s24+$0x0]  }
0x2d8: {  	[tilespmem:s24+$0xFFFFFFA0] =	vst v32;
	v32 =	vperm.xlane v33, v3;
	v39 =	vld [tilespmem:s24+$0x10]  }
0x2d9: {  	[tilespmem:s24+$0xFFFFFFB0] =	vst v31;
	v31 =	vperm.xlane v34, v4;
	v40 =	vld [tilespmem:s24+$0x20]  }
.Ltmp8:
0x2da: {  	[tilespmem:s24+$0xFFFFFFC0] =	vst v32;
	v32 =	vperm.xlane v36, v5;
	v35 =	vld [tilespmem:s24+$0x30];
	(pc) =	sbr.rel @p0 .LBB2_19-.Ltmp8, $4  }
0x2db: {  	[tilespmem:s24+$0xFFFFFFD0] =	vst v31;
	v31 =	vperm.xlane v37, v6;
	v33 =	vld [tilespmem:s24+$0x40]  }
0x2dc: {  	[tilespmem:s24+$0xFFFFFFE0] =	vst v32;
	v37 =	vperm.xlane v38, v7;
	v34 =	vld [tilespmem:s24+$0x50]  }
0x2dd: {  	[tilespmem:s24+$0xFFFFFFF0] =	vst v31;
	v36 =	vperm.xlane v39, v8;
	v31 =	vld [tilespmem:s24+$0x60]  }
0x2de: {  	s24 =	sadd.s32 $0x100, s24;
	v32 =	vld [tilespmem:s9+$0xFFFFFF80];
	[tilespmem:s9+$0x0] =	vst v37;
	v37 =	vperm.xlane v40, v9  }
0x2df: {  	s0 =	simm.s32 $0x0  }
0x2e0: {  	v38 =	vmov s0  }
0x2e1: {  	[tilespmem:s9+$0x10] =	vst v36;
	v35 =	vperm.xlane v35, v10;
	v43 =	vshll.u32 v38, $0x4  }
0x2e2: {  	[tilespmem:s9+$0x20] =	vst v37;
	v33 =	vperm.xlane v33, v14;
	v36 =	vor.u32 v16, v43  }
0x2e3: {  	[tilespmem:s9+$0x30] =	vst v35;
	v34 =	vperm.xlane v34, v15;
	v44 =	vor.u32 v30, v36  }
0x2e4: {  	[tilespmem:s9+$0x40] =	vst v33;
	v31 =	vperm.xlane v31, v11;
	v45 =	vor.u32 v29, v36  }
0x2e5: {  	v32 =	vperm.xlane v32, v13;
	[tilespmem:s9+$0x50] =	vst v34;
	v46 =	vor.u32 v28, v36  }
0x2e6: {  	v47 =	vor.u32 v26, v36;
	[tilespmem:s9+$0x60] =	vst v31  }
0x2e7: {  	v48 =	vor.u32 v25, v36;
	[tilespmem:s9+$0xFFFFFF80] =	vst v32  }
0x2e8: {  	v49 =	vor.u32 v24, v36;
	v35 =	vld.idx.msk [tilespmem:v44+s31+$0x0], $0xffff  }
0x2e9: {  	v39 =	vor.u32 v7, v36;
	v33 =	vld.idx.msk [tilespmem:v45+s31+$0x0], $0xffff  }
0x2ea: {  	v40 =	vor.u32 v23, v36;
	v34 =	vld.idx.msk [tilespmem:v46+s31+$0x0], $0xffff  }
0x2eb: {  	v41 =	vor.u32 v22, v36;
	v32 =	vld.idx.msk [tilespmem:v47+s31+$0x0], $0xffff  }
0x2ec: {  	s1 =	sand.u32 $0x7, s11;
	v42 =	vor.u32 v21, v36;
	v37 =	vld.idx.msk [tilespmem:v48+s31+$0x0], $0xffff  }
0x2ed: {  	s3 =	sand.u32 $0x70, s0;
	s0 =	sor.u32 s11, s0;
	s1 =	sshll.u32 s1, $0x4;
	v31 =	vor.u32 v27, v36;
	v38 =	vld.idx.msk [tilespmem:v49+s31+$0x0], $0xffff  }
0x2ee: {  	s5 =	sand.u32 $0x1800, s11;
	s1 =	sadd.s32 $0x0, s1;
	s0 =	sor.u32 $0x780, s0;
	v50 =	vor.u32 v13, v36;
	v39 =	vld.idx.msk [tilespmem:v39+s31+$0x0], $0xffff  }
0x2ef: {  	s3 =	sor.u32 s3, s5;
	s1 =	sor.u32 $0x700, s1;
	s9 =	simm.s32 $0x10;
	v44 =	vor.u32 v17, v36;
	v51 =	vld.idx.msk [tilespmem:v40+s31+$0x0], $0xffff;
	[tilespmem:s0+$0x12A00] =	vst v35  }
0x2f0: {  	s24 =	sadd.s32 $0x12A00, s3;
	v52 =	vmov s9;
	v45 =	vor.u32 v19, v36;
	v53 =	vld.idx.msk [tilespmem:v41+s31+$0x0], $0xffff;
	[tilespmem:s1+$0x12A00] =	vst v33  }
0x2f1: {  	v43 =	vor.u32 v20, v36;
	v40 =	vshll.u32 v52, $0x4;
	v36 =	vor.u32 v18, v36;
	v54 =	vld.idx.msk [tilespmem:v42+s31+$0x0], $0xffff;
	[tilespmem:s24+$0x680] =	vst v34  }
0x2f2: {  	v31 =	vld.idx.msk [tilespmem:v31+s31+$0x0], $0xffff;
	v46 =	vor.u32 v16, v40;
	[tilespmem:s24+$0x580] =	vst v32  }
0x2f3: {  	v59 =	vld.idx.msk [tilespmem:v50+s31+$0x0], $0xffff;
	v55 =	vor.u32 v30, v46;
	[tilespmem:s24+$0x500] =	vst v37  }
0x2f4: {  	v56 =	vor.u32 v29, v46;
	v57 =	vld.idx.msk [tilespmem:v44+s31+$0x0], $0xffff;
	[tilespmem:s24+$0x480] =	vst v38  }
0x2f5: {  	v58 =	vor.u32 v28, v46;
	v35 =	vld.idx.msk [tilespmem:v45+s31+$0x0], $0xffff;
	[tilespmem:s24+$0x400] =	vst v39  }
0x2f6: {  	v60 =	vor.u32 v27, v46;
	v62 =	vld.idx.msk [tilespmem:v36+s31+$0x0], $0xffff;
	[tilespmem:s24+$0x380] =	vst v51  }
0x2f7: {  	v61 =	vor.u32 v26, v46;
	[tilespmem:s24+$0x600] =	vst v31;
	v31 =	vld.idx.msk [tilespmem:v43+s31+$0x0], $0xffff  }
0x2f8: {  	v47 =	vor.u32 v25, v46;
	[tilespmem:s24+$0x280] =	vst v54;
	v48 =	vld.idx.msk [tilespmem:v55+s31+$0x0], $0xffff  }
0x2f9: {  	v49 =	vor.u32 v24, v46;
	[tilespmem:s24+$0x300] =	vst v53;
	v50 =	vld.idx.msk [tilespmem:v56+s31+$0x0], $0xffff  }
0x2fa: {  	s25 =	simm.s32 $0x1;
	v63 =	vor.u32 v7, v46;
	[tilespmem:s3+$0x12A00] =	vst v59;
	v38 =	vld.idx.msk [tilespmem:v58+s31+$0x0], $0xffff  }
0x2fb: {  	s5 =	sand.u32 $0x7, s25;
	s0 =	simm.s32 $0x100;
	v44 =	vor.u32 v23, v46;
	v36 =	vld.idx.msk [tilespmem:v60+s31+$0x0], $0xffff;
	[tilespmem:s24+$0x80] =	vst v57  }
0x2fc: {  	s11 =	sand.u32 $0x70, s9;
	v42 =	vor.u32 v22, v46;
	s1 =	sshll.u32 s5, $0x4;
	s19 =	sor.u32 s0, s9;
	v37 =	vld.idx.msk [tilespmem:v61+s31+$0x0], $0xffff;
	[tilespmem:s24+$0x100] =	vst v62  }
0x2fd: {  	v32 =	vor.u32 v13, v46;
	s26 =	sand.u32 $0x1800, s0;
	s1 =	sadd.s32 $0x100, s1;
	v43 =	vor.u32 v21, v46;
	v39 =	vld.idx.msk [tilespmem:v47+s31+$0x0], $0xffff;
	s5 =	sor.u32 $0x780, s19;
	[tilespmem:s24+$0x200] =	vst v31  }
0x2fe: {  	v34 =	vor.u32 v17, v46;
	v45 =	vor.u32 v20, v46;
	s26 =	sor.u32 s11, s26;
	v40 =	vld.idx.msk [tilespmem:v49+s31+$0x0], $0xffff;
	s28 =	sor.u32 $0x700, s1;
	[tilespmem:s5+$0x12A00] =	vst v48  }
0x2ff: {  	s29 =	simm.s32 $0x800;
	v33 =	vor.u32 v18, v46;
	v41 =	vld.idx.msk [tilespmem:v63+s31+$0x0], $0xffff;
	s1 =	sadd.s32 $0x12A00, s26;
	v31 =	vor.u32 v19, v46;
	[tilespmem:s28+$0x12A00] =	vst v50  }
.LBB2_21:
0x300: {  	s9 =	sadd.s32 $0x10, s9;
	v44 =	vld.idx.msk [tilespmem:v44+s31+$0x0], $0xffff;
	[tilespmem:s1+$0x680] =	vst v38;
	s0 =	sadd.s32 $0x100, s0;
	s25 =	sadd.s32 $0x1, s25  }
0x301: {  	s11 =	sand.u32 $0x70, s9;
	v38 =	vmov s9;
	s19 =	sor.u32 s0, s9;
	p0 =	slt.u32 s9, $0x1F0;
	v42 =	vld.idx.msk [tilespmem:v42+s31+$0x0], $0xffff;
	[tilespmem:s24+$0x180] =	vst v35  }
0x302: {  	s24 =	smov.u32 s1;
	v35 =	vshll.u32 v38, $0x4;
	v38 =	vld.idx.msk [tilespmem:v43+s31+$0x0], $0xffff;
	[tilespmem:s1+$0x600] =	vst v36  }
0x303: {  	v46 =	vor.u32 v16, v35;
	v36 =	vld.idx.msk [tilespmem:v45+s31+$0x0], $0xffff;
	[tilespmem:s24+$0x580] =	vst v37  }
0x304: {  	v35 =	vor.u32 v13, v46;
	v37 =	vor.u32 v19, v46;
	v43 =	vor.u32 v30, v46;
	[tilespmem:s24+$0x500] =	vst v39  }
0x305: {  	v39 =	vor.u32 v18, v46;
	v45 =	vor.u32 v29, v46;
	v47 =	vld.idx.msk [tilespmem:v34+s31+$0x0], $0xffff;
	v34 =	vor.u32 v17, v46  }
0x306: {  	v48 =	vor.u32 v28, v46;
	v49 =	vld.idx.msk [tilespmem:v32+s31+$0x0], $0xffff;
	[tilespmem:s24+$0x480] =	vst v40;
	v32 =	vmov v35  }
0x307: {  	v40 =	vor.u32 v27, v46;
	v35 =	vld.idx.msk [tilespmem:v31+s31+$0x0], $0xffff;
	[tilespmem:s24+$0x400] =	vst v41;
	v31 =	vmov v37  }
0x308: {  	v37 =	vor.u32 v26, v46;
	v41 =	vld.idx.msk [tilespmem:v33+s31+$0x0], $0xffff;
	[tilespmem:s24+$0x380] =	vst v44;
	v33 =	vmov v39  }
0x309: {  	v39 =	vor.u32 v25, v46;
	v50 =	vld.idx.msk [tilespmem:v43+s31+$0x0], $0xffff;
	[tilespmem:s24+$0x200] =	vst v36  }
0x30a: {  	v51 =	vor.u32 v24, v46;
	v52 =	vld.idx.msk [tilespmem:v45+s31+$0x0], $0xffff;
	[tilespmem:s24+$0x280] =	vst v38  }
0x30b: {  	v53 =	vor.u32 v7, v46;
	v38 =	vld.idx.msk [tilespmem:v48+s31+$0x0], $0xffff;
	[tilespmem:s24+$0x300] =	vst v42  }
.Ltmp9:
0x30c: {  	s1 =	sand.u32 $0x7, s25;
	v44 =	vor.u32 v23, v46;
	v36 =	vld.idx.msk [tilespmem:v40+s31+$0x0], $0xffff;
	[tilespmem:s26+$0x12A00] =	vst v49;
	(pc) =	sbr.rel @p0 .LBB2_21-.Ltmp9, $4  }
0x30d: {  	s1 =	sshll.u32 s1, $0x4;
	v42 =	vor.u32 v22, v46;
	v37 =	vld.idx.msk [tilespmem:v37+s31+$0x0], $0xffff;
	[tilespmem:s24+$0x80] =	vst v47  }
0x30e: {  	s3 =	sand.u32 $0x1800, s0;
	s5 =	sor.u32 $0x780, s19;
	s1 =	sadd.s32 s1, s0;
	v43 =	vor.u32 v21, v46;
	v39 =	vld.idx.msk [tilespmem:v39+s31+$0x0], $0xffff;
	[tilespmem:s24+$0x100] =	vst v41  }
0x30f: {  	v45 =	vor.u32 v20, v46;
	s26 =	sor.u32 s11, s3;
	s3 =	sor.u32 $0x700, s1;
	v40 =	vld.idx.msk [tilespmem:v51+s31+$0x0], $0xffff;
	[tilespmem:s5+$0x12A00] =	vst v50  }
0x310: {  	s1 =	sadd.s32 $0x12A00, s26;
	v41 =	vld.idx.msk [tilespmem:v53+s31+$0x0], $0xffff;
	[tilespmem:s3+$0x12A00] =	vst v52  }
0x311: {  	_ =	sdelay $0x1  }
0x312: {  	[tilespmem:s1+$0x680] =	vst v38  }
0x313: {  	[tilespmem:s24+$0x180] =	vst v35  }
0x314: {  	v60 =	vld.idx.msk [tilespmem:v44+s31+$0x0], $0xffff;
	[tilespmem:s1+$0x600] =	vst v36  }
0x315: {  	v61 =	vld.idx.msk [tilespmem:v45+s31+$0x0], $0xffff;
	[tilespmem:s1+$0x580] =	vst v37  }
0x316: {  	v62 =	vld.idx.msk [tilespmem:v43+s31+$0x0], $0xffff;
	[tilespmem:s1+$0x500] =	vst v39  }
0x317: {  	v63 =	vld.idx.msk [tilespmem:v42+s31+$0x0], $0xffff;
	[tilespmem:s1+$0x480] =	vst v40  }
0x318: {  	v32 =	vld.idx.msk [tilespmem:v32+s31+$0x0], $0xffff;
	[tilespmem:s1+$0x400] =	vst v41  }
0x319: {  	v34 =	vld.idx.msk [tilespmem:v34+s31+$0x0], $0xffff;
	[tilespmem:s1+$0x380] =	vst v60  }
0x31a: {  	[tilespmem:s1+$0x200] =	vst v61  }
0x31b: {  	[tilespmem:s1+$0x280] =	vst v62  }
0x31c: {  	v33 =	vld.idx.msk [tilespmem:v33+s31+$0x0], $0xffff;
	[tilespmem:s1+$0x300] =	vst v63  }
0x31d: {  	v31 =	vld.idx.msk [tilespmem:v31+s31+$0x0], $0xffff;
	s0 =	sshrl.u32 s22, $0x5;
	[tilespmem:s26+$0x12A00] =	vst v32  }
0x31e: {  	s0 =	sand.u32 $0x3FF8, s0;
	[tilespmem:s1+$0x80] =	vst v34  }
0x31f: {  	s0 =	sor.u32 s23, s0;
	s3 =	rddreg [dreg:$0x11]  }
0x320: {  	s0 =	sshll.u32 s0, $0xF;
	s3 =	sand.u32 $0x3F80, s3  }
0x321: {  	s24 =	rddreg [dreg:$0x2];
	[tilespmem:s1+$0x100] =	vst v33;
	s0 =	sor.u32 s3, s0  }
0x322: {  	s25 =	simm.s32 $0x12A00;
	[tilespmem:s1+$0x180] =	vst v31;
	s1 =	sadd.s32 s24, s0  }
0x323: {  	[hbm4b:s1+s4] =	stream.linear.scatter [tilespmem:s25], [sflag:$0xF], $0x400, $0x38;
	[tilespmem:$0x14A00] =	vst v63  }
0x324: {  	s28 =	simm.s32 $0x12E00;
	s26 =	sadd.s32 s0, s12  }
0x325: {  	[hbm4b:s26+s4] =	stream.linear.scatter [tilespmem:s28], [sflag:$0xF], $0x400, $0x38;
	[tilespmem:$0x14A00] =	vst v63  }
0x326: {  	s5 =	simm.s32 $0x13200;
	s3 =	sadd.s32 s0, s13  }
0x327: {  	[hbm4b:s3+s4] =	stream.linear.scatter [tilespmem:s5], [sflag:$0xF], $0x400, $0x38;
	[tilespmem:$0x14A00] =	vst v63  }
0x328: {  	s11 =	simm.s32 $0x13600;
	s9 =	sadd.s32 s0, s14  }
0x329: {  	[hbm4b:s9+s4] =	stream.linear.scatter [tilespmem:s11], [sflag:$0xF], $0x400, $0x38;
	[tilespmem:$0x14A00] =	vst v63  }
0x32a: {  	s22 =	simm.s32 $0x13A00;
	s20 =	sadd.s32 $0x1, s20;
	s19 =	sadd.s32 s0, s15  }
0x32b: {  	[hbm4b:s19+s4] =	stream.linear.scatter [tilespmem:s22], [sflag:$0xF], $0x400, $0x38;
	[tilespmem:$0x14A00] =	vst v63  }
0x32c: {  	p0 =	sne.s32 s20, $0x28;
	s23 =	sadd.s32 s0, s16;
	s24 =	simm.s32 $0x13E00  }
0x32d: {  	[hbm4b:s23+s4] =	stream.linear.scatter [tilespmem:s24], [sflag:$0xF], $0x400, $0x38;
	[tilespmem:$0x14A00] =	vst v63  }
.Ltmp10:
0x32e: {  	_ = 	snop;
	(pc) =	sbr.rel @p0 .LBB2_2-.Ltmp10, $4  }
0x32f: {  	s25 =	sadd.s32 s0, s17;
	s26 =	simm.s32 $0x14200  }
0x330: {  	[hbm4b:s25+s4] =	stream.linear.scatter [tilespmem:s26], [sflag:$0xF], $0x400, $0x38;
	[tilespmem:$0x14A00] =	vst v63  }
0x331: {  	s0 =	sadd.s32 s0, s18;
	s28 =	simm.s32 $0x14600;
	s3 =	simm.s32 $0x200  }
0x332: {  	[hbm4b:s0+s4] =	stream.linear.scatter [tilespmem:s28], [sflag:$0xF], $0x400, $0x38;
	[tilespmem:$0x14A00] =	vst v63  }
0x333: {  	s0 =	simm.s32 $0xB  }
0x334: {  	_ =	swait.ge [sflag:s0], $0x400  }
0x335: {  	[sflag:s0] =	ssyncset.done $0x0  }
0x336: {  	[sflag:s0] =	ssyncadd.s32 $0xFFFFFC00  }
0x337: {  	_ =	swait.ge [sflag:s0], $0x400  }
0x338: {  	[sflag:s0] =	ssyncset.done $0x0  }
0x339: {  	[sflag:s0] =	ssyncadd.s32 $0xFFFFFC00  }
0x33a: {  	_ =	swait.ge [sflag:s0], $0x400  }
0x33b: {  	[sflag:s0] =	ssyncset.done $0x0  }
0x33c: {  	[sflag:s0] =	ssyncadd.s32 $0xFFFFFC00  }
0x33d: {  	_ =	swait.ge [sflag:s0], $0x400  }
0x33e: {  	[sflag:s0] =	ssyncset.done $0x0  }
0x33f: {  	[sflag:s0] =	ssyncadd.s32 $0xFFFFFC00  }
0x340: {  	_ =	swait.ge [sflag:s0], $0x400  }
0x341: {  	[sflag:s0] =	ssyncset.done $0x0  }
0x342: {  	[sflag:s0] =	ssyncadd.s32 $0xFFFFFC00  }
0x343: {  	_ =	swait.ge [sflag:s0], $0x400  }
0x344: {  	[sflag:s0] =	ssyncset.done $0x0  }
0x345: {  	[sflag:s0] =	ssyncadd.s32 $0xFFFFFC00  }
0x346: {  	_ =	swait.ge [sflag:s0], $0x400  }
0x347: {  	[sflag:s0] =	ssyncset.done $0x0  }
0x348: {  	[sflag:s0] =	ssyncadd.s32 $0xFFFFFC00  }
0x349: {  	_ =	swait.ge [sflag:s0], $0x400  }
0x34a: {  	[sflag:s0] =	ssyncset.done $0x0  }
0x34b: {  	s24 =	simm.s32 $0xC;
	[sflag:s0] =	ssyncadd.s32 $0xFFFFFC00  }
0x34c: {  	_ =	swait.ge [sflag:s24], $0x400  }
0x34d: {  	[sflag:s24] =	ssyncset.done $0x0  }
0x34e: {  	[sflag:s24] =	ssyncadd.s32 $0xFFFFFC00  }
0x34f: {  	_ =	swait.ge [sflag:s24], $0x400  }
0x350: {  	[sflag:s24] =	ssyncset.done $0x0  }
0x351: {  	[sflag:s24] =	ssyncadd.s32 $0xFFFFFC00  }
0x352: {  	_ =	swait.ge [sflag:s24], $0x400  }
0x353: {  	[sflag:s24] =	ssyncset.done $0x0  }
0x354: {  	[sflag:s24] =	ssyncadd.s32 $0xFFFFFC00  }
0x355: {  	_ =	swait.ge [sflag:s24], $0x400  }
0x356: {  	[sflag:s24] =	ssyncset.done $0x0  }
0x357: {  	[sflag:s24] =	ssyncadd.s32 $0xFFFFFC00  }
0x358: {  	_ =	swait.ge [sflag:s24], $0x400  }
0x359: {  	[sflag:s24] =	ssyncset.done $0x0  }
0x35a: {  	[sflag:s24] =	ssyncadd.s32 $0xFFFFFC00  }
0x35b: {  	_ =	swait.ge [sflag:s24], $0x400  }
0x35c: {  	[sflag:s24] =	ssyncset.done $0x0  }
0x35d: {  	[sflag:s24] =	ssyncadd.s32 $0xFFFFFC00  }
0x35e: {  	_ =	swait.ge [sflag:s24], $0x400  }
0x35f: {  	[sflag:s24] =	ssyncset.done $0x0  }
0x360: {  	[sflag:s24] =	ssyncadd.s32 $0xFFFFFC00  }
0x361: {  	_ =	swait.ge [sflag:s24], $0x400  }
0x362: {  	[sflag:s24] =	ssyncset.done $0x0  }
0x363: {  	s25 =	simm.s32 $0xD;
	[sflag:s24] =	ssyncadd.s32 $0xFFFFFC00  }
0x364: {  	_ =	swait.ge [sflag:s25], $0x400  }
0x365: {  	[sflag:s25] =	ssyncset.done $0x0  }
0x366: {  	[sflag:s25] =	ssyncadd.s32 $0xFFFFFC00  }
0x367: {  	_ =	swait.ge [sflag:s25], $0x400  }
0x368: {  	[sflag:s25] =	ssyncset.done $0x0  }
0x369: {  	[sflag:s25] =	ssyncadd.s32 $0xFFFFFC00  }
0x36a: {  	_ =	swait.ge [sflag:s25], $0x400  }
0x36b: {  	[sflag:s25] =	ssyncset.done $0x0  }
0x36c: {  	[sflag:s25] =	ssyncadd.s32 $0xFFFFFC00  }
0x36d: {  	_ =	swait.ge [sflag:s25], $0x400  }
0x36e: {  	[sflag:s25] =	ssyncset.done $0x0  }
0x36f: {  	[sflag:s25] =	ssyncadd.s32 $0xFFFFFC00  }
0x370: {  	_ =	swait.ge [sflag:s25], $0x400  }
0x371: {  	[sflag:s25] =	ssyncset.done $0x0  }
0x372: {  	[sflag:s25] =	ssyncadd.s32 $0xFFFFFC00  }
0x373: {  	_ =	swait.ge [sflag:s25], $0x400  }
0x374: {  	[sflag:s25] =	ssyncset.done $0x0  }
0x375: {  	[sflag:s25] =	ssyncadd.s32 $0xFFFFFC00  }
0x376: {  	_ =	swait.ge [sflag:s25], $0x400  }
0x377: {  	[sflag:s25] =	ssyncset.done $0x0  }
0x378: {  	[sflag:s25] =	ssyncadd.s32 $0xFFFFFC00  }
0x379: {  	_ =	swait.ge [sflag:s25], $0x400  }
0x37a: {  	[sflag:s25] =	ssyncset.done $0x0  }
0x37b: {  	s26 =	simm.s32 $0xE;
	[sflag:s25] =	ssyncadd.s32 $0xFFFFFC00  }
0x37c: {  	_ =	swait.ge [sflag:s26], $0x400  }
0x37d: {  	[sflag:s26] =	ssyncset.done $0x0  }
0x37e: {  	[sflag:s26] =	ssyncadd.s32 $0xFFFFFC00  }
0x37f: {  	_ =	swait.ge [sflag:s26], $0x400  }
0x380: {  	[sflag:s26] =	ssyncset.done $0x0  }
0x381: {  	[sflag:s26] =	ssyncadd.s32 $0xFFFFFC00  }
0x382: {  	_ =	swait.ge [sflag:s26], $0x400  }
0x383: {  	[sflag:s26] =	ssyncset.done $0x0  }
0x384: {  	[sflag:s26] =	ssyncadd.s32 $0xFFFFFC00  }
0x385: {  	_ =	swait.ge [sflag:s26], $0x400  }
0x386: {  	[sflag:s26] =	ssyncset.done $0x0  }
0x387: {  	[sflag:s26] =	ssyncadd.s32 $0xFFFFFC00  }
0x388: {  	_ =	swait.ge [sflag:s26], $0x400  }
0x389: {  	[sflag:s26] =	ssyncset.done $0x0  }
0x38a: {  	[sflag:s26] =	ssyncadd.s32 $0xFFFFFC00  }
0x38b: {  	_ =	swait.ge [sflag:s26], $0x400  }
0x38c: {  	[sflag:s26] =	ssyncset.done $0x0  }
0x38d: {  	[sflag:s26] =	ssyncadd.s32 $0xFFFFFC00  }
0x38e: {  	_ =	swait.ge [sflag:s26], $0x400  }
0x38f: {  	[sflag:s26] =	ssyncset.done $0x0  }
0x390: {  	[sflag:s26] =	ssyncadd.s32 $0xFFFFFC00  }
0x391: {  	_ =	swait.ge [sflag:s26], $0x400  }
0x392: {  	[sflag:s26] =	ssyncset.done $0x0  }
0x393: {  	[sflag:s26] =	ssyncadd.s32 $0xFFFFFC00  }
0x394: {  	_ =	swait.ge [sflag:s6], $0x400  }
0x395: {  	[sflag:s6] =	ssyncset.done $0x0  }
0x396: {  	[sflag:s6] =	ssyncadd.s32 $0xFFFFFC00  }
0x397: {  	_ =	swait.ge [sflag:s6], $0x400  }
0x398: {  	[sflag:s6] =	ssyncset.done $0x0  }
0x399: {  	[sflag:s6] =	ssyncadd.s32 $0xFFFFFC00  }
0x39a: {  	_ =	swait.ge [sflag:s6], $0x400  }
0x39b: {  	[sflag:s6] =	ssyncset.done $0x0  }
0x39c: {  	[sflag:s6] =	ssyncadd.s32 $0xFFFFFC00  }
0x39d: {  	_ =	swait.ge [sflag:s6], $0x400  }
0x39e: {  	[sflag:s6] =	ssyncset.done $0x0  }
0x39f: {  	[sflag:s6] =	ssyncadd.s32 $0xFFFFFC00  }
0x3a0: {  	_ =	swait.ge [sflag:s6], $0x400  }
0x3a1: {  	[sflag:s6] =	ssyncset.done $0x0  }
0x3a2: {  	[sflag:s6] =	ssyncadd.s32 $0xFFFFFC00  }
0x3a3: {  	_ =	swait.ge [sflag:s6], $0x400  }
0x3a4: {  	[sflag:s6] =	ssyncset.done $0x0  }
0x3a5: {  	[sflag:s6] =	ssyncadd.s32 $0xFFFFFC00  }
0x3a6: {  	_ =	swait.ge [sflag:s6], $0x400  }
0x3a7: {  	[sflag:s6] =	ssyncset.done $0x0  }
0x3a8: {  	[sflag:s6] =	ssyncadd.s32 $0xFFFFFC00  }
0x3a9: {  	_ =	swait.ge [sflag:s6], $0x400  }
0x3aa: {  	s1 =	rddreg [dreg:$0x10]  }
0x3ab: {  	s28 =	rddreg [dreg:$0xf];
	s1 =	sadd.s32 $0x1, s1  }
0x3ac: {  	p0 =	sne.s32 s1, s28  }
.Ltmp11:
0x3ad: {  	_ = 	snop;
	(pc) =	sbr.rel @p0 .LBB2_1-.Ltmp11, $3  }
0x3ae: {  	_ =	sdelay $0x1  }
0x3af: {  	[sflag:s6] =	ssyncset.done $0x0  }
0x3b0: {  	[sflag:s6] =	ssyncadd.s32 $0xFFFFFC00  }
0x3b1: {  	_ =	sfence.sel $0x180000  }
0x3b2: {  	[bflag:$0x0] =	sbarrier.arrive $0xFFFF  }
0x3b3: {  	_ =	strace $0x9000004A  }
0x3b4: {  	s0 =	stileid.u32;
	[bflag:$0x2] =	sbarrier.arrive $0xFFFF  }
0x3b5: {  	p0 =	sne.s32 s0, $0x0;
	s0 =	rddreg [dreg:$0x3]  }
0x3b6: {  	s0 =	sadd.s32 @!p0 $0x100000, s0  }
0x3b7: {  	[sflag:s0] =	ssyncadd.tile.s32 @!p0 $0x1;
	_ =	shalt  }
.Lfunc_end2:
_tile_overlayer_lowered:
.L_overlay_start_2:
0x3b8: {  	(tag) =	ssettag $0x2  }
0x3b9: {  	s0 =	rddreg [dreg:$0x0];
	s2 =	stileid.u32  }
0x3ba: {  	s1 =	rddreg [dreg:$0x1];
	p0 =	sne.s32 s2, $0x0  }
0x3bb: {  	s3 =	rddreg [dreg:$0x2];
	[bflag:$0x3] =	sbarrier.arrive $0xFFFF;
	s2 =	simm.s32 @!p0 $0x1C10  }
0x3bc: {  	[timem:s3], [sflag:s2] =	dma.local @!p0 [hbm:s0], s1  }
0x3bd: {  	s0 =	simm.s32 @!p0 $0x10  }
0x3be: {  	_ =	swait.ge @!p0 [sflag:s0], s1  }
0x3bf: {  	s1 =	ssub.s32 @!p0 $0x0, s1;
	[sflag:s0] =	ssyncset.done @!p0 $0x0  }
0x3c0: {  	[sflag:s0] =	ssyncadd.s32 @!p0 s1  }
0x3c1: {  	[bflag:$0x3] =	sbarrier.arrive $0xFFFF  }
0x3c2: {  	_ =	shalt  }

</sc_bundles>
